<compile_context>
chip_gen: v7x
topology: tpu7x:2x2x1
jax: 0.10.2.dev20260603
libtpu: 0.0.44.dev20260713+nightly
codegen_flags: <defaults>
</compile_context>

<pallas_src>
import dataclasses
import functools

import jax
import jax.numpy as jnp
from jax import lax
from jax.experimental import pallas as pl
from jax.experimental.pallas import tpu as pltpu
from jax.experimental.pallas import tpu_sc as plsc

N_NODES = 10000
N_EDGES = 320000
D = 128

NC = 2
NS = 16
L = 16
NW = NC * NS

EDGES_PER_TILE = N_EDGES // NW
CHUNK = 80
CHUNKS_PER_TILE = EDGES_PER_TILE // CHUNK
N_PAD = 10240
ROWS_PER_TILE = N_PAD // NS


def _sc_segment_sum(x, src, dst, w):
    mesh = plsc.VectorSubcoreMesh(core_axis_name="c", subcore_axis_name="s")
    cp = pltpu.CompilerParams()
    if "needs_layout_passes" in pltpu.CompilerParams.__dataclass_fields__:
        cp = dataclasses.replace(cp, needs_layout_passes=False)

    @functools.partial(
        pl.kernel,
        compiler_params=cp,
        out_type=jax.ShapeDtypeStruct((NC, N_PAD, D), jnp.float32),
        mesh=mesh,
        scratch_types=[
            pltpu.VMEM_SHARED((N_PAD, D), jnp.float32),
            pltpu.VMEM((EDGES_PER_TILE,), jnp.int32),
            [pltpu.VMEM((1, CHUNK), jnp.int32)] * 6,
            [pltpu.VMEM((1, CHUNK), jnp.float32)] * 6,
            [pltpu.VMEM((CHUNK, D), jnp.float32)] * 3,
            [pltpu.SemaphoreType.DMA] * 3,
            [pltpu.SemaphoreType.DMA] * 3,
            [pltpu.SemaphoreType.DMA] * 6,
        ],
    )
    def seg_kernel(x_hbm, src_hbm, dst_hbm, w_hbm, out_hbm,
                   acc, src_v, dstb, wgtb, rows, g, s, d):
        cid = lax.axis_index("c")
        sid = lax.axis_index("s")
        wid = cid * NS + sid

        zv = jnp.zeros((L,), jnp.float32)

        @pl.loop(0, CHUNK)
        def _zrow(r):
            for k in range(D // L):
                rows[0][r, pl.ds(k * L, L)] = zv

        for q in range(ROWS_PER_TILE // CHUNK):
            pltpu.sync_copy(
                rows[0],
                acc.at[pl.ds(sid * ROWS_PER_TILE + q * CHUNK, CHUNK)])

        pltpu.sync_copy(src_hbm.at[wid], src_v)
        plsc.subcore_barrier()

        my_dst = dst_hbm.at[wid]
        my_w = w_hbm.at[wid]

        def issue_dw(c, i):
            pltpu.async_copy(my_dst.at[c], dstb[i], d[i])
            pltpu.async_copy(my_w.at[c], wgtb[i], d[i])

        def wait_dw(i):
            pltpu.make_async_copy(my_dst.at[0], dstb[i], d[i]).wait()
            pltpu.make_async_copy(my_w.at[0], wgtb[i], d[i]).wait()

        def issue_gather(c, j):
            pltpu.async_copy(x_hbm.at[src_v.at[pl.ds(c * CHUNK, CHUNK)]],
                             rows[j], g[j])

        def wait_gather(j):
            pltpu.make_async_copy(x_hbm.at[src_v.at[pl.ds(0, CHUNK)]],
                                  rows[j], g[j]).wait()

        def issue_scatter(j, i):
            pass

        def wait_scatter(j):
            pass

        def scale(j, i):
            @plsc.parallel_loop(0, CHUNK, unroll=4)
            def _edge(e):
                wb = plsc.load_gather(
                    wgtb[i],
                    [jnp.zeros((L,), jnp.int32), jnp.full((L,), e, jnp.int32)])
                for k in range(D // L):
                    sl = pl.ds(k * L, L)
                    rows[j][e, sl] = rows[j][e, sl] * wb

        M = CHUNKS_PER_TILE

        def body(c, rj, di, *, do_wait_scatter=True, issue_g=True,
                 issue_d=True, gc=None, dc=None):
            wait_gather(rj)
            if do_wait_scatter:
                wait_scatter((rj + 1) % 3)
            if issue_g:
                issue_gather(gc, (rj + 1) % 3)
            wait_dw(di)
            if issue_d:
                issue_dw(dc, (di + 2) % 6)
            scale(rj, di)
            issue_scatter(rj, di)

        issue_dw(0, 0)
        issue_dw(1, 1)
        issue_gather(0, 0)
        body(0, 0, 0, do_wait_scatter=False, gc=1, dc=2)
        body(1, 1, 1, do_wait_scatter=False, gc=2, dc=3)

        @pl.loop(0, (M - 5) // 6)
        def _steady(p):
            c0 = 6 * p + 2
            for q in range(6):
                rj = (2 + q) % 3
                di = (2 + q) % 6
                body(c0 + q, rj, di, gc=c0 + q + 1, dc=c0 + q + 2)

        body(M - 3, (M - 3) % 3, (M - 3) % 6, gc=M - 2, dc=M - 1)
        body(M - 2, (M - 2) % 3, (M - 2) % 6, gc=M - 1, issue_d=False)
        body(M - 1, (M - 1) % 3, (M - 1) % 6, issue_g=False, issue_d=False)

        wait_scatter((M - 2) % 3)
        wait_scatter((M - 1) % 3)
        plsc.subcore_barrier()
        pltpu.sync_copy(acc.at[pl.ds(sid * ROWS_PER_TILE, ROWS_PER_TILE)],
                        out_hbm.at[cid].at[pl.ds(sid * ROWS_PER_TILE,
                                                 ROWS_PER_TILE)])

    return seg_kernel(x, src, dst, w)


_TC_BLK = 2000


def _combine_body(p_ref, x_ref, wrel_ref, b_ref, wroot_ref, o_ref):
    agg = p_ref[0] + p_ref[1]
    y = (jnp.dot(agg, wrel_ref[...], preferred_element_type=jnp.float32)
         + jnp.dot(x_ref[...], wroot_ref[...], preferred_element_type=jnp.float32)
         + b_ref[...])
    y = jnp.maximum(y, 0.0)
    o_ref[...] = jnp.maximum(y + x_ref[...], 0.0)


def _tc_combine(partials, x, W_rel, b_rel, W_root):
    grid = (N_NODES // _TC_BLK,)
    return pl.pallas_call(
        _combine_body,
        grid=grid,
        in_specs=[
            pl.BlockSpec((NC, _TC_BLK, D), lambda i: (0, i, 0)),
            pl.BlockSpec((_TC_BLK, D), lambda i: (i, 0)),
            pl.BlockSpec((D, D), lambda i: (0, 0)),
            pl.BlockSpec((1, D), lambda i: (0, 0)),
            pl.BlockSpec((D, D), lambda i: (0, 0)),
        ],
        out_specs=pl.BlockSpec((_TC_BLK, D), lambda i: (i, 0)),
        out_shape=jax.ShapeDtypeStruct((N_NODES, D), jnp.float32),
    )(partials, x, W_rel, b_rel.reshape(1, D), W_root)


def kernel(x, edge_index, edge_weight, batch, W_rel, b_rel, W_root):
    src = edge_index[0].astype(jnp.int32).reshape(NW, EDGES_PER_TILE)
    dst = edge_index[1].astype(jnp.int32).reshape(
        NW, CHUNKS_PER_TILE, 1, CHUNK)
    w = edge_weight.astype(jnp.float32).reshape(NW, CHUNKS_PER_TILE, 1, CHUNK)
    partials = _sc_segment_sum(x, src, dst, w)
    return _tc_combine(partials, x, W_rel, b_rel, W_root)

# --- scband reference (transcript-rebuilt; emitter-appended) ---
"""Pipeline reference for scband-gblock-481036337798 (READ-ONLY COPY).

The authoritative reference and input builder live on the scoring server;
editing this copy changes nothing except your own understanding.
"""

import jax, jax.numpy as jnp
import numpy as np

N_NODES = 10000
N_EDGES = 320000
D = 128

def setup_inputs(seed: int = 0) -> dict:
    key = jax.random.key(seed)
    k1, k2, k3, k4, k5, k6, k7 = jax.random.split(key, 7)
    x = jax.random.normal(k1, (N_NODES, D), dtype=jnp.float32)
    edge_index = jax.random.randint(k2, (2, N_EDGES), 0, N_NODES, dtype=jnp.int64)
    edge_weight = jax.random.uniform(k3, (N_EDGES,), dtype=jnp.float32)
    batch = jnp.zeros((N_NODES,), dtype=jnp.int64)
    # GraphConv parameters: lin_rel (applied to aggregated neighbors, with bias)
    # and lin_root (applied to root node features, no bias in PyG default has bias on lin_rel only;
    # PyG GraphConv: lin_rel has bias, lin_root has bias=False)
    scale = 1.0 / np.sqrt(D)
    W_rel = jax.random.uniform(k4, (D, D), dtype=jnp.float32, minval=-scale, maxval=scale)
    b_rel = jax.random.uniform(k5, (D,), dtype=jnp.float32, minval=-scale, maxval=scale)
    W_root = jax.random.uniform(k6, (D, D), dtype=jnp.float32, minval=-scale, maxval=scale)
    return {"x": x, "edge_index": edge_index, "edge_weight": edge_weight, "batch": batch,
            "W_rel": W_rel, "b_rel": b_rel, "W_root": W_root}

def reference(x, edge_index, edge_weight, batch, W_rel, b_rel, W_root):
    # GBlock with norm='none' (Identity), skipcon=True
    # gconv = GraphConv(in, out, aggr='add'):
    #   out = lin_rel( sum_{j in N(i)} w_ij * x_j ) + lin_root(x_i)
    src = edge_index[0]
    dst = edge_index[1]
    msgs = x[src] * edge_weight[:, None]
    agg = jax.ops.segment_sum(msgs, dst, num_segments=x.shape[0])
    out = agg @ W_rel + b_rel + x @ W_root
    # norm = Identity(out, batch) -> out
    out = jax.nn.relu(out)
    # skip connection
    out = out + x
    out = jax.nn.relu(out)
    return out

if __name__ == "__main__":
    import jax
    _d = setup_inputs()
    print(jax.jit(kernel)(*tuple(_d.values())))

</pallas_src>

<mosaic_0001>
#map = affine_map<(d0, d1) -> (0, 0)>
#map1 = affine_map<(d0, d1) -> (0, 0, 0, 0)>
#map2 = affine_map<(d0, d1) -> (0, 0, 0)>
module attributes {stable_mosaic.version = 14 : i64} {
  func.func @seg_kernel(%arg0: i32, %arg1: i32, %arg2: memref<10000x128xf32, #tpu.memory_space<hbm>>, %arg3: memref<32x10000xi32, #tpu.memory_space<hbm>>, %arg4: memref<32x125x1x80xi32, #tpu.memory_space<hbm>>, %arg5: memref<32x125x1x80xf32, #tpu.memory_space<hbm>>, %arg6: memref<2x10240x128xf32, #tpu.memory_space<hbm>>, %arg7: memref<10240x128xf32, #tpu.memory_space<vmem_shared>>, %arg8: memref<10000xi32, #tpu.memory_space<vmem>>, %arg9: memref<1x80xi32, #tpu.memory_space<vmem>>, %arg10: memref<1x80xi32, #tpu.memory_space<vmem>>, %arg11: memref<1x80xi32, #tpu.memory_space<vmem>>, %arg12: memref<1x80xi32, #tpu.memory_space<vmem>>, %arg13: memref<1x80xi32, #tpu.memory_space<vmem>>, %arg14: memref<1x80xi32, #tpu.memory_space<vmem>>, %arg15: memref<1x80xf32, #tpu.memory_space<vmem>>, %arg16: memref<1x80xf32, #tpu.memory_space<vmem>>, %arg17: memref<1x80xf32, #tpu.memory_space<vmem>>, %arg18: memref<1x80xf32, #tpu.memory_space<vmem>>, %arg19: memref<1x80xf32, #tpu.memory_space<vmem>>, %arg20: memref<1x80xf32, #tpu.memory_space<vmem>>, %arg21: memref<80x128xf32, #tpu.memory_space<vmem>>, %arg22: memref<80x128xf32, #tpu.memory_space<vmem>>, %arg23: memref<80x128xf32, #tpu.memory_space<vmem>>, %arg24: memref<!tpu.dma_semaphore, #tpu.memory_space<semaphore_mem>>, %arg25: memref<!tpu.dma_semaphore, #tpu.memory_space<semaphore_mem>>, %arg26: memref<!tpu.dma_semaphore, #tpu.memory_space<semaphore_mem>>, %arg27: memref<!tpu.dma_semaphore, #tpu.memory_space<semaphore_mem>>, %arg28: memref<!tpu.dma_semaphore, #tpu.memory_space<semaphore_mem>>, %arg29: memref<!tpu.dma_semaphore, #tpu.memory_space<semaphore_mem>>, %arg30: memref<!tpu.dma_semaphore, #tpu.memory_space<semaphore_mem>>, %arg31: memref<!tpu.dma_semaphore, #tpu.memory_space<semaphore_mem>>, %arg32: memref<!tpu.dma_semaphore, #tpu.memory_space<semaphore_mem>>, %arg33: memref<!tpu.dma_semaphore, #tpu.memory_space<semaphore_mem>>, %arg34: memref<!tpu.dma_semaphore, #tpu.memory_space<semaphore_mem>>, %arg35: memref<!tpu.dma_semaphore, #tpu.memory_space<semaphore_mem>>) attributes {dimension_semantics = [#tpu.dimension_semantics<core_parallel>, #tpu.dimension_semantics<subcore_parallel>], iteration_bounds = array<i64: 2, 16>, scalar_prefetch = 0 : i64, scratch_operands = 29 : i64, tpu.core_type = #tpu.core_type<sc_vector_subcore>, window_params = [{transform_indices = #map}, {transform_indices = #map}, {transform_indices = #map1}, {transform_indices = #map1}, {transform_indices = #map2}]} {
    %mul3A = arith.constant 16 : i32
    %mul3A_0 = arith.muli %arg0, %mul3A : i32
    %add3A = arith.addi %mul3A_0, %arg1 : i32
    %broadcast_in_dim3A = arith.constant 0.000000e+00 : f32
    %broadcast_in_dim3A_1 = vector.broadcast %broadcast_in_dim3A : f32 to vector<16xf32>
    %scan3A = arith.constant 0 : i32
    %scan3A_2 = arith.constant 80 : i32
    %scan3A_3 = arith.addi %scan3A, %scan3A_2 : i32
    %scan3A_4 = arith.constant 1 : i32
    scf.for %scan3A_490 = %scan3A to %scan3A_3 step %scan3A_4  : i32 {
      %mul3A_491 = arith.constant 1 : i32
      %mul3A_492 = arith.muli %scan3A_490, %mul3A_491 : i32
      %add3A_493 = arith.constant 0 : i32
      %add3A_494 = arith.addi %add3A_493, %mul3A_492 : i32
      %swap3A = arith.index_cast %add3A_494 : i32 to index
      %swap3A_495 = arith.constant 0 : index
      %swap3A_496 = tpu.vector_load %arg21[%swap3A, %swap3A_495] {strides = array<i32>} : memref<80x128xf32, #tpu.memory_space<vmem>>, vector<16xf32>,
      tpu.vector_store %arg21[%swap3A, %swap3A_495], %broadcast_in_dim3A_1 {strides = array<i32>} : memref<80x128xf32, #tpu.memory_space<vmem>>, vector<16xf32>,
      %swap3A_497 = arith.index_cast %add3A_494 : i32 to index
      %swap3A_498 = arith.constant 16 : index
      %swap3A_499 = tpu.vector_load %arg21[%swap3A_497, %swap3A_498] {strides = array<i32>} : memref<80x128xf32, #tpu.memory_space<vmem>>, vector<16xf32>,
      tpu.vector_store %arg21[%swap3A_497, %swap3A_498], %broadcast_in_dim3A_1 {strides = array<i32>} : memref<80x128xf32, #tpu.memory_space<vmem>>, vector<16xf32>,
      %swap3A_500 = arith.index_cast %add3A_494 : i32 to index
      %swap3A_501 = arith.constant 32 : index
      %swap3A_502 = tpu.vector_load %arg21[%swap3A_500, %swap3A_501] {strides = array<i32>} : memref<80x128xf32, #tpu.memory_space<vmem>>, vector<16xf32>,
      tpu.vector_store %arg21[%swap3A_500, %swap3A_501], %broadcast_in_dim3A_1 {strides = array<i32>} : memref<80x128xf32, #tpu.memory_space<vmem>>, vector<16xf32>,
      %swap3A_503 = arith.index_cast %add3A_494 : i32 to index
      %swap3A_504 = arith.constant 48 : index
      %swap3A_505 = tpu.vector_load %arg21[%swap3A_503, %swap3A_504] {strides = array<i32>} : memref<80x128xf32, #tpu.memory_space<vmem>>, vector<16xf32>,
      tpu.vector_store %arg21[%swap3A_503, %swap3A_504], %broadcast_in_dim3A_1 {strides = array<i32>} : memref<80x128xf32, #tpu.memory_space<vmem>>, vector<16xf32>,
      %swap3A_506 = arith.index_cast %add3A_494 : i32 to index
      %swap3A_507 = arith.constant 64 : index
      %swap3A_508 = tpu.vector_load %arg21[%swap3A_506, %swap3A_507] {strides = array<i32>} : memref<80x128xf32, #tpu.memory_space<vmem>>, vector<16xf32>,
      tpu.vector_store %arg21[%swap3A_506, %swap3A_507], %broadcast_in_dim3A_1 {strides = array<i32>} : memref<80x128xf32, #tpu.memory_space<vmem>>, vector<16xf32>,
      %swap3A_509 = arith.index_cast %add3A_494 : i32 to index
      %swap3A_510 = arith.constant 80 : index
      %swap3A_511 = tpu.vector_load %arg21[%swap3A_509, %swap3A_510] {strides = array<i32>} : memref<80x128xf32, #tpu.memory_space<vmem>>, vector<16xf32>,
      tpu.vector_store %arg21[%swap3A_509, %swap3A_510], %broadcast_in_dim3A_1 {strides = array<i32>} : memref<80x128xf32, #tpu.memory_space<vmem>>, vector<16xf32>,
      %swap3A_512 = arith.index_cast %add3A_494 : i32 to index
      %swap3A_513 = arith.constant 96 : index
      %swap3A_514 = tpu.vector_load %arg21[%swap3A_512, %swap3A_513] {strides = array<i32>} : memref<80x128xf32, #tpu.memory_space<vmem>>, vector<16xf32>,
      tpu.vector_store %arg21[%swap3A_512, %swap3A_513], %broadcast_in_dim3A_1 {strides = array<i32>} : memref<80x128xf32, #tpu.memory_space<vmem>>, vector<16xf32>,
      %swap3A_515 = arith.index_cast %add3A_494 : i32 to index
      %swap3A_516 = arith.constant 112 : index
      %swap3A_517 = tpu.vector_load %arg21[%swap3A_515, %swap3A_516] {strides = array<i32>} : memref<80x128xf32, #tpu.memory_space<vmem>>, vector<16xf32>,
      tpu.vector_store %arg21[%swap3A_515, %swap3A_516], %broadcast_in_dim3A_1 {strides = array<i32>} : memref<80x128xf32, #tpu.memory_space<vmem>>, vector<16xf32>,
    }
    %scan3A_5 = arith.constant 80 : i32
    %mul3A_6 = arith.constant 640 : i32
    %mul3A_7 = arith.muli %arg1, %mul3A_6 : i32
    %add3A_8 = arith.constant 0 : i32
    %add3A_9 = arith.addi %mul3A_7, %add3A_8 : i32
    "tpu.region"() ({
      %run_scoped3A = tpu.sem_alloc : memref<!tpu.dma_semaphore, #tpu.memory_space<semaphore_mem>>
      %dma_start3A_490 = arith.constant 0 : i32
      %dma_start3A_491 = tpu.memref_slice %arg7[%add3A_9, %dma_start3A_490] : memref<10240x128xf32, #tpu.memory_space<vmem_shared>> -> memref<80x128xf32, #tpu.memory_space<vmem_shared>>
      %dma_start3A_492 = arith.constant 0 : i32
      %dma_start3A_493 = tpu.memref_slice %arg7[%add3A_9, %dma_start3A_492] : memref<10240x128xf32, #tpu.memory_space<vmem_shared>> -> memref<80x128xf32, #tpu.memory_space<vmem_shared>>
      tpu.enqueue_dma source(%arg21 : memref<80x128xf32, #tpu.memory_space<vmem>>) target(%dma_start3A_493 : memref<80x128xf32, #tpu.memory_space<vmem_shared>>) target_semaphore(%run_scoped3A : memref<!tpu.dma_semaphore, #tpu.memory_space<semaphore_mem>>)
      %dma_wait3A_494 = arith.constant 0 : i32
      %dma_wait3A_495 = tpu.memref_slice %arg7[%add3A_9, %dma_wait3A_494] : memref<10240x128xf32, #tpu.memory_space<vmem_shared>> -> memref<80x128xf32, #tpu.memory_space<vmem_shared>>
      %dma_wait3A_496 = arith.constant 0 : i32
      %dma_wait3A_497 = tpu.memref_slice %arg7[%add3A_9, %dma_wait3A_496] : memref<10240x128xf32, #tpu.memory_space<vmem_shared>> -> memref<80x128xf32, #tpu.memory_space<vmem_shared>>
      tpu.wait_dma2 semaphore(%run_scoped3A : memref<!tpu.dma_semaphore, #tpu.memory_space<semaphore_mem>>) src(%arg21 : memref<80x128xf32, #tpu.memory_space<vmem>>) dst(%dma_wait3A_497 : memref<80x128xf32, #tpu.memory_space<vmem_shared>>)
      tpu.yield
    }) : () -> ()
    %mul3A_10 = arith.constant 640 : i32
    %mul3A_11 = arith.muli %arg1, %mul3A_10 : i32
    %add3A_12 = arith.constant 80 : i32
    %add3A_13 = arith.addi %mul3A_11, %add3A_12 : i32
    "tpu.region"() ({
      %run_scoped3A = tpu.sem_alloc : memref<!tpu.dma_semaphore, #tpu.memory_space<semaphore_mem>>
      %dma_start3A_490 = arith.constant 0 : i32
      %dma_start3A_491 = tpu.memref_slice %arg7[%add3A_13, %dma_start3A_490] : memref<10240x128xf32, #tpu.memory_space<vmem_shared>> -> memref<80x128xf32, #tpu.memory_space<vmem_shared>>
      %dma_start3A_492 = arith.constant 0 : i32
      %dma_start3A_493 = tpu.memref_slice %arg7[%add3A_13, %dma_start3A_492] : memref<10240x128xf32, #tpu.memory_space<vmem_shared>> -> memref<80x128xf32, #tpu.memory_space<vmem_shared>>
      tpu.enqueue_dma source(%arg21 : memref<80x128xf32, #tpu.memory_space<vmem>>) target(%dma_start3A_493 : memref<80x128xf32, #tpu.memory_space<vmem_shared>>) target_semaphore(%run_scoped3A : memref<!tpu.dma_semaphore, #tpu.memory_space<semaphore_mem>>)
      %dma_wait3A_494 = arith.constant 0 : i32
      %dma_wait3A_495 = tpu.memref_slice %arg7[%add3A_13, %dma_wait3A_494] : memref<10240x128xf32, #tpu.memory_space<vmem_shared>> -> memref<80x128xf32, #tpu.memory_space<vmem_shared>>
      %dma_wait3A_496 = arith.constant 0 : i32
      %dma_wait3A_497 = tpu.memref_slice %arg7[%add3A_13, %dma_wait3A_496] : memref<10240x128xf32, #tpu.memory_space<vmem_shared>> -> memref<80x128xf32, #tpu.memory_space<vmem_shared>>
      tpu.wait_dma2 semaphore(%run_scoped3A : memref<!tpu.dma_semaphore, #tpu.memory_space<semaphore_mem>>) src(%arg21 : memref<80x128xf32, #tpu.memory_space<vmem>>) dst(%dma_wait3A_497 : memref<80x128xf32, #tpu.memory_space<vmem_shared>>)
      tpu.yield
    }) : () -> ()
    %mul3A_14 = arith.constant 640 : i32
    %mul3A_15 = arith.muli %arg1, %mul3A_14 : i32
    %add3A_16 = arith.constant 160 : i32
    %add3A_17 = arith.addi %mul3A_15, %add3A_16 : i32
    "tpu.region"() ({
      %run_scoped3A = tpu.sem_alloc : memref<!tpu.dma_semaphore, #tpu.memory_space<semaphore_mem>>
      %dma_start3A_490 = arith.constant 0 : i32
      %dma_start3A_491 = tpu.memref_slice %arg7[%add3A_17, %dma_start3A_490] : memref<10240x128xf32, #tpu.memory_space<vmem_shared>> -> memref<80x128xf32, #tpu.memory_space<vmem_shared>>
      %dma_start3A_492 = arith.constant 0 : i32
      %dma_start3A_493 = tpu.memref_slice %arg7[%add3A_17, %dma_start3A_492] : memref<10240x128xf32, #tpu.memory_space<vmem_shared>> -> memref<80x128xf32, #tpu.memory_space<vmem_shared>>
      tpu.enqueue_dma source(%arg21 : memref<80x128xf32, #tpu.memory_space<vmem>>) target(%dma_start3A_493 : memref<80x128xf32, #tpu.memory_space<vmem_shared>>) target_semaphore(%run_scoped3A : memref<!tpu.dma_semaphore, #tpu.memory_space<semaphore_mem>>)
      %dma_wait3A_494 = arith.constant 0 : i32
      %dma_wait3A_495 = tpu.memref_slice %arg7[%add3A_17, %dma_wait3A_494] : memref<10240x128xf32, #tpu.memory_space<vmem_shared>> -> memref<80x128xf32, #tpu.memory_space<vmem_shared>>
      %dma_wait3A_496 = arith.constant 0 : i32
      %dma_wait3A_497 = tpu.memref_slice %arg7[%add3A_17, %dma_wait3A_496] : memref<10240x128xf32, #tpu.memory_space<vmem_shared>> -> memref<80x128xf32, #tpu.memory_space<vmem_shared>>
      tpu.wait_dma2 semaphore(%run_scoped3A : memref<!tpu.dma_semaphore, #tpu.memory_space<semaphore_mem>>) src(%arg21 : memref<80x128xf32, #tpu.memory_space<vmem>>) dst(%dma_wait3A_497 : memref<80x128xf32, #tpu.memory_space<vmem_shared>>)
      tpu.yield
    }) : () -> ()
    %mul3A_18 = arith.constant 640 : i32
    %mul3A_19 = arith.muli %arg1, %mul3A_18 : i32
    %add3A_20 = arith.constant 240 : i32
    %add3A_21 = arith.addi %mul3A_19, %add3A_20 : i32
    "tpu.region"() ({
      %run_scoped3A = tpu.sem_alloc : memref<!tpu.dma_semaphore, #tpu.memory_space<semaphore_mem>>
      %dma_start3A_490 = arith.constant 0 : i32
      %dma_start3A_491 = tpu.memref_slice %arg7[%add3A_21, %dma_start3A_490] : memref<10240x128xf32, #tpu.memory_space<vmem_shared>> -> memref<80x128xf32, #tpu.memory_space<vmem_shared>>
      %dma_start3A_492 = arith.constant 0 : i32
      %dma_start3A_493 = tpu.memref_slice %arg7[%add3A_21, %dma_start3A_492] : memref<10240x128xf32, #tpu.memory_space<vmem_shared>> -> memref<80x128xf32, #tpu.memory_space<vmem_shared>>
      tpu.enqueue_dma source(%arg21 : memref<80x128xf32, #tpu.memory_space<vmem>>) target(%dma_start3A_493 : memref<80x128xf32, #tpu.memory_space<vmem_shared>>) target_semaphore(%run_scoped3A : memref<!tpu.dma_semaphore, #tpu.memory_space<semaphore_mem>>)
      %dma_wait3A_494 = arith.constant 0 : i32
      %dma_wait3A_495 = tpu.memref_slice %arg7[%add3A_21, %dma_wait3A_494] : memref<10240x128xf32, #tpu.memory_space<vmem_shared>> -> memref<80x128xf32, #tpu.memory_space<vmem_shared>>
      %dma_wait3A_496 = arith.constant 0 : i32
      %dma_wait3A_497 = tpu.memref_slice %arg7[%add3A_21, %dma_wait3A_496] : memref<10240x128xf32, #tpu.memory_space<vmem_shared>> -> memref<80x128xf32, #tpu.memory_space<vmem_shared>>
      tpu.wait_dma2 semaphore(%run_scoped3A : memref<!tpu.dma_semaphore, #tpu.memory_space<semaphore_mem>>) src(%arg21 : memref<80x128xf32, #tpu.memory_space<vmem>>) dst(%dma_wait3A_497 : memref<80x128xf32, #tpu.memory_space<vmem_shared>>)
      tpu.yield
    }) : () -> ()
    %mul3A_22 = arith.constant 640 : i32
    %mul3A_23 = arith.muli %arg1, %mul3A_22 : i32
    %add3A_24 = arith.constant 320 : i32
    %add3A_25 = arith.addi %mul3A_23, %add3A_24 : i32
    "tpu.region"() ({
      %run_scoped3A = tpu.sem_alloc : memref<!tpu.dma_semaphore, #tpu.memory_space<semaphore_mem>>
      %dma_start3A_490 = arith.constant 0 : i32
      %dma_start3A_491 = tpu.memref_slice %arg7[%add3A_25, %dma_start3A_490] : memref<10240x128xf32, #tpu.memory_space<vmem_shared>> -> memref<80x128xf32, #tpu.memory_space<vmem_shared>>
      %dma_start3A_492 = arith.constant 0 : i32
      %dma_start3A_493 = tpu.memref_slice %arg7[%add3A_25, %dma_start3A_492] : memref<10240x128xf32, #tpu.memory_space<vmem_shared>> -> memref<80x128xf32, #tpu.memory_space<vmem_shared>>
      tpu.enqueue_dma source(%arg21 : memref<80x128xf32, #tpu.memory_space<vmem>>) target(%dma_start3A_493 : memref<80x128xf32, #tpu.memory_space<vmem_shared>>) target_semaphore(%run_scoped3A : memref<!tpu.dma_semaphore, #tpu.memory_space<semaphore_mem>>)
      %dma_wait3A_494 = arith.constant 0 : i32
      %dma_wait3A_495 = tpu.memref_slice %arg7[%add3A_25, %dma_wait3A_494] : memref<10240x128xf32, #tpu.memory_space<vmem_shared>> -> memref<80x128xf32, #tpu.memory_space<vmem_shared>>
      %dma_wait3A_496 = arith.constant 0 : i32
      %dma_wait3A_497 = tpu.memref_slice %arg7[%add3A_25, %dma_wait3A_496] : memref<10240x128xf32, #tpu.memory_space<vmem_shared>> -> memref<80x128xf32, #tpu.memory_space<vmem_shared>>
      tpu.wait_dma2 semaphore(%run_scoped3A : memref<!tpu.dma_semaphore, #tpu.memory_space<semaphore_mem>>) src(%arg21 : memref<80x128xf32, #tpu.memory_space<vmem>>) dst(%dma_wait3A_497 : memref<80x128xf32, #tpu.memory_space<vmem_shared>>)
      tpu.yield
    }) : () -> ()
    %mul3A_26 = arith.constant 640 : i32
    %mul3A_27 = arith.muli %arg1, %mul3A_26 : i32
    %add3A_28 = arith.constant 400 : i32
    %add3A_29 = arith.addi %mul3A_27, %add3A_28 : i32
    "tpu.region"() ({
      %run_scoped3A = tpu.sem_alloc : memref<!tpu.dma_semaphore, #tpu.memory_space<semaphore_mem>>
      %dma_start3A_490 = arith.constant 0 : i32
      %dma_start3A_491 = tpu.memref_slice %arg7[%add3A_29, %dma_start3A_490] : memref<10240x128xf32, #tpu.memory_space<vmem_shared>> -> memref<80x128xf32, #tpu.memory_space<vmem_shared>>
      %dma_start3A_492 = arith.constant 0 : i32
      %dma_start3A_493 = tpu.memref_slice %arg7[%add3A_29, %dma_start3A_492] : memref<10240x128xf32, #tpu.memory_space<vmem_shared>> -> memref<80x128xf32, #tpu.memory_space<vmem_shared>>
      tpu.enqueue_dma source(%arg21 : memref<80x128xf32, #tpu.memory_space<vmem>>) target(%dma_start3A_493 : memref<80x128xf32, #tpu.memory_space<vmem_shared>>) target_semaphore(%run_scoped3A : memref<!tpu.dma_semaphore, #tpu.memory_space<semaphore_mem>>)
      %dma_wait3A_494 = arith.constant 0 : i32
      %dma_wait3A_495 = tpu.memref_slice %arg7[%add3A_29, %dma_wait3A_494] : memref<10240x128xf32, #tpu.memory_space<vmem_shared>> -> memref<80x128xf32, #tpu.memory_space<vmem_shared>>
      %dma_wait3A_496 = arith.constant 0 : i32
      %dma_wait3A_497 = tpu.memref_slice %arg7[%add3A_29, %dma_wait3A_496] : memref<10240x128xf32, #tpu.memory_space<vmem_shared>> -> memref<80x128xf32, #tpu.memory_space<vmem_shared>>
      tpu.wait_dma2 semaphore(%run_scoped3A : memref<!tpu.dma_semaphore, #tpu.memory_space<semaphore_mem>>) src(%arg21 : memref<80x128xf32, #tpu.memory_space<vmem>>) dst(%dma_wait3A_497 : memref<80x128xf32, #tpu.memory_space<vmem_shared>>)
      tpu.yield
    }) : () -> ()
    %mul3A_30 = arith.constant 640 : i32
    %mul3A_31 = arith.muli %arg1, %mul3A_30 : i32
    %add3A_32 = arith.constant 480 : i32
    %add3A_33 = arith.addi %mul3A_31, %add3A_32 : i32
    "tpu.region"() ({
      %run_scoped3A = tpu.sem_alloc : memref<!tpu.dma_semaphore, #tpu.memory_space<semaphore_mem>>
      %dma_start3A_490 = arith.constant 0 : i32
      %dma_start3A_491 = tpu.memref_slice %arg7[%add3A_33, %dma_start3A_490] : memref<10240x128xf32, #tpu.memory_space<vmem_shared>> -> memref<80x128xf32, #tpu.memory_space<vmem_shared>>
      %dma_start3A_492 = arith.constant 0 : i32
      %dma_start3A_493 = tpu.memref_slice %arg7[%add3A_33, %dma_start3A_492] : memref<10240x128xf32, #tpu.memory_space<vmem_shared>> -> memref<80x128xf32, #tpu.memory_space<vmem_shared>>
      tpu.enqueue_dma source(%arg21 : memref<80x128xf32, #tpu.memory_space<vmem>>) target(%dma_start3A_493 : memref<80x128xf32, #tpu.memory_space<vmem_shared>>) target_semaphore(%run_scoped3A : memref<!tpu.dma_semaphore, #tpu.memory_space<semaphore_mem>>)
      %dma_wait3A_494 = arith.constant 0 : i32
      %dma_wait3A_495 = tpu.memref_slice %arg7[%add3A_33, %dma_wait3A_494] : memref<10240x128xf32, #tpu.memory_space<vmem_shared>> -> memref<80x128xf32, #tpu.memory_space<vmem_shared>>
      %dma_wait3A_496 = arith.constant 0 : i32
      %dma_wait3A_497 = tpu.memref_slice %arg7[%add3A_33, %dma_wait3A_496] : memref<10240x128xf32, #tpu.memory_space<vmem_shared>> -> memref<80x128xf32, #tpu.memory_space<vmem_shared>>
      tpu.wait_dma2 semaphore(%run_scoped3A : memref<!tpu.dma_semaphore, #tpu.memory_space<semaphore_mem>>) src(%arg21 : memref<80x128xf32, #tpu.memory_space<vmem>>) dst(%dma_wait3A_497 : memref<80x128xf32, #tpu.memory_space<vmem_shared>>)
      tpu.yield
    }) : () -> ()
    %mul3A_34 = arith.constant 640 : i32
    %mul3A_35 = arith.muli %arg1, %mul3A_34 : i32
    %add3A_36 = arith.constant 560 : i32
    %add3A_37 = arith.addi %mul3A_35, %add3A_36 : i32
    "tpu.region"() ({
      %run_scoped3A = tpu.sem_alloc : memref<!tpu.dma_semaphore, #tpu.memory_space<semaphore_mem>>
      %dma_start3A_490 = arith.constant 0 : i32
      %dma_start3A_491 = tpu.memref_slice %arg7[%add3A_37, %dma_start3A_490] : memref<10240x128xf32, #tpu.memory_space<vmem_shared>> -> memref<80x128xf32, #tpu.memory_space<vmem_shared>>
      %dma_start3A_492 = arith.constant 0 : i32
      %dma_start3A_493 = tpu.memref_slice %arg7[%add3A_37, %dma_start3A_492] : memref<10240x128xf32, #tpu.memory_space<vmem_shared>> -> memref<80x128xf32, #tpu.memory_space<vmem_shared>>
      tpu.enqueue_dma source(%arg21 : memref<80x128xf32, #tpu.memory_space<vmem>>) target(%dma_start3A_493 : memref<80x128xf32, #tpu.memory_space<vmem_shared>>) target_semaphore(%run_scoped3A : memref<!tpu.dma_semaphore, #tpu.memory_space<semaphore_mem>>)
      %dma_wait3A_494 = arith.constant 0 : i32
      %dma_wait3A_495 = tpu.memref_slice %arg7[%add3A_37, %dma_wait3A_494] : memref<10240x128xf32, #tpu.memory_space<vmem_shared>> -> memref<80x128xf32, #tpu.memory_space<vmem_shared>>
      %dma_wait3A_496 = arith.constant 0 : i32
      %dma_wait3A_497 = tpu.memref_slice %arg7[%add3A_37, %dma_wait3A_496] : memref<10240x128xf32, #tpu.memory_space<vmem_shared>> -> memref<80x128xf32, #tpu.memory_space<vmem_shared>>
      tpu.wait_dma2 semaphore(%run_scoped3A : memref<!tpu.dma_semaphore, #tpu.memory_space<semaphore_mem>>) src(%arg21 : memref<80x128xf32, #tpu.memory_space<vmem>>) dst(%dma_wait3A_497 : memref<80x128xf32, #tpu.memory_space<vmem_shared>>)
      tpu.yield
    }) : () -> ()
    "tpu.region"() ({
      %run_scoped3A = tpu.sem_alloc : memref<!tpu.dma_semaphore, #tpu.memory_space<semaphore_mem>>
      %dma_start3A_490 = arith.constant 0 : i32
      %dma_start3A_491 = tpu.memref_slice %arg3[%add3A, %dma_start3A_490] : memref<32x10000xi32, #tpu.memory_space<hbm>> -> memref<1x10000xi32, #tpu.memory_space<hbm>>
      %dma_start3A_492 = tpu.memref_squeeze %dma_start3A_491 : memref<1x10000xi32, #tpu.memory_space<hbm>> -> memref<10000xi32, #tpu.memory_space<hbm>>
      %dma_start3A_493 = arith.constant 0 : i32
      %dma_start3A_494 = tpu.memref_slice %arg3[%add3A, %dma_start3A_493] : memref<32x10000xi32, #tpu.memory_space<hbm>> -> memref<1x10000xi32, #tpu.memory_space<hbm>>
      %dma_start3A_495 = tpu.memref_squeeze %dma_start3A_494 : memref<1x10000xi32, #tpu.memory_space<hbm>> -> memref<10000xi32, #tpu.memory_space<hbm>>
      tpu.enqueue_dma source(%dma_start3A_495 : memref<10000xi32, #tpu.memory_space<hbm>>) target(%arg8 : memref<10000xi32, #tpu.memory_space<vmem>>) target_semaphore(%run_scoped3A : memref<!tpu.dma_semaphore, #tpu.memory_space<semaphore_mem>>)
      %dma_wait3A_496 = arith.constant 0 : i32
      %dma_wait3A_497 = tpu.memref_slice %arg3[%add3A, %dma_wait3A_496] : memref<32x10000xi32, #tpu.memory_space<hbm>> -> memref<1x10000xi32, #tpu.memory_space<hbm>>
      %dma_wait3A_498 = tpu.memref_squeeze %dma_wait3A_497 : memref<1x10000xi32, #tpu.memory_space<hbm>> -> memref<10000xi32, #tpu.memory_space<hbm>>
      %dma_wait3A_499 = arith.constant 0 : i32
      %dma_wait3A_500 = tpu.memref_slice %arg3[%add3A, %dma_wait3A_499] : memref<32x10000xi32, #tpu.memory_space<hbm>> -> memref<1x10000xi32, #tpu.memory_space<hbm>>
      %dma_wait3A_501 = tpu.memref_squeeze %dma_wait3A_500 : memref<1x10000xi32, #tpu.memory_space<hbm>> -> memref<10000xi32, #tpu.memory_space<hbm>>
      tpu.wait_dma2 semaphore(%run_scoped3A : memref<!tpu.dma_semaphore, #tpu.memory_space<semaphore_mem>>) src(%dma_wait3A_501 : memref<10000xi32, #tpu.memory_space<hbm>>) dst(%arg8 : memref<10000xi32, #tpu.memory_space<vmem>>)
      tpu.yield
    }) : () -> ()
    %barrier3A = arith.constant 0 : index
    tpu.barrier barrier_id(%barrier3A)
    %dma_start3A = arith.constant 0 : i32
    %dma_start3A_38 = arith.constant 0 : i32
    %dma_start3A_39 = arith.constant 0 : i32
    %dma_start3A_40 = arith.constant 0 : i32
    %dma_start3A_41 = tpu.memref_slice %arg4[%add3A, %dma_start3A_38, %dma_start3A_39, %dma_start3A_40] : memref<32x125x1x80xi32, #tpu.memory_space<hbm>> -> memref<1x125x1x80xi32, #tpu.memory_space<hbm>>
    %dma_start3A_42 = tpu.memref_squeeze %dma_start3A_41 : memref<1x125x1x80xi32, #tpu.memory_space<hbm>> -> memref<125x1x80xi32, #tpu.memory_space<hbm>>
    %dma_start3A_43 = arith.constant 0 : i32
    %dma_start3A_44 = arith.constant 0 : i32
    %dma_start3A_45 = tpu.memref_slice %dma_start3A_42[%dma_start3A, %dma_start3A_43, %dma_start3A_44] : memref<125x1x80xi32, #tpu.memory_space<hbm>> -> memref<1x1x80xi32, #tpu.memory_space<hbm>>
    %dma_start3A_46 = tpu.memref_squeeze %dma_start3A_45 : memref<1x1x80xi32, #tpu.memory_space<hbm>> -> memref<1x80xi32, #tpu.memory_space<hbm>>
    %dma_start3A_47 = arith.constant 0 : i32
    %dma_start3A_48 = arith.constant 0 : i32
    %dma_start3A_49 = arith.constant 0 : i32
    %dma_start3A_50 = tpu.memref_slice %arg4[%add3A, %dma_start3A_47, %dma_start3A_48, %dma_start3A_49] : memref<32x125x1x80xi32, #tpu.memory_space<hbm>> -> memref<1x125x1x80xi32, #tpu.memory_space<hbm>>
    %dma_start3A_51 = tpu.memref_squeeze %dma_start3A_50 : memref<1x125x1x80xi32, #tpu.memory_space<hbm>> -> memref<125x1x80xi32, #tpu.memory_space<hbm>>
    %dma_start3A_52 = arith.constant 0 : i32
    %dma_start3A_53 = arith.constant 0 : i32
    %dma_start3A_54 = tpu.memref_slice %dma_start3A_51[%dma_start3A, %dma_start3A_52, %dma_start3A_53] : memref<125x1x80xi32, #tpu.memory_space<hbm>> -> memref<1x1x80xi32, #tpu.memory_space<hbm>>
    %dma_start3A_55 = tpu.memref_squeeze %dma_start3A_54 : memref<1x1x80xi32, #tpu.memory_space<hbm>> -> memref<1x80xi32, #tpu.memory_space<hbm>>
    tpu.enqueue_dma source(%dma_start3A_55 : memref<1x80xi32, #tpu.memory_space<hbm>>) target(%arg9 : memref<1x80xi32, #tpu.memory_space<vmem>>) target_semaphore(%arg30 : memref<!tpu.dma_semaphore, #tpu.memory_space<semaphore_mem>>)
    %dma_start3A_56 = arith.constant 0 : i32
    %dma_start3A_57 = arith.constant 0 : i32
    %dma_start3A_58 = arith.constant 0 : i32
    %dma_start3A_59 = arith.constant 0 : i32
    %dma_start3A_60 = tpu.memref_slice %arg5[%add3A, %dma_start3A_57, %dma_start3A_58, %dma_start3A_59] : memref<32x125x1x80xf32, #tpu.memory_space<hbm>> -> memref<1x125x1x80xf32, #tpu.memory_space<hbm>>
    %dma_start3A_61 = tpu.memref_squeeze %dma_start3A_60 : memref<1x125x1x80xf32, #tpu.memory_space<hbm>> -> memref<125x1x80xf32, #tpu.memory_space<hbm>>
    %dma_start3A_62 = arith.constant 0 : i32
    %dma_start3A_63 = arith.constant 0 : i32
    %dma_start3A_64 = tpu.memref_slice %dma_start3A_61[%dma_start3A_56, %dma_start3A_62, %dma_start3A_63] : memref<125x1x80xf32, #tpu.memory_space<hbm>> -> memref<1x1x80xf32, #tpu.memory_space<hbm>>
    %dma_start3A_65 = tpu.memref_squeeze %dma_start3A_64 : memref<1x1x80xf32, #tpu.memory_space<hbm>> -> memref<1x80xf32, #tpu.memory_space<hbm>>
    %dma_start3A_66 = arith.constant 0 : i32
    %dma_start3A_67 = arith.constant 0 : i32
    %dma_start3A_68 = arith.constant 0 : i32
    %dma_start3A_69 = tpu.memref_slice %arg5[%add3A, %dma_start3A_66, %dma_start3A_67, %dma_start3A_68] : memref<32x125x1x80xf32, #tpu.memory_space<hbm>> -> memref<1x125x1x80xf32, #tpu.memory_space<hbm>>
    %dma_start3A_70 = tpu.memref_squeeze %dma_start3A_69 : memref<1x125x1x80xf32, #tpu.memory_space<hbm>> -> memref<125x1x80xf32, #tpu.memory_space<hbm>>
    %dma_start3A_71 = arith.constant 0 : i32
    %dma_start3A_72 = arith.constant 0 : i32
    %dma_start3A_73 = tpu.memref_slice %dma_start3A_70[%dma_start3A_56, %dma_start3A_71, %dma_start3A_72] : memref<125x1x80xf32, #tpu.memory_space<hbm>> -> memref<1x1x80xf32, #tpu.memory_space<hbm>>
    %dma_start3A_74 = tpu.memref_squeeze %dma_start3A_73 : memref<1x1x80xf32, #tpu.memory_space<hbm>> -> memref<1x80xf32, #tpu.memory_space<hbm>>
    tpu.enqueue_dma source(%dma_start3A_74 : memref<1x80xf32, #tpu.memory_space<hbm>>) target(%arg15 : memref<1x80xf32, #tpu.memory_space<vmem>>) target_semaphore(%arg30 : memref<!tpu.dma_semaphore, #tpu.memory_space<semaphore_mem>>)
    %dma_start3A_75 = arith.constant 1 : i32
    %dma_start3A_76 = arith.constant 0 : i32
    %dma_start3A_77 = arith.constant 0 : i32
    %dma_start3A_78 = arith.constant 0 : i32
    %dma_start3A_79 = tpu.memref_slice %arg4[%add3A, %dma_start3A_76, %dma_start3A_77, %dma_start3A_78] : memref<32x125x1x80xi32, #tpu.memory_space<hbm>> -> memref<1x125x1x80xi32, #tpu.memory_space<hbm>>
    %dma_start3A_80 = tpu.memref_squeeze %dma_start3A_79 : memref<1x125x1x80xi32, #tpu.memory_space<hbm>> -> memref<125x1x80xi32, #tpu.memory_space<hbm>>
    %dma_start3A_81 = arith.constant 0 : i32
    %dma_start3A_82 = arith.constant 0 : i32
    %dma_start3A_83 = tpu.memref_slice %dma_start3A_80[%dma_start3A_75, %dma_start3A_81, %dma_start3A_82] : memref<125x1x80xi32, #tpu.memory_space<hbm>> -> memref<1x1x80xi32, #tpu.memory_space<hbm>>
    %dma_start3A_84 = tpu.memref_squeeze %dma_start3A_83 : memref<1x1x80xi32, #tpu.memory_space<hbm>> -> memref<1x80xi32, #tpu.memory_space<hbm>>
    %dma_start3A_85 = arith.constant 0 : i32
    %dma_start3A_86 = arith.constant 0 : i32
    %dma_start3A_87 = arith.constant 0 : i32
    %dma_start3A_88 = tpu.memref_slice %arg4[%add3A, %dma_start3A_85, %dma_start3A_86, %dma_start3A_87] : memref<32x125x1x80xi32, #tpu.memory_space<hbm>> -> memref<1x125x1x80xi32, #tpu.memory_space<hbm>>
    %dma_start3A_89 = tpu.memref_squeeze %dma_start3A_88 : memref<1x125x1x80xi32, #tpu.memory_space<hbm>> -> memref<125x1x80xi32, #tpu.memory_space<hbm>>
    %dma_start3A_90 = arith.constant 0 : i32
    %dma_start3A_91 = arith.constant 0 : i32
    %dma_start3A_92 = tpu.memref_slice %dma_start3A_89[%dma_start3A_75, %dma_start3A_90, %dma_start3A_91] : memref<125x1x80xi32, #tpu.memory_space<hbm>> -> memref<1x1x80xi32, #tpu.memory_space<hbm>>
    %dma_start3A_93 = tpu.memref_squeeze %dma_start3A_92 : memref<1x1x80xi32, #tpu.memory_space<hbm>> -> memref<1x80xi32, #tpu.memory_space<hbm>>
    tpu.enqueue_dma source(%dma_start3A_93 : memref<1x80xi32, #tpu.memory_space<hbm>>) target(%arg10 : memref<1x80xi32, #tpu.memory_space<vmem>>) target_semaphore(%arg31 : memref<!tpu.dma_semaphore, #tpu.memory_space<semaphore_mem>>)
    %dma_start3A_94 = arith.constant 1 : i32
    %dma_start3A_95 = arith.constant 0 : i32
    %dma_start3A_96 = arith.constant 0 : i32
    %dma_start3A_97 = arith.constant 0 : i32
    %dma_start3A_98 = tpu.memref_slice %arg5[%add3A, %dma_start3A_95, %dma_start3A_96, %dma_start3A_97] : memref<32x125x1x80xf32, #tpu.memory_space<hbm>> -> memref<1x125x1x80xf32, #tpu.memory_space<hbm>>
    %dma_start3A_99 = tpu.memref_squeeze %dma_start3A_98 : memref<1x125x1x80xf32, #tpu.memory_space<hbm>> -> memref<125x1x80xf32, #tpu.memory_space<hbm>>
    %dma_start3A_100 = arith.constant 0 : i32
    %dma_start3A_101 = arith.constant 0 : i32
    %dma_start3A_102 = tpu.memref_slice %dma_start3A_99[%dma_start3A_94, %dma_start3A_100, %dma_start3A_101] : memref<125x1x80xf32, #tpu.memory_space<hbm>> -> memref<1x1x80xf32, #tpu.memory_space<hbm>>
    %dma_start3A_103 = tpu.memref_squeeze %dma_start3A_102 : memref<1x1x80xf32, #tpu.memory_space<hbm>> -> memref<1x80xf32, #tpu.memory_space<hbm>>
    %dma_start3A_104 = arith.constant 0 : i32
    %dma_start3A_105 = arith.constant 0 : i32
    %dma_start3A_106 = arith.constant 0 : i32
    %dma_start3A_107 = tpu.memref_slice %arg5[%add3A, %dma_start3A_104, %dma_start3A_105, %dma_start3A_106] : memref<32x125x1x80xf32, #tpu.memory_space<hbm>> -> memref<1x125x1x80xf32, #tpu.memory_space<hbm>>
    %dma_start3A_108 = tpu.memref_squeeze %dma_start3A_107 : memref<1x125x1x80xf32, #tpu.memory_space<hbm>> -> memref<125x1x80xf32, #tpu.memory_space<hbm>>
    %dma_start3A_109 = arith.constant 0 : i32
    %dma_start3A_110 = arith.constant 0 : i32
    %dma_start3A_111 = tpu.memref_slice %dma_start3A_108[%dma_start3A_94, %dma_start3A_109, %dma_start3A_110] : memref<125x1x80xf32, #tpu.memory_space<hbm>> -> memref<1x1x80xf32, #tpu.memory_space<hbm>>
    %dma_start3A_112 = tpu.memref_squeeze %dma_start3A_111 : memref<1x1x80xf32, #tpu.memory_space<hbm>> -> memref<1x80xf32, #tpu.memory_space<hbm>>
    tpu.enqueue_dma source(%dma_start3A_112 : memref<1x80xf32, #tpu.memory_space<hbm>>) target(%arg16 : memref<1x80xf32, #tpu.memory_space<vmem>>) target_semaphore(%arg31 : memref<!tpu.dma_semaphore, #tpu.memory_space<semaphore_mem>>)
    %dma_start3A_113 = arith.constant 0 : i32
    %dma_start3A_114 = tpu.memref_slice %arg8[%dma_start3A_113] : memref<10000xi32, #tpu.memory_space<vmem>> -> memref<80xi32, #tpu.memory_space<vmem>>
    %dma_start3A_115 = arith.constant 0 : i32
    %dma_start3A_116 = arith.constant 0 : i32
    %dma_start3A_117 = tpu.memref_slice %arg2[%dma_start3A_115, %dma_start3A_116] : memref<10000x128xf32, #tpu.memory_space<hbm>> -> memref<10000x128xf32, #tpu.memory_space<hbm>>
    tpu.enqueue_indirect_dma source(%dma_start3A_117 : memref<10000x128xf32, #tpu.memory_space<hbm>>) target(%arg21 : memref<80x128xf32, #tpu.memory_space<vmem>>) offsets(%dma_start3A_114 : memref<80xi32, #tpu.memory_space<vmem>>) semaphore(%arg24 : memref<!tpu.dma_semaphore, #tpu.memory_space<semaphore_mem>>)
    %dma_wait3A = arith.constant 0 : i32
    %dma_wait3A_118 = tpu.memref_slice %arg8[%dma_wait3A] : memref<10000xi32, #tpu.memory_space<vmem>> -> memref<80xi32, #tpu.memory_space<vmem>>
    %dma_wait3A_119 = arith.constant 0 : i32
    %dma_wait3A_120 = arith.constant 0 : i32
    %dma_wait3A_121 = tpu.memref_slice %arg2[%dma_wait3A_119, %dma_wait3A_120] : memref<10000x128xf32, #tpu.memory_space<hbm>> -> memref<10000x128xf32, #tpu.memory_space<hbm>>
    tpu.wait_indirect_dma semaphore(%arg24 : memref<!tpu.dma_semaphore, #tpu.memory_space<semaphore_mem>>) src(%dma_wait3A_121 : memref<10000x128xf32, #tpu.memory_space<hbm>>) dst(%arg21 : memref<80x128xf32, #tpu.memory_space<vmem>>)
    %dma_start3A_122 = arith.constant 80 : i32
    %dma_start3A_123 = tpu.memref_slice %arg8[%dma_start3A_122] : memref<10000xi32, #tpu.memory_space<vmem>> -> memref<80xi32, #tpu.memory_space<vmem>>
    %dma_start3A_124 = arith.constant 0 : i32
    %dma_start3A_125 = arith.constant 0 : i32
    %dma_start3A_126 = tpu.memref_slice %arg2[%dma_start3A_124, %dma_start3A_125] : memref<10000x128xf32, #tpu.memory_space<hbm>> -> memref<10000x128xf32, #tpu.memory_space<hbm>>
    tpu.enqueue_indirect_dma source(%dma_start3A_126 : memref<10000x128xf32, #tpu.memory_space<hbm>>) target(%arg22 : memref<80x128xf32, #tpu.memory_space<vmem>>) offsets(%dma_start3A_123 : memref<80xi32, #tpu.memory_space<vmem>>) semaphore(%arg25 : memref<!tpu.dma_semaphore, #tpu.memory_space<semaphore_mem>>)
    %dma_wait3A_127 = arith.constant 0 : i32
    %dma_wait3A_128 = arith.constant 0 : i32
    %dma_wait3A_129 = arith.constant 0 : i32
    %dma_wait3A_130 = arith.constant 0 : i32
    %dma_wait3A_131 = tpu.memref_slice %arg4[%add3A, %dma_wait3A_128, %dma_wait3A_129, %dma_wait3A_130] : memref<32x125x1x80xi32, #tpu.memory_space<hbm>> -> memref<1x125x1x80xi32, #tpu.memory_space<hbm>>
    %dma_wait3A_132 = tpu.memref_squeeze %dma_wait3A_131 : memref<1x125x1x80xi32, #tpu.memory_space<hbm>> -> memref<125x1x80xi32, #tpu.memory_space<hbm>>
    %dma_wait3A_133 = arith.constant 0 : i32
    %dma_wait3A_134 = arith.constant 0 : i32
    %dma_wait3A_135 = tpu.memref_slice %dma_wait3A_132[%dma_wait3A_127, %dma_wait3A_133, %dma_wait3A_134] : memref<125x1x80xi32, #tpu.memory_space<hbm>> -> memref<1x1x80xi32, #tpu.memory_space<hbm>>
    %dma_wait3A_136 = tpu.memref_squeeze %dma_wait3A_135 : memref<1x1x80xi32, #tpu.memory_space<hbm>> -> memref<1x80xi32, #tpu.memory_space<hbm>>
    %dma_wait3A_137 = arith.constant 0 : i32
    %dma_wait3A_138 = arith.constant 0 : i32
    %dma_wait3A_139 = arith.constant 0 : i32
    %dma_wait3A_140 = tpu.memref_slice %arg4[%add3A, %dma_wait3A_137, %dma_wait3A_138, %dma_wait3A_139] : memref<32x125x1x80xi32, #tpu.memory_space<hbm>> -> memref<1x125x1x80xi32, #tpu.memory_space<hbm>>
    %dma_wait3A_141 = tpu.memref_squeeze %dma_wait3A_140 : memref<1x125x1x80xi32, #tpu.memory_space<hbm>> -> memref<125x1x80xi32, #tpu.memory_space<hbm>>
    %dma_wait3A_142 = arith.constant 0 : i32
    %dma_wait3A_143 = arith.constant 0 : i32
    %dma_wait3A_144 = tpu.memref_slice %dma_wait3A_141[%dma_wait3A_127, %dma_wait3A_142, %dma_wait3A_143] : memref<125x1x80xi32, #tpu.memory_space<hbm>> -> memref<1x1x80xi32, #tpu.memory_space<hbm>>
    %dma_wait3A_145 = tpu.memref_squeeze %dma_wait3A_144 : memref<1x1x80xi32, #tpu.memory_space<hbm>> -> memref<1x80xi32, #tpu.memory_space<hbm>>
    tpu.wait_dma2 semaphore(%arg30 : memref<!tpu.dma_semaphore, #tpu.memory_space<semaphore_mem>>) src(%dma_wait3A_145 : memref<1x80xi32, #tpu.memory_space<hbm>>) dst(%arg9 : memref<1x80xi32, #tpu.memory_space<vmem>>)
    %dma_wait3A_146 = arith.constant 0 : i32
    %dma_wait3A_147 = arith.constant 0 : i32
    %dma_wait3A_148 = arith.constant 0 : i32
    %dma_wait3A_149 = arith.constant 0 : i32
    %dma_wait3A_150 = tpu.memref_slice %arg5[%add3A, %dma_wait3A_147, %dma_wait3A_148, %dma_wait3A_149] : memref<32x125x1x80xf32, #tpu.memory_space<hbm>> -> memref<1x125x1x80xf32, #tpu.memory_space<hbm>>
    %dma_wait3A_151 = tpu.memref_squeeze %dma_wait3A_150 : memref<1x125x1x80xf32, #tpu.memory_space<hbm>> -> memref<125x1x80xf32, #tpu.memory_space<hbm>>
    %dma_wait3A_152 = arith.constant 0 : i32
    %dma_wait3A_153 = arith.constant 0 : i32
    %dma_wait3A_154 = tpu.memref_slice %dma_wait3A_151[%dma_wait3A_146, %dma_wait3A_152, %dma_wait3A_153] : memref<125x1x80xf32, #tpu.memory_space<hbm>> -> memref<1x1x80xf32, #tpu.memory_space<hbm>>
    %dma_wait3A_155 = tpu.memref_squeeze %dma_wait3A_154 : memref<1x1x80xf32, #tpu.memory_space<hbm>> -> memref<1x80xf32, #tpu.memory_space<hbm>>
    %dma_wait3A_156 = arith.constant 0 : i32
    %dma_wait3A_157 = arith.constant 0 : i32
    %dma_wait3A_158 = arith.constant 0 : i32
    %dma_wait3A_159 = tpu.memref_slice %arg5[%add3A, %dma_wait3A_156, %dma_wait3A_157, %dma_wait3A_158] : memref<32x125x1x80xf32, #tpu.memory_space<hbm>> -> memref<1x125x1x80xf32, #tpu.memory_space<hbm>>
    %dma_wait3A_160 = tpu.memref_squeeze %dma_wait3A_159 : memref<1x125x1x80xf32, #tpu.memory_space<hbm>> -> memref<125x1x80xf32, #tpu.memory_space<hbm>>
    %dma_wait3A_161 = arith.constant 0 : i32
    %dma_wait3A_162 = arith.constant 0 : i32
    %dma_wait3A_163 = tpu.memref_slice %dma_wait3A_160[%dma_wait3A_146, %dma_wait3A_161, %dma_wait3A_162] : memref<125x1x80xf32, #tpu.memory_space<hbm>> -> memref<1x1x80xf32, #tpu.memory_space<hbm>>
    %dma_wait3A_164 = tpu.memref_squeeze %dma_wait3A_163 : memref<1x1x80xf32, #tpu.memory_space<hbm>> -> memref<1x80xf32, #tpu.memory_space<hbm>>
    tpu.wait_dma2 semaphore(%arg30 : memref<!tpu.dma_semaphore, #tpu.memory_space<semaphore_mem>>) src(%dma_wait3A_164 : memref<1x80xf32, #tpu.memory_space<hbm>>) dst(%arg15 : memref<1x80xf32, #tpu.memory_space<vmem>>)
    %dma_start3A_165 = arith.constant 2 : i32
    %dma_start3A_166 = arith.constant 0 : i32
    %dma_start3A_167 = arith.constant 0 : i32
    %dma_start3A_168 = arith.constant 0 : i32
    %dma_start3A_169 = tpu.memref_slice %arg4[%add3A, %dma_start3A_166, %dma_start3A_167, %dma_start3A_168] : memref<32x125x1x80xi32, #tpu.memory_space<hbm>> -> memref<1x125x1x80xi32, #tpu.memory_space<hbm>>
    %dma_start3A_170 = tpu.memref_squeeze %dma_start3A_169 : memref<1x125x1x80xi32, #tpu.memory_space<hbm>> -> memref<125x1x80xi32, #tpu.memory_space<hbm>>
    %dma_start3A_171 = arith.constant 0 : i32
    %dma_start3A_172 = arith.constant 0 : i32
    %dma_start3A_173 = tpu.memref_slice %dma_start3A_170[%dma_start3A_165, %dma_start3A_171, %dma_start3A_172] : memref<125x1x80xi32, #tpu.memory_space<hbm>> -> memref<1x1x80xi32, #tpu.memory_space<hbm>>
    %dma_start3A_174 = tpu.memref_squeeze %dma_start3A_173 : memref<1x1x80xi32, #tpu.memory_space<hbm>> -> memref<1x80xi32, #tpu.memory_space<hbm>>
    %dma_start3A_175 = arith.constant 0 : i32
    %dma_start3A_176 = arith.constant 0 : i32
    %dma_start3A_177 = arith.constant 0 : i32
    %dma_start3A_178 = tpu.memref_slice %arg4[%add3A, %dma_start3A_175, %dma_start3A_176, %dma_start3A_177] : memref<32x125x1x80xi32, #tpu.memory_space<hbm>> -> memref<1x125x1x80xi32, #tpu.memory_space<hbm>>
    %dma_start3A_179 = tpu.memref_squeeze %dma_start3A_178 : memref<1x125x1x80xi32, #tpu.memory_space<hbm>> -> memref<125x1x80xi32, #tpu.memory_space<hbm>>
    %dma_start3A_180 = arith.constant 0 : i32
    %dma_start3A_181 = arith.constant 0 : i32
    %dma_start3A_182 = tpu.memref_slice %dma_start3A_179[%dma_start3A_165, %dma_start3A_180, %dma_start3A_181] : memref<125x1x80xi32, #tpu.memory_space<hbm>> -> memref<1x1x80xi32, #tpu.memory_space<hbm>>
    %dma_start3A_183 = tpu.memref_squeeze %dma_start3A_182 : memref<1x1x80xi32, #tpu.memory_space<hbm>> -> memref<1x80xi32, #tpu.memory_space<hbm>>
    tpu.enqueue_dma source(%dma_start3A_183 : memref<1x80xi32, #tpu.memory_space<hbm>>) target(%arg11 : memref<1x80xi32, #tpu.memory_space<vmem>>) target_semaphore(%arg32 : memref<!tpu.dma_semaphore, #tpu.memory_space<semaphore_mem>>)
    %dma_start3A_184 = arith.constant 2 : i32
    %dma_start3A_185 = arith.constant 0 : i32
    %dma_start3A_186 = arith.constant 0 : i32
    %dma_start3A_187 = arith.constant 0 : i32
    %dma_start3A_188 = tpu.memref_slice %arg5[%add3A, %dma_start3A_185, %dma_start3A_186, %dma_start3A_187] : memref<32x125x1x80xf32, #tpu.memory_space<hbm>> -> memref<1x125x1x80xf32, #tpu.memory_space<hbm>>
    %dma_start3A_189 = tpu.memref_squeeze %dma_start3A_188 : memref<1x125x1x80xf32, #tpu.memory_space<hbm>> -> memref<125x1x80xf32, #tpu.memory_space<hbm>>
    %dma_start3A_190 = arith.constant 0 : i32
    %dma_start3A_191 = arith.constant 0 : i32
    %dma_start3A_192 = tpu.memref_slice %dma_start3A_189[%dma_start3A_184, %dma_start3A_190, %dma_start3A_191] : memref<125x1x80xf32, #tpu.memory_space<hbm>> -> memref<1x1x80xf32, #tpu.memory_space<hbm>>
    %dma_start3A_193 = tpu.memref_squeeze %dma_start3A_192 : memref<1x1x80xf32, #tpu.memory_space<hbm>> -> memref<1x80xf32, #tpu.memory_space<hbm>>
    %dma_start3A_194 = arith.constant 0 : i32
    %dma_start3A_195 = arith.constant 0 : i32
    %dma_start3A_196 = arith.constant 0 : i32
    %dma_start3A_197 = tpu.memref_slice %arg5[%add3A, %dma_start3A_194, %dma_start3A_195, %dma_start3A_196] : memref<32x125x1x80xf32, #tpu.memory_space<hbm>> -> memref<1x125x1x80xf32, #tpu.memory_space<hbm>>
    %dma_start3A_198 = tpu.memref_squeeze %dma_start3A_197 : memref<1x125x1x80xf32, #tpu.memory_space<hbm>> -> memref<125x1x80xf32, #tpu.memory_space<hbm>>
    %dma_start3A_199 = arith.constant 0 : i32
    %dma_start3A_200 = arith.constant 0 : i32
    %dma_start3A_201 = tpu.memref_slice %dma_start3A_198[%dma_start3A_184, %dma_start3A_199, %dma_start3A_200] : memref<125x1x80xf32, #tpu.memory_space<hbm>> -> memref<1x1x80xf32, #tpu.memory_space<hbm>>
    %dma_start3A_202 = tpu.memref_squeeze %dma_start3A_201 : memref<1x1x80xf32, #tpu.memory_space<hbm>> -> memref<1x80xf32, #tpu.memory_space<hbm>>
    tpu.enqueue_dma source(%dma_start3A_202 : memref<1x80xf32, #tpu.memory_space<hbm>>) target(%arg17 : memref<1x80xf32, #tpu.memory_space<vmem>>) target_semaphore(%arg32 : memref<!tpu.dma_semaphore, #tpu.memory_space<semaphore_mem>>)
    %parallel_loop3A = arith.constant 0 : i32
    %parallel_loop3A_203 = arith.constant 80 : i32
    %parallel_loop3A_204 = arith.constant 1 : i32
    scf.for %parallel_loop3A_490 = %parallel_loop3A to %parallel_loop3A_203 step %parallel_loop3A_204  : i32 {
      %parallel_loop3A_491 = arith.constant 0 : i32
      %parallel_loop3A_492 = vector.broadcast %parallel_loop3A_491 : i32 to vector<16xi32>
      %parallel_loop3A_493 = vector.broadcast %parallel_loop3A_490 : i32 to vector<16xi32>
      %parallel_loop3A_494 = tpu.vector_load_idx %arg15[%parallel_loop3A_492, %parallel_loop3A_493] : memref<1x80xf32, #tpu.memory_space<vmem>>[vector<16xi32>, vector<16xi32>], vector<16xf32>,
      %parallel_loop3A_495 = arith.index_cast %parallel_loop3A_490 : i32 to index
      %parallel_loop3A_496 = arith.constant 0 : index
      %parallel_loop3A_497 = tpu.vector_load %arg21[%parallel_loop3A_495, %parallel_loop3A_496] {strides = array<i32>} : memref<80x128xf32, #tpu.memory_space<vmem>>, vector<16xf32>,
      %parallel_loop3A_498 = arith.mulf %parallel_loop3A_497, %parallel_loop3A_494 : vector<16xf32>
      %parallel_loop3A_499 = arith.index_cast %parallel_loop3A_490 : i32 to index
      %parallel_loop3A_500 = arith.constant 0 : index
      %parallel_loop3A_501 = tpu.vector_load %arg21[%parallel_loop3A_499, %parallel_loop3A_500] {strides = array<i32>} : memref<80x128xf32, #tpu.memory_space<vmem>>, vector<16xf32>,
      tpu.vector_store %arg21[%parallel_loop3A_499, %parallel_loop3A_500], %parallel_loop3A_498 {strides = array<i32>} : memref<80x128xf32, #tpu.memory_space<vmem>>, vector<16xf32>,
      %parallel_loop3A_502 = arith.index_cast %parallel_loop3A_490 : i32 to index
      %parallel_loop3A_503 = arith.constant 16 : index
      %parallel_loop3A_504 = tpu.vector_load %arg21[%parallel_loop3A_502, %parallel_loop3A_503] {strides = array<i32>} : memref<80x128xf32, #tpu.memory_space<vmem>>, vector<16xf32>,
      %parallel_loop3A_505 = arith.mulf %parallel_loop3A_504, %parallel_loop3A_494 : vector<16xf32>
      %parallel_loop3A_506 = arith.index_cast %parallel_loop3A_490 : i32 to index
      %parallel_loop3A_507 = arith.constant 16 : index
      %parallel_loop3A_508 = tpu.vector_load %arg21[%parallel_loop3A_506, %parallel_loop3A_507] {strides = array<i32>} : memref<80x128xf32, #tpu.memory_space<vmem>>, vector<16xf32>,
      tpu.vector_store %arg21[%parallel_loop3A_506, %parallel_loop3A_507], %parallel_loop3A_505 {strides = array<i32>} : memref<80x128xf32, #tpu.memory_space<vmem>>, vector<16xf32>,
      %parallel_loop3A_509 = arith.index_cast %parallel_loop3A_490 : i32 to index
      %parallel_loop3A_510 = arith.constant 32 : index
      %parallel_loop3A_511 = tpu.vector_load %arg21[%parallel_loop3A_509, %parallel_loop3A_510] {strides = array<i32>} : memref<80x128xf32, #tpu.memory_space<vmem>>, vector<16xf32>,
      %parallel_loop3A_512 = arith.mulf %parallel_loop3A_511, %parallel_loop3A_494 : vector<16xf32>
      %parallel_loop3A_513 = arith.index_cast %parallel_loop3A_490 : i32 to index
      %parallel_loop3A_514 = arith.constant 32 : index
      %parallel_loop3A_515 = tpu.vector_load %arg21[%parallel_loop3A_513, %parallel_loop3A_514] {strides = array<i32>} : memref<80x128xf32, #tpu.memory_space<vmem>>, vector<16xf32>,
      tpu.vector_store %arg21[%parallel_loop3A_513, %parallel_loop3A_514], %parallel_loop3A_512 {strides = array<i32>} : memref<80x128xf32, #tpu.memory_space<vmem>>, vector<16xf32>,
      %parallel_loop3A_516 = arith.index_cast %parallel_loop3A_490 : i32 to index
      %parallel_loop3A_517 = arith.constant 48 : index
      %parallel_loop3A_518 = tpu.vector_load %arg21[%parallel_loop3A_516, %parallel_loop3A_517] {strides = array<i32>} : memref<80x128xf32, #tpu.memory_space<vmem>>, vector<16xf32>,
      %parallel_loop3A_519 = arith.mulf %parallel_loop3A_518, %parallel_loop3A_494 : vector<16xf32>
      %parallel_loop3A_520 = arith.index_cast %parallel_loop3A_490 : i32 to index
      %parallel_loop3A_521 = arith.constant 48 : index
      %parallel_loop3A_522 = tpu.vector_load %arg21[%parallel_loop3A_520, %parallel_loop3A_521] {strides = array<i32>} : memref<80x128xf32, #tpu.memory_space<vmem>>, vector<16xf32>,
      tpu.vector_store %arg21[%parallel_loop3A_520, %parallel_loop3A_521], %parallel_loop3A_519 {strides = array<i32>} : memref<80x128xf32, #tpu.memory_space<vmem>>, vector<16xf32>,
      %parallel_loop3A_523 = arith.index_cast %parallel_loop3A_490 : i32 to index
      %parallel_loop3A_524 = arith.constant 64 : index
      %parallel_loop3A_525 = tpu.vector_load %arg21[%parallel_loop3A_523, %parallel_loop3A_524] {strides = array<i32>} : memref<80x128xf32, #tpu.memory_space<vmem>>, vector<16xf32>,
      %parallel_loop3A_526 = arith.mulf %parallel_loop3A_525, %parallel_loop3A_494 : vector<16xf32>
      %parallel_loop3A_527 = arith.index_cast %parallel_loop3A_490 : i32 to index
      %parallel_loop3A_528 = arith.constant 64 : index
      %parallel_loop3A_529 = tpu.vector_load %arg21[%parallel_loop3A_527, %parallel_loop3A_528] {strides = array<i32>} : memref<80x128xf32, #tpu.memory_space<vmem>>, vector<16xf32>,
      tpu.vector_store %arg21[%parallel_loop3A_527, %parallel_loop3A_528], %parallel_loop3A_526 {strides = array<i32>} : memref<80x128xf32, #tpu.memory_space<vmem>>, vector<16xf32>,
      %parallel_loop3A_530 = arith.index_cast %parallel_loop3A_490 : i32 to index
      %parallel_loop3A_531 = arith.constant 80 : index
      %parallel_loop3A_532 = tpu.vector_load %arg21[%parallel_loop3A_530, %parallel_loop3A_531] {strides = array<i32>} : memref<80x128xf32, #tpu.memory_space<vmem>>, vector<16xf32>,
      %parallel_loop3A_533 = arith.mulf %parallel_loop3A_532, %parallel_loop3A_494 : vector<16xf32>
      %parallel_loop3A_534 = arith.index_cast %parallel_loop3A_490 : i32 to index
      %parallel_loop3A_535 = arith.constant 80 : index
      %parallel_loop3A_536 = tpu.vector_load %arg21[%parallel_loop3A_534, %parallel_loop3A_535] {strides = array<i32>} : memref<80x128xf32, #tpu.memory_space<vmem>>, vector<16xf32>,
      tpu.vector_store %arg21[%parallel_loop3A_534, %parallel_loop3A_535], %parallel_loop3A_533 {strides = array<i32>} : memref<80x128xf32, #tpu.memory_space<vmem>>, vector<16xf32>,
      %parallel_loop3A_537 = arith.index_cast %parallel_loop3A_490 : i32 to index
      %parallel_loop3A_538 = arith.constant 96 : index
      %parallel_loop3A_539 = tpu.vector_load %arg21[%parallel_loop3A_537, %parallel_loop3A_538] {strides = array<i32>} : memref<80x128xf32, #tpu.memory_space<vmem>>, vector<16xf32>,
      %parallel_loop3A_540 = arith.mulf %parallel_loop3A_539, %parallel_loop3A_494 : vector<16xf32>
      %parallel_loop3A_541 = arith.index_cast %parallel_loop3A_490 : i32 to index
      %parallel_loop3A_542 = arith.constant 96 : index
      %parallel_loop3A_543 = tpu.vector_load %arg21[%parallel_loop3A_541, %parallel_loop3A_542] {strides = array<i32>} : memref<80x128xf32, #tpu.memory_space<vmem>>, vector<16xf32>,
      tpu.vector_store %arg21[%parallel_loop3A_541, %parallel_loop3A_542], %parallel_loop3A_540 {strides = array<i32>} : memref<80x128xf32, #tpu.memory_space<vmem>>, vector<16xf32>,
      %parallel_loop3A_544 = arith.index_cast %parallel_loop3A_490 : i32 to index
      %parallel_loop3A_545 = arith.constant 112 : index
      %parallel_loop3A_546 = tpu.vector_load %arg21[%parallel_loop3A_544, %parallel_loop3A_545] {strides = array<i32>} : memref<80x128xf32, #tpu.memory_space<vmem>>, vector<16xf32>,
      %parallel_loop3A_547 = arith.mulf %parallel_loop3A_546, %parallel_loop3A_494 : vector<16xf32>
      %parallel_loop3A_548 = arith.index_cast %parallel_loop3A_490 : i32 to index
      %parallel_loop3A_549 = arith.constant 112 : index
      %parallel_loop3A_550 = tpu.vector_load %arg21[%parallel_loop3A_548, %parallel_loop3A_549] {strides = array<i32>} : memref<80x128xf32, #tpu.memory_space<vmem>>, vector<16xf32>,
      tpu.vector_store %arg21[%parallel_loop3A_548, %parallel_loop3A_549], %parallel_loop3A_547 {strides = array<i32>} : memref<80x128xf32, #tpu.memory_space<vmem>>, vector<16xf32>,
    } {sc.loop_unroll_factor = 4 : i64, sc.parallel_access}
    %dma_wait3A_205 = arith.constant 0 : i32
    %dma_wait3A_206 = tpu.memref_slice %arg8[%dma_wait3A_205] : memref<10000xi32, #tpu.memory_space<vmem>> -> memref<80xi32, #tpu.memory_space<vmem>>
    %dma_wait3A_207 = arith.constant 0 : i32
    %dma_wait3A_208 = arith.constant 0 : i32
    %dma_wait3A_209 = tpu.memref_slice %arg2[%dma_wait3A_207, %dma_wait3A_208] : memref<10000x128xf32, #tpu.memory_space<hbm>> -> memref<10000x128xf32, #tpu.memory_space<hbm>>
    tpu.wait_indirect_dma semaphore(%arg25 : memref<!tpu.dma_semaphore, #tpu.memory_space<semaphore_mem>>) src(%dma_wait3A_209 : memref<10000x128xf32, #tpu.memory_space<hbm>>) dst(%arg22 : memref<80x128xf32, #tpu.memory_space<vmem>>)
    %dma_start3A_210 = arith.constant 160 : i32
    %dma_start3A_211 = tpu.memref_slice %arg8[%dma_start3A_210] : memref<10000xi32, #tpu.memory_space<vmem>> -> memref<80xi32, #tpu.memory_space<vmem>>
    %dma_start3A_212 = arith.constant 0 : i32
    %dma_start3A_213 = arith.constant 0 : i32
    %dma_start3A_214 = tpu.memref_slice %arg2[%dma_start3A_212, %dma_start3A_213] : memref<10000x128xf32, #tpu.memory_space<hbm>> -> memref<10000x128xf32, #tpu.memory_space<hbm>>
    tpu.enqueue_indirect_dma source(%dma_start3A_214 : memref<10000x128xf32, #tpu.memory_space<hbm>>) target(%arg23 : memref<80x128xf32, #tpu.memory_space<vmem>>) offsets(%dma_start3A_211 : memref<80xi32, #tpu.memory_space<vmem>>) semaphore(%arg26 : memref<!tpu.dma_semaphore, #tpu.memory_space<semaphore_mem>>)
    %dma_wait3A_215 = arith.constant 0 : i32
    %dma_wait3A_216 = arith.constant 0 : i32
    %dma_wait3A_217 = arith.constant 0 : i32
    %dma_wait3A_218 = arith.constant 0 : i32
    %dma_wait3A_219 = tpu.memref_slice %arg4[%add3A, %dma_wait3A_216, %dma_wait3A_217, %dma_wait3A_218] : memref<32x125x1x80xi32, #tpu.memory_space<hbm>> -> memref<1x125x1x80xi32, #tpu.memory_space<hbm>>
    %dma_wait3A_220 = tpu.memref_squeeze %dma_wait3A_219 : memref<1x125x1x80xi32, #tpu.memory_space<hbm>> -> memref<125x1x80xi32, #tpu.memory_space<hbm>>
    %dma_wait3A_221 = arith.constant 0 : i32
    %dma_wait3A_222 = arith.constant 0 : i32
    %dma_wait3A_223 = tpu.memref_slice %dma_wait3A_220[%dma_wait3A_215, %dma_wait3A_221, %dma_wait3A_222] : memref<125x1x80xi32, #tpu.memory_space<hbm>> -> memref<1x1x80xi32, #tpu.memory_space<hbm>>
    %dma_wait3A_224 = tpu.memref_squeeze %dma_wait3A_223 : memref<1x1x80xi32, #tpu.memory_space<hbm>> -> memref<1x80xi32, #tpu.memory_space<hbm>>
    %dma_wait3A_225 = arith.constant 0 : i32
    %dma_wait3A_226 = arith.constant 0 : i32
    %dma_wait3A_227 = arith.constant 0 : i32
    %dma_wait3A_228 = tpu.memref_slice %arg4[%add3A, %dma_wait3A_225, %dma_wait3A_226, %dma_wait3A_227] : memref<32x125x1x80xi32, #tpu.memory_space<hbm>> -> memref<1x125x1x80xi32, #tpu.memory_space<hbm>>
    %dma_wait3A_229 = tpu.memref_squeeze %dma_wait3A_228 : memref<1x125x1x80xi32, #tpu.memory_space<hbm>> -> memref<125x1x80xi32, #tpu.memory_space<hbm>>
    %dma_wait3A_230 = arith.constant 0 : i32
    %dma_wait3A_231 = arith.constant 0 : i32
    %dma_wait3A_232 = tpu.memref_slice %dma_wait3A_229[%dma_wait3A_215, %dma_wait3A_230, %dma_wait3A_231] : memref<125x1x80xi32, #tpu.memory_space<hbm>> -> memref<1x1x80xi32, #tpu.memory_space<hbm>>
    %dma_wait3A_233 = tpu.memref_squeeze %dma_wait3A_232 : memref<1x1x80xi32, #tpu.memory_space<hbm>> -> memref<1x80xi32, #tpu.memory_space<hbm>>
    tpu.wait_dma2 semaphore(%arg31 : memref<!tpu.dma_semaphore, #tpu.memory_space<semaphore_mem>>) src(%dma_wait3A_233 : memref<1x80xi32, #tpu.memory_space<hbm>>) dst(%arg10 : memref<1x80xi32, #tpu.memory_space<vmem>>)
    %dma_wait3A_234 = arith.constant 0 : i32
    %dma_wait3A_235 = arith.constant 0 : i32
    %dma_wait3A_236 = arith.constant 0 : i32
    %dma_wait3A_237 = arith.constant 0 : i32
    %dma_wait3A_238 = tpu.memref_slice %arg5[%add3A, %dma_wait3A_235, %dma_wait3A_236, %dma_wait3A_237] : memref<32x125x1x80xf32, #tpu.memory_space<hbm>> -> memref<1x125x1x80xf32, #tpu.memory_space<hbm>>
    %dma_wait3A_239 = tpu.memref_squeeze %dma_wait3A_238 : memref<1x125x1x80xf32, #tpu.memory_space<hbm>> -> memref<125x1x80xf32, #tpu.memory_space<hbm>>
    %dma_wait3A_240 = arith.constant 0 : i32
    %dma_wait3A_241 = arith.constant 0 : i32
    %dma_wait3A_242 = tpu.memref_slice %dma_wait3A_239[%dma_wait3A_234, %dma_wait3A_240, %dma_wait3A_241] : memref<125x1x80xf32, #tpu.memory_space<hbm>> -> memref<1x1x80xf32, #tpu.memory_space<hbm>>
    %dma_wait3A_243 = tpu.memref_squeeze %dma_wait3A_242 : memref<1x1x80xf32, #tpu.memory_space<hbm>> -> memref<1x80xf32, #tpu.memory_space<hbm>>
    %dma_wait3A_244 = arith.constant 0 : i32
    %dma_wait3A_245 = arith.constant 0 : i32
    %dma_wait3A_246 = arith.constant 0 : i32
    %dma_wait3A_247 = tpu.memref_slice %arg5[%add3A, %dma_wait3A_244, %dma_wait3A_245, %dma_wait3A_246] : memref<32x125x1x80xf32, #tpu.memory_space<hbm>> -> memref<1x125x1x80xf32, #tpu.memory_space<hbm>>
    %dma_wait3A_248 = tpu.memref_squeeze %dma_wait3A_247 : memref<1x125x1x80xf32, #tpu.memory_space<hbm>> -> memref<125x1x80xf32, #tpu.memory_space<hbm>>
    %dma_wait3A_249 = arith.constant 0 : i32
    %dma_wait3A_250 = arith.constant 0 : i32
    %dma_wait3A_251 = tpu.memref_slice %dma_wait3A_248[%dma_wait3A_234, %dma_wait3A_249, %dma_wait3A_250] : memref<125x1x80xf32, #tpu.memory_space<hbm>> -> memref<1x1x80xf32, #tpu.memory_space<hbm>>
    %dma_wait3A_252 = tpu.memref_squeeze %dma_wait3A_251 : memref<1x1x80xf32, #tpu.memory_space<hbm>> -> memref<1x80xf32, #tpu.memory_space<hbm>>
    tpu.wait_dma2 semaphore(%arg31 : memref<!tpu.dma_semaphore, #tpu.memory_space<semaphore_mem>>) src(%dma_wait3A_252 : memref<1x80xf32, #tpu.memory_space<hbm>>) dst(%arg16 : memref<1x80xf32, #tpu.memory_space<vmem>>)
    %dma_start3A_253 = arith.constant 3 : i32
    %dma_start3A_254 = arith.constant 0 : i32
    %dma_start3A_255 = arith.constant 0 : i32
    %dma_start3A_256 = arith.constant 0 : i32
    %dma_start3A_257 = tpu.memref_slice %arg4[%add3A, %dma_start3A_254, %dma_start3A_255, %dma_start3A_256] : memref<32x125x1x80xi32, #tpu.memory_space<hbm>> -> memref<1x125x1x80xi32, #tpu.memory_space<hbm>>
    %dma_start3A_258 = tpu.memref_squeeze %dma_start3A_257 : memref<1x125x1x80xi32, #tpu.memory_space<hbm>> -> memref<125x1x80xi32, #tpu.memory_space<hbm>>
    %dma_start3A_259 = arith.constant 0 : i32
    %dma_start3A_260 = arith.constant 0 : i32
    %dma_start3A_261 = tpu.memref_slice %dma_start3A_258[%dma_start3A_253, %dma_start3A_259, %dma_start3A_260] : memref<125x1x80xi32, #tpu.memory_space<hbm>> -> memref<1x1x80xi32, #tpu.memory_space<hbm>>
    %dma_start3A_262 = tpu.memref_squeeze %dma_start3A_261 : memref<1x1x80xi32, #tpu.memory_space<hbm>> -> memref<1x80xi32, #tpu.memory_space<hbm>>
    %dma_start3A_263 = arith.constant 0 : i32
    %dma_start3A_264 = arith.constant 0 : i32
    %dma_start3A_265 = arith.constant 0 : i32
    %dma_start3A_266 = tpu.memref_slice %arg4[%add3A, %dma_start3A_263, %dma_start3A_264, %dma_start3A_265] : memref<32x125x1x80xi32, #tpu.memory_space<hbm>> -> memref<1x125x1x80xi32, #tpu.memory_space<hbm>>
    %dma_start3A_267 = tpu.memref_squeeze %dma_start3A_266 : memref<1x125x1x80xi32, #tpu.memory_space<hbm>> -> memref<125x1x80xi32, #tpu.memory_space<hbm>>
    %dma_start3A_268 = arith.constant 0 : i32
    %dma_start3A_269 = arith.constant 0 : i32
    %dma_start3A_270 = tpu.memref_slice %dma_start3A_267[%dma_start3A_253, %dma_start3A_268, %dma_start3A_269] : memref<125x1x80xi32, #tpu.memory_space<hbm>> -> memref<1x1x80xi32, #tpu.memory_space<hbm>>
    %dma_start3A_271 = tpu.memref_squeeze %dma_start3A_270 : memref<1x1x80xi32, #tpu.memory_space<hbm>> -> memref<1x80xi32, #tpu.memory_space<hbm>>
    tpu.enqueue_dma source(%dma_start3A_271 : memref<1x80xi32, #tpu.memory_space<hbm>>) target(%arg12 : memref<1x80xi32, #tpu.memory_space<vmem>>) target_semaphore(%arg33 : memref<!tpu.dma_semaphore, #tpu.memory_space<semaphore_mem>>)
    %dma_start3A_272 = arith.constant 3 : i32
    %dma_start3A_273 = arith.constant 0 : i32
    %dma_start3A_274 = arith.constant 0 : i32
    %dma_start3A_275 = arith.constant 0 : i32
    %dma_start3A_276 = tpu.memref_slice %arg5[%add3A, %dma_start3A_273, %dma_start3A_274, %dma_start3A_275] : memref<32x125x1x80xf32, #tpu.memory_space<hbm>> -> memref<1x125x1x80xf32, #tpu.memory_space<hbm>>
    %dma_start3A_277 = tpu.memref_squeeze %dma_start3A_276 : memref<1x125x1x80xf32, #tpu.memory_space<hbm>> -> memref<125x1x80xf32, #tpu.memory_space<hbm>>
    %dma_start3A_278 = arith.constant 0 : i32
    %dma_start3A_279 = arith.constant 0 : i32
    %dma_start3A_280 = tpu.memref_slice %dma_start3A_277[%dma_start3A_272, %dma_start3A_278, %dma_start3A_279] : memref<125x1x80xf32, #tpu.memory_space<hbm>> -> memref<1x1x80xf32, #tpu.memory_space<hbm>>
    %dma_start3A_281 = tpu.memref_squeeze %dma_start3A_280 : memref<1x1x80xf32, #tpu.memory_space<hbm>> -> memref<1x80xf32, #tpu.memory_space<hbm>>
    %dma_start3A_282 = arith.constant 0 : i32
    %dma_start3A_283 = arith.constant 0 : i32
    %dma_start3A_284 = arith.constant 0 : i32
    %dma_start3A_285 = tpu.memref_slice %arg5[%add3A, %dma_start3A_282, %dma_start3A_283, %dma_start3A_284] : memref<32x125x1x80xf32, #tpu.memory_space<hbm>> -> memref<1x125x1x80xf32, #tpu.memory_space<hbm>>
    %dma_start3A_286 = tpu.memref_squeeze %dma_start3A_285 : memref<1x125x1x80xf32, #tpu.memory_space<hbm>> -> memref<125x1x80xf32, #tpu.memory_space<hbm>>
    %dma_start3A_287 = arith.constant 0 : i32
    %dma_start3A_288 = arith.constant 0 : i32
    %dma_start3A_289 = tpu.memref_slice %dma_start3A_286[%dma_start3A_272, %dma_start3A_287, %dma_start3A_288] : memref<125x1x80xf32, #tpu.memory_space<hbm>> -> memref<1x1x80xf32, #tpu.memory_space<hbm>>
    %dma_start3A_290 = tpu.memref_squeeze %dma_start3A_289 : memref<1x1x80xf32, #tpu.memory_space<hbm>> -> memref<1x80xf32, #tpu.memory_space<hbm>>
    tpu.enqueue_dma source(%dma_start3A_290 : memref<1x80xf32, #tpu.memory_space<hbm>>) target(%arg18 : memref<1x80xf32, #tpu.memory_space<vmem>>) target_semaphore(%arg33 : memref<!tpu.dma_semaphore, #tpu.memory_space<semaphore_mem>>)
    %parallel_loop3A_291 = arith.constant 0 : i32
    %parallel_loop3A_292 = arith.constant 80 : i32
    %parallel_loop3A_293 = arith.constant 1 : i32
    scf.for %parallel_loop3A_490 = %parallel_loop3A_291 to %parallel_loop3A_292 step %parallel_loop3A_293  : i32 {
      %parallel_loop3A_491 = arith.constant 0 : i32
      %parallel_loop3A_492 = vector.broadcast %parallel_loop3A_491 : i32 to vector<16xi32>
      %parallel_loop3A_493 = vector.broadcast %parallel_loop3A_490 : i32 to vector<16xi32>
      %parallel_loop3A_494 = tpu.vector_load_idx %arg16[%parallel_loop3A_492, %parallel_loop3A_493] : memref<1x80xf32, #tpu.memory_space<vmem>>[vector<16xi32>, vector<16xi32>], vector<16xf32>,
      %parallel_loop3A_495 = arith.index_cast %parallel_loop3A_490 : i32 to index
      %parallel_loop3A_496 = arith.constant 0 : index
      %parallel_loop3A_497 = tpu.vector_load %arg22[%parallel_loop3A_495, %parallel_loop3A_496] {strides = array<i32>} : memref<80x128xf32, #tpu.memory_space<vmem>>, vector<16xf32>,
      %parallel_loop3A_498 = arith.mulf %parallel_loop3A_497, %parallel_loop3A_494 : vector<16xf32>
      %parallel_loop3A_499 = arith.index_cast %parallel_loop3A_490 : i32 to index
      %parallel_loop3A_500 = arith.constant 0 : index
      %parallel_loop3A_501 = tpu.vector_load %arg22[%parallel_loop3A_499, %parallel_loop3A_500] {strides = array<i32>} : memref<80x128xf32, #tpu.memory_space<vmem>>, vector<16xf32>,
      tpu.vector_store %arg22[%parallel_loop3A_499, %parallel_loop3A_500], %parallel_loop3A_498 {strides = array<i32>} : memref<80x128xf32, #tpu.memory_space<vmem>>, vector<16xf32>,
      %parallel_loop3A_502 = arith.index_cast %parallel_loop3A_490 : i32 to index
      %parallel_loop3A_503 = arith.constant 16 : index
      %parallel_loop3A_504 = tpu.vector_load %arg22[%parallel_loop3A_502, %parallel_loop3A_503] {strides = array<i32>} : memref<80x128xf32, #tpu.memory_space<vmem>>, vector<16xf32>,
      %parallel_loop3A_505 = arith.mulf %parallel_loop3A_504, %parallel_loop3A_494 : vector<16xf32>
      %parallel_loop3A_506 = arith.index_cast %parallel_loop3A_490 : i32 to index
      %parallel_loop3A_507 = arith.constant 16 : index
      %parallel_loop3A_508 = tpu.vector_load %arg22[%parallel_loop3A_506, %parallel_loop3A_507] {strides = array<i32>} : memref<80x128xf32, #tpu.memory_space<vmem>>, vector<16xf32>,
      tpu.vector_store %arg22[%parallel_loop3A_506, %parallel_loop3A_507], %parallel_loop3A_505 {strides = array<i32>} : memref<80x128xf32, #tpu.memory_space<vmem>>, vector<16xf32>,
      %parallel_loop3A_509 = arith.index_cast %parallel_loop3A_490 : i32 to index
      %parallel_loop3A_510 = arith.constant 32 : index
      %parallel_loop3A_511 = tpu.vector_load %arg22[%parallel_loop3A_509, %parallel_loop3A_510] {strides = array<i32>} : memref<80x128xf32, #tpu.memory_space<vmem>>, vector<16xf32>,
      %parallel_loop3A_512 = arith.mulf %parallel_loop3A_511, %parallel_loop3A_494 : vector<16xf32>
      %parallel_loop3A_513 = arith.index_cast %parallel_loop3A_490 : i32 to index
      %parallel_loop3A_514 = arith.constant 32 : index
      %parallel_loop3A_515 = tpu.vector_load %arg22[%parallel_loop3A_513, %parallel_loop3A_514] {strides = array<i32>} : memref<80x128xf32, #tpu.memory_space<vmem>>, vector<16xf32>,
      tpu.vector_store %arg22[%parallel_loop3A_513, %parallel_loop3A_514], %parallel_loop3A_512 {strides = array<i32>} : memref<80x128xf32, #tpu.memory_space<vmem>>, vector<16xf32>,
      %parallel_loop3A_516 = arith.index_cast %parallel_loop3A_490 : i32 to index
      %parallel_loop3A_517 = arith.constant 48 : index
      %parallel_loop3A_518 = tpu.vector_load %arg22[%parallel_loop3A_516, %parallel_loop3A_517] {strides = array<i32>} : memref<80x128xf32, #tpu.memory_space<vmem>>, vector<16xf32>,
      %parallel_loop3A_519 = arith.mulf %parallel_loop3A_518, %parallel_loop3A_494 : vector<16xf32>
      %parallel_loop3A_520 = arith.index_cast %parallel_loop3A_490 : i32 to index
      %parallel_loop3A_521 = arith.constant 48 : index
      %parallel_loop3A_522 = tpu.vector_load %arg22[%parallel_loop3A_520, %parallel_loop3A_521] {strides = array<i32>} : memref<80x128xf32, #tpu.memory_space<vmem>>, vector<16xf32>,
      tpu.vector_store %arg22[%parallel_loop3A_520, %parallel_loop3A_521], %parallel_loop3A_519 {strides = array<i32>} : memref<80x128xf32, #tpu.memory_space<vmem>>, vector<16xf32>,
      %parallel_loop3A_523 = arith.index_cast %parallel_loop3A_490 : i32 to index
      %parallel_loop3A_524 = arith.constant 64 : index
      %parallel_loop3A_525 = tpu.vector_load %arg22[%parallel_loop3A_523, %parallel_loop3A_524] {strides = array<i32>} : memref<80x128xf32, #tpu.memory_space<vmem>>, vector<16xf32>,
      %parallel_loop3A_526 = arith.mulf %parallel_loop3A_525, %parallel_loop3A_494 : vector<16xf32>
      %parallel_loop3A_527 = arith.index_cast %parallel_loop3A_490 : i32 to index
      %parallel_loop3A_528 = arith.constant 64 : index
      %parallel_loop3A_529 = tpu.vector_load %arg22[%parallel_loop3A_527, %parallel_loop3A_528] {strides = array<i32>} : memref<80x128xf32, #tpu.memory_space<vmem>>, vector<16xf32>,
      tpu.vector_store %arg22[%parallel_loop3A_527, %parallel_loop3A_528], %parallel_loop3A_526 {strides = array<i32>} : memref<80x128xf32, #tpu.memory_space<vmem>>, vector<16xf32>,
      %parallel_loop3A_530 = arith.index_cast %parallel_loop3A_490 : i32 to index
      %parallel_loop3A_531 = arith.constant 80 : index
      %parallel_loop3A_532 = tpu.vector_load %arg22[%parallel_loop3A_530, %parallel_loop3A_531] {strides = array<i32>} : memref<80x128xf32, #tpu.memory_space<vmem>>, vector<16xf32>,
      %parallel_loop3A_533 = arith.mulf %parallel_loop3A_532, %parallel_loop3A_494 : vector<16xf32>
      %parallel_loop3A_534 = arith.index_cast %parallel_loop3A_490 : i32 to index
      %parallel_loop3A_535 = arith.constant 80 : index
      %parallel_loop3A_536 = tpu.vector_load %arg22[%parallel_loop3A_534, %parallel_loop3A_535] {strides = array<i32>} : memref<80x128xf32, #tpu.memory_space<vmem>>, vector<16xf32>,
      tpu.vector_store %arg22[%parallel_loop3A_534, %parallel_loop3A_535], %parallel_loop3A_533 {strides = array<i32>} : memref<80x128xf32, #tpu.memory_space<vmem>>, vector<16xf32>,
      %parallel_loop3A_537 = arith.index_cast %parallel_loop3A_490 : i32 to index
      %parallel_loop3A_538 = arith.constant 96 : index
      %parallel_loop3A_539 = tpu.vector_load %arg22[%parallel_loop3A_537, %parallel_loop3A_538] {strides = array<i32>} : memref<80x128xf32, #tpu.memory_space<vmem>>, vector<16xf32>,
      %parallel_loop3A_540 = arith.mulf %parallel_loop3A_539, %parallel_loop3A_494 : vector<16xf32>
      %parallel_loop3A_541 = arith.index_cast %parallel_loop3A_490 : i32 to index
      %parallel_loop3A_542 = arith.constant 96 : index
      %parallel_loop3A_543 = tpu.vector_load %arg22[%parallel_loop3A_541, %parallel_loop3A_542] {strides = array<i32>} : memref<80x128xf32, #tpu.memory_space<vmem>>, vector<16xf32>,
      tpu.vector_store %arg22[%parallel_loop3A_541, %parallel_loop3A_542], %parallel_loop3A_540 {strides = array<i32>} : memref<80x128xf32, #tpu.memory_space<vmem>>, vector<16xf32>,
      %parallel_loop3A_544 = arith.index_cast %parallel_loop3A_490 : i32 to index
      %parallel_loop3A_545 = arith.constant 112 : index
      %parallel_loop3A_546 = tpu.vector_load %arg22[%parallel_loop3A_544, %parallel_loop3A_545] {strides = array<i32>} : memref<80x128xf32, #tpu.memory_space<vmem>>, vector<16xf32>,
      %parallel_loop3A_547 = arith.mulf %parallel_loop3A_546, %parallel_loop3A_494 : vector<16xf32>
      %parallel_loop3A_548 = arith.index_cast %parallel_loop3A_490 : i32 to index
      %parallel_loop3A_549 = arith.constant 112 : index
      %parallel_loop3A_550 = tpu.vector_load %arg22[%parallel_loop3A_548, %parallel_loop3A_549] {strides = array<i32>} : memref<80x128xf32, #tpu.memory_space<vmem>>, vector<16xf32>,
      tpu.vector_store %arg22[%parallel_loop3A_548, %parallel_loop3A_549], %parallel_loop3A_547 {strides = array<i32>} : memref<80x128xf32, #tpu.memory_space<vmem>>, vector<16xf32>,
    } {sc.loop_unroll_factor = 4 : i64, sc.parallel_access}
    %scan3A_294 = arith.constant 0 : i32
    %scan3A_295 = arith.constant 20 : i32
    %scan3A_296 = arith.addi %scan3A_294, %scan3A_295 : i32
    %scan3A_297 = arith.constant 1 : i32
    scf.for %scan3A_490 = %scan3A_294 to %scan3A_296 step %scan3A_297  : i32 {
      %mul3A_491 = arith.constant 1 : i32
      %mul3A_492 = arith.muli %scan3A_490, %mul3A_491 : i32
      %add3A_493 = arith.constant 0 : i32
      %add3A_494 = arith.addi %add3A_493, %mul3A_492 : i32
      %mul3A_495 = arith.constant 6 : i32
      %mul3A_496 = arith.muli %mul3A_495, %add3A_494 : i32
      %add3A_497 = arith.constant 2 : i32
      %add3A_498 = arith.addi %mul3A_496, %add3A_497 : i32
      %add3A_499 = arith.constant 0 : i32
      %add3A_500 = arith.addi %add3A_498, %add3A_499 : i32
      %add3A_501 = arith.constant 0 : i32
      %add3A_502 = arith.addi %add3A_498, %add3A_501 : i32
      %add3A_503 = arith.constant 1 : i32
      %add3A_504 = arith.addi %add3A_502, %add3A_503 : i32
      %add3A_505 = arith.constant 0 : i32
      %add3A_506 = arith.addi %add3A_498, %add3A_505 : i32
      %add3A_507 = arith.constant 2 : i32
      %add3A_508 = arith.addi %add3A_506, %add3A_507 : i32
      %dma_wait3A_509 = arith.constant 0 : i32
      %dma_wait3A_510 = tpu.memref_slice %arg8[%dma_wait3A_509] : memref<10000xi32, #tpu.memory_space<vmem>> -> memref<80xi32, #tpu.memory_space<vmem>>
      %dma_wait3A_511 = arith.constant 0 : i32
      %dma_wait3A_512 = arith.constant 0 : i32
      %dma_wait3A_513 = tpu.memref_slice %arg2[%dma_wait3A_511, %dma_wait3A_512] : memref<10000x128xf32, #tpu.memory_space<hbm>> -> memref<10000x128xf32, #tpu.memory_space<hbm>>
      tpu.wait_indirect_dma semaphore(%arg26 : memref<!tpu.dma_semaphore, #tpu.memory_space<semaphore_mem>>) src(%dma_wait3A_513 : memref<10000x128xf32, #tpu.memory_space<hbm>>) dst(%arg23 : memref<80x128xf32, #tpu.memory_space<vmem>>)
      %mul3A_514 = arith.constant 80 : i32
      %mul3A_515 = arith.muli %add3A_504, %mul3A_514 : i32
      %dma_start3A_516 = tpu.memref_slice %arg8[%mul3A_515] : memref<10000xi32, #tpu.memory_space<vmem>> -> memref<80xi32, #tpu.memory_space<vmem>>
      %dma_start3A_517 = arith.constant 0 : i32
      %dma_start3A_518 = arith.constant 0 : i32
      %dma_start3A_519 = tpu.memref_slice %arg2[%dma_start3A_517, %dma_start3A_518] : memref<10000x128xf32, #tpu.memory_space<hbm>> -> memref<10000x128xf32, #tpu.memory_space<hbm>>
      tpu.enqueue_indirect_dma source(%dma_start3A_519 : memref<10000x128xf32, #tpu.memory_space<hbm>>) target(%arg21 : memref<80x128xf32, #tpu.memory_space<vmem>>) offsets(%dma_start3A_516 : memref<80xi32, #tpu.memory_space<vmem>>) semaphore(%arg24 : memref<!tpu.dma_semaphore, #tpu.memory_space<semaphore_mem>>)
      %dma_wait3A_520 = arith.constant 0 : i32
      %dma_wait3A_521 = arith.constant 0 : i32
      %dma_wait3A_522 = arith.constant 0 : i32
      %dma_wait3A_523 = arith.constant 0 : i32
      %dma_wait3A_524 = tpu.memref_slice %arg4[%add3A, %dma_wait3A_521, %dma_wait3A_522, %dma_wait3A_523] : memref<32x125x1x80xi32, #tpu.memory_space<hbm>> -> memref<1x125x1x80xi32, #tpu.memory_space<hbm>>
      %dma_wait3A_525 = tpu.memref_squeeze %dma_wait3A_524 : memref<1x125x1x80xi32, #tpu.memory_space<hbm>> -> memref<125x1x80xi32, #tpu.memory_space<hbm>>
      %dma_wait3A_526 = arith.constant 0 : i32
      %dma_wait3A_527 = arith.constant 0 : i32
      %dma_wait3A_528 = tpu.memref_slice %dma_wait3A_525[%dma_wait3A_520, %dma_wait3A_526, %dma_wait3A_527] : memref<125x1x80xi32, #tpu.memory_space<hbm>> -> memref<1x1x80xi32, #tpu.memory_space<hbm>>
      %dma_wait3A_529 = tpu.memref_squeeze %dma_wait3A_528 : memref<1x1x80xi32, #tpu.memory_space<hbm>> -> memref<1x80xi32, #tpu.memory_space<hbm>>
      %dma_wait3A_530 = arith.constant 0 : i32
      %dma_wait3A_531 = arith.constant 0 : i32
      %dma_wait3A_532 = arith.constant 0 : i32
      %dma_wait3A_533 = tpu.memref_slice %arg4[%add3A, %dma_wait3A_530, %dma_wait3A_531, %dma_wait3A_532] : memref<32x125x1x80xi32, #tpu.memory_space<hbm>> -> memref<1x125x1x80xi32, #tpu.memory_space<hbm>>
      %dma_wait3A_534 = tpu.memref_squeeze %dma_wait3A_533 : memref<1x125x1x80xi32, #tpu.memory_space<hbm>> -> memref<125x1x80xi32, #tpu.memory_space<hbm>>
      %dma_wait3A_535 = arith.constant 0 : i32
      %dma_wait3A_536 = arith.constant 0 : i32
      %dma_wait3A_537 = tpu.memref_slice %dma_wait3A_534[%dma_wait3A_520, %dma_wait3A_535, %dma_wait3A_536] : memref<125x1x80xi32, #tpu.memory_space<hbm>> -> memref<1x1x80xi32, #tpu.memory_space<hbm>>
      %dma_wait3A_538 = tpu.memref_squeeze %dma_wait3A_537 : memref<1x1x80xi32, #tpu.memory_space<hbm>> -> memref<1x80xi32, #tpu.memory_space<hbm>>
      tpu.wait_dma2 semaphore(%arg32 : memref<!tpu.dma_semaphore, #tpu.memory_space<semaphore_mem>>) src(%dma_wait3A_538 : memref<1x80xi32, #tpu.memory_space<hbm>>) dst(%arg11 : memref<1x80xi32, #tpu.memory_space<vmem>>)
      %dma_wait3A_539 = arith.constant 0 : i32
      %dma_wait3A_540 = arith.constant 0 : i32
      %dma_wait3A_541 = arith.constant 0 : i32
      %dma_wait3A_542 = arith.constant 0 : i32
      %dma_wait3A_543 = tpu.memref_slice %arg5[%add3A, %dma_wait3A_540, %dma_wait3A_541, %dma_wait3A_542] : memref<32x125x1x80xf32, #tpu.memory_space<hbm>> -> memref<1x125x1x80xf32, #tpu.memory_space<hbm>>
      %dma_wait3A_544 = tpu.memref_squeeze %dma_wait3A_543 : memref<1x125x1x80xf32, #tpu.memory_space<hbm>> -> memref<125x1x80xf32, #tpu.memory_space<hbm>>
      %dma_wait3A_545 = arith.constant 0 : i32
      %dma_wait3A_546 = arith.constant 0 : i32
      %dma_wait3A_547 = tpu.memref_slice %dma_wait3A_544[%dma_wait3A_539, %dma_wait3A_545, %dma_wait3A_546] : memref<125x1x80xf32, #tpu.memory_space<hbm>> -> memref<1x1x80xf32, #tpu.memory_space<hbm>>
      %dma_wait3A_548 = tpu.memref_squeeze %dma_wait3A_547 : memref<1x1x80xf32, #tpu.memory_space<hbm>> -> memref<1x80xf32, #tpu.memory_space<hbm>>
      %dma_wait3A_549 = arith.constant 0 : i32
      %dma_wait3A_550 = arith.constant 0 : i32
      %dma_wait3A_551 = arith.constant 0 : i32
      %dma_wait3A_552 = tpu.memref_slice %arg5[%add3A, %dma_wait3A_549, %dma_wait3A_550, %dma_wait3A_551] : memref<32x125x1x80xf32, #tpu.memory_space<hbm>> -> memref<1x125x1x80xf32, #tpu.memory_space<hbm>>
      %dma_wait3A_553 = tpu.memref_squeeze %dma_wait3A_552 : memref<1x125x1x80xf32, #tpu.memory_space<hbm>> -> memref<125x1x80xf32, #tpu.memory_space<hbm>>
      %dma_wait3A_554 = arith.constant 0 : i32
      %dma_wait3A_555 = arith.constant 0 : i32
      %dma_wait3A_556 = tpu.memref_slice %dma_wait3A_553[%dma_wait3A_539, %dma_wait3A_554, %dma_wait3A_555] : memref<125x1x80xf32, #tpu.memory_space<hbm>> -> memref<1x1x80xf32, #tpu.memory_space<hbm>>
      %dma_wait3A_557 = tpu.memref_squeeze %dma_wait3A_556 : memref<1x1x80xf32, #tpu.memory_space<hbm>> -> memref<1x80xf32, #tpu.memory_space<hbm>>
      tpu.wait_dma2 semaphore(%arg32 : memref<!tpu.dma_semaphore, #tpu.memory_space<semaphore_mem>>) src(%dma_wait3A_557 : memref<1x80xf32, #tpu.memory_space<hbm>>) dst(%arg17 : memref<1x80xf32, #tpu.memory_space<vmem>>)
      %dma_start3A_558 = arith.constant 0 : i32
      %dma_start3A_559 = arith.constant 0 : i32
      %dma_start3A_560 = arith.constant 0 : i32
      %dma_start3A_561 = tpu.memref_slice %arg4[%add3A, %dma_start3A_558, %dma_start3A_559, %dma_start3A_560] : memref<32x125x1x80xi32, #tpu.memory_space<hbm>> -> memref<1x125x1x80xi32, #tpu.memory_space<hbm>>
      %dma_start3A_562 = tpu.memref_squeeze %dma_start3A_561 : memref<1x125x1x80xi32, #tpu.memory_space<hbm>> -> memref<125x1x80xi32, #tpu.memory_space<hbm>>
      %dma_start3A_563 = arith.constant 0 : i32
      %dma_start3A_564 = arith.constant 0 : i32
      %dma_start3A_565 = tpu.memref_slice %dma_start3A_562[%add3A_508, %dma_start3A_563, %dma_start3A_564] : memref<125x1x80xi32, #tpu.memory_space<hbm>> -> memref<1x1x80xi32, #tpu.memory_space<hbm>>
      %dma_start3A_566 = tpu.memref_squeeze %dma_start3A_565 : memref<1x1x80xi32, #tpu.memory_space<hbm>> -> memref<1x80xi32, #tpu.memory_space<hbm>>
      %dma_start3A_567 = arith.constant 0 : i32
      %dma_start3A_568 = arith.constant 0 : i32
      %dma_start3A_569 = arith.constant 0 : i32
      %dma_start3A_570 = tpu.memref_slice %arg4[%add3A, %dma_start3A_567, %dma_start3A_568, %dma_start3A_569] : memref<32x125x1x80xi32, #tpu.memory_space<hbm>> -> memref<1x125x1x80xi32, #tpu.memory_space<hbm>>
      %dma_start3A_571 = tpu.memref_squeeze %dma_start3A_570 : memref<1x125x1x80xi32, #tpu.memory_space<hbm>> -> memref<125x1x80xi32, #tpu.memory_space<hbm>>
      %dma_start3A_572 = arith.constant 0 : i32
      %dma_start3A_573 = arith.constant 0 : i32
      %dma_start3A_574 = tpu.memref_slice %dma_start3A_571[%add3A_508, %dma_start3A_572, %dma_start3A_573] : memref<125x1x80xi32, #tpu.memory_space<hbm>> -> memref<1x1x80xi32, #tpu.memory_space<hbm>>
      %dma_start3A_575 = tpu.memref_squeeze %dma_start3A_574 : memref<1x1x80xi32, #tpu.memory_space<hbm>> -> memref<1x80xi32, #tpu.memory_space<hbm>>
      tpu.enqueue_dma source(%dma_start3A_575 : memref<1x80xi32, #tpu.memory_space<hbm>>) target(%arg13 : memref<1x80xi32, #tpu.memory_space<vmem>>) target_semaphore(%arg34 : memref<!tpu.dma_semaphore, #tpu.memory_space<semaphore_mem>>)
      %dma_start3A_576 = arith.constant 0 : i32
      %dma_start3A_577 = arith.constant 0 : i32
      %dma_start3A_578 = arith.constant 0 : i32
      %dma_start3A_579 = tpu.memref_slice %arg5[%add3A, %dma_start3A_576, %dma_start3A_577, %dma_start3A_578] : memref<32x125x1x80xf32, #tpu.memory_space<hbm>> -> memref<1x125x1x80xf32, #tpu.memory_space<hbm>>
      %dma_start3A_580 = tpu.memref_squeeze %dma_start3A_579 : memref<1x125x1x80xf32, #tpu.memory_space<hbm>> -> memref<125x1x80xf32, #tpu.memory_space<hbm>>
      %dma_start3A_581 = arith.constant 0 : i32
      %dma_start3A_582 = arith.constant 0 : i32
      %dma_start3A_583 = tpu.memref_slice %dma_start3A_580[%add3A_508, %dma_start3A_581, %dma_start3A_582] : memref<125x1x80xf32, #tpu.memory_space<hbm>> -> memref<1x1x80xf32, #tpu.memory_space<hbm>>
      %dma_start3A_584 = tpu.memref_squeeze %dma_start3A_583 : memref<1x1x80xf32, #tpu.memory_space<hbm>> -> memref<1x80xf32, #tpu.memory_space<hbm>>
      %dma_start3A_585 = arith.constant 0 : i32
      %dma_start3A_586 = arith.constant 0 : i32
      %dma_start3A_587 = arith.constant 0 : i32
      %dma_start3A_588 = tpu.memref_slice %arg5[%add3A, %dma_start3A_585, %dma_start3A_586, %dma_start3A_587] : memref<32x125x1x80xf32, #tpu.memory_space<hbm>> -> memref<1x125x1x80xf32, #tpu.memory_space<hbm>>
      %dma_start3A_589 = tpu.memref_squeeze %dma_start3A_588 : memref<1x125x1x80xf32, #tpu.memory_space<hbm>> -> memref<125x1x80xf32, #tpu.memory_space<hbm>>
      %dma_start3A_590 = arith.constant 0 : i32
      %dma_start3A_591 = arith.constant 0 : i32
      %dma_start3A_592 = tpu.memref_slice %dma_start3A_589[%add3A_508, %dma_start3A_590, %dma_start3A_591] : memref<125x1x80xf32, #tpu.memory_space<hbm>> -> memref<1x1x80xf32, #tpu.memory_space<hbm>>
      %dma_start3A_593 = tpu.memref_squeeze %dma_start3A_592 : memref<1x1x80xf32, #tpu.memory_space<hbm>> -> memref<1x80xf32, #tpu.memory_space<hbm>>
      tpu.enqueue_dma source(%dma_start3A_593 : memref<1x80xf32, #tpu.memory_space<hbm>>) target(%arg19 : memref<1x80xf32, #tpu.memory_space<vmem>>) target_semaphore(%arg34 : memref<!tpu.dma_semaphore, #tpu.memory_space<semaphore_mem>>)
      %parallel_loop3A_594 = arith.constant 0 : i32
      %parallel_loop3A_595 = arith.constant 80 : i32
      %parallel_loop3A_596 = arith.constant 1 : i32
      scf.for %parallel_loop3A_1087 = %parallel_loop3A_594 to %parallel_loop3A_595 step %parallel_loop3A_596  : i32 {
        %parallel_loop3A_1088 = arith.constant 0 : i32
        %parallel_loop3A_1089 = vector.broadcast %parallel_loop3A_1088 : i32 to vector<16xi32>
        %parallel_loop3A_1090 = vector.broadcast %parallel_loop3A_1087 : i32 to vector<16xi32>
        %parallel_loop3A_1091 = tpu.vector_load_idx %arg17[%parallel_loop3A_1089, %parallel_loop3A_1090] : memref<1x80xf32, #tpu.memory_space<vmem>>[vector<16xi32>, vector<16xi32>], vector<16xf32>,
        %parallel_loop3A_1092 = arith.index_cast %parallel_loop3A_1087 : i32 to index
        %parallel_loop3A_1093 = arith.constant 0 : index
        %parallel_loop3A_1094 = tpu.vector_load %arg23[%parallel_loop3A_1092, %parallel_loop3A_1093] {strides = array<i32>} : memref<80x128xf32, #tpu.memory_space<vmem>>, vector<16xf32>,
        %parallel_loop3A_1095 = arith.mulf %parallel_loop3A_1094, %parallel_loop3A_1091 : vector<16xf32>
        %parallel_loop3A_1096 = arith.index_cast %parallel_loop3A_1087 : i32 to index
        %parallel_loop3A_1097 = arith.constant 0 : index
        %parallel_loop3A_1098 = tpu.vector_load %arg23[%parallel_loop3A_1096, %parallel_loop3A_1097] {strides = array<i32>} : memref<80x128xf32, #tpu.memory_space<vmem>>, vector<16xf32>,
        tpu.vector_store %arg23[%parallel_loop3A_1096, %parallel_loop3A_1097], %parallel_loop3A_1095 {strides = array<i32>} : memref<80x128xf32, #tpu.memory_space<vmem>>, vector<16xf32>,
        %parallel_loop3A_1099 = arith.index_cast %parallel_loop3A_1087 : i32 to index
        %parallel_loop3A_1100 = arith.constant 16 : index
        %parallel_loop3A_1101 = tpu.vector_load %arg23[%parallel_loop3A_1099, %parallel_loop3A_1100] {strides = array<i32>} : memref<80x128xf32, #tpu.memory_space<vmem>>, vector<16xf32>,
        %parallel_loop3A_1102 = arith.mulf %parallel_loop3A_1101, %parallel_loop3A_1091 : vector<16xf32>
        %parallel_loop3A_1103 = arith.index_cast %parallel_loop3A_1087 : i32 to index
        %parallel_loop3A_1104 = arith.constant 16 : index
        %parallel_loop3A_1105 = tpu.vector_load %arg23[%parallel_loop3A_1103, %parallel_loop3A_1104] {strides = array<i32>} : memref<80x128xf32, #tpu.memory_space<vmem>>, vector<16xf32>,
        tpu.vector_store %arg23[%parallel_loop3A_1103, %parallel_loop3A_1104], %parallel_loop3A_1102 {strides = array<i32>} : memref<80x128xf32, #tpu.memory_space<vmem>>, vector<16xf32>,
        %parallel_loop3A_1106 = arith.index_cast %parallel_loop3A_1087 : i32 to index
        %parallel_loop3A_1107 = arith.constant 32 : index
        %parallel_loop3A_1108 = tpu.vector_load %arg23[%parallel_loop3A_1106, %parallel_loop3A_1107] {strides = array<i32>} : memref<80x128xf32, #tpu.memory_space<vmem>>, vector<16xf32>,
        %parallel_loop3A_1109 = arith.mulf %parallel_loop3A_1108, %parallel_loop3A_1091 : vector<16xf32>
        %parallel_loop3A_1110 = arith.index_cast %parallel_loop3A_1087 : i32 to index
        %parallel_loop3A_1111 = arith.constant 32 : index
        %parallel_loop3A_1112 = tpu.vector_load %arg23[%parallel_loop3A_1110, %parallel_loop3A_1111] {strides = array<i32>} : memref<80x128xf32, #tpu.memory_space<vmem>>, vector<16xf32>,
        tpu.vector_store %arg23[%parallel_loop3A_1110, %parallel_loop3A_1111], %parallel_loop3A_1109 {strides = array<i32>} : memref<80x128xf32, #tpu.memory_space<vmem>>, vector<16xf32>,
        %parallel_loop3A_1113 = arith.index_cast %parallel_loop3A_1087 : i32 to index
        %parallel_loop3A_1114 = arith.constant 48 : index
        %parallel_loop3A_1115 = tpu.vector_load %arg23[%parallel_loop3A_1113, %parallel_loop3A_1114] {strides = array<i32>} : memref<80x128xf32, #tpu.memory_space<vmem>>, vector<16xf32>,
        %parallel_loop3A_1116 = arith.mulf %parallel_loop3A_1115, %parallel_loop3A_1091 : vector<16xf32>
        %parallel_loop3A_1117 = arith.index_cast %parallel_loop3A_1087 : i32 to index
        %parallel_loop3A_1118 = arith.constant 48 : index
        %parallel_loop3A_1119 = tpu.vector_load %arg23[%parallel_loop3A_1117, %parallel_loop3A_1118] {strides = array<i32>} : memref<80x128xf32, #tpu.memory_space<vmem>>, vector<16xf32>,
        tpu.vector_store %arg23[%parallel_loop3A_1117, %parallel_loop3A_1118], %parallel_loop3A_1116 {strides = array<i32>} : memref<80x128xf32, #tpu.memory_space<vmem>>, vector<16xf32>,
        %parallel_loop3A_1120 = arith.index_cast %parallel_loop3A_1087 : i32 to index
        %parallel_loop3A_1121 = arith.constant 64 : index
        %parallel_loop3A_1122 = tpu.vector_load %arg23[%parallel_loop3A_1120, %parallel_loop3A_1121] {strides = array<i32>} : memref<80x128xf32, #tpu.memory_space<vmem>>, vector<16xf32>,
        %parallel_loop3A_1123 = arith.mulf %parallel_loop3A_1122, %parallel_loop3A_1091 : vector<16xf32>
        %parallel_loop3A_1124 = arith.index_cast %parallel_loop3A_1087 : i32 to index
        %parallel_loop3A_1125 = arith.constant 64 : index
        %parallel_loop3A_1126 = tpu.vector_load %arg23[%parallel_loop3A_1124, %parallel_loop3A_1125] {strides = array<i32>} : memref<80x128xf32, #tpu.memory_space<vmem>>, vector<16xf32>,
        tpu.vector_store %arg23[%parallel_loop3A_1124, %parallel_loop3A_1125], %parallel_loop3A_1123 {strides = array<i32>} : memref<80x128xf32, #tpu.memory_space<vmem>>, vector<16xf32>,
        %parallel_loop3A_1127 = arith.index_cast %parallel_loop3A_1087 : i32 to index
        %parallel_loop3A_1128 = arith.constant 80 : index
        %parallel_loop3A_1129 = tpu.vector_load %arg23[%parallel_loop3A_1127, %parallel_loop3A_1128] {strides = array<i32>} : memref<80x128xf32, #tpu.memory_space<vmem>>, vector<16xf32>,
        %parallel_loop3A_1130 = arith.mulf %parallel_loop3A_1129, %parallel_loop3A_1091 : vector<16xf32>
        %parallel_loop3A_1131 = arith.index_cast %parallel_loop3A_1087 : i32 to index
        %parallel_loop3A_1132 = arith.constant 80 : index
        %parallel_loop3A_1133 = tpu.vector_load %arg23[%parallel_loop3A_1131, %parallel_loop3A_1132] {strides = array<i32>} : memref<80x128xf32, #tpu.memory_space<vmem>>, vector<16xf32>,
        tpu.vector_store %arg23[%parallel_loop3A_1131, %parallel_loop3A_1132], %parallel_loop3A_1130 {strides = array<i32>} : memref<80x128xf32, #tpu.memory_space<vmem>>, vector<16xf32>,
        %parallel_loop3A_1134 = arith.index_cast %parallel_loop3A_1087 : i32 to index
        %parallel_loop3A_1135 = arith.constant 96 : index
        %parallel_loop3A_1136 = tpu.vector_load %arg23[%parallel_loop3A_1134, %parallel_loop3A_1135] {strides = array<i32>} : memref<80x128xf32, #tpu.memory_space<vmem>>, vector<16xf32>,
        %parallel_loop3A_1137 = arith.mulf %parallel_loop3A_1136, %parallel_loop3A_1091 : vector<16xf32>
        %parallel_loop3A_1138 = arith.index_cast %parallel_loop3A_1087 : i32 to index
        %parallel_loop3A_1139 = arith.constant 96 : index
        %parallel_loop3A_1140 = tpu.vector_load %arg23[%parallel_loop3A_1138, %parallel_loop3A_1139] {strides = array<i32>} : memref<80x128xf32, #tpu.memory_space<vmem>>, vector<16xf32>,
        tpu.vector_store %arg23[%parallel_loop3A_1138, %parallel_loop3A_1139], %parallel_loop3A_1137 {strides = array<i32>} : memref<80x128xf32, #tpu.memory_space<vmem>>, vector<16xf32>,
        %parallel_loop3A_1141 = arith.index_cast %parallel_loop3A_1087 : i32 to index
        %parallel_loop3A_1142 = arith.constant 112 : index
        %parallel_loop3A_1143 = tpu.vector_load %arg23[%parallel_loop3A_1141, %parallel_loop3A_1142] {strides = array<i32>} : memref<80x128xf32, #tpu.memory_space<vmem>>, vector<16xf32>,
        %parallel_loop3A_1144 = arith.mulf %parallel_loop3A_1143, %parallel_loop3A_1091 : vector<16xf32>
        %parallel_loop3A_1145 = arith.index_cast %parallel_loop3A_1087 : i32 to index
        %parallel_loop3A_1146 = arith.constant 112 : index
        %parallel_loop3A_1147 = tpu.vector_load %arg23[%parallel_loop3A_1145, %parallel_loop3A_1146] {strides = array<i32>} : memref<80x128xf32, #tpu.memory_space<vmem>>, vector<16xf32>,
        tpu.vector_store %arg23[%parallel_loop3A_1145, %parallel_loop3A_1146], %parallel_loop3A_1144 {strides = array<i32>} : memref<80x128xf32, #tpu.memory_space<vmem>>, vector<16xf32>,
      } {sc.loop_unroll_factor = 4 : i64, sc.parallel_access}
      %add3A_597 = arith.constant 1 : i32
      %add3A_598 = arith.addi %add3A_498, %add3A_597 : i32
      %add3A_599 = arith.constant 1 : i32
      %add3A_600 = arith.addi %add3A_498, %add3A_599 : i32
      %add3A_601 = arith.constant 1 : i32
      %add3A_602 = arith.addi %add3A_600, %add3A_601 : i32
      %add3A_603 = arith.constant 1 : i32
      %add3A_604 = arith.addi %add3A_498, %add3A_603 : i32
      %add3A_605 = arith.constant 2 : i32
      %add3A_606 = arith.addi %add3A_604, %add3A_605 : i32
      %dma_wait3A_607 = arith.constant 0 : i32
      %dma_wait3A_608 = tpu.memref_slice %arg8[%dma_wait3A_607] : memref<10000xi32, #tpu.memory_space<vmem>> -> memref<80xi32, #tpu.memory_space<vmem>>
      %dma_wait3A_609 = arith.constant 0 : i32
      %dma_wait3A_610 = arith.constant 0 : i32
      %dma_wait3A_611 = tpu.memref_slice %arg2[%dma_wait3A_609, %dma_wait3A_610] : memref<10000x128xf32, #tpu.memory_space<hbm>> -> memref<10000x128xf32, #tpu.memory_space<hbm>>
      tpu.wait_indirect_dma semaphore(%arg24 : memref<!tpu.dma_semaphore, #tpu.memory_space<semaphore_mem>>) src(%dma_wait3A_611 : memref<10000x128xf32, #tpu.memory_space<hbm>>) dst(%arg21 : memref<80x128xf32, #tpu.memory_space<vmem>>)
      %mul3A_612 = arith.constant 80 : i32
      %mul3A_613 = arith.muli %add3A_602, %mul3A_612 : i32
      %dma_start3A_614 = tpu.memref_slice %arg8[%mul3A_613] : memref<10000xi32, #tpu.memory_space<vmem>> -> memref<80xi32, #tpu.memory_space<vmem>>
      %dma_start3A_615 = arith.constant 0 : i32
      %dma_start3A_616 = arith.constant 0 : i32
      %dma_start3A_617 = tpu.memref_slice %arg2[%dma_start3A_615, %dma_start3A_616] : memref<10000x128xf32, #tpu.memory_space<hbm>> -> memref<10000x128xf32, #tpu.memory_space<hbm>>
      tpu.enqueue_indirect_dma source(%dma_start3A_617 : memref<10000x128xf32, #tpu.memory_space<hbm>>) target(%arg22 : memref<80x128xf32, #tpu.memory_space<vmem>>) offsets(%dma_start3A_614 : memref<80xi32, #tpu.memory_space<vmem>>) semaphore(%arg25 : memref<!tpu.dma_semaphore, #tpu.memory_space<semaphore_mem>>)
      %dma_wait3A_618 = arith.constant 0 : i32
      %dma_wait3A_619 = arith.constant 0 : i32
      %dma_wait3A_620 = arith.constant 0 : i32
      %dma_wait3A_621 = arith.constant 0 : i32
      %dma_wait3A_622 = tpu.memref_slice %arg4[%add3A, %dma_wait3A_619, %dma_wait3A_620, %dma_wait3A_621] : memref<32x125x1x80xi32, #tpu.memory_space<hbm>> -> memref<1x125x1x80xi32, #tpu.memory_space<hbm>>
      %dma_wait3A_623 = tpu.memref_squeeze %dma_wait3A_622 : memref<1x125x1x80xi32, #tpu.memory_space<hbm>> -> memref<125x1x80xi32, #tpu.memory_space<hbm>>
      %dma_wait3A_624 = arith.constant 0 : i32
      %dma_wait3A_625 = arith.constant 0 : i32
      %dma_wait3A_626 = tpu.memref_slice %dma_wait3A_623[%dma_wait3A_618, %dma_wait3A_624, %dma_wait3A_625] : memref<125x1x80xi32, #tpu.memory_space<hbm>> -> memref<1x1x80xi32, #tpu.memory_space<hbm>>
      %dma_wait3A_627 = tpu.memref_squeeze %dma_wait3A_626 : memref<1x1x80xi32, #tpu.memory_space<hbm>> -> memref<1x80xi32, #tpu.memory_space<hbm>>
      %dma_wait3A_628 = arith.constant 0 : i32
      %dma_wait3A_629 = arith.constant 0 : i32
      %dma_wait3A_630 = arith.constant 0 : i32
      %dma_wait3A_631 = tpu.memref_slice %arg4[%add3A, %dma_wait3A_628, %dma_wait3A_629, %dma_wait3A_630] : memref<32x125x1x80xi32, #tpu.memory_space<hbm>> -> memref<1x125x1x80xi32, #tpu.memory_space<hbm>>
      %dma_wait3A_632 = tpu.memref_squeeze %dma_wait3A_631 : memref<1x125x1x80xi32, #tpu.memory_space<hbm>> -> memref<125x1x80xi32, #tpu.memory_space<hbm>>
      %dma_wait3A_633 = arith.constant 0 : i32
      %dma_wait3A_634 = arith.constant 0 : i32
      %dma_wait3A_635 = tpu.memref_slice %dma_wait3A_632[%dma_wait3A_618, %dma_wait3A_633, %dma_wait3A_634] : memref<125x1x80xi32, #tpu.memory_space<hbm>> -> memref<1x1x80xi32, #tpu.memory_space<hbm>>
      %dma_wait3A_636 = tpu.memref_squeeze %dma_wait3A_635 : memref<1x1x80xi32, #tpu.memory_space<hbm>> -> memref<1x80xi32, #tpu.memory_space<hbm>>
      tpu.wait_dma2 semaphore(%arg33 : memref<!tpu.dma_semaphore, #tpu.memory_space<semaphore_mem>>) src(%dma_wait3A_636 : memref<1x80xi32, #tpu.memory_space<hbm>>) dst(%arg12 : memref<1x80xi32, #tpu.memory_space<vmem>>)
      %dma_wait3A_637 = arith.constant 0 : i32
      %dma_wait3A_638 = arith.constant 0 : i32
      %dma_wait3A_639 = arith.constant 0 : i32
      %dma_wait3A_640 = arith.constant 0 : i32
      %dma_wait3A_641 = tpu.memref_slice %arg5[%add3A, %dma_wait3A_638, %dma_wait3A_639, %dma_wait3A_640] : memref<32x125x1x80xf32, #tpu.memory_space<hbm>> -> memref<1x125x1x80xf32, #tpu.memory_space<hbm>>
      %dma_wait3A_642 = tpu.memref_squeeze %dma_wait3A_641 : memref<1x125x1x80xf32, #tpu.memory_space<hbm>> -> memref<125x1x80xf32, #tpu.memory_space<hbm>>
      %dma_wait3A_643 = arith.constant 0 : i32
      %dma_wait3A_644 = arith.constant 0 : i32
      %dma_wait3A_645 = tpu.memref_slice %dma_wait3A_642[%dma_wait3A_637, %dma_wait3A_643, %dma_wait3A_644] : memref<125x1x80xf32, #tpu.memory_space<hbm>> -> memref<1x1x80xf32, #tpu.memory_space<hbm>>
      %dma_wait3A_646 = tpu.memref_squeeze %dma_wait3A_645 : memref<1x1x80xf32, #tpu.memory_space<hbm>> -> memref<1x80xf32, #tpu.memory_space<hbm>>
      %dma_wait3A_647 = arith.constant 0 : i32
      %dma_wait3A_648 = arith.constant 0 : i32
      %dma_wait3A_649 = arith.constant 0 : i32
      %dma_wait3A_650 = tpu.memref_slice %arg5[%add3A, %dma_wait3A_647, %dma_wait3A_648, %dma_wait3A_649] : memref<32x125x1x80xf32, #tpu.memory_space<hbm>> -> memref<1x125x1x80xf32, #tpu.memory_space<hbm>>
      %dma_wait3A_651 = tpu.memref_squeeze %dma_wait3A_650 : memref<1x125x1x80xf32, #tpu.memory_space<hbm>> -> memref<125x1x80xf32, #tpu.memory_space<hbm>>
      %dma_wait3A_652 = arith.constant 0 : i32
      %dma_wait3A_653 = arith.constant 0 : i32
      %dma_wait3A_654 = tpu.memref_slice %dma_wait3A_651[%dma_wait3A_637, %dma_wait3A_652, %dma_wait3A_653] : memref<125x1x80xf32, #tpu.memory_space<hbm>> -> memref<1x1x80xf32, #tpu.memory_space<hbm>>
      %dma_wait3A_655 = tpu.memref_squeeze %dma_wait3A_654 : memref<1x1x80xf32, #tpu.memory_space<hbm>> -> memref<1x80xf32, #tpu.memory_space<hbm>>
      tpu.wait_dma2 semaphore(%arg33 : memref<!tpu.dma_semaphore, #tpu.memory_space<semaphore_mem>>) src(%dma_wait3A_655 : memref<1x80xf32, #tpu.memory_space<hbm>>) dst(%arg18 : memref<1x80xf32, #tpu.memory_space<vmem>>)
      %dma_start3A_656 = arith.constant 0 : i32
      %dma_start3A_657 = arith.constant 0 : i32
      %dma_start3A_658 = arith.constant 0 : i32
      %dma_start3A_659 = tpu.memref_slice %arg4[%add3A, %dma_start3A_656, %dma_start3A_657, %dma_start3A_658] : memref<32x125x1x80xi32, #tpu.memory_space<hbm>> -> memref<1x125x1x80xi32, #tpu.memory_space<hbm>>
      %dma_start3A_660 = tpu.memref_squeeze %dma_start3A_659 : memref<1x125x1x80xi32, #tpu.memory_space<hbm>> -> memref<125x1x80xi32, #tpu.memory_space<hbm>>
      %dma_start3A_661 = arith.constant 0 : i32
      %dma_start3A_662 = arith.constant 0 : i32
      %dma_start3A_663 = tpu.memref_slice %dma_start3A_660[%add3A_606, %dma_start3A_661, %dma_start3A_662] : memref<125x1x80xi32, #tpu.memory_space<hbm>> -> memref<1x1x80xi32, #tpu.memory_space<hbm>>
      %dma_start3A_664 = tpu.memref_squeeze %dma_start3A_663 : memref<1x1x80xi32, #tpu.memory_space<hbm>> -> memref<1x80xi32, #tpu.memory_space<hbm>>
      %dma_start3A_665 = arith.constant 0 : i32
      %dma_start3A_666 = arith.constant 0 : i32
      %dma_start3A_667 = arith.constant 0 : i32
      %dma_start3A_668 = tpu.memref_slice %arg4[%add3A, %dma_start3A_665, %dma_start3A_666, %dma_start3A_667] : memref<32x125x1x80xi32, #tpu.memory_space<hbm>> -> memref<1x125x1x80xi32, #tpu.memory_space<hbm>>
      %dma_start3A_669 = tpu.memref_squeeze %dma_start3A_668 : memref<1x125x1x80xi32, #tpu.memory_space<hbm>> -> memref<125x1x80xi32, #tpu.memory_space<hbm>>
      %dma_start3A_670 = arith.constant 0 : i32
      %dma_start3A_671 = arith.constant 0 : i32
      %dma_start3A_672 = tpu.memref_slice %dma_start3A_669[%add3A_606, %dma_start3A_670, %dma_start3A_671] : memref<125x1x80xi32, #tpu.memory_space<hbm>> -> memref<1x1x80xi32, #tpu.memory_space<hbm>>
      %dma_start3A_673 = tpu.memref_squeeze %dma_start3A_672 : memref<1x1x80xi32, #tpu.memory_space<hbm>> -> memref<1x80xi32, #tpu.memory_space<hbm>>
      tpu.enqueue_dma source(%dma_start3A_673 : memref<1x80xi32, #tpu.memory_space<hbm>>) target(%arg14 : memref<1x80xi32, #tpu.memory_space<vmem>>) target_semaphore(%arg35 : memref<!tpu.dma_semaphore, #tpu.memory_space<semaphore_mem>>)
      %dma_start3A_674 = arith.constant 0 : i32
      %dma_start3A_675 = arith.constant 0 : i32
      %dma_start3A_676 = arith.constant 0 : i32
      %dma_start3A_677 = tpu.memref_slice %arg5[%add3A, %dma_start3A_674, %dma_start3A_675, %dma_start3A_676] : memref<32x125x1x80xf32, #tpu.memory_space<hbm>> -> memref<1x125x1x80xf32, #tpu.memory_space<hbm>>
      %dma_start3A_678 = tpu.memref_squeeze %dma_start3A_677 : memref<1x125x1x80xf32, #tpu.memory_space<hbm>> -> memref<125x1x80xf32, #tpu.memory_space<hbm>>
      %dma_start3A_679 = arith.constant 0 : i32
      %dma_start3A_680 = arith.constant 0 : i32
      %dma_start3A_681 = tpu.memref_slice %dma_start3A_678[%add3A_606, %dma_start3A_679, %dma_start3A_680] : memref<125x1x80xf32, #tpu.memory_space<hbm>> -> memref<1x1x80xf32, #tpu.memory_space<hbm>>
      %dma_start3A_682 = tpu.memref_squeeze %dma_start3A_681 : memref<1x1x80xf32, #tpu.memory_space<hbm>> -> memref<1x80xf32, #tpu.memory_space<hbm>>
      %dma_start3A_683 = arith.constant 0 : i32
      %dma_start3A_684 = arith.constant 0 : i32
      %dma_start3A_685 = arith.constant 0 : i32
      %dma_start3A_686 = tpu.memref_slice %arg5[%add3A, %dma_start3A_683, %dma_start3A_684, %dma_start3A_685] : memref<32x125x1x80xf32, #tpu.memory_space<hbm>> -> memref<1x125x1x80xf32, #tpu.memory_space<hbm>>
      %dma_start3A_687 = tpu.memref_squeeze %dma_start3A_686 : memref<1x125x1x80xf32, #tpu.memory_space<hbm>> -> memref<125x1x80xf32, #tpu.memory_space<hbm>>
      %dma_start3A_688 = arith.constant 0 : i32
      %dma_start3A_689 = arith.constant 0 : i32
      %dma_start3A_690 = tpu.memref_slice %dma_start3A_687[%add3A_606, %dma_start3A_688, %dma_start3A_689] : memref<125x1x80xf32, #tpu.memory_space<hbm>> -> memref<1x1x80xf32, #tpu.memory_space<hbm>>
      %dma_start3A_691 = tpu.memref_squeeze %dma_start3A_690 : memref<1x1x80xf32, #tpu.memory_space<hbm>> -> memref<1x80xf32, #tpu.memory_space<hbm>>
      tpu.enqueue_dma source(%dma_start3A_691 : memref<1x80xf32, #tpu.memory_space<hbm>>) target(%arg20 : memref<1x80xf32, #tpu.memory_space<vmem>>) target_semaphore(%arg35 : memref<!tpu.dma_semaphore, #tpu.memory_space<semaphore_mem>>)
      %parallel_loop3A_692 = arith.constant 0 : i32
      %parallel_loop3A_693 = arith.constant 80 : i32
      %parallel_loop3A_694 = arith.constant 1 : i32
      scf.for %parallel_loop3A_1087 = %parallel_loop3A_692 to %parallel_loop3A_693 step %parallel_loop3A_694  : i32 {
        %parallel_loop3A_1088 = arith.constant 0 : i32
        %parallel_loop3A_1089 = vector.broadcast %parallel_loop3A_1088 : i32 to vector<16xi32>
        %parallel_loop3A_1090 = vector.broadcast %parallel_loop3A_1087 : i32 to vector<16xi32>
        %parallel_loop3A_1091 = tpu.vector_load_idx %arg18[%parallel_loop3A_1089, %parallel_loop3A_1090] : memref<1x80xf32, #tpu.memory_space<vmem>>[vector<16xi32>, vector<16xi32>], vector<16xf32>,
        %parallel_loop3A_1092 = arith.index_cast %parallel_loop3A_1087 : i32 to index
        %parallel_loop3A_1093 = arith.constant 0 : index
        %parallel_loop3A_1094 = tpu.vector_load %arg21[%parallel_loop3A_1092, %parallel_loop3A_1093] {strides = array<i32>} : memref<80x128xf32, #tpu.memory_space<vmem>>, vector<16xf32>,
        %parallel_loop3A_1095 = arith.mulf %parallel_loop3A_1094, %parallel_loop3A_1091 : vector<16xf32>
        %parallel_loop3A_1096 = arith.index_cast %parallel_loop3A_1087 : i32 to index
        %parallel_loop3A_1097 = arith.constant 0 : index
        %parallel_loop3A_1098 = tpu.vector_load %arg21[%parallel_loop3A_1096, %parallel_loop3A_1097] {strides = array<i32>} : memref<80x128xf32, #tpu.memory_space<vmem>>, vector<16xf32>,
        tpu.vector_store %arg21[%parallel_loop3A_1096, %parallel_loop3A_1097], %parallel_loop3A_1095 {strides = array<i32>} : memref<80x128xf32, #tpu.memory_space<vmem>>, vector<16xf32>,
        %parallel_loop3A_1099 = arith.index_cast %parallel_loop3A_1087 : i32 to index
        %parallel_loop3A_1100 = arith.constant 16 : index
        %parallel_loop3A_1101 = tpu.vector_load %arg21[%parallel_loop3A_1099, %parallel_loop3A_1100] {strides = array<i32>} : memref<80x128xf32, #tpu.memory_space<vmem>>, vector<16xf32>,
        %parallel_loop3A_1102 = arith.mulf %parallel_loop3A_1101, %parallel_loop3A_1091 : vector<16xf32>
        %parallel_loop3A_1103 = arith.index_cast %parallel_loop3A_1087 : i32 to index
        %parallel_loop3A_1104 = arith.constant 16 : index
        %parallel_loop3A_1105 = tpu.vector_load %arg21[%parallel_loop3A_1103, %parallel_loop3A_1104] {strides = array<i32>} : memref<80x128xf32, #tpu.memory_space<vmem>>, vector<16xf32>,
        tpu.vector_store %arg21[%parallel_loop3A_1103, %parallel_loop3A_1104], %parallel_loop3A_1102 {strides = array<i32>} : memref<80x128xf32, #tpu.memory_space<vmem>>, vector<16xf32>,
        %parallel_loop3A_1106 = arith.index_cast %parallel_loop3A_1087 : i32 to index
        %parallel_loop3A_1107 = arith.constant 32 : index
        %parallel_loop3A_1108 = tpu.vector_load %arg21[%parallel_loop3A_1106, %parallel_loop3A_1107] {strides = array<i32>} : memref<80x128xf32, #tpu.memory_space<vmem>>, vector<16xf32>,
        %parallel_loop3A_1109 = arith.mulf %parallel_loop3A_1108, %parallel_loop3A_1091 : vector<16xf32>
        %parallel_loop3A_1110 = arith.index_cast %parallel_loop3A_1087 : i32 to index
        %parallel_loop3A_1111 = arith.constant 32 : index
        %parallel_loop3A_1112 = tpu.vector_load %arg21[%parallel_loop3A_1110, %parallel_loop3A_1111] {strides = array<i32>} : memref<80x128xf32, #tpu.memory_space<vmem>>, vector<16xf32>,
        tpu.vector_store %arg21[%parallel_loop3A_1110, %parallel_loop3A_1111], %parallel_loop3A_1109 {strides = array<i32>} : memref<80x128xf32, #tpu.memory_space<vmem>>, vector<16xf32>,
        %parallel_loop3A_1113 = arith.index_cast %parallel_loop3A_1087 : i32 to index
        %parallel_loop3A_1114 = arith.constant 48 : index
        %parallel_loop3A_1115 = tpu.vector_load %arg21[%parallel_loop3A_1113, %parallel_loop3A_1114] {strides = array<i32>} : memref<80x128xf32, #tpu.memory_space<vmem>>, vector<16xf32>,
        %parallel_loop3A_1116 = arith.mulf %parallel_loop3A_1115, %parallel_loop3A_1091 : vector<16xf32>
        %parallel_loop3A_1117 = arith.index_cast %parallel_loop3A_1087 : i32 to index
        %parallel_loop3A_1118 = arith.constant 48 : index
        %parallel_loop3A_1119 = tpu.vector_load %arg21[%parallel_loop3A_1117, %parallel_loop3A_1118] {strides = array<i32>} : memref<80x128xf32, #tpu.memory_space<vmem>>, vector<16xf32>,
        tpu.vector_store %arg21[%parallel_loop3A_1117, %parallel_loop3A_1118], %parallel_loop3A_1116 {strides = array<i32>} : memref<80x128xf32, #tpu.memory_space<vmem>>, vector<16xf32>,
        %parallel_loop3A_1120 = arith.index_cast %parallel_loop3A_1087 : i32 to index
        %parallel_loop3A_1121 = arith.constant 64 : index
        %parallel_loop3A_1122 = tpu.vector_load %arg21[%parallel_loop3A_1120, %parallel_loop3A_1121] {strides = array<i32>} : memref<80x128xf32, #tpu.memory_space<vmem>>, vector<16xf32>,
        %parallel_loop3A_1123 = arith.mulf %parallel_loop3A_1122, %parallel_loop3A_1091 : vector<16xf32>
        %parallel_loop3A_1124 = arith.index_cast %parallel_loop3A_1087 : i32 to index
        %parallel_loop3A_1125 = arith.constant 64 : index
        %parallel_loop3A_1126 = tpu.vector_load %arg21[%parallel_loop3A_1124, %parallel_loop3A_1125] {strides = array<i32>} : memref<80x128xf32, #tpu.memory_space<vmem>>, vector<16xf32>,
        tpu.vector_store %arg21[%parallel_loop3A_1124, %parallel_loop3A_1125], %parallel_loop3A_1123 {strides = array<i32>} : memref<80x128xf32, #tpu.memory_space<vmem>>, vector<16xf32>,
        %parallel_loop3A_1127 = arith.index_cast %parallel_loop3A_1087 : i32 to index
        %parallel_loop3A_1128 = arith.constant 80 : index
        %parallel_loop3A_1129 = tpu.vector_load %arg21[%parallel_loop3A_1127, %parallel_loop3A_1128] {strides = array<i32>} : memref<80x128xf32, #tpu.memory_space<vmem>>, vector<16xf32>,
        %parallel_loop3A_1130 = arith.mulf %parallel_loop3A_1129, %parallel_loop3A_1091 : vector<16xf32>
        %parallel_loop3A_1131 = arith.index_cast %parallel_loop3A_1087 : i32 to index
        %parallel_loop3A_1132 = arith.constant 80 : index
        %parallel_loop3A_1133 = tpu.vector_load %arg21[%parallel_loop3A_1131, %parallel_loop3A_1132] {strides = array<i32>} : memref<80x128xf32, #tpu.memory_space<vmem>>, vector<16xf32>,
        tpu.vector_store %arg21[%parallel_loop3A_1131, %parallel_loop3A_1132], %parallel_loop3A_1130 {strides = array<i32>} : memref<80x128xf32, #tpu.memory_space<vmem>>, vector<16xf32>,
        %parallel_loop3A_1134 = arith.index_cast %parallel_loop3A_1087 : i32 to index
        %parallel_loop3A_1135 = arith.constant 96 : index
        %parallel_loop3A_1136 = tpu.vector_load %arg21[%parallel_loop3A_1134, %parallel_loop3A_1135] {strides = array<i32>} : memref<80x128xf32, #tpu.memory_space<vmem>>, vector<16xf32>,
        %parallel_loop3A_1137 = arith.mulf %parallel_loop3A_1136, %parallel_loop3A_1091 : vector<16xf32>
        %parallel_loop3A_1138 = arith.index_cast %parallel_loop3A_1087 : i32 to index
        %parallel_loop3A_1139 = arith.constant 96 : index
        %parallel_loop3A_1140 = tpu.vector_load %arg21[%parallel_loop3A_1138, %parallel_loop3A_1139] {strides = array<i32>} : memref<80x128xf32, #tpu.memory_space<vmem>>, vector<16xf32>,
        tpu.vector_store %arg21[%parallel_loop3A_1138, %parallel_loop3A_1139], %parallel_loop3A_1137 {strides = array<i32>} : memref<80x128xf32, #tpu.memory_space<vmem>>, vector<16xf32>,
        %parallel_loop3A_1141 = arith.index_cast %parallel_loop3A_1087 : i32 to index
        %parallel_loop3A_1142 = arith.constant 112 : index
        %parallel_loop3A_1143 = tpu.vector_load %arg21[%parallel_loop3A_1141, %parallel_loop3A_1142] {strides = array<i32>} : memref<80x128xf32, #tpu.memory_space<vmem>>, vector<16xf32>,
        %parallel_loop3A_1144 = arith.mulf %parallel_loop3A_1143, %parallel_loop3A_1091 : vector<16xf32>
        %parallel_loop3A_1145 = arith.index_cast %parallel_loop3A_1087 : i32 to index
        %parallel_loop3A_1146 = arith.constant 112 : index
        %parallel_loop3A_1147 = tpu.vector_load %arg21[%parallel_loop3A_1145, %parallel_loop3A_1146] {strides = array<i32>} : memref<80x128xf32, #tpu.memory_space<vmem>>, vector<16xf32>,
        tpu.vector_store %arg21[%parallel_loop3A_1145, %parallel_loop3A_1146], %parallel_loop3A_1144 {strides = array<i32>} : memref<80x128xf32, #tpu.memory_space<vmem>>, vector<16xf32>,
      } {sc.loop_unroll_factor = 4 : i64, sc.parallel_access}
      %add3A_695 = arith.constant 2 : i32
      %add3A_696 = arith.addi %add3A_498, %add3A_695 : i32
      %add3A_697 = arith.constant 2 : i32
      %add3A_698 = arith.addi %add3A_498, %add3A_697 : i32
      %add3A_699 = arith.constant 1 : i32
      %add3A_700 = arith.addi %add3A_698, %add3A_699 : i32
      %add3A_701 = arith.constant 2 : i32
      %add3A_702 = arith.addi %add3A_498, %add3A_701 : i32
      %add3A_703 = arith.constant 2 : i32
      %add3A_704 = arith.addi %add3A_702, %add3A_703 : i32
      %dma_wait3A_705 = arith.constant 0 : i32
      %dma_wait3A_706 = tpu.memref_slice %arg8[%dma_wait3A_705] : memref<10000xi32, #tpu.memory_space<vmem>> -> memref<80xi32, #tpu.memory_space<vmem>>
      %dma_wait3A_707 = arith.constant 0 : i32
      %dma_wait3A_708 = arith.constant 0 : i32
      %dma_wait3A_709 = tpu.memref_slice %arg2[%dma_wait3A_707, %dma_wait3A_708] : memref<10000x128xf32, #tpu.memory_space<hbm>> -> memref<10000x128xf32, #tpu.memory_space<hbm>>
      tpu.wait_indirect_dma semaphore(%arg25 : memref<!tpu.dma_semaphore, #tpu.memory_space<semaphore_mem>>) src(%dma_wait3A_709 : memref<10000x128xf32, #tpu.memory_space<hbm>>) dst(%arg22 : memref<80x128xf32, #tpu.memory_space<vmem>>)
      %mul3A_710 = arith.constant 80 : i32
      %mul3A_711 = arith.muli %add3A_700, %mul3A_710 : i32
      %dma_start3A_712 = tpu.memref_slice %arg8[%mul3A_711] : memref<10000xi32, #tpu.memory_space<vmem>> -> memref<80xi32, #tpu.memory_space<vmem>>
      %dma_start3A_713 = arith.constant 0 : i32
      %dma_start3A_714 = arith.constant 0 : i32
      %dma_start3A_715 = tpu.memref_slice %arg2[%dma_start3A_713, %dma_start3A_714] : memref<10000x128xf32, #tpu.memory_space<hbm>> -> memref<10000x128xf32, #tpu.memory_space<hbm>>
      tpu.enqueue_indirect_dma source(%dma_start3A_715 : memref<10000x128xf32, #tpu.memory_space<hbm>>) target(%arg23 : memref<80x128xf32, #tpu.memory_space<vmem>>) offsets(%dma_start3A_712 : memref<80xi32, #tpu.memory_space<vmem>>) semaphore(%arg26 : memref<!tpu.dma_semaphore, #tpu.memory_space<semaphore_mem>>)
      %dma_wait3A_716 = arith.constant 0 : i32
      %dma_wait3A_717 = arith.constant 0 : i32
      %dma_wait3A_718 = arith.constant 0 : i32
      %dma_wait3A_719 = arith.constant 0 : i32
      %dma_wait3A_720 = tpu.memref_slice %arg4[%add3A, %dma_wait3A_717, %dma_wait3A_718, %dma_wait3A_719] : memref<32x125x1x80xi32, #tpu.memory_space<hbm>> -> memref<1x125x1x80xi32, #tpu.memory_space<hbm>>
      %dma_wait3A_721 = tpu.memref_squeeze %dma_wait3A_720 : memref<1x125x1x80xi32, #tpu.memory_space<hbm>> -> memref<125x1x80xi32, #tpu.memory_space<hbm>>
      %dma_wait3A_722 = arith.constant 0 : i32
      %dma_wait3A_723 = arith.constant 0 : i32
      %dma_wait3A_724 = tpu.memref_slice %dma_wait3A_721[%dma_wait3A_716, %dma_wait3A_722, %dma_wait3A_723] : memref<125x1x80xi32, #tpu.memory_space<hbm>> -> memref<1x1x80xi32, #tpu.memory_space<hbm>>
      %dma_wait3A_725 = tpu.memref_squeeze %dma_wait3A_724 : memref<1x1x80xi32, #tpu.memory_space<hbm>> -> memref<1x80xi32, #tpu.memory_space<hbm>>
      %dma_wait3A_726 = arith.constant 0 : i32
      %dma_wait3A_727 = arith.constant 0 : i32
      %dma_wait3A_728 = arith.constant 0 : i32
      %dma_wait3A_729 = tpu.memref_slice %arg4[%add3A, %dma_wait3A_726, %dma_wait3A_727, %dma_wait3A_728] : memref<32x125x1x80xi32, #tpu.memory_space<hbm>> -> memref<1x125x1x80xi32, #tpu.memory_space<hbm>>
      %dma_wait3A_730 = tpu.memref_squeeze %dma_wait3A_729 : memref<1x125x1x80xi32, #tpu.memory_space<hbm>> -> memref<125x1x80xi32, #tpu.memory_space<hbm>>
      %dma_wait3A_731 = arith.constant 0 : i32
      %dma_wait3A_732 = arith.constant 0 : i32
      %dma_wait3A_733 = tpu.memref_slice %dma_wait3A_730[%dma_wait3A_716, %dma_wait3A_731, %dma_wait3A_732] : memref<125x1x80xi32, #tpu.memory_space<hbm>> -> memref<1x1x80xi32, #tpu.memory_space<hbm>>
      %dma_wait3A_734 = tpu.memref_squeeze %dma_wait3A_733 : memref<1x1x80xi32, #tpu.memory_space<hbm>> -> memref<1x80xi32, #tpu.memory_space<hbm>>
      tpu.wait_dma2 semaphore(%arg34 : memref<!tpu.dma_semaphore, #tpu.memory_space<semaphore_mem>>) src(%dma_wait3A_734 : memref<1x80xi32, #tpu.memory_space<hbm>>) dst(%arg13 : memref<1x80xi32, #tpu.memory_space<vmem>>)
      %dma_wait3A_735 = arith.constant 0 : i32
      %dma_wait3A_736 = arith.constant 0 : i32
      %dma_wait3A_737 = arith.constant 0 : i32
      %dma_wait3A_738 = arith.constant 0 : i32
      %dma_wait3A_739 = tpu.memref_slice %arg5[%add3A, %dma_wait3A_736, %dma_wait3A_737, %dma_wait3A_738] : memref<32x125x1x80xf32, #tpu.memory_space<hbm>> -> memref<1x125x1x80xf32, #tpu.memory_space<hbm>>
      %dma_wait3A_740 = tpu.memref_squeeze %dma_wait3A_739 : memref<1x125x1x80xf32, #tpu.memory_space<hbm>> -> memref<125x1x80xf32, #tpu.memory_space<hbm>>
      %dma_wait3A_741 = arith.constant 0 : i32
      %dma_wait3A_742 = arith.constant 0 : i32
      %dma_wait3A_743 = tpu.memref_slice %dma_wait3A_740[%dma_wait3A_735, %dma_wait3A_741, %dma_wait3A_742] : memref<125x1x80xf32, #tpu.memory_space<hbm>> -> memref<1x1x80xf32, #tpu.memory_space<hbm>>
      %dma_wait3A_744 = tpu.memref_squeeze %dma_wait3A_743 : memref<1x1x80xf32, #tpu.memory_space<hbm>> -> memref<1x80xf32, #tpu.memory_space<hbm>>
      %dma_wait3A_745 = arith.constant 0 : i32
      %dma_wait3A_746 = arith.constant 0 : i32
      %dma_wait3A_747 = arith.constant 0 : i32
      %dma_wait3A_748 = tpu.memref_slice %arg5[%add3A, %dma_wait3A_745, %dma_wait3A_746, %dma_wait3A_747] : memref<32x125x1x80xf32, #tpu.memory_space<hbm>> -> memref<1x125x1x80xf32, #tpu.memory_space<hbm>>
      %dma_wait3A_749 = tpu.memref_squeeze %dma_wait3A_748 : memref<1x125x1x80xf32, #tpu.memory_space<hbm>> -> memref<125x1x80xf32, #tpu.memory_space<hbm>>
      %dma_wait3A_750 = arith.constant 0 : i32
      %dma_wait3A_751 = arith.constant 0 : i32
      %dma_wait3A_752 = tpu.memref_slice %dma_wait3A_749[%dma_wait3A_735, %dma_wait3A_750, %dma_wait3A_751] : memref<125x1x80xf32, #tpu.memory_space<hbm>> -> memref<1x1x80xf32, #tpu.memory_space<hbm>>
      %dma_wait3A_753 = tpu.memref_squeeze %dma_wait3A_752 : memref<1x1x80xf32, #tpu.memory_space<hbm>> -> memref<1x80xf32, #tpu.memory_space<hbm>>
      tpu.wait_dma2 semaphore(%arg34 : memref<!tpu.dma_semaphore, #tpu.memory_space<semaphore_mem>>) src(%dma_wait3A_753 : memref<1x80xf32, #tpu.memory_space<hbm>>) dst(%arg19 : memref<1x80xf32, #tpu.memory_space<vmem>>)
      %dma_start3A_754 = arith.constant 0 : i32
      %dma_start3A_755 = arith.constant 0 : i32
      %dma_start3A_756 = arith.constant 0 : i32
      %dma_start3A_757 = tpu.memref_slice %arg4[%add3A, %dma_start3A_754, %dma_start3A_755, %dma_start3A_756] : memref<32x125x1x80xi32, #tpu.memory_space<hbm>> -> memref<1x125x1x80xi32, #tpu.memory_space<hbm>>
      %dma_start3A_758 = tpu.memref_squeeze %dma_start3A_757 : memref<1x125x1x80xi32, #tpu.memory_space<hbm>> -> memref<125x1x80xi32, #tpu.memory_space<hbm>>
      %dma_start3A_759 = arith.constant 0 : i32
      %dma_start3A_760 = arith.constant 0 : i32
      %dma_start3A_761 = tpu.memref_slice %dma_start3A_758[%add3A_704, %dma_start3A_759, %dma_start3A_760] : memref<125x1x80xi32, #tpu.memory_space<hbm>> -> memref<1x1x80xi32, #tpu.memory_space<hbm>>
      %dma_start3A_762 = tpu.memref_squeeze %dma_start3A_761 : memref<1x1x80xi32, #tpu.memory_space<hbm>> -> memref<1x80xi32, #tpu.memory_space<hbm>>
      %dma_start3A_763 = arith.constant 0 : i32
      %dma_start3A_764 = arith.constant 0 : i32
      %dma_start3A_765 = arith.constant 0 : i32
      %dma_start3A_766 = tpu.memref_slice %arg4[%add3A, %dma_start3A_763, %dma_start3A_764, %dma_start3A_765] : memref<32x125x1x80xi32, #tpu.memory_space<hbm>> -> memref<1x125x1x80xi32, #tpu.memory_space<hbm>>
      %dma_start3A_767 = tpu.memref_squeeze %dma_start3A_766 : memref<1x125x1x80xi32, #tpu.memory_space<hbm>> -> memref<125x1x80xi32, #tpu.memory_space<hbm>>
      %dma_start3A_768 = arith.constant 0 : i32
      %dma_start3A_769 = arith.constant 0 : i32
      %dma_start3A_770 = tpu.memref_slice %dma_start3A_767[%add3A_704, %dma_start3A_768, %dma_start3A_769] : memref<125x1x80xi32, #tpu.memory_space<hbm>> -> memref<1x1x80xi32, #tpu.memory_space<hbm>>
      %dma_start3A_771 = tpu.memref_squeeze %dma_start3A_770 : memref<1x1x80xi32, #tpu.memory_space<hbm>> -> memref<1x80xi32, #tpu.memory_space<hbm>>
      tpu.enqueue_dma source(%dma_start3A_771 : memref<1x80xi32, #tpu.memory_space<hbm>>) target(%arg9 : memref<1x80xi32, #tpu.memory_space<vmem>>) target_semaphore(%arg30 : memref<!tpu.dma_semaphore, #tpu.memory_space<semaphore_mem>>)
      %dma_start3A_772 = arith.constant 0 : i32
      %dma_start3A_773 = arith.constant 0 : i32
      %dma_start3A_774 = arith.constant 0 : i32
      %dma_start3A_775 = tpu.memref_slice %arg5[%add3A, %dma_start3A_772, %dma_start3A_773, %dma_start3A_774] : memref<32x125x1x80xf32, #tpu.memory_space<hbm>> -> memref<1x125x1x80xf32, #tpu.memory_space<hbm>>
      %dma_start3A_776 = tpu.memref_squeeze %dma_start3A_775 : memref<1x125x1x80xf32, #tpu.memory_space<hbm>> -> memref<125x1x80xf32, #tpu.memory_space<hbm>>
      %dma_start3A_777 = arith.constant 0 : i32
      %dma_start3A_778 = arith.constant 0 : i32
      %dma_start3A_779 = tpu.memref_slice %dma_start3A_776[%add3A_704, %dma_start3A_777, %dma_start3A_778] : memref<125x1x80xf32, #tpu.memory_space<hbm>> -> memref<1x1x80xf32, #tpu.memory_space<hbm>>
      %dma_start3A_780 = tpu.memref_squeeze %dma_start3A_779 : memref<1x1x80xf32, #tpu.memory_space<hbm>> -> memref<1x80xf32, #tpu.memory_space<hbm>>
      %dma_start3A_781 = arith.constant 0 : i32
      %dma_start3A_782 = arith.constant 0 : i32
      %dma_start3A_783 = arith.constant 0 : i32
      %dma_start3A_784 = tpu.memref_slice %arg5[%add3A, %dma_start3A_781, %dma_start3A_782, %dma_start3A_783] : memref<32x125x1x80xf32, #tpu.memory_space<hbm>> -> memref<1x125x1x80xf32, #tpu.memory_space<hbm>>
      %dma_start3A_785 = tpu.memref_squeeze %dma_start3A_784 : memref<1x125x1x80xf32, #tpu.memory_space<hbm>> -> memref<125x1x80xf32, #tpu.memory_space<hbm>>
      %dma_start3A_786 = arith.constant 0 : i32
      %dma_start3A_787 = arith.constant 0 : i32
      %dma_start3A_788 = tpu.memref_slice %dma_start3A_785[%add3A_704, %dma_start3A_786, %dma_start3A_787] : memref<125x1x80xf32, #tpu.memory_space<hbm>> -> memref<1x1x80xf32, #tpu.memory_space<hbm>>
      %dma_start3A_789 = tpu.memref_squeeze %dma_start3A_788 : memref<1x1x80xf32, #tpu.memory_space<hbm>> -> memref<1x80xf32, #tpu.memory_space<hbm>>
      tpu.enqueue_dma source(%dma_start3A_789 : memref<1x80xf32, #tpu.memory_space<hbm>>) target(%arg15 : memref<1x80xf32, #tpu.memory_space<vmem>>) target_semaphore(%arg30 : memref<!tpu.dma_semaphore, #tpu.memory_space<semaphore_mem>>)
      %parallel_loop3A_790 = arith.constant 0 : i32
      %parallel_loop3A_791 = arith.constant 80 : i32
      %parallel_loop3A_792 = arith.constant 1 : i32
      scf.for %parallel_loop3A_1087 = %parallel_loop3A_790 to %parallel_loop3A_791 step %parallel_loop3A_792  : i32 {
        %parallel_loop3A_1088 = arith.constant 0 : i32
        %parallel_loop3A_1089 = vector.broadcast %parallel_loop3A_1088 : i32 to vector<16xi32>
        %parallel_loop3A_1090 = vector.broadcast %parallel_loop3A_1087 : i32 to vector<16xi32>
        %parallel_loop3A_1091 = tpu.vector_load_idx %arg19[%parallel_loop3A_1089, %parallel_loop3A_1090] : memref<1x80xf32, #tpu.memory_space<vmem>>[vector<16xi32>, vector<16xi32>], vector<16xf32>,
        %parallel_loop3A_1092 = arith.index_cast %parallel_loop3A_1087 : i32 to index
        %parallel_loop3A_1093 = arith.constant 0 : index
        %parallel_loop3A_1094 = tpu.vector_load %arg22[%parallel_loop3A_1092, %parallel_loop3A_1093] {strides = array<i32>} : memref<80x128xf32, #tpu.memory_space<vmem>>, vector<16xf32>,
        %parallel_loop3A_1095 = arith.mulf %parallel_loop3A_1094, %parallel_loop3A_1091 : vector<16xf32>
        %parallel_loop3A_1096 = arith.index_cast %parallel_loop3A_1087 : i32 to index
        %parallel_loop3A_1097 = arith.constant 0 : index
        %parallel_loop3A_1098 = tpu.vector_load %arg22[%parallel_loop3A_1096, %parallel_loop3A_1097] {strides = array<i32>} : memref<80x128xf32, #tpu.memory_space<vmem>>, vector<16xf32>,
        tpu.vector_store %arg22[%parallel_loop3A_1096, %parallel_loop3A_1097], %parallel_loop3A_1095 {strides = array<i32>} : memref<80x128xf32, #tpu.memory_space<vmem>>, vector<16xf32>,
        %parallel_loop3A_1099 = arith.index_cast %parallel_loop3A_1087 : i32 to index
        %parallel_loop3A_1100 = arith.constant 16 : index
        %parallel_loop3A_1101 = tpu.vector_load %arg22[%parallel_loop3A_1099, %parallel_loop3A_1100] {strides = array<i32>} : memref<80x128xf32, #tpu.memory_space<vmem>>, vector<16xf32>,
        %parallel_loop3A_1102 = arith.mulf %parallel_loop3A_1101, %parallel_loop3A_1091 : vector<16xf32>
        %parallel_loop3A_1103 = arith.index_cast %parallel_loop3A_1087 : i32 to index
        %parallel_loop3A_1104 = arith.constant 16 : index
        %parallel_loop3A_1105 = tpu.vector_load %arg22[%parallel_loop3A_1103, %parallel_loop3A_1104] {strides = array<i32>} : memref<80x128xf32, #tpu.memory_space<vmem>>, vector<16xf32>,
        tpu.vector_store %arg22[%parallel_loop3A_1103, %parallel_loop3A_1104], %parallel_loop3A_1102 {strides = array<i32>} : memref<80x128xf32, #tpu.memory_space<vmem>>, vector<16xf32>,
        %parallel_loop3A_1106 = arith.index_cast %parallel_loop3A_1087 : i32 to index
        %parallel_loop3A_1107 = arith.constant 32 : index
        %parallel_loop3A_1108 = tpu.vector_load %arg22[%parallel_loop3A_1106, %parallel_loop3A_1107] {strides = array<i32>} : memref<80x128xf32, #tpu.memory_space<vmem>>, vector<16xf32>,
        %parallel_loop3A_1109 = arith.mulf %parallel_loop3A_1108, %parallel_loop3A_1091 : vector<16xf32>
        %parallel_loop3A_1110 = arith.index_cast %parallel_loop3A_1087 : i32 to index
        %parallel_loop3A_1111 = arith.constant 32 : index
        %parallel_loop3A_1112 = tpu.vector_load %arg22[%parallel_loop3A_1110, %parallel_loop3A_1111] {strides = array<i32>} : memref<80x128xf32, #tpu.memory_space<vmem>>, vector<16xf32>,
        tpu.vector_store %arg22[%parallel_loop3A_1110, %parallel_loop3A_1111], %parallel_loop3A_1109 {strides = array<i32>} : memref<80x128xf32, #tpu.memory_space<vmem>>, vector<16xf32>,
        %parallel_loop3A_1113 = arith.index_cast %parallel_loop3A_1087 : i32 to index
        %parallel_loop3A_1114 = arith.constant 48 : index
        %parallel_loop3A_1115 = tpu.vector_load %arg22[%parallel_loop3A_1113, %parallel_loop3A_1114] {strides = array<i32>} : memref<80x128xf32, #tpu.memory_space<vmem>>, vector<16xf32>,
        %parallel_loop3A_1116 = arith.mulf %parallel_loop3A_1115, %parallel_loop3A_1091 : vector<16xf32>
        %parallel_loop3A_1117 = arith.index_cast %parallel_loop3A_1087 : i32 to index
        %parallel_loop3A_1118 = arith.constant 48 : index
        %parallel_loop3A_1119 = tpu.vector_load %arg22[%parallel_loop3A_1117, %parallel_loop3A_1118] {strides = array<i32>} : memref<80x128xf32, #tpu.memory_space<vmem>>, vector<16xf32>,
        tpu.vector_store %arg22[%parallel_loop3A_1117, %parallel_loop3A_1118], %parallel_loop3A_1116 {strides = array<i32>} : memref<80x128xf32, #tpu.memory_space<vmem>>, vector<16xf32>,
        %parallel_loop3A_1120 = arith.index_cast %parallel_loop3A_1087 : i32 to index
        %parallel_loop3A_1121 = arith.constant 64 : index
        %parallel_loop3A_1122 = tpu.vector_load %arg22[%parallel_loop3A_1120, %parallel_loop3A_1121] {strides = array<i32>} : memref<80x128xf32, #tpu.memory_space<vmem>>, vector<16xf32>,
        %parallel_loop3A_1123 = arith.mulf %parallel_loop3A_1122, %parallel_loop3A_1091 : vector<16xf32>
        %parallel_loop3A_1124 = arith.index_cast %parallel_loop3A_1087 : i32 to index
        %parallel_loop3A_1125 = arith.constant 64 : index
        %parallel_loop3A_1126 = tpu.vector_load %arg22[%parallel_loop3A_1124, %parallel_loop3A_1125] {strides = array<i32>} : memref<80x128xf32, #tpu.memory_space<vmem>>, vector<16xf32>,
        tpu.vector_store %arg22[%parallel_loop3A_1124, %parallel_loop3A_1125], %parallel_loop3A_1123 {strides = array<i32>} : memref<80x128xf32, #tpu.memory_space<vmem>>, vector<16xf32>,
        %parallel_loop3A_1127 = arith.index_cast %parallel_loop3A_1087 : i32 to index
        %parallel_loop3A_1128 = arith.constant 80 : index
        %parallel_loop3A_1129 = tpu.vector_load %arg22[%parallel_loop3A_1127, %parallel_loop3A_1128] {strides = array<i32>} : memref<80x128xf32, #tpu.memory_space<vmem>>, vector<16xf32>,
        %parallel_loop3A_1130 = arith.mulf %parallel_loop3A_1129, %parallel_loop3A_1091 : vector<16xf32>
        %parallel_loop3A_1131 = arith.index_cast %parallel_loop3A_1087 : i32 to index
        %parallel_loop3A_1132 = arith.constant 80 : index
        %parallel_loop3A_1133 = tpu.vector_load %arg22[%parallel_loop3A_1131, %parallel_loop3A_1132] {strides = array<i32>} : memref<80x128xf32, #tpu.memory_space<vmem>>, vector<16xf32>,
        tpu.vector_store %arg22[%parallel_loop3A_1131, %parallel_loop3A_1132], %parallel_loop3A_1130 {strides = array<i32>} : memref<80x128xf32, #tpu.memory_space<vmem>>, vector<16xf32>,
        %parallel_loop3A_1134 = arith.index_cast %parallel_loop3A_1087 : i32 to index
        %parallel_loop3A_1135 = arith.constant 96 : index
        %parallel_loop3A_1136 = tpu.vector_load %arg22[%parallel_loop3A_1134, %parallel_loop3A_1135] {strides = array<i32>} : memref<80x128xf32, #tpu.memory_space<vmem>>, vector<16xf32>,
        %parallel_loop3A_1137 = arith.mulf %parallel_loop3A_1136, %parallel_loop3A_1091 : vector<16xf32>
        %parallel_loop3A_1138 = arith.index_cast %parallel_loop3A_1087 : i32 to index
        %parallel_loop3A_1139 = arith.constant 96 : index
        %parallel_loop3A_1140 = tpu.vector_load %arg22[%parallel_loop3A_1138, %parallel_loop3A_1139] {strides = array<i32>} : memref<80x128xf32, #tpu.memory_space<vmem>>, vector<16xf32>,
        tpu.vector_store %arg22[%parallel_loop3A_1138, %parallel_loop3A_1139], %parallel_loop3A_1137 {strides = array<i32>} : memref<80x128xf32, #tpu.memory_space<vmem>>, vector<16xf32>,
        %parallel_loop3A_1141 = arith.index_cast %parallel_loop3A_1087 : i32 to index
        %parallel_loop3A_1142 = arith.constant 112 : index
        %parallel_loop3A_1143 = tpu.vector_load %arg22[%parallel_loop3A_1141, %parallel_loop3A_1142] {strides = array<i32>} : memref<80x128xf32, #tpu.memory_space<vmem>>, vector<16xf32>,
        %parallel_loop3A_1144 = arith.mulf %parallel_loop3A_1143, %parallel_loop3A_1091 : vector<16xf32>
        %parallel_loop3A_1145 = arith.index_cast %parallel_loop3A_1087 : i32 to index
        %parallel_loop3A_1146 = arith.constant 112 : index
        %parallel_loop3A_1147 = tpu.vector_load %arg22[%parallel_loop3A_1145, %parallel_loop3A_1146] {strides = array<i32>} : memref<80x128xf32, #tpu.memory_space<vmem>>, vector<16xf32>,
        tpu.vector_store %arg22[%parallel_loop3A_1145, %parallel_loop3A_1146], %parallel_loop3A_1144 {strides = array<i32>} : memref<80x128xf32, #tpu.memory_space<vmem>>, vector<16xf32>,
      } {sc.loop_unroll_factor = 4 : i64, sc.parallel_access}
      %add3A_793 = arith.constant 3 : i32
      %add3A_794 = arith.addi %add3A_498, %add3A_793 : i32
      %add3A_795 = arith.constant 3 : i32
      %add3A_796 = arith.addi %add3A_498, %add3A_795 : i32
      %add3A_797 = arith.constant 1 : i32
      %add3A_798 = arith.addi %add3A_796, %add3A_797 : i32
      %add3A_799 = arith.constant 3 : i32
      %add3A_800 = arith.addi %add3A_498, %add3A_799 : i32
      %add3A_801 = arith.constant 2 : i32
      %add3A_802 = arith.addi %add3A_800, %add3A_801 : i32
      %dma_wait3A_803 = arith.constant 0 : i32
      %dma_wait3A_804 = tpu.memref_slice %arg8[%dma_wait3A_803] : memref<10000xi32, #tpu.memory_space<vmem>> -> memref<80xi32, #tpu.memory_space<vmem>>
      %dma_wait3A_805 = arith.constant 0 : i32
      %dma_wait3A_806 = arith.constant 0 : i32
      %dma_wait3A_807 = tpu.memref_slice %arg2[%dma_wait3A_805, %dma_wait3A_806] : memref<10000x128xf32, #tpu.memory_space<hbm>> -> memref<10000x128xf32, #tpu.memory_space<hbm>>
      tpu.wait_indirect_dma semaphore(%arg26 : memref<!tpu.dma_semaphore, #tpu.memory_space<semaphore_mem>>) src(%dma_wait3A_807 : memref<10000x128xf32, #tpu.memory_space<hbm>>) dst(%arg23 : memref<80x128xf32, #tpu.memory_space<vmem>>)
      %mul3A_808 = arith.constant 80 : i32
      %mul3A_809 = arith.muli %add3A_798, %mul3A_808 : i32
      %dma_start3A_810 = tpu.memref_slice %arg8[%mul3A_809] : memref<10000xi32, #tpu.memory_space<vmem>> -> memref<80xi32, #tpu.memory_space<vmem>>
      %dma_start3A_811 = arith.constant 0 : i32
      %dma_start3A_812 = arith.constant 0 : i32
      %dma_start3A_813 = tpu.memref_slice %arg2[%dma_start3A_811, %dma_start3A_812] : memref<10000x128xf32, #tpu.memory_space<hbm>> -> memref<10000x128xf32, #tpu.memory_space<hbm>>
      tpu.enqueue_indirect_dma source(%dma_start3A_813 : memref<10000x128xf32, #tpu.memory_space<hbm>>) target(%arg21 : memref<80x128xf32, #tpu.memory_space<vmem>>) offsets(%dma_start3A_810 : memref<80xi32, #tpu.memory_space<vmem>>) semaphore(%arg24 : memref<!tpu.dma_semaphore, #tpu.memory_space<semaphore_mem>>)
      %dma_wait3A_814 = arith.constant 0 : i32
      %dma_wait3A_815 = arith.constant 0 : i32
      %dma_wait3A_816 = arith.constant 0 : i32
      %dma_wait3A_817 = arith.constant 0 : i32
      %dma_wait3A_818 = tpu.memref_slice %arg4[%add3A, %dma_wait3A_815, %dma_wait3A_816, %dma_wait3A_817] : memref<32x125x1x80xi32, #tpu.memory_space<hbm>> -> memref<1x125x1x80xi32, #tpu.memory_space<hbm>>
      %dma_wait3A_819 = tpu.memref_squeeze %dma_wait3A_818 : memref<1x125x1x80xi32, #tpu.memory_space<hbm>> -> memref<125x1x80xi32, #tpu.memory_space<hbm>>
      %dma_wait3A_820 = arith.constant 0 : i32
      %dma_wait3A_821 = arith.constant 0 : i32
      %dma_wait3A_822 = tpu.memref_slice %dma_wait3A_819[%dma_wait3A_814, %dma_wait3A_820, %dma_wait3A_821] : memref<125x1x80xi32, #tpu.memory_space<hbm>> -> memref<1x1x80xi32, #tpu.memory_space<hbm>>
      %dma_wait3A_823 = tpu.memref_squeeze %dma_wait3A_822 : memref<1x1x80xi32, #tpu.memory_space<hbm>> -> memref<1x80xi32, #tpu.memory_space<hbm>>
      %dma_wait3A_824 = arith.constant 0 : i32
      %dma_wait3A_825 = arith.constant 0 : i32
      %dma_wait3A_826 = arith.constant 0 : i32
      %dma_wait3A_827 = tpu.memref_slice %arg4[%add3A, %dma_wait3A_824, %dma_wait3A_825, %dma_wait3A_826] : memref<32x125x1x80xi32, #tpu.memory_space<hbm>> -> memref<1x125x1x80xi32, #tpu.memory_space<hbm>>
      %dma_wait3A_828 = tpu.memref_squeeze %dma_wait3A_827 : memref<1x125x1x80xi32, #tpu.memory_space<hbm>> -> memref<125x1x80xi32, #tpu.memory_space<hbm>>
      %dma_wait3A_829 = arith.constant 0 : i32
      %dma_wait3A_830 = arith.constant 0 : i32
      %dma_wait3A_831 = tpu.memref_slice %dma_wait3A_828[%dma_wait3A_814, %dma_wait3A_829, %dma_wait3A_830] : memref<125x1x80xi32, #tpu.memory_space<hbm>> -> memref<1x1x80xi32, #tpu.memory_space<hbm>>
      %dma_wait3A_832 = tpu.memref_squeeze %dma_wait3A_831 : memref<1x1x80xi32, #tpu.memory_space<hbm>> -> memref<1x80xi32, #tpu.memory_space<hbm>>
      tpu.wait_dma2 semaphore(%arg35 : memref<!tpu.dma_semaphore, #tpu.memory_space<semaphore_mem>>) src(%dma_wait3A_832 : memref<1x80xi32, #tpu.memory_space<hbm>>) dst(%arg14 : memref<1x80xi32, #tpu.memory_space<vmem>>)
      %dma_wait3A_833 = arith.constant 0 : i32
      %dma_wait3A_834 = arith.constant 0 : i32
      %dma_wait3A_835 = arith.constant 0 : i32
      %dma_wait3A_836 = arith.constant 0 : i32
      %dma_wait3A_837 = tpu.memref_slice %arg5[%add3A, %dma_wait3A_834, %dma_wait3A_835, %dma_wait3A_836] : memref<32x125x1x80xf32, #tpu.memory_space<hbm>> -> memref<1x125x1x80xf32, #tpu.memory_space<hbm>>
      %dma_wait3A_838 = tpu.memref_squeeze %dma_wait3A_837 : memref<1x125x1x80xf32, #tpu.memory_space<hbm>> -> memref<125x1x80xf32, #tpu.memory_space<hbm>>
      %dma_wait3A_839 = arith.constant 0 : i32
      %dma_wait3A_840 = arith.constant 0 : i32
      %dma_wait3A_841 = tpu.memref_slice %dma_wait3A_838[%dma_wait3A_833, %dma_wait3A_839, %dma_wait3A_840] : memref<125x1x80xf32, #tpu.memory_space<hbm>> -> memref<1x1x80xf32, #tpu.memory_space<hbm>>
      %dma_wait3A_842 = tpu.memref_squeeze %dma_wait3A_841 : memref<1x1x80xf32, #tpu.memory_space<hbm>> -> memref<1x80xf32, #tpu.memory_space<hbm>>
      %dma_wait3A_843 = arith.constant 0 : i32
      %dma_wait3A_844 = arith.constant 0 : i32
      %dma_wait3A_845 = arith.constant 0 : i32
      %dma_wait3A_846 = tpu.memref_slice %arg5[%add3A, %dma_wait3A_843, %dma_wait3A_844, %dma_wait3A_845] : memref<32x125x1x80xf32, #tpu.memory_space<hbm>> -> memref<1x125x1x80xf32, #tpu.memory_space<hbm>>
      %dma_wait3A_847 = tpu.memref_squeeze %dma_wait3A_846 : memref<1x125x1x80xf32, #tpu.memory_space<hbm>> -> memref<125x1x80xf32, #tpu.memory_space<hbm>>
      %dma_wait3A_848 = arith.constant 0 : i32
      %dma_wait3A_849 = arith.constant 0 : i32
      %dma_wait3A_850 = tpu.memref_slice %dma_wait3A_847[%dma_wait3A_833, %dma_wait3A_848, %dma_wait3A_849] : memref<125x1x80xf32, #tpu.memory_space<hbm>> -> memref<1x1x80xf32, #tpu.memory_space<hbm>>
      %dma_wait3A_851 = tpu.memref_squeeze %dma_wait3A_850 : memref<1x1x80xf32, #tpu.memory_space<hbm>> -> memref<1x80xf32, #tpu.memory_space<hbm>>
      tpu.wait_dma2 semaphore(%arg35 : memref<!tpu.dma_semaphore, #tpu.memory_space<semaphore_mem>>) src(%dma_wait3A_851 : memref<1x80xf32, #tpu.memory_space<hbm>>) dst(%arg20 : memref<1x80xf32, #tpu.memory_space<vmem>>)
      %dma_start3A_852 = arith.constant 0 : i32
      %dma_start3A_853 = arith.constant 0 : i32
      %dma_start3A_854 = arith.constant 0 : i32
      %dma_start3A_855 = tpu.memref_slice %arg4[%add3A, %dma_start3A_852, %dma_start3A_853, %dma_start3A_854] : memref<32x125x1x80xi32, #tpu.memory_space<hbm>> -> memref<1x125x1x80xi32, #tpu.memory_space<hbm>>
      %dma_start3A_856 = tpu.memref_squeeze %dma_start3A_855 : memref<1x125x1x80xi32, #tpu.memory_space<hbm>> -> memref<125x1x80xi32, #tpu.memory_space<hbm>>
      %dma_start3A_857 = arith.constant 0 : i32
      %dma_start3A_858 = arith.constant 0 : i32
      %dma_start3A_859 = tpu.memref_slice %dma_start3A_856[%add3A_802, %dma_start3A_857, %dma_start3A_858] : memref<125x1x80xi32, #tpu.memory_space<hbm>> -> memref<1x1x80xi32, #tpu.memory_space<hbm>>
      %dma_start3A_860 = tpu.memref_squeeze %dma_start3A_859 : memref<1x1x80xi32, #tpu.memory_space<hbm>> -> memref<1x80xi32, #tpu.memory_space<hbm>>
      %dma_start3A_861 = arith.constant 0 : i32
      %dma_start3A_862 = arith.constant 0 : i32
      %dma_start3A_863 = arith.constant 0 : i32
      %dma_start3A_864 = tpu.memref_slice %arg4[%add3A, %dma_start3A_861, %dma_start3A_862, %dma_start3A_863] : memref<32x125x1x80xi32, #tpu.memory_space<hbm>> -> memref<1x125x1x80xi32, #tpu.memory_space<hbm>>
      %dma_start3A_865 = tpu.memref_squeeze %dma_start3A_864 : memref<1x125x1x80xi32, #tpu.memory_space<hbm>> -> memref<125x1x80xi32, #tpu.memory_space<hbm>>
      %dma_start3A_866 = arith.constant 0 : i32
      %dma_start3A_867 = arith.constant 0 : i32
      %dma_start3A_868 = tpu.memref_slice %dma_start3A_865[%add3A_802, %dma_start3A_866, %dma_start3A_867] : memref<125x1x80xi32, #tpu.memory_space<hbm>> -> memref<1x1x80xi32, #tpu.memory_space<hbm>>
      %dma_start3A_869 = tpu.memref_squeeze %dma_start3A_868 : memref<1x1x80xi32, #tpu.memory_space<hbm>> -> memref<1x80xi32, #tpu.memory_space<hbm>>
      tpu.enqueue_dma source(%dma_start3A_869 : memref<1x80xi32, #tpu.memory_space<hbm>>) target(%arg10 : memref<1x80xi32, #tpu.memory_space<vmem>>) target_semaphore(%arg31 : memref<!tpu.dma_semaphore, #tpu.memory_space<semaphore_mem>>)
      %dma_start3A_870 = arith.constant 0 : i32
      %dma_start3A_871 = arith.constant 0 : i32
      %dma_start3A_872 = arith.constant 0 : i32
      %dma_start3A_873 = tpu.memref_slice %arg5[%add3A, %dma_start3A_870, %dma_start3A_871, %dma_start3A_872] : memref<32x125x1x80xf32, #tpu.memory_space<hbm>> -> memref<1x125x1x80xf32, #tpu.memory_space<hbm>>
      %dma_start3A_874 = tpu.memref_squeeze %dma_start3A_873 : memref<1x125x1x80xf32, #tpu.memory_space<hbm>> -> memref<125x1x80xf32, #tpu.memory_space<hbm>>
      %dma_start3A_875 = arith.constant 0 : i32
      %dma_start3A_876 = arith.constant 0 : i32
      %dma_start3A_877 = tpu.memref_slice %dma_start3A_874[%add3A_802, %dma_start3A_875, %dma_start3A_876] : memref<125x1x80xf32, #tpu.memory_space<hbm>> -> memref<1x1x80xf32, #tpu.memory_space<hbm>>
      %dma_start3A_878 = tpu.memref_squeeze %dma_start3A_877 : memref<1x1x80xf32, #tpu.memory_space<hbm>> -> memref<1x80xf32, #tpu.memory_space<hbm>>
      %dma_start3A_879 = arith.constant 0 : i32
      %dma_start3A_880 = arith.constant 0 : i32
      %dma_start3A_881 = arith.constant 0 : i32
      %dma_start3A_882 = tpu.memref_slice %arg5[%add3A, %dma_start3A_879, %dma_start3A_880, %dma_start3A_881] : memref<32x125x1x80xf32, #tpu.memory_space<hbm>> -> memref<1x125x1x80xf32, #tpu.memory_space<hbm>>
      %dma_start3A_883 = tpu.memref_squeeze %dma_start3A_882 : memref<1x125x1x80xf32, #tpu.memory_space<hbm>> -> memref<125x1x80xf32, #tpu.memory_space<hbm>>
      %dma_start3A_884 = arith.constant 0 : i32
      %dma_start3A_885 = arith.constant 0 : i32
      %dma_start3A_886 = tpu.memref_slice %dma_start3A_883[%add3A_802, %dma_start3A_884, %dma_start3A_885] : memref<125x1x80xf32, #tpu.memory_space<hbm>> -> memref<1x1x80xf32, #tpu.memory_space<hbm>>
      %dma_start3A_887 = tpu.memref_squeeze %dma_start3A_886 : memref<1x1x80xf32, #tpu.memory_space<hbm>> -> memref<1x80xf32, #tpu.memory_space<hbm>>
      tpu.enqueue_dma source(%dma_start3A_887 : memref<1x80xf32, #tpu.memory_space<hbm>>) target(%arg16 : memref<1x80xf32, #tpu.memory_space<vmem>>) target_semaphore(%arg31 : memref<!tpu.dma_semaphore, #tpu.memory_space<semaphore_mem>>)
      %parallel_loop3A_888 = arith.constant 0 : i32
      %parallel_loop3A_889 = arith.constant 80 : i32
      %parallel_loop3A_890 = arith.constant 1 : i32
      scf.for %parallel_loop3A_1087 = %parallel_loop3A_888 to %parallel_loop3A_889 step %parallel_loop3A_890  : i32 {
        %parallel_loop3A_1088 = arith.constant 0 : i32
        %parallel_loop3A_1089 = vector.broadcast %parallel_loop3A_1088 : i32 to vector<16xi32>
        %parallel_loop3A_1090 = vector.broadcast %parallel_loop3A_1087 : i32 to vector<16xi32>
        %parallel_loop3A_1091 = tpu.vector_load_idx %arg20[%parallel_loop3A_1089, %parallel_loop3A_1090] : memref<1x80xf32, #tpu.memory_space<vmem>>[vector<16xi32>, vector<16xi32>], vector<16xf32>,
        %parallel_loop3A_1092 = arith.index_cast %parallel_loop3A_1087 : i32 to index
        %parallel_loop3A_1093 = arith.constant 0 : index
        %parallel_loop3A_1094 = tpu.vector_load %arg23[%parallel_loop3A_1092, %parallel_loop3A_1093] {strides = array<i32>} : memref<80x128xf32, #tpu.memory_space<vmem>>, vector<16xf32>,
        %parallel_loop3A_1095 = arith.mulf %parallel_loop3A_1094, %parallel_loop3A_1091 : vector<16xf32>
        %parallel_loop3A_1096 = arith.index_cast %parallel_loop3A_1087 : i32 to index
        %parallel_loop3A_1097 = arith.constant 0 : index
        %parallel_loop3A_1098 = tpu.vector_load %arg23[%parallel_loop3A_1096, %parallel_loop3A_1097] {strides = array<i32>} : memref<80x128xf32, #tpu.memory_space<vmem>>, vector<16xf32>,
        tpu.vector_store %arg23[%parallel_loop3A_1096, %parallel_loop3A_1097], %parallel_loop3A_1095 {strides = array<i32>} : memref<80x128xf32, #tpu.memory_space<vmem>>, vector<16xf32>,
        %parallel_loop3A_1099 = arith.index_cast %parallel_loop3A_1087 : i32 to index
        %parallel_loop3A_1100 = arith.constant 16 : index
        %parallel_loop3A_1101 = tpu.vector_load %arg23[%parallel_loop3A_1099, %parallel_loop3A_1100] {strides = array<i32>} : memref<80x128xf32, #tpu.memory_space<vmem>>, vector<16xf32>,
        %parallel_loop3A_1102 = arith.mulf %parallel_loop3A_1101, %parallel_loop3A_1091 : vector<16xf32>
        %parallel_loop3A_1103 = arith.index_cast %parallel_loop3A_1087 : i32 to index
        %parallel_loop3A_1104 = arith.constant 16 : index
        %parallel_loop3A_1105 = tpu.vector_load %arg23[%parallel_loop3A_1103, %parallel_loop3A_1104] {strides = array<i32>} : memref<80x128xf32, #tpu.memory_space<vmem>>, vector<16xf32>,
        tpu.vector_store %arg23[%parallel_loop3A_1103, %parallel_loop3A_1104], %parallel_loop3A_1102 {strides = array<i32>} : memref<80x128xf32, #tpu.memory_space<vmem>>, vector<16xf32>,
        %parallel_loop3A_1106 = arith.index_cast %parallel_loop3A_1087 : i32 to index
        %parallel_loop3A_1107 = arith.constant 32 : index
        %parallel_loop3A_1108 = tpu.vector_load %arg23[%parallel_loop3A_1106, %parallel_loop3A_1107] {strides = array<i32>} : memref<80x128xf32, #tpu.memory_space<vmem>>, vector<16xf32>,
        %parallel_loop3A_1109 = arith.mulf %parallel_loop3A_1108, %parallel_loop3A_1091 : vector<16xf32>
        %parallel_loop3A_1110 = arith.index_cast %parallel_loop3A_1087 : i32 to index
        %parallel_loop3A_1111 = arith.constant 32 : index
        %parallel_loop3A_1112 = tpu.vector_load %arg23[%parallel_loop3A_1110, %parallel_loop3A_1111] {strides = array<i32>} : memref<80x128xf32, #tpu.memory_space<vmem>>, vector<16xf32>,
        tpu.vector_store %arg23[%parallel_loop3A_1110, %parallel_loop3A_1111], %parallel_loop3A_1109 {strides = array<i32>} : memref<80x128xf32, #tpu.memory_space<vmem>>, vector<16xf32>,
        %parallel_loop3A_1113 = arith.index_cast %parallel_loop3A_1087 : i32 to index
        %parallel_loop3A_1114 = arith.constant 48 : index
        %parallel_loop3A_1115 = tpu.vector_load %arg23[%parallel_loop3A_1113, %parallel_loop3A_1114] {strides = array<i32>} : memref<80x128xf32, #tpu.memory_space<vmem>>, vector<16xf32>,
        %parallel_loop3A_1116 = arith.mulf %parallel_loop3A_1115, %parallel_loop3A_1091 : vector<16xf32>
        %parallel_loop3A_1117 = arith.index_cast %parallel_loop3A_1087 : i32 to index
        %parallel_loop3A_1118 = arith.constant 48 : index
        %parallel_loop3A_1119 = tpu.vector_load %arg23[%parallel_loop3A_1117, %parallel_loop3A_1118] {strides = array<i32>} : memref<80x128xf32, #tpu.memory_space<vmem>>, vector<16xf32>,
        tpu.vector_store %arg23[%parallel_loop3A_1117, %parallel_loop3A_1118], %parallel_loop3A_1116 {strides = array<i32>} : memref<80x128xf32, #tpu.memory_space<vmem>>, vector<16xf32>,
        %parallel_loop3A_1120 = arith.index_cast %parallel_loop3A_1087 : i32 to index
        %parallel_loop3A_1121 = arith.constant 64 : index
        %parallel_loop3A_1122 = tpu.vector_load %arg23[%parallel_loop3A_1120, %parallel_loop3A_1121] {strides = array<i32>} : memref<80x128xf32, #tpu.memory_space<vmem>>, vector<16xf32>,
        %parallel_loop3A_1123 = arith.mulf %parallel_loop3A_1122, %parallel_loop3A_1091 : vector<16xf32>
        %parallel_loop3A_1124 = arith.index_cast %parallel_loop3A_1087 : i32 to index
        %parallel_loop3A_1125 = arith.constant 64 : index
        %parallel_loop3A_1126 = tpu.vector_load %arg23[%parallel_loop3A_1124, %parallel_loop3A_1125] {strides = array<i32>} : memref<80x128xf32, #tpu.memory_space<vmem>>, vector<16xf32>,
        tpu.vector_store %arg23[%parallel_loop3A_1124, %parallel_loop3A_1125], %parallel_loop3A_1123 {strides = array<i32>} : memref<80x128xf32, #tpu.memory_space<vmem>>, vector<16xf32>,
        %parallel_loop3A_1127 = arith.index_cast %parallel_loop3A_1087 : i32 to index
        %parallel_loop3A_1128 = arith.constant 80 : index
        %parallel_loop3A_1129 = tpu.vector_load %arg23[%parallel_loop3A_1127, %parallel_loop3A_1128] {strides = array<i32>} : memref<80x128xf32, #tpu.memory_space<vmem>>, vector<16xf32>,
        %parallel_loop3A_1130 = arith.mulf %parallel_loop3A_1129, %parallel_loop3A_1091 : vector<16xf32>
        %parallel_loop3A_1131 = arith.index_cast %parallel_loop3A_1087 : i32 to index
        %parallel_loop3A_1132 = arith.constant 80 : index
        %parallel_loop3A_1133 = tpu.vector_load %arg23[%parallel_loop3A_1131, %parallel_loop3A_1132] {strides = array<i32>} : memref<80x128xf32, #tpu.memory_space<vmem>>, vector<16xf32>,
        tpu.vector_store %arg23[%parallel_loop3A_1131, %parallel_loop3A_1132], %parallel_loop3A_1130 {strides = array<i32>} : memref<80x128xf32, #tpu.memory_space<vmem>>, vector<16xf32>,
        %parallel_loop3A_1134 = arith.index_cast %parallel_loop3A_1087 : i32 to index
        %parallel_loop3A_1135 = arith.constant 96 : index
        %parallel_loop3A_1136 = tpu.vector_load %arg23[%parallel_loop3A_1134, %parallel_loop3A_1135] {strides = array<i32>} : memref<80x128xf32, #tpu.memory_space<vmem>>, vector<16xf32>,
        %parallel_loop3A_1137 = arith.mulf %parallel_loop3A_1136, %parallel_loop3A_1091 : vector<16xf32>
        %parallel_loop3A_1138 = arith.index_cast %parallel_loop3A_1087 : i32 to index
        %parallel_loop3A_1139 = arith.constant 96 : index
        %parallel_loop3A_1140 = tpu.vector_load %arg23[%parallel_loop3A_1138, %parallel_loop3A_1139] {strides = array<i32>} : memref<80x128xf32, #tpu.memory_space<vmem>>, vector<16xf32>,
        tpu.vector_store %arg23[%parallel_loop3A_1138, %parallel_loop3A_1139], %parallel_loop3A_1137 {strides = array<i32>} : memref<80x128xf32, #tpu.memory_space<vmem>>, vector<16xf32>,
        %parallel_loop3A_1141 = arith.index_cast %parallel_loop3A_1087 : i32 to index
        %parallel_loop3A_1142 = arith.constant 112 : index
        %parallel_loop3A_1143 = tpu.vector_load %arg23[%parallel_loop3A_1141, %parallel_loop3A_1142] {strides = array<i32>} : memref<80x128xf32, #tpu.memory_space<vmem>>, vector<16xf32>,
        %parallel_loop3A_1144 = arith.mulf %parallel_loop3A_1143, %parallel_loop3A_1091 : vector<16xf32>
        %parallel_loop3A_1145 = arith.index_cast %parallel_loop3A_1087 : i32 to index
        %parallel_loop3A_1146 = arith.constant 112 : index
        %parallel_loop3A_1147 = tpu.vector_load %arg23[%parallel_loop3A_1145, %parallel_loop3A_1146] {strides = array<i32>} : memref<80x128xf32, #tpu.memory_space<vmem>>, vector<16xf32>,
        tpu.vector_store %arg23[%parallel_loop3A_1145, %parallel_loop3A_1146], %parallel_loop3A_1144 {strides = array<i32>} : memref<80x128xf32, #tpu.memory_space<vmem>>, vector<16xf32>,
      } {sc.loop_unroll_factor = 4 : i64, sc.parallel_access}
      %add3A_891 = arith.constant 4 : i32
      %add3A_892 = arith.addi %add3A_498, %add3A_891 : i32
      %add3A_893 = arith.constant 4 : i32
      %add3A_894 = arith.addi %add3A_498, %add3A_893 : i32
      %add3A_895 = arith.constant 1 : i32
      %add3A_896 = arith.addi %add3A_894, %add3A_895 : i32
      %add3A_897 = arith.constant 4 : i32
      %add3A_898 = arith.addi %add3A_498, %add3A_897 : i32
      %add3A_899 = arith.constant 2 : i32
      %add3A_900 = arith.addi %add3A_898, %add3A_899 : i32
      %dma_wait3A_901 = arith.constant 0 : i32
      %dma_wait3A_902 = tpu.memref_slice %arg8[%dma_wait3A_901] : memref<10000xi32, #tpu.memory_space<vmem>> -> memref<80xi32, #tpu.memory_space<vmem>>
      %dma_wait3A_903 = arith.constant 0 : i32
      %dma_wait3A_904 = arith.constant 0 : i32
      %dma_wait3A_905 = tpu.memref_slice %arg2[%dma_wait3A_903, %dma_wait3A_904] : memref<10000x128xf32, #tpu.memory_space<hbm>> -> memref<10000x128xf32, #tpu.memory_space<hbm>>
      tpu.wait_indirect_dma semaphore(%arg24 : memref<!tpu.dma_semaphore, #tpu.memory_space<semaphore_mem>>) src(%dma_wait3A_905 : memref<10000x128xf32, #tpu.memory_space<hbm>>) dst(%arg21 : memref<80x128xf32, #tpu.memory_space<vmem>>)
      %mul3A_906 = arith.constant 80 : i32
      %mul3A_907 = arith.muli %add3A_896, %mul3A_906 : i32
      %dma_start3A_908 = tpu.memref_slice %arg8[%mul3A_907] : memref<10000xi32, #tpu.memory_space<vmem>> -> memref<80xi32, #tpu.memory_space<vmem>>
      %dma_start3A_909 = arith.constant 0 : i32
      %dma_start3A_910 = arith.constant 0 : i32
      %dma_start3A_911 = tpu.memref_slice %arg2[%dma_start3A_909, %dma_start3A_910] : memref<10000x128xf32, #tpu.memory_space<hbm>> -> memref<10000x128xf32, #tpu.memory_space<hbm>>
      tpu.enqueue_indirect_dma source(%dma_start3A_911 : memref<10000x128xf32, #tpu.memory_space<hbm>>) target(%arg22 : memref<80x128xf32, #tpu.memory_space<vmem>>) offsets(%dma_start3A_908 : memref<80xi32, #tpu.memory_space<vmem>>) semaphore(%arg25 : memref<!tpu.dma_semaphore, #tpu.memory_space<semaphore_mem>>)
      %dma_wait3A_912 = arith.constant 0 : i32
      %dma_wait3A_913 = arith.constant 0 : i32
      %dma_wait3A_914 = arith.constant 0 : i32
      %dma_wait3A_915 = arith.constant 0 : i32
      %dma_wait3A_916 = tpu.memref_slice %arg4[%add3A, %dma_wait3A_913, %dma_wait3A_914, %dma_wait3A_915] : memref<32x125x1x80xi32, #tpu.memory_space<hbm>> -> memref<1x125x1x80xi32, #tpu.memory_space<hbm>>
      %dma_wait3A_917 = tpu.memref_squeeze %dma_wait3A_916 : memref<1x125x1x80xi32, #tpu.memory_space<hbm>> -> memref<125x1x80xi32, #tpu.memory_space<hbm>>
      %dma_wait3A_918 = arith.constant 0 : i32
      %dma_wait3A_919 = arith.constant 0 : i32
      %dma_wait3A_920 = tpu.memref_slice %dma_wait3A_917[%dma_wait3A_912, %dma_wait3A_918, %dma_wait3A_919] : memref<125x1x80xi32, #tpu.memory_space<hbm>> -> memref<1x1x80xi32, #tpu.memory_space<hbm>>
      %dma_wait3A_921 = tpu.memref_squeeze %dma_wait3A_920 : memref<1x1x80xi32, #tpu.memory_space<hbm>> -> memref<1x80xi32, #tpu.memory_space<hbm>>
      %dma_wait3A_922 = arith.constant 0 : i32
      %dma_wait3A_923 = arith.constant 0 : i32
      %dma_wait3A_924 = arith.constant 0 : i32
      %dma_wait3A_925 = tpu.memref_slice %arg4[%add3A, %dma_wait3A_922, %dma_wait3A_923, %dma_wait3A_924] : memref<32x125x1x80xi32, #tpu.memory_space<hbm>> -> memref<1x125x1x80xi32, #tpu.memory_space<hbm>>
      %dma_wait3A_926 = tpu.memref_squeeze %dma_wait3A_925 : memref<1x125x1x80xi32, #tpu.memory_space<hbm>> -> memref<125x1x80xi32, #tpu.memory_space<hbm>>
      %dma_wait3A_927 = arith.constant 0 : i32
      %dma_wait3A_928 = arith.constant 0 : i32
      %dma_wait3A_929 = tpu.memref_slice %dma_wait3A_926[%dma_wait3A_912, %dma_wait3A_927, %dma_wait3A_928] : memref<125x1x80xi32, #tpu.memory_space<hbm>> -> memref<1x1x80xi32, #tpu.memory_space<hbm>>
      %dma_wait3A_930 = tpu.memref_squeeze %dma_wait3A_929 : memref<1x1x80xi32, #tpu.memory_space<hbm>> -> memref<1x80xi32, #tpu.memory_space<hbm>>
      tpu.wait_dma2 semaphore(%arg30 : memref<!tpu.dma_semaphore, #tpu.memory_space<semaphore_mem>>) src(%dma_wait3A_930 : memref<1x80xi32, #tpu.memory_space<hbm>>) dst(%arg9 : memref<1x80xi32, #tpu.memory_space<vmem>>)
      %dma_wait3A_931 = arith.constant 0 : i32
      %dma_wait3A_932 = arith.constant 0 : i32
      %dma_wait3A_933 = arith.constant 0 : i32
      %dma_wait3A_934 = arith.constant 0 : i32
      %dma_wait3A_935 = tpu.memref_slice %arg5[%add3A, %dma_wait3A_932, %dma_wait3A_933, %dma_wait3A_934] : memref<32x125x1x80xf32, #tpu.memory_space<hbm>> -> memref<1x125x1x80xf32, #tpu.memory_space<hbm>>
      %dma_wait3A_936 = tpu.memref_squeeze %dma_wait3A_935 : memref<1x125x1x80xf32, #tpu.memory_space<hbm>> -> memref<125x1x80xf32, #tpu.memory_space<hbm>>
      %dma_wait3A_937 = arith.constant 0 : i32
      %dma_wait3A_938 = arith.constant 0 : i32
      %dma_wait3A_939 = tpu.memref_slice %dma_wait3A_936[%dma_wait3A_931, %dma_wait3A_937, %dma_wait3A_938] : memref<125x1x80xf32, #tpu.memory_space<hbm>> -> memref<1x1x80xf32, #tpu.memory_space<hbm>>
      %dma_wait3A_940 = tpu.memref_squeeze %dma_wait3A_939 : memref<1x1x80xf32, #tpu.memory_space<hbm>> -> memref<1x80xf32, #tpu.memory_space<hbm>>
      %dma_wait3A_941 = arith.constant 0 : i32
      %dma_wait3A_942 = arith.constant 0 : i32
      %dma_wait3A_943 = arith.constant 0 : i32
      %dma_wait3A_944 = tpu.memref_slice %arg5[%add3A, %dma_wait3A_941, %dma_wait3A_942, %dma_wait3A_943] : memref<32x125x1x80xf32, #tpu.memory_space<hbm>> -> memref<1x125x1x80xf32, #tpu.memory_space<hbm>>
      %dma_wait3A_945 = tpu.memref_squeeze %dma_wait3A_944 : memref<1x125x1x80xf32, #tpu.memory_space<hbm>> -> memref<125x1x80xf32, #tpu.memory_space<hbm>>
      %dma_wait3A_946 = arith.constant 0 : i32
      %dma_wait3A_947 = arith.constant 0 : i32
      %dma_wait3A_948 = tpu.memref_slice %dma_wait3A_945[%dma_wait3A_931, %dma_wait3A_946, %dma_wait3A_947] : memref<125x1x80xf32, #tpu.memory_space<hbm>> -> memref<1x1x80xf32, #tpu.memory_space<hbm>>
      %dma_wait3A_949 = tpu.memref_squeeze %dma_wait3A_948 : memref<1x1x80xf32, #tpu.memory_space<hbm>> -> memref<1x80xf32, #tpu.memory_space<hbm>>
      tpu.wait_dma2 semaphore(%arg30 : memref<!tpu.dma_semaphore, #tpu.memory_space<semaphore_mem>>) src(%dma_wait3A_949 : memref<1x80xf32, #tpu.memory_space<hbm>>) dst(%arg15 : memref<1x80xf32, #tpu.memory_space<vmem>>)
      %dma_start3A_950 = arith.constant 0 : i32
      %dma_start3A_951 = arith.constant 0 : i32
      %dma_start3A_952 = arith.constant 0 : i32
      %dma_start3A_953 = tpu.memref_slice %arg4[%add3A, %dma_start3A_950, %dma_start3A_951, %dma_start3A_952] : memref<32x125x1x80xi32, #tpu.memory_space<hbm>> -> memref<1x125x1x80xi32, #tpu.memory_space<hbm>>
      %dma_start3A_954 = tpu.memref_squeeze %dma_start3A_953 : memref<1x125x1x80xi32, #tpu.memory_space<hbm>> -> memref<125x1x80xi32, #tpu.memory_space<hbm>>
      %dma_start3A_955 = arith.constant 0 : i32
      %dma_start3A_956 = arith.constant 0 : i32
      %dma_start3A_957 = tpu.memref_slice %dma_start3A_954[%add3A_900, %dma_start3A_955, %dma_start3A_956] : memref<125x1x80xi32, #tpu.memory_space<hbm>> -> memref<1x1x80xi32, #tpu.memory_space<hbm>>
      %dma_start3A_958 = tpu.memref_squeeze %dma_start3A_957 : memref<1x1x80xi32, #tpu.memory_space<hbm>> -> memref<1x80xi32, #tpu.memory_space<hbm>>
      %dma_start3A_959 = arith.constant 0 : i32
      %dma_start3A_960 = arith.constant 0 : i32
      %dma_start3A_961 = arith.constant 0 : i32
      %dma_start3A_962 = tpu.memref_slice %arg4[%add3A, %dma_start3A_959, %dma_start3A_960, %dma_start3A_961] : memref<32x125x1x80xi32, #tpu.memory_space<hbm>> -> memref<1x125x1x80xi32, #tpu.memory_space<hbm>>
      %dma_start3A_963 = tpu.memref_squeeze %dma_start3A_962 : memref<1x125x1x80xi32, #tpu.memory_space<hbm>> -> memref<125x1x80xi32, #tpu.memory_space<hbm>>
      %dma_start3A_964 = arith.constant 0 : i32
      %dma_start3A_965 = arith.constant 0 : i32
      %dma_start3A_966 = tpu.memref_slice %dma_start3A_963[%add3A_900, %dma_start3A_964, %dma_start3A_965] : memref<125x1x80xi32, #tpu.memory_space<hbm>> -> memref<1x1x80xi32, #tpu.memory_space<hbm>>
      %dma_start3A_967 = tpu.memref_squeeze %dma_start3A_966 : memref<1x1x80xi32, #tpu.memory_space<hbm>> -> memref<1x80xi32, #tpu.memory_space<hbm>>
      tpu.enqueue_dma source(%dma_start3A_967 : memref<1x80xi32, #tpu.memory_space<hbm>>) target(%arg11 : memref<1x80xi32, #tpu.memory_space<vmem>>) target_semaphore(%arg32 : memref<!tpu.dma_semaphore, #tpu.memory_space<semaphore_mem>>)
      %dma_start3A_968 = arith.constant 0 : i32
      %dma_start3A_969 = arith.constant 0 : i32
      %dma_start3A_970 = arith.constant 0 : i32
      %dma_start3A_971 = tpu.memref_slice %arg5[%add3A, %dma_start3A_968, %dma_start3A_969, %dma_start3A_970] : memref<32x125x1x80xf32, #tpu.memory_space<hbm>> -> memref<1x125x1x80xf32, #tpu.memory_space<hbm>>
      %dma_start3A_972 = tpu.memref_squeeze %dma_start3A_971 : memref<1x125x1x80xf32, #tpu.memory_space<hbm>> -> memref<125x1x80xf32, #tpu.memory_space<hbm>>
      %dma_start3A_973 = arith.constant 0 : i32
      %dma_start3A_974 = arith.constant 0 : i32
      %dma_start3A_975 = tpu.memref_slice %dma_start3A_972[%add3A_900, %dma_start3A_973, %dma_start3A_974] : memref<125x1x80xf32, #tpu.memory_space<hbm>> -> memref<1x1x80xf32, #tpu.memory_space<hbm>>
      %dma_start3A_976 = tpu.memref_squeeze %dma_start3A_975 : memref<1x1x80xf32, #tpu.memory_space<hbm>> -> memref<1x80xf32, #tpu.memory_space<hbm>>
      %dma_start3A_977 = arith.constant 0 : i32
      %dma_start3A_978 = arith.constant 0 : i32
      %dma_start3A_979 = arith.constant 0 : i32
      %dma_start3A_980 = tpu.memref_slice %arg5[%add3A, %dma_start3A_977, %dma_start3A_978, %dma_start3A_979] : memref<32x125x1x80xf32, #tpu.memory_space<hbm>> -> memref<1x125x1x80xf32, #tpu.memory_space<hbm>>
      %dma_start3A_981 = tpu.memref_squeeze %dma_start3A_980 : memref<1x125x1x80xf32, #tpu.memory_space<hbm>> -> memref<125x1x80xf32, #tpu.memory_space<hbm>>
      %dma_start3A_982 = arith.constant 0 : i32
      %dma_start3A_983 = arith.constant 0 : i32
      %dma_start3A_984 = tpu.memref_slice %dma_start3A_981[%add3A_900, %dma_start3A_982, %dma_start3A_983] : memref<125x1x80xf32, #tpu.memory_space<hbm>> -> memref<1x1x80xf32, #tpu.memory_space<hbm>>
      %dma_start3A_985 = tpu.memref_squeeze %dma_start3A_984 : memref<1x1x80xf32, #tpu.memory_space<hbm>> -> memref<1x80xf32, #tpu.memory_space<hbm>>
      tpu.enqueue_dma source(%dma_start3A_985 : memref<1x80xf32, #tpu.memory_space<hbm>>) target(%arg17 : memref<1x80xf32, #tpu.memory_space<vmem>>) target_semaphore(%arg32 : memref<!tpu.dma_semaphore, #tpu.memory_space<semaphore_mem>>)
      %parallel_loop3A_986 = arith.constant 0 : i32
      %parallel_loop3A_987 = arith.constant 80 : i32
      %parallel_loop3A_988 = arith.constant 1 : i32
      scf.for %parallel_loop3A_1087 = %parallel_loop3A_986 to %parallel_loop3A_987 step %parallel_loop3A_988  : i32 {
        %parallel_loop3A_1088 = arith.constant 0 : i32
        %parallel_loop3A_1089 = vector.broadcast %parallel_loop3A_1088 : i32 to vector<16xi32>
        %parallel_loop3A_1090 = vector.broadcast %parallel_loop3A_1087 : i32 to vector<16xi32>
        %parallel_loop3A_1091 = tpu.vector_load_idx %arg15[%parallel_loop3A_1089, %parallel_loop3A_1090] : memref<1x80xf32, #tpu.memory_space<vmem>>[vector<16xi32>, vector<16xi32>], vector<16xf32>,
        %parallel_loop3A_1092 = arith.index_cast %parallel_loop3A_1087 : i32 to index
        %parallel_loop3A_1093 = arith.constant 0 : index
        %parallel_loop3A_1094 = tpu.vector_load %arg21[%parallel_loop3A_1092, %parallel_loop3A_1093] {strides = array<i32>} : memref<80x128xf32, #tpu.memory_space<vmem>>, vector<16xf32>,
        %parallel_loop3A_1095 = arith.mulf %parallel_loop3A_1094, %parallel_loop3A_1091 : vector<16xf32>
        %parallel_loop3A_1096 = arith.index_cast %parallel_loop3A_1087 : i32 to index
        %parallel_loop3A_1097 = arith.constant 0 : index
        %parallel_loop3A_1098 = tpu.vector_load %arg21[%parallel_loop3A_1096, %parallel_loop3A_1097] {strides = array<i32>} : memref<80x128xf32, #tpu.memory_space<vmem>>, vector<16xf32>,
        tpu.vector_store %arg21[%parallel_loop3A_1096, %parallel_loop3A_1097], %parallel_loop3A_1095 {strides = array<i32>} : memref<80x128xf32, #tpu.memory_space<vmem>>, vector<16xf32>,
        %parallel_loop3A_1099 = arith.index_cast %parallel_loop3A_1087 : i32 to index
        %parallel_loop3A_1100 = arith.constant 16 : index
        %parallel_loop3A_1101 = tpu.vector_load %arg21[%parallel_loop3A_1099, %parallel_loop3A_1100] {strides = array<i32>} : memref<80x128xf32, #tpu.memory_space<vmem>>, vector<16xf32>,
        %parallel_loop3A_1102 = arith.mulf %parallel_loop3A_1101, %parallel_loop3A_1091 : vector<16xf32>
        %parallel_loop3A_1103 = arith.index_cast %parallel_loop3A_1087 : i32 to index
        %parallel_loop3A_1104 = arith.constant 16 : index
        %parallel_loop3A_1105 = tpu.vector_load %arg21[%parallel_loop3A_1103, %parallel_loop3A_1104] {strides = array<i32>} : memref<80x128xf32, #tpu.memory_space<vmem>>, vector<16xf32>,
        tpu.vector_store %arg21[%parallel_loop3A_1103, %parallel_loop3A_1104], %parallel_loop3A_1102 {strides = array<i32>} : memref<80x128xf32, #tpu.memory_space<vmem>>, vector<16xf32>,
        %parallel_loop3A_1106 = arith.index_cast %parallel_loop3A_1087 : i32 to index
        %parallel_loop3A_1107 = arith.constant 32 : index
        %parallel_loop3A_1108 = tpu.vector_load %arg21[%parallel_loop3A_1106, %parallel_loop3A_1107] {strides = array<i32>} : memref<80x128xf32, #tpu.memory_space<vmem>>, vector<16xf32>,
        %parallel_loop3A_1109 = arith.mulf %parallel_loop3A_1108, %parallel_loop3A_1091 : vector<16xf32>
        %parallel_loop3A_1110 = arith.index_cast %parallel_loop3A_1087 : i32 to index
        %parallel_loop3A_1111 = arith.constant 32 : index
        %parallel_loop3A_1112 = tpu.vector_load %arg21[%parallel_loop3A_1110, %parallel_loop3A_1111] {strides = array<i32>} : memref<80x128xf32, #tpu.memory_space<vmem>>, vector<16xf32>,
        tpu.vector_store %arg21[%parallel_loop3A_1110, %parallel_loop3A_1111], %parallel_loop3A_1109 {strides = array<i32>} : memref<80x128xf32, #tpu.memory_space<vmem>>, vector<16xf32>,
        %parallel_loop3A_1113 = arith.index_cast %parallel_loop3A_1087 : i32 to index
        %parallel_loop3A_1114 = arith.constant 48 : index
        %parallel_loop3A_1115 = tpu.vector_load %arg21[%parallel_loop3A_1113, %parallel_loop3A_1114] {strides = array<i32>} : memref<80x128xf32, #tpu.memory_space<vmem>>, vector<16xf32>,
        %parallel_loop3A_1116 = arith.mulf %parallel_loop3A_1115, %parallel_loop3A_1091 : vector<16xf32>
        %parallel_loop3A_1117 = arith.index_cast %parallel_loop3A_1087 : i32 to index
        %parallel_loop3A_1118 = arith.constant 48 : index
        %parallel_loop3A_1119 = tpu.vector_load %arg21[%parallel_loop3A_1117, %parallel_loop3A_1118] {strides = array<i32>} : memref<80x128xf32, #tpu.memory_space<vmem>>, vector<16xf32>,
        tpu.vector_store %arg21[%parallel_loop3A_1117, %parallel_loop3A_1118], %parallel_loop3A_1116 {strides = array<i32>} : memref<80x128xf32, #tpu.memory_space<vmem>>, vector<16xf32>,
        %parallel_loop3A_1120 = arith.index_cast %parallel_loop3A_1087 : i32 to index
        %parallel_loop3A_1121 = arith.constant 64 : index
        %parallel_loop3A_1122 = tpu.vector_load %arg21[%parallel_loop3A_1120, %parallel_loop3A_1121] {strides = array<i32>} : memref<80x128xf32, #tpu.memory_space<vmem>>, vector<16xf32>,
        %parallel_loop3A_1123 = arith.mulf %parallel_loop3A_1122, %parallel_loop3A_1091 : vector<16xf32>
        %parallel_loop3A_1124 = arith.index_cast %parallel_loop3A_1087 : i32 to index
        %parallel_loop3A_1125 = arith.constant 64 : index
        %parallel_loop3A_1126 = tpu.vector_load %arg21[%parallel_loop3A_1124, %parallel_loop3A_1125] {strides = array<i32>} : memref<80x128xf32, #tpu.memory_space<vmem>>, vector<16xf32>,
        tpu.vector_store %arg21[%parallel_loop3A_1124, %parallel_loop3A_1125], %parallel_loop3A_1123 {strides = array<i32>} : memref<80x128xf32, #tpu.memory_space<vmem>>, vector<16xf32>,
        %parallel_loop3A_1127 = arith.index_cast %parallel_loop3A_1087 : i32 to index
        %parallel_loop3A_1128 = arith.constant 80 : index
        %parallel_loop3A_1129 = tpu.vector_load %arg21[%parallel_loop3A_1127, %parallel_loop3A_1128] {strides = array<i32>} : memref<80x128xf32, #tpu.memory_space<vmem>>, vector<16xf32>,
        %parallel_loop3A_1130 = arith.mulf %parallel_loop3A_1129, %parallel_loop3A_1091 : vector<16xf32>
        %parallel_loop3A_1131 = arith.index_cast %parallel_loop3A_1087 : i32 to index
        %parallel_loop3A_1132 = arith.constant 80 : index
        %parallel_loop3A_1133 = tpu.vector_load %arg21[%parallel_loop3A_1131, %parallel_loop3A_1132] {strides = array<i32>} : memref<80x128xf32, #tpu.memory_space<vmem>>, vector<16xf32>,
        tpu.vector_store %arg21[%parallel_loop3A_1131, %parallel_loop3A_1132], %parallel_loop3A_1130 {strides = array<i32>} : memref<80x128xf32, #tpu.memory_space<vmem>>, vector<16xf32>,
        %parallel_loop3A_1134 = arith.index_cast %parallel_loop3A_1087 : i32 to index
        %parallel_loop3A_1135 = arith.constant 96 : index
        %parallel_loop3A_1136 = tpu.vector_load %arg21[%parallel_loop3A_1134, %parallel_loop3A_1135] {strides = array<i32>} : memref<80x128xf32, #tpu.memory_space<vmem>>, vector<16xf32>,
        %parallel_loop3A_1137 = arith.mulf %parallel_loop3A_1136, %parallel_loop3A_1091 : vector<16xf32>
        %parallel_loop3A_1138 = arith.index_cast %parallel_loop3A_1087 : i32 to index
        %parallel_loop3A_1139 = arith.constant 96 : index
        %parallel_loop3A_1140 = tpu.vector_load %arg21[%parallel_loop3A_1138, %parallel_loop3A_1139] {strides = array<i32>} : memref<80x128xf32, #tpu.memory_space<vmem>>, vector<16xf32>,
        tpu.vector_store %arg21[%parallel_loop3A_1138, %parallel_loop3A_1139], %parallel_loop3A_1137 {strides = array<i32>} : memref<80x128xf32, #tpu.memory_space<vmem>>, vector<16xf32>,
        %parallel_loop3A_1141 = arith.index_cast %parallel_loop3A_1087 : i32 to index
        %parallel_loop3A_1142 = arith.constant 112 : index
        %parallel_loop3A_1143 = tpu.vector_load %arg21[%parallel_loop3A_1141, %parallel_loop3A_1142] {strides = array<i32>} : memref<80x128xf32, #tpu.memory_space<vmem>>, vector<16xf32>,
        %parallel_loop3A_1144 = arith.mulf %parallel_loop3A_1143, %parallel_loop3A_1091 : vector<16xf32>
        %parallel_loop3A_1145 = arith.index_cast %parallel_loop3A_1087 : i32 to index
        %parallel_loop3A_1146 = arith.constant 112 : index
        %parallel_loop3A_1147 = tpu.vector_load %arg21[%parallel_loop3A_1145, %parallel_loop3A_1146] {strides = array<i32>} : memref<80x128xf32, #tpu.memory_space<vmem>>, vector<16xf32>,
        tpu.vector_store %arg21[%parallel_loop3A_1145, %parallel_loop3A_1146], %parallel_loop3A_1144 {strides = array<i32>} : memref<80x128xf32, #tpu.memory_space<vmem>>, vector<16xf32>,
      } {sc.loop_unroll_factor = 4 : i64, sc.parallel_access}
      %add3A_989 = arith.constant 5 : i32
      %add3A_990 = arith.addi %add3A_498, %add3A_989 : i32
      %add3A_991 = arith.constant 5 : i32
      %add3A_992 = arith.addi %add3A_498, %add3A_991 : i32
      %add3A_993 = arith.constant 1 : i32
      %add3A_994 = arith.addi %add3A_992, %add3A_993 : i32
      %add3A_995 = arith.constant 5 : i32
      %add3A_996 = arith.addi %add3A_498, %add3A_995 : i32
      %add3A_997 = arith.constant 2 : i32
      %add3A_998 = arith.addi %add3A_996, %add3A_997 : i32
      %dma_wait3A_999 = arith.constant 0 : i32
      %dma_wait3A_1000 = tpu.memref_slice %arg8[%dma_wait3A_999] : memref<10000xi32, #tpu.memory_space<vmem>> -> memref<80xi32, #tpu.memory_space<vmem>>
      %dma_wait3A_1001 = arith.constant 0 : i32
      %dma_wait3A_1002 = arith.constant 0 : i32
      %dma_wait3A_1003 = tpu.memref_slice %arg2[%dma_wait3A_1001, %dma_wait3A_1002] : memref<10000x128xf32, #tpu.memory_space<hbm>> -> memref<10000x128xf32, #tpu.memory_space<hbm>>
      tpu.wait_indirect_dma semaphore(%arg25 : memref<!tpu.dma_semaphore, #tpu.memory_space<semaphore_mem>>) src(%dma_wait3A_1003 : memref<10000x128xf32, #tpu.memory_space<hbm>>) dst(%arg22 : memref<80x128xf32, #tpu.memory_space<vmem>>)
      %mul3A_1004 = arith.constant 80 : i32
      %mul3A_1005 = arith.muli %add3A_994, %mul3A_1004 : i32
      %dma_start3A_1006 = tpu.memref_slice %arg8[%mul3A_1005] : memref<10000xi32, #tpu.memory_space<vmem>> -> memref<80xi32, #tpu.memory_space<vmem>>
      %dma_start3A_1007 = arith.constant 0 : i32
      %dma_start3A_1008 = arith.constant 0 : i32
      %dma_start3A_1009 = tpu.memref_slice %arg2[%dma_start3A_1007, %dma_start3A_1008] : memref<10000x128xf32, #tpu.memory_space<hbm>> -> memref<10000x128xf32, #tpu.memory_space<hbm>>
      tpu.enqueue_indirect_dma source(%dma_start3A_1009 : memref<10000x128xf32, #tpu.memory_space<hbm>>) target(%arg23 : memref<80x128xf32, #tpu.memory_space<vmem>>) offsets(%dma_start3A_1006 : memref<80xi32, #tpu.memory_space<vmem>>) semaphore(%arg26 : memref<!tpu.dma_semaphore, #tpu.memory_space<semaphore_mem>>)
      %dma_wait3A_1010 = arith.constant 0 : i32
      %dma_wait3A_1011 = arith.constant 0 : i32
      %dma_wait3A_1012 = arith.constant 0 : i32
      %dma_wait3A_1013 = arith.constant 0 : i32
      %dma_wait3A_1014 = tpu.memref_slice %arg4[%add3A, %dma_wait3A_1011, %dma_wait3A_1012, %dma_wait3A_1013] : memref<32x125x1x80xi32, #tpu.memory_space<hbm>> -> memref<1x125x1x80xi32, #tpu.memory_space<hbm>>
      %dma_wait3A_1015 = tpu.memref_squeeze %dma_wait3A_1014 : memref<1x125x1x80xi32, #tpu.memory_space<hbm>> -> memref<125x1x80xi32, #tpu.memory_space<hbm>>
      %dma_wait3A_1016 = arith.constant 0 : i32
      %dma_wait3A_1017 = arith.constant 0 : i32
      %dma_wait3A_1018 = tpu.memref_slice %dma_wait3A_1015[%dma_wait3A_1010, %dma_wait3A_1016, %dma_wait3A_1017] : memref<125x1x80xi32, #tpu.memory_space<hbm>> -> memref<1x1x80xi32, #tpu.memory_space<hbm>>
      %dma_wait3A_1019 = tpu.memref_squeeze %dma_wait3A_1018 : memref<1x1x80xi32, #tpu.memory_space<hbm>> -> memref<1x80xi32, #tpu.memory_space<hbm>>
      %dma_wait3A_1020 = arith.constant 0 : i32
      %dma_wait3A_1021 = arith.constant 0 : i32
      %dma_wait3A_1022 = arith.constant 0 : i32
      %dma_wait3A_1023 = tpu.memref_slice %arg4[%add3A, %dma_wait3A_1020, %dma_wait3A_1021, %dma_wait3A_1022] : memref<32x125x1x80xi32, #tpu.memory_space<hbm>> -> memref<1x125x1x80xi32, #tpu.memory_space<hbm>>
      %dma_wait3A_1024 = tpu.memref_squeeze %dma_wait3A_1023 : memref<1x125x1x80xi32, #tpu.memory_space<hbm>> -> memref<125x1x80xi32, #tpu.memory_space<hbm>>
      %dma_wait3A_1025 = arith.constant 0 : i32
      %dma_wait3A_1026 = arith.constant 0 : i32
      %dma_wait3A_1027 = tpu.memref_slice %dma_wait3A_1024[%dma_wait3A_1010, %dma_wait3A_1025, %dma_wait3A_1026] : memref<125x1x80xi32, #tpu.memory_space<hbm>> -> memref<1x1x80xi32, #tpu.memory_space<hbm>>
      %dma_wait3A_1028 = tpu.memref_squeeze %dma_wait3A_1027 : memref<1x1x80xi32, #tpu.memory_space<hbm>> -> memref<1x80xi32, #tpu.memory_space<hbm>>
      tpu.wait_dma2 semaphore(%arg31 : memref<!tpu.dma_semaphore, #tpu.memory_space<semaphore_mem>>) src(%dma_wait3A_1028 : memref<1x80xi32, #tpu.memory_space<hbm>>) dst(%arg10 : memref<1x80xi32, #tpu.memory_space<vmem>>)
      %dma_wait3A_1029 = arith.constant 0 : i32
      %dma_wait3A_1030 = arith.constant 0 : i32
      %dma_wait3A_1031 = arith.constant 0 : i32
      %dma_wait3A_1032 = arith.constant 0 : i32
      %dma_wait3A_1033 = tpu.memref_slice %arg5[%add3A, %dma_wait3A_1030, %dma_wait3A_1031, %dma_wait3A_1032] : memref<32x125x1x80xf32, #tpu.memory_space<hbm>> -> memref<1x125x1x80xf32, #tpu.memory_space<hbm>>
      %dma_wait3A_1034 = tpu.memref_squeeze %dma_wait3A_1033 : memref<1x125x1x80xf32, #tpu.memory_space<hbm>> -> memref<125x1x80xf32, #tpu.memory_space<hbm>>
      %dma_wait3A_1035 = arith.constant 0 : i32
      %dma_wait3A_1036 = arith.constant 0 : i32
      %dma_wait3A_1037 = tpu.memref_slice %dma_wait3A_1034[%dma_wait3A_1029, %dma_wait3A_1035, %dma_wait3A_1036] : memref<125x1x80xf32, #tpu.memory_space<hbm>> -> memref<1x1x80xf32, #tpu.memory_space<hbm>>
      %dma_wait3A_1038 = tpu.memref_squeeze %dma_wait3A_1037 : memref<1x1x80xf32, #tpu.memory_space<hbm>> -> memref<1x80xf32, #tpu.memory_space<hbm>>
      %dma_wait3A_1039 = arith.constant 0 : i32
      %dma_wait3A_1040 = arith.constant 0 : i32
      %dma_wait3A_1041 = arith.constant 0 : i32
      %dma_wait3A_1042 = tpu.memref_slice %arg5[%add3A, %dma_wait3A_1039, %dma_wait3A_1040, %dma_wait3A_1041] : memref<32x125x1x80xf32, #tpu.memory_space<hbm>> -> memref<1x125x1x80xf32, #tpu.memory_space<hbm>>
      %dma_wait3A_1043 = tpu.memref_squeeze %dma_wait3A_1042 : memref<1x125x1x80xf32, #tpu.memory_space<hbm>> -> memref<125x1x80xf32, #tpu.memory_space<hbm>>
      %dma_wait3A_1044 = arith.constant 0 : i32
      %dma_wait3A_1045 = arith.constant 0 : i32
      %dma_wait3A_1046 = tpu.memref_slice %dma_wait3A_1043[%dma_wait3A_1029, %dma_wait3A_1044, %dma_wait3A_1045] : memref<125x1x80xf32, #tpu.memory_space<hbm>> -> memref<1x1x80xf32, #tpu.memory_space<hbm>>
      %dma_wait3A_1047 = tpu.memref_squeeze %dma_wait3A_1046 : memref<1x1x80xf32, #tpu.memory_space<hbm>> -> memref<1x80xf32, #tpu.memory_space<hbm>>
      tpu.wait_dma2 semaphore(%arg31 : memref<!tpu.dma_semaphore, #tpu.memory_space<semaphore_mem>>) src(%dma_wait3A_1047 : memref<1x80xf32, #tpu.memory_space<hbm>>) dst(%arg16 : memref<1x80xf32, #tpu.memory_space<vmem>>)
      %dma_start3A_1048 = arith.constant 0 : i32
      %dma_start3A_1049 = arith.constant 0 : i32
      %dma_start3A_1050 = arith.constant 0 : i32
      %dma_start3A_1051 = tpu.memref_slice %arg4[%add3A, %dma_start3A_1048, %dma_start3A_1049, %dma_start3A_1050] : memref<32x125x1x80xi32, #tpu.memory_space<hbm>> -> memref<1x125x1x80xi32, #tpu.memory_space<hbm>>
      %dma_start3A_1052 = tpu.memref_squeeze %dma_start3A_1051 : memref<1x125x1x80xi32, #tpu.memory_space<hbm>> -> memref<125x1x80xi32, #tpu.memory_space<hbm>>
      %dma_start3A_1053 = arith.constant 0 : i32
      %dma_start3A_1054 = arith.constant 0 : i32
      %dma_start3A_1055 = tpu.memref_slice %dma_start3A_1052[%add3A_998, %dma_start3A_1053, %dma_start3A_1054] : memref<125x1x80xi32, #tpu.memory_space<hbm>> -> memref<1x1x80xi32, #tpu.memory_space<hbm>>
      %dma_start3A_1056 = tpu.memref_squeeze %dma_start3A_1055 : memref<1x1x80xi32, #tpu.memory_space<hbm>> -> memref<1x80xi32, #tpu.memory_space<hbm>>
      %dma_start3A_1057 = arith.constant 0 : i32
      %dma_start3A_1058 = arith.constant 0 : i32
      %dma_start3A_1059 = arith.constant 0 : i32
      %dma_start3A_1060 = tpu.memref_slice %arg4[%add3A, %dma_start3A_1057, %dma_start3A_1058, %dma_start3A_1059] : memref<32x125x1x80xi32, #tpu.memory_space<hbm>> -> memref<1x125x1x80xi32, #tpu.memory_space<hbm>>
      %dma_start3A_1061 = tpu.memref_squeeze %dma_start3A_1060 : memref<1x125x1x80xi32, #tpu.memory_space<hbm>> -> memref<125x1x80xi32, #tpu.memory_space<hbm>>
      %dma_start3A_1062 = arith.constant 0 : i32
      %dma_start3A_1063 = arith.constant 0 : i32
      %dma_start3A_1064 = tpu.memref_slice %dma_start3A_1061[%add3A_998, %dma_start3A_1062, %dma_start3A_1063] : memref<125x1x80xi32, #tpu.memory_space<hbm>> -> memref<1x1x80xi32, #tpu.memory_space<hbm>>
      %dma_start3A_1065 = tpu.memref_squeeze %dma_start3A_1064 : memref<1x1x80xi32, #tpu.memory_space<hbm>> -> memref<1x80xi32, #tpu.memory_space<hbm>>
      tpu.enqueue_dma source(%dma_start3A_1065 : memref<1x80xi32, #tpu.memory_space<hbm>>) target(%arg12 : memref<1x80xi32, #tpu.memory_space<vmem>>) target_semaphore(%arg33 : memref<!tpu.dma_semaphore, #tpu.memory_space<semaphore_mem>>)
      %dma_start3A_1066 = arith.constant 0 : i32
      %dma_start3A_1067 = arith.constant 0 : i32
      %dma_start3A_1068 = arith.constant 0 : i32
      %dma_start3A_1069 = tpu.memref_slice %arg5[%add3A, %dma_start3A_1066, %dma_start3A_1067, %dma_start3A_1068] : memref<32x125x1x80xf32, #tpu.memory_space<hbm>> -> memref<1x125x1x80xf32, #tpu.memory_space<hbm>>
      %dma_start3A_1070 = tpu.memref_squeeze %dma_start3A_1069 : memref<1x125x1x80xf32, #tpu.memory_space<hbm>> -> memref<125x1x80xf32, #tpu.memory_space<hbm>>
      %dma_start3A_1071 = arith.constant 0 : i32
      %dma_start3A_1072 = arith.constant 0 : i32
      %dma_start3A_1073 = tpu.memref_slice %dma_start3A_1070[%add3A_998, %dma_start3A_1071, %dma_start3A_1072] : memref<125x1x80xf32, #tpu.memory_space<hbm>> -> memref<1x1x80xf32, #tpu.memory_space<hbm>>
      %dma_start3A_1074 = tpu.memref_squeeze %dma_start3A_1073 : memref<1x1x80xf32, #tpu.memory_space<hbm>> -> memref<1x80xf32, #tpu.memory_space<hbm>>
      %dma_start3A_1075 = arith.constant 0 : i32
      %dma_start3A_1076 = arith.constant 0 : i32
      %dma_start3A_1077 = arith.constant 0 : i32
      %dma_start3A_1078 = tpu.memref_slice %arg5[%add3A, %dma_start3A_1075, %dma_start3A_1076, %dma_start3A_1077] : memref<32x125x1x80xf32, #tpu.memory_space<hbm>> -> memref<1x125x1x80xf32, #tpu.memory_space<hbm>>
      %dma_start3A_1079 = tpu.memref_squeeze %dma_start3A_1078 : memref<1x125x1x80xf32, #tpu.memory_space<hbm>> -> memref<125x1x80xf32, #tpu.memory_space<hbm>>
      %dma_start3A_1080 = arith.constant 0 : i32
      %dma_start3A_1081 = arith.constant 0 : i32
      %dma_start3A_1082 = tpu.memref_slice %dma_start3A_1079[%add3A_998, %dma_start3A_1080, %dma_start3A_1081] : memref<125x1x80xf32, #tpu.memory_space<hbm>> -> memref<1x1x80xf32, #tpu.memory_space<hbm>>
      %dma_start3A_1083 = tpu.memref_squeeze %dma_start3A_1082 : memref<1x1x80xf32, #tpu.memory_space<hbm>> -> memref<1x80xf32, #tpu.memory_space<hbm>>
      tpu.enqueue_dma source(%dma_start3A_1083 : memref<1x80xf32, #tpu.memory_space<hbm>>) target(%arg18 : memref<1x80xf32, #tpu.memory_space<vmem>>) target_semaphore(%arg33 : memref<!tpu.dma_semaphore, #tpu.memory_space<semaphore_mem>>)
      %parallel_loop3A_1084 = arith.constant 0 : i32
      %parallel_loop3A_1085 = arith.constant 80 : i32
      %parallel_loop3A_1086 = arith.constant 1 : i32
      scf.for %parallel_loop3A_1087 = %parallel_loop3A_1084 to %parallel_loop3A_1085 step %parallel_loop3A_1086  : i32 {
        %parallel_loop3A_1088 = arith.constant 0 : i32
        %parallel_loop3A_1089 = vector.broadcast %parallel_loop3A_1088 : i32 to vector<16xi32>
        %parallel_loop3A_1090 = vector.broadcast %parallel_loop3A_1087 : i32 to vector<16xi32>
        %parallel_loop3A_1091 = tpu.vector_load_idx %arg16[%parallel_loop3A_1089, %parallel_loop3A_1090] : memref<1x80xf32, #tpu.memory_space<vmem>>[vector<16xi32>, vector<16xi32>], vector<16xf32>,
        %parallel_loop3A_1092 = arith.index_cast %parallel_loop3A_1087 : i32 to index
        %parallel_loop3A_1093 = arith.constant 0 : index
        %parallel_loop3A_1094 = tpu.vector_load %arg22[%parallel_loop3A_1092, %parallel_loop3A_1093] {strides = array<i32>} : memref<80x128xf32, #tpu.memory_space<vmem>>, vector<16xf32>,
        %parallel_loop3A_1095 = arith.mulf %parallel_loop3A_1094, %parallel_loop3A_1091 : vector<16xf32>
        %parallel_loop3A_1096 = arith.index_cast %parallel_loop3A_1087 : i32 to index
        %parallel_loop3A_1097 = arith.constant 0 : index
        %parallel_loop3A_1098 = tpu.vector_load %arg22[%parallel_loop3A_1096, %parallel_loop3A_1097] {strides = array<i32>} : memref<80x128xf32, #tpu.memory_space<vmem>>, vector<16xf32>,
        tpu.vector_store %arg22[%parallel_loop3A_1096, %parallel_loop3A_1097], %parallel_loop3A_1095 {strides = array<i32>} : memref<80x128xf32, #tpu.memory_space<vmem>>, vector<16xf32>,
        %parallel_loop3A_1099 = arith.index_cast %parallel_loop3A_1087 : i32 to index
        %parallel_loop3A_1100 = arith.constant 16 : index
        %parallel_loop3A_1101 = tpu.vector_load %arg22[%parallel_loop3A_1099, %parallel_loop3A_1100] {strides = array<i32>} : memref<80x128xf32, #tpu.memory_space<vmem>>, vector<16xf32>,
        %parallel_loop3A_1102 = arith.mulf %parallel_loop3A_1101, %parallel_loop3A_1091 : vector<16xf32>
        %parallel_loop3A_1103 = arith.index_cast %parallel_loop3A_1087 : i32 to index
        %parallel_loop3A_1104 = arith.constant 16 : index
        %parallel_loop3A_1105 = tpu.vector_load %arg22[%parallel_loop3A_1103, %parallel_loop3A_1104] {strides = array<i32>} : memref<80x128xf32, #tpu.memory_space<vmem>>, vector<16xf32>,
        tpu.vector_store %arg22[%parallel_loop3A_1103, %parallel_loop3A_1104], %parallel_loop3A_1102 {strides = array<i32>} : memref<80x128xf32, #tpu.memory_space<vmem>>, vector<16xf32>,
        %parallel_loop3A_1106 = arith.index_cast %parallel_loop3A_1087 : i32 to index
        %parallel_loop3A_1107 = arith.constant 32 : index
        %parallel_loop3A_1108 = tpu.vector_load %arg22[%parallel_loop3A_1106, %parallel_loop3A_1107] {strides = array<i32>} : memref<80x128xf32, #tpu.memory_space<vmem>>, vector<16xf32>,
        %parallel_loop3A_1109 = arith.mulf %parallel_loop3A_1108, %parallel_loop3A_1091 : vector<16xf32>
        %parallel_loop3A_1110 = arith.index_cast %parallel_loop3A_1087 : i32 to index
        %parallel_loop3A_1111 = arith.constant 32 : index
        %parallel_loop3A_1112 = tpu.vector_load %arg22[%parallel_loop3A_1110, %parallel_loop3A_1111] {strides = array<i32>} : memref<80x128xf32, #tpu.memory_space<vmem>>, vector<16xf32>,
        tpu.vector_store %arg22[%parallel_loop3A_1110, %parallel_loop3A_1111], %parallel_loop3A_1109 {strides = array<i32>} : memref<80x128xf32, #tpu.memory_space<vmem>>, vector<16xf32>,
        %parallel_loop3A_1113 = arith.index_cast %parallel_loop3A_1087 : i32 to index
        %parallel_loop3A_1114 = arith.constant 48 : index
        %parallel_loop3A_1115 = tpu.vector_load %arg22[%parallel_loop3A_1113, %parallel_loop3A_1114] {strides = array<i32>} : memref<80x128xf32, #tpu.memory_space<vmem>>, vector<16xf32>,
        %parallel_loop3A_1116 = arith.mulf %parallel_loop3A_1115, %parallel_loop3A_1091 : vector<16xf32>
        %parallel_loop3A_1117 = arith.index_cast %parallel_loop3A_1087 : i32 to index
        %parallel_loop3A_1118 = arith.constant 48 : index
        %parallel_loop3A_1119 = tpu.vector_load %arg22[%parallel_loop3A_1117, %parallel_loop3A_1118] {strides = array<i32>} : memref<80x128xf32, #tpu.memory_space<vmem>>, vector<16xf32>,
        tpu.vector_store %arg22[%parallel_loop3A_1117, %parallel_loop3A_1118], %parallel_loop3A_1116 {strides = array<i32>} : memref<80x128xf32, #tpu.memory_space<vmem>>, vector<16xf32>,
        %parallel_loop3A_1120 = arith.index_cast %parallel_loop3A_1087 : i32 to index
        %parallel_loop3A_1121 = arith.constant 64 : index
        %parallel_loop3A_1122 = tpu.vector_load %arg22[%parallel_loop3A_1120, %parallel_loop3A_1121] {strides = array<i32>} : memref<80x128xf32, #tpu.memory_space<vmem>>, vector<16xf32>,
        %parallel_loop3A_1123 = arith.mulf %parallel_loop3A_1122, %parallel_loop3A_1091 : vector<16xf32>
        %parallel_loop3A_1124 = arith.index_cast %parallel_loop3A_1087 : i32 to index
        %parallel_loop3A_1125 = arith.constant 64 : index
        %parallel_loop3A_1126 = tpu.vector_load %arg22[%parallel_loop3A_1124, %parallel_loop3A_1125] {strides = array<i32>} : memref<80x128xf32, #tpu.memory_space<vmem>>, vector<16xf32>,
        tpu.vector_store %arg22[%parallel_loop3A_1124, %parallel_loop3A_1125], %parallel_loop3A_1123 {strides = array<i32>} : memref<80x128xf32, #tpu.memory_space<vmem>>, vector<16xf32>,
        %parallel_loop3A_1127 = arith.index_cast %parallel_loop3A_1087 : i32 to index
        %parallel_loop3A_1128 = arith.constant 80 : index
        %parallel_loop3A_1129 = tpu.vector_load %arg22[%parallel_loop3A_1127, %parallel_loop3A_1128] {strides = array<i32>} : memref<80x128xf32, #tpu.memory_space<vmem>>, vector<16xf32>,
        %parallel_loop3A_1130 = arith.mulf %parallel_loop3A_1129, %parallel_loop3A_1091 : vector<16xf32>
        %parallel_loop3A_1131 = arith.index_cast %parallel_loop3A_1087 : i32 to index
        %parallel_loop3A_1132 = arith.constant 80 : index
        %parallel_loop3A_1133 = tpu.vector_load %arg22[%parallel_loop3A_1131, %parallel_loop3A_1132] {strides = array<i32>} : memref<80x128xf32, #tpu.memory_space<vmem>>, vector<16xf32>,
        tpu.vector_store %arg22[%parallel_loop3A_1131, %parallel_loop3A_1132], %parallel_loop3A_1130 {strides = array<i32>} : memref<80x128xf32, #tpu.memory_space<vmem>>, vector<16xf32>,
        %parallel_loop3A_1134 = arith.index_cast %parallel_loop3A_1087 : i32 to index
        %parallel_loop3A_1135 = arith.constant 96 : index
        %parallel_loop3A_1136 = tpu.vector_load %arg22[%parallel_loop3A_1134, %parallel_loop3A_1135] {strides = array<i32>} : memref<80x128xf32, #tpu.memory_space<vmem>>, vector<16xf32>,
        %parallel_loop3A_1137 = arith.mulf %parallel_loop3A_1136, %parallel_loop3A_1091 : vector<16xf32>
        %parallel_loop3A_1138 = arith.index_cast %parallel_loop3A_1087 : i32 to index
        %parallel_loop3A_1139 = arith.constant 96 : index
        %parallel_loop3A_1140 = tpu.vector_load %arg22[%parallel_loop3A_1138, %parallel_loop3A_1139] {strides = array<i32>} : memref<80x128xf32, #tpu.memory_space<vmem>>, vector<16xf32>,
        tpu.vector_store %arg22[%parallel_loop3A_1138, %parallel_loop3A_1139], %parallel_loop3A_1137 {strides = array<i32>} : memref<80x128xf32, #tpu.memory_space<vmem>>, vector<16xf32>,
        %parallel_loop3A_1141 = arith.index_cast %parallel_loop3A_1087 : i32 to index
        %parallel_loop3A_1142 = arith.constant 112 : index
        %parallel_loop3A_1143 = tpu.vector_load %arg22[%parallel_loop3A_1141, %parallel_loop3A_1142] {strides = array<i32>} : memref<80x128xf32, #tpu.memory_space<vmem>>, vector<16xf32>,
        %parallel_loop3A_1144 = arith.mulf %parallel_loop3A_1143, %parallel_loop3A_1091 : vector<16xf32>
        %parallel_loop3A_1145 = arith.index_cast %parallel_loop3A_1087 : i32 to index
        %parallel_loop3A_1146 = arith.constant 112 : index
        %parallel_loop3A_1147 = tpu.vector_load %arg22[%parallel_loop3A_1145, %parallel_loop3A_1146] {strides = array<i32>} : memref<80x128xf32, #tpu.memory_space<vmem>>, vector<16xf32>,
        tpu.vector_store %arg22[%parallel_loop3A_1145, %parallel_loop3A_1146], %parallel_loop3A_1144 {strides = array<i32>} : memref<80x128xf32, #tpu.memory_space<vmem>>, vector<16xf32>,
      } {sc.loop_unroll_factor = 4 : i64, sc.parallel_access}
    }
    %scan3A_298 = arith.constant 20 : i32
    %dma_wait3A_299 = arith.constant 0 : i32
    %dma_wait3A_300 = tpu.memref_slice %arg8[%dma_wait3A_299] : memref<10000xi32, #tpu.memory_space<vmem>> -> memref<80xi32, #tpu.memory_space<vmem>>
    %dma_wait3A_301 = arith.constant 0 : i32
    %dma_wait3A_302 = arith.constant 0 : i32
    %dma_wait3A_303 = tpu.memref_slice %arg2[%dma_wait3A_301, %dma_wait3A_302] : memref<10000x128xf32, #tpu.memory_space<hbm>> -> memref<10000x128xf32, #tpu.memory_space<hbm>>
    tpu.wait_indirect_dma semaphore(%arg26 : memref<!tpu.dma_semaphore, #tpu.memory_space<semaphore_mem>>) src(%dma_wait3A_303 : memref<10000x128xf32, #tpu.memory_space<hbm>>) dst(%arg23 : memref<80x128xf32, #tpu.memory_space<vmem>>)
    %dma_start3A_304 = arith.constant 9840 : i32
    %dma_start3A_305 = tpu.memref_slice %arg8[%dma_start3A_304] : memref<10000xi32, #tpu.memory_space<vmem>> -> memref<80xi32, #tpu.memory_space<vmem>>
    %dma_start3A_306 = arith.constant 0 : i32
    %dma_start3A_307 = arith.constant 0 : i32
    %dma_start3A_308 = tpu.memref_slice %arg2[%dma_start3A_306, %dma_start3A_307] : memref<10000x128xf32, #tpu.memory_space<hbm>> -> memref<10000x128xf32, #tpu.memory_space<hbm>>
    tpu.enqueue_indirect_dma source(%dma_start3A_308 : memref<10000x128xf32, #tpu.memory_space<hbm>>) target(%arg21 : memref<80x128xf32, #tpu.memory_space<vmem>>) offsets(%dma_start3A_305 : memref<80xi32, #tpu.memory_space<vmem>>) semaphore(%arg24 : memref<!tpu.dma_semaphore, #tpu.memory_space<semaphore_mem>>)
    %dma_wait3A_309 = arith.constant 0 : i32
    %dma_wait3A_310 = arith.constant 0 : i32
    %dma_wait3A_311 = arith.constant 0 : i32
    %dma_wait3A_312 = arith.constant 0 : i32
    %dma_wait3A_313 = tpu.memref_slice %arg4[%add3A, %dma_wait3A_310, %dma_wait3A_311, %dma_wait3A_312] : memref<32x125x1x80xi32, #tpu.memory_space<hbm>> -> memref<1x125x1x80xi32, #tpu.memory_space<hbm>>
    %dma_wait3A_314 = tpu.memref_squeeze %dma_wait3A_313 : memref<1x125x1x80xi32, #tpu.memory_space<hbm>> -> memref<125x1x80xi32, #tpu.memory_space<hbm>>
    %dma_wait3A_315 = arith.constant 0 : i32
    %dma_wait3A_316 = arith.constant 0 : i32
    %dma_wait3A_317 = tpu.memref_slice %dma_wait3A_314[%dma_wait3A_309, %dma_wait3A_315, %dma_wait3A_316] : memref<125x1x80xi32, #tpu.memory_space<hbm>> -> memref<1x1x80xi32, #tpu.memory_space<hbm>>
    %dma_wait3A_318 = tpu.memref_squeeze %dma_wait3A_317 : memref<1x1x80xi32, #tpu.memory_space<hbm>> -> memref<1x80xi32, #tpu.memory_space<hbm>>
    %dma_wait3A_319 = arith.constant 0 : i32
    %dma_wait3A_320 = arith.constant 0 : i32
    %dma_wait3A_321 = arith.constant 0 : i32
    %dma_wait3A_322 = tpu.memref_slice %arg4[%add3A, %dma_wait3A_319, %dma_wait3A_320, %dma_wait3A_321] : memref<32x125x1x80xi32, #tpu.memory_space<hbm>> -> memref<1x125x1x80xi32, #tpu.memory_space<hbm>>
    %dma_wait3A_323 = tpu.memref_squeeze %dma_wait3A_322 : memref<1x125x1x80xi32, #tpu.memory_space<hbm>> -> memref<125x1x80xi32, #tpu.memory_space<hbm>>
    %dma_wait3A_324 = arith.constant 0 : i32
    %dma_wait3A_325 = arith.constant 0 : i32
    %dma_wait3A_326 = tpu.memref_slice %dma_wait3A_323[%dma_wait3A_309, %dma_wait3A_324, %dma_wait3A_325] : memref<125x1x80xi32, #tpu.memory_space<hbm>> -> memref<1x1x80xi32, #tpu.memory_space<hbm>>
    %dma_wait3A_327 = tpu.memref_squeeze %dma_wait3A_326 : memref<1x1x80xi32, #tpu.memory_space<hbm>> -> memref<1x80xi32, #tpu.memory_space<hbm>>
    tpu.wait_dma2 semaphore(%arg32 : memref<!tpu.dma_semaphore, #tpu.memory_space<semaphore_mem>>) src(%dma_wait3A_327 : memref<1x80xi32, #tpu.memory_space<hbm>>) dst(%arg11 : memref<1x80xi32, #tpu.memory_space<vmem>>)
    %dma_wait3A_328 = arith.constant 0 : i32
    %dma_wait3A_329 = arith.constant 0 : i32
    %dma_wait3A_330 = arith.constant 0 : i32
    %dma_wait3A_331 = arith.constant 0 : i32
    %dma_wait3A_332 = tpu.memref_slice %arg5[%add3A, %dma_wait3A_329, %dma_wait3A_330, %dma_wait3A_331] : memref<32x125x1x80xf32, #tpu.memory_space<hbm>> -> memref<1x125x1x80xf32, #tpu.memory_space<hbm>>
    %dma_wait3A_333 = tpu.memref_squeeze %dma_wait3A_332 : memref<1x125x1x80xf32, #tpu.memory_space<hbm>> -> memref<125x1x80xf32, #tpu.memory_space<hbm>>
    %dma_wait3A_334 = arith.constant 0 : i32
    %dma_wait3A_335 = arith.constant 0 : i32
    %dma_wait3A_336 = tpu.memref_slice %dma_wait3A_333[%dma_wait3A_328, %dma_wait3A_334, %dma_wait3A_335] : memref<125x1x80xf32, #tpu.memory_space<hbm>> -> memref<1x1x80xf32, #tpu.memory_space<hbm>>
    %dma_wait3A_337 = tpu.memref_squeeze %dma_wait3A_336 : memref<1x1x80xf32, #tpu.memory_space<hbm>> -> memref<1x80xf32, #tpu.memory_space<hbm>>
    %dma_wait3A_338 = arith.constant 0 : i32
    %dma_wait3A_339 = arith.constant 0 : i32
    %dma_wait3A_340 = arith.constant 0 : i32
    %dma_wait3A_341 = tpu.memref_slice %arg5[%add3A, %dma_wait3A_338, %dma_wait3A_339, %dma_wait3A_340] : memref<32x125x1x80xf32, #tpu.memory_space<hbm>> -> memref<1x125x1x80xf32, #tpu.memory_space<hbm>>
    %dma_wait3A_342 = tpu.memref_squeeze %dma_wait3A_341 : memref<1x125x1x80xf32, #tpu.memory_space<hbm>> -> memref<125x1x80xf32, #tpu.memory_space<hbm>>
    %dma_wait3A_343 = arith.constant 0 : i32
    %dma_wait3A_344 = arith.constant 0 : i32
    %dma_wait3A_345 = tpu.memref_slice %dma_wait3A_342[%dma_wait3A_328, %dma_wait3A_343, %dma_wait3A_344] : memref<125x1x80xf32, #tpu.memory_space<hbm>> -> memref<1x1x80xf32, #tpu.memory_space<hbm>>
    %dma_wait3A_346 = tpu.memref_squeeze %dma_wait3A_345 : memref<1x1x80xf32, #tpu.memory_space<hbm>> -> memref<1x80xf32, #tpu.memory_space<hbm>>
    tpu.wait_dma2 semaphore(%arg32 : memref<!tpu.dma_semaphore, #tpu.memory_space<semaphore_mem>>) src(%dma_wait3A_346 : memref<1x80xf32, #tpu.memory_space<hbm>>) dst(%arg17 : memref<1x80xf32, #tpu.memory_space<vmem>>)
    %dma_start3A_347 = arith.constant 124 : i32
    %dma_start3A_348 = arith.constant 0 : i32
    %dma_start3A_349 = arith.constant 0 : i32
    %dma_start3A_350 = arith.constant 0 : i32
    %dma_start3A_351 = tpu.memref_slice %arg4[%add3A, %dma_start3A_348, %dma_start3A_349, %dma_start3A_350] : memref<32x125x1x80xi32, #tpu.memory_space<hbm>> -> memref<1x125x1x80xi32, #tpu.memory_space<hbm>>
    %dma_start3A_352 = tpu.memref_squeeze %dma_start3A_351 : memref<1x125x1x80xi32, #tpu.memory_space<hbm>> -> memref<125x1x80xi32, #tpu.memory_space<hbm>>
    %dma_start3A_353 = arith.constant 0 : i32
    %dma_start3A_354 = arith.constant 0 : i32
    %dma_start3A_355 = tpu.memref_slice %dma_start3A_352[%dma_start3A_347, %dma_start3A_353, %dma_start3A_354] : memref<125x1x80xi32, #tpu.memory_space<hbm>> -> memref<1x1x80xi32, #tpu.memory_space<hbm>>
    %dma_start3A_356 = tpu.memref_squeeze %dma_start3A_355 : memref<1x1x80xi32, #tpu.memory_space<hbm>> -> memref<1x80xi32, #tpu.memory_space<hbm>>
    %dma_start3A_357 = arith.constant 0 : i32
    %dma_start3A_358 = arith.constant 0 : i32
    %dma_start3A_359 = arith.constant 0 : i32
    %dma_start3A_360 = tpu.memref_slice %arg4[%add3A, %dma_start3A_357, %dma_start3A_358, %dma_start3A_359] : memref<32x125x1x80xi32, #tpu.memory_space<hbm>> -> memref<1x125x1x80xi32, #tpu.memory_space<hbm>>
    %dma_start3A_361 = tpu.memref_squeeze %dma_start3A_360 : memref<1x125x1x80xi32, #tpu.memory_space<hbm>> -> memref<125x1x80xi32, #tpu.memory_space<hbm>>
    %dma_start3A_362 = arith.constant 0 : i32
    %dma_start3A_363 = arith.constant 0 : i32
    %dma_start3A_364 = tpu.memref_slice %dma_start3A_361[%dma_start3A_347, %dma_start3A_362, %dma_start3A_363] : memref<125x1x80xi32, #tpu.memory_space<hbm>> -> memref<1x1x80xi32, #tpu.memory_space<hbm>>
    %dma_start3A_365 = tpu.memref_squeeze %dma_start3A_364 : memref<1x1x80xi32, #tpu.memory_space<hbm>> -> memref<1x80xi32, #tpu.memory_space<hbm>>
    tpu.enqueue_dma source(%dma_start3A_365 : memref<1x80xi32, #tpu.memory_space<hbm>>) target(%arg13 : memref<1x80xi32, #tpu.memory_space<vmem>>) target_semaphore(%arg34 : memref<!tpu.dma_semaphore, #tpu.memory_space<semaphore_mem>>)
    %dma_start3A_366 = arith.constant 124 : i32
    %dma_start3A_367 = arith.constant 0 : i32
    %dma_start3A_368 = arith.constant 0 : i32
    %dma_start3A_369 = arith.constant 0 : i32
    %dma_start3A_370 = tpu.memref_slice %arg5[%add3A, %dma_start3A_367, %dma_start3A_368, %dma_start3A_369] : memref<32x125x1x80xf32, #tpu.memory_space<hbm>> -> memref<1x125x1x80xf32, #tpu.memory_space<hbm>>
    %dma_start3A_371 = tpu.memref_squeeze %dma_start3A_370 : memref<1x125x1x80xf32, #tpu.memory_space<hbm>> -> memref<125x1x80xf32, #tpu.memory_space<hbm>>
    %dma_start3A_372 = arith.constant 0 : i32
    %dma_start3A_373 = arith.constant 0 : i32
    %dma_start3A_374 = tpu.memref_slice %dma_start3A_371[%dma_start3A_366, %dma_start3A_372, %dma_start3A_373] : memref<125x1x80xf32, #tpu.memory_space<hbm>> -> memref<1x1x80xf32, #tpu.memory_space<hbm>>
    %dma_start3A_375 = tpu.memref_squeeze %dma_start3A_374 : memref<1x1x80xf32, #tpu.memory_space<hbm>> -> memref<1x80xf32, #tpu.memory_space<hbm>>
    %dma_start3A_376 = arith.constant 0 : i32
    %dma_start3A_377 = arith.constant 0 : i32
    %dma_start3A_378 = arith.constant 0 : i32
    %dma_start3A_379 = tpu.memref_slice %arg5[%add3A, %dma_start3A_376, %dma_start3A_377, %dma_start3A_378] : memref<32x125x1x80xf32, #tpu.memory_space<hbm>> -> memref<1x125x1x80xf32, #tpu.memory_space<hbm>>
    %dma_start3A_380 = tpu.memref_squeeze %dma_start3A_379 : memref<1x125x1x80xf32, #tpu.memory_space<hbm>> -> memref<125x1x80xf32, #tpu.memory_space<hbm>>
    %dma_start3A_381 = arith.constant 0 : i32
    %dma_start3A_382 = arith.constant 0 : i32
    %dma_start3A_383 = tpu.memref_slice %dma_start3A_380[%dma_start3A_366, %dma_start3A_381, %dma_start3A_382] : memref<125x1x80xf32, #tpu.memory_space<hbm>> -> memref<1x1x80xf32, #tpu.memory_space<hbm>>
    %dma_start3A_384 = tpu.memref_squeeze %dma_start3A_383 : memref<1x1x80xf32, #tpu.memory_space<hbm>> -> memref<1x80xf32, #tpu.memory_space<hbm>>
    tpu.enqueue_dma source(%dma_start3A_384 : memref<1x80xf32, #tpu.memory_space<hbm>>) target(%arg19 : memref<1x80xf32, #tpu.memory_space<vmem>>) target_semaphore(%arg34 : memref<!tpu.dma_semaphore, #tpu.memory_space<semaphore_mem>>)
    %parallel_loop3A_385 = arith.constant 0 : i32
    %parallel_loop3A_386 = arith.constant 80 : i32
    %parallel_loop3A_387 = arith.constant 1 : i32
    scf.for %parallel_loop3A_490 = %parallel_loop3A_385 to %parallel_loop3A_386 step %parallel_loop3A_387  : i32 {
      %parallel_loop3A_491 = arith.constant 0 : i32
      %parallel_loop3A_492 = vector.broadcast %parallel_loop3A_491 : i32 to vector<16xi32>
      %parallel_loop3A_493 = vector.broadcast %parallel_loop3A_490 : i32 to vector<16xi32>
      %parallel_loop3A_494 = tpu.vector_load_idx %arg17[%parallel_loop3A_492, %parallel_loop3A_493] : memref<1x80xf32, #tpu.memory_space<vmem>>[vector<16xi32>, vector<16xi32>], vector<16xf32>,
      %parallel_loop3A_495 = arith.index_cast %parallel_loop3A_490 : i32 to index
      %parallel_loop3A_496 = arith.constant 0 : index
      %parallel_loop3A_497 = tpu.vector_load %arg23[%parallel_loop3A_495, %parallel_loop3A_496] {strides = array<i32>} : memref<80x128xf32, #tpu.memory_space<vmem>>, vector<16xf32>,
      %parallel_loop3A_498 = arith.mulf %parallel_loop3A_497, %parallel_loop3A_494 : vector<16xf32>
      %parallel_loop3A_499 = arith.index_cast %parallel_loop3A_490 : i32 to index
      %parallel_loop3A_500 = arith.constant 0 : index
      %parallel_loop3A_501 = tpu.vector_load %arg23[%parallel_loop3A_499, %parallel_loop3A_500] {strides = array<i32>} : memref<80x128xf32, #tpu.memory_space<vmem>>, vector<16xf32>,
      tpu.vector_store %arg23[%parallel_loop3A_499, %parallel_loop3A_500], %parallel_loop3A_498 {strides = array<i32>} : memref<80x128xf32, #tpu.memory_space<vmem>>, vector<16xf32>,
      %parallel_loop3A_502 = arith.index_cast %parallel_loop3A_490 : i32 to index
      %parallel_loop3A_503 = arith.constant 16 : index
      %parallel_loop3A_504 = tpu.vector_load %arg23[%parallel_loop3A_502, %parallel_loop3A_503] {strides = array<i32>} : memref<80x128xf32, #tpu.memory_space<vmem>>, vector<16xf32>,
      %parallel_loop3A_505 = arith.mulf %parallel_loop3A_504, %parallel_loop3A_494 : vector<16xf32>
      %parallel_loop3A_506 = arith.index_cast %parallel_loop3A_490 : i32 to index
      %parallel_loop3A_507 = arith.constant 16 : index
      %parallel_loop3A_508 = tpu.vector_load %arg23[%parallel_loop3A_506, %parallel_loop3A_507] {strides = array<i32>} : memref<80x128xf32, #tpu.memory_space<vmem>>, vector<16xf32>,
      tpu.vector_store %arg23[%parallel_loop3A_506, %parallel_loop3A_507], %parallel_loop3A_505 {strides = array<i32>} : memref<80x128xf32, #tpu.memory_space<vmem>>, vector<16xf32>,
      %parallel_loop3A_509 = arith.index_cast %parallel_loop3A_490 : i32 to index
      %parallel_loop3A_510 = arith.constant 32 : index
      %parallel_loop3A_511 = tpu.vector_load %arg23[%parallel_loop3A_509, %parallel_loop3A_510] {strides = array<i32>} : memref<80x128xf32, #tpu.memory_space<vmem>>, vector<16xf32>,
      %parallel_loop3A_512 = arith.mulf %parallel_loop3A_511, %parallel_loop3A_494 : vector<16xf32>
      %parallel_loop3A_513 = arith.index_cast %parallel_loop3A_490 : i32 to index
      %parallel_loop3A_514 = arith.constant 32 : index
      %parallel_loop3A_515 = tpu.vector_load %arg23[%parallel_loop3A_513, %parallel_loop3A_514] {strides = array<i32>} : memref<80x128xf32, #tpu.memory_space<vmem>>, vector<16xf32>,
      tpu.vector_store %arg23[%parallel_loop3A_513, %parallel_loop3A_514], %parallel_loop3A_512 {strides = array<i32>} : memref<80x128xf32, #tpu.memory_space<vmem>>, vector<16xf32>,
      %parallel_loop3A_516 = arith.index_cast %parallel_loop3A_490 : i32 to index
      %parallel_loop3A_517 = arith.constant 48 : index
      %parallel_loop3A_518 = tpu.vector_load %arg23[%parallel_loop3A_516, %parallel_loop3A_517] {strides = array<i32>} : memref<80x128xf32, #tpu.memory_space<vmem>>, vector<16xf32>,
      %parallel_loop3A_519 = arith.mulf %parallel_loop3A_518, %parallel_loop3A_494 : vector<16xf32>
      %parallel_loop3A_520 = arith.index_cast %parallel_loop3A_490 : i32 to index
      %parallel_loop3A_521 = arith.constant 48 : index
      %parallel_loop3A_522 = tpu.vector_load %arg23[%parallel_loop3A_520, %parallel_loop3A_521] {strides = array<i32>} : memref<80x128xf32, #tpu.memory_space<vmem>>, vector<16xf32>,
      tpu.vector_store %arg23[%parallel_loop3A_520, %parallel_loop3A_521], %parallel_loop3A_519 {strides = array<i32>} : memref<80x128xf32, #tpu.memory_space<vmem>>, vector<16xf32>,
      %parallel_loop3A_523 = arith.index_cast %parallel_loop3A_490 : i32 to index
      %parallel_loop3A_524 = arith.constant 64 : index
      %parallel_loop3A_525 = tpu.vector_load %arg23[%parallel_loop3A_523, %parallel_loop3A_524] {strides = array<i32>} : memref<80x128xf32, #tpu.memory_space<vmem>>, vector<16xf32>,
      %parallel_loop3A_526 = arith.mulf %parallel_loop3A_525, %parallel_loop3A_494 : vector<16xf32>
      %parallel_loop3A_527 = arith.index_cast %parallel_loop3A_490 : i32 to index
      %parallel_loop3A_528 = arith.constant 64 : index
      %parallel_loop3A_529 = tpu.vector_load %arg23[%parallel_loop3A_527, %parallel_loop3A_528] {strides = array<i32>} : memref<80x128xf32, #tpu.memory_space<vmem>>, vector<16xf32>,
      tpu.vector_store %arg23[%parallel_loop3A_527, %parallel_loop3A_528], %parallel_loop3A_526 {strides = array<i32>} : memref<80x128xf32, #tpu.memory_space<vmem>>, vector<16xf32>,
      %parallel_loop3A_530 = arith.index_cast %parallel_loop3A_490 : i32 to index
      %parallel_loop3A_531 = arith.constant 80 : index
      %parallel_loop3A_532 = tpu.vector_load %arg23[%parallel_loop3A_530, %parallel_loop3A_531] {strides = array<i32>} : memref<80x128xf32, #tpu.memory_space<vmem>>, vector<16xf32>,
      %parallel_loop3A_533 = arith.mulf %parallel_loop3A_532, %parallel_loop3A_494 : vector<16xf32>
      %parallel_loop3A_534 = arith.index_cast %parallel_loop3A_490 : i32 to index
      %parallel_loop3A_535 = arith.constant 80 : index
      %parallel_loop3A_536 = tpu.vector_load %arg23[%parallel_loop3A_534, %parallel_loop3A_535] {strides = array<i32>} : memref<80x128xf32, #tpu.memory_space<vmem>>, vector<16xf32>,
      tpu.vector_store %arg23[%parallel_loop3A_534, %parallel_loop3A_535], %parallel_loop3A_533 {strides = array<i32>} : memref<80x128xf32, #tpu.memory_space<vmem>>, vector<16xf32>,
      %parallel_loop3A_537 = arith.index_cast %parallel_loop3A_490 : i32 to index
      %parallel_loop3A_538 = arith.constant 96 : index
      %parallel_loop3A_539 = tpu.vector_load %arg23[%parallel_loop3A_537, %parallel_loop3A_538] {strides = array<i32>} : memref<80x128xf32, #tpu.memory_space<vmem>>, vector<16xf32>,
      %parallel_loop3A_540 = arith.mulf %parallel_loop3A_539, %parallel_loop3A_494 : vector<16xf32>
      %parallel_loop3A_541 = arith.index_cast %parallel_loop3A_490 : i32 to index
      %parallel_loop3A_542 = arith.constant 96 : index
      %parallel_loop3A_543 = tpu.vector_load %arg23[%parallel_loop3A_541, %parallel_loop3A_542] {strides = array<i32>} : memref<80x128xf32, #tpu.memory_space<vmem>>, vector<16xf32>,
      tpu.vector_store %arg23[%parallel_loop3A_541, %parallel_loop3A_542], %parallel_loop3A_540 {strides = array<i32>} : memref<80x128xf32, #tpu.memory_space<vmem>>, vector<16xf32>,
      %parallel_loop3A_544 = arith.index_cast %parallel_loop3A_490 : i32 to index
      %parallel_loop3A_545 = arith.constant 112 : index
      %parallel_loop3A_546 = tpu.vector_load %arg23[%parallel_loop3A_544, %parallel_loop3A_545] {strides = array<i32>} : memref<80x128xf32, #tpu.memory_space<vmem>>, vector<16xf32>,
      %parallel_loop3A_547 = arith.mulf %parallel_loop3A_546, %parallel_loop3A_494 : vector<16xf32>
      %parallel_loop3A_548 = arith.index_cast %parallel_loop3A_490 : i32 to index
      %parallel_loop3A_549 = arith.constant 112 : index
      %parallel_loop3A_550 = tpu.vector_load %arg23[%parallel_loop3A_548, %parallel_loop3A_549] {strides = array<i32>} : memref<80x128xf32, #tpu.memory_space<vmem>>, vector<16xf32>,
      tpu.vector_store %arg23[%parallel_loop3A_548, %parallel_loop3A_549], %parallel_loop3A_547 {strides = array<i32>} : memref<80x128xf32, #tpu.memory_space<vmem>>, vector<16xf32>,
    } {sc.loop_unroll_factor = 4 : i64, sc.parallel_access}
    %dma_wait3A_388 = arith.constant 0 : i32
    %dma_wait3A_389 = tpu.memref_slice %arg8[%dma_wait3A_388] : memref<10000xi32, #tpu.memory_space<vmem>> -> memref<80xi32, #tpu.memory_space<vmem>>
    %dma_wait3A_390 = arith.constant 0 : i32
    %dma_wait3A_391 = arith.constant 0 : i32
    %dma_wait3A_392 = tpu.memref_slice %arg2[%dma_wait3A_390, %dma_wait3A_391] : memref<10000x128xf32, #tpu.memory_space<hbm>> -> memref<10000x128xf32, #tpu.memory_space<hbm>>
    tpu.wait_indirect_dma semaphore(%arg24 : memref<!tpu.dma_semaphore, #tpu.memory_space<semaphore_mem>>) src(%dma_wait3A_392 : memref<10000x128xf32, #tpu.memory_space<hbm>>) dst(%arg21 : memref<80x128xf32, #tpu.memory_space<vmem>>)
    %dma_start3A_393 = arith.constant 9920 : i32
    %dma_start3A_394 = tpu.memref_slice %arg8[%dma_start3A_393] : memref<10000xi32, #tpu.memory_space<vmem>> -> memref<80xi32, #tpu.memory_space<vmem>>
    %dma_start3A_395 = arith.constant 0 : i32
    %dma_start3A_396 = arith.constant 0 : i32
    %dma_start3A_397 = tpu.memref_slice %arg2[%dma_start3A_395, %dma_start3A_396] : memref<10000x128xf32, #tpu.memory_space<hbm>> -> memref<10000x128xf32, #tpu.memory_space<hbm>>
    tpu.enqueue_indirect_dma source(%dma_start3A_397 : memref<10000x128xf32, #tpu.memory_space<hbm>>) target(%arg22 : memref<80x128xf32, #tpu.memory_space<vmem>>) offsets(%dma_start3A_394 : memref<80xi32, #tpu.memory_space<vmem>>) semaphore(%arg25 : memref<!tpu.dma_semaphore, #tpu.memory_space<semaphore_mem>>)
    %dma_wait3A_398 = arith.constant 0 : i32
    %dma_wait3A_399 = arith.constant 0 : i32
    %dma_wait3A_400 = arith.constant 0 : i32
    %dma_wait3A_401 = arith.constant 0 : i32
    %dma_wait3A_402 = tpu.memref_slice %arg4[%add3A, %dma_wait3A_399, %dma_wait3A_400, %dma_wait3A_401] : memref<32x125x1x80xi32, #tpu.memory_space<hbm>> -> memref<1x125x1x80xi32, #tpu.memory_space<hbm>>
    %dma_wait3A_403 = tpu.memref_squeeze %dma_wait3A_402 : memref<1x125x1x80xi32, #tpu.memory_space<hbm>> -> memref<125x1x80xi32, #tpu.memory_space<hbm>>
    %dma_wait3A_404 = arith.constant 0 : i32
    %dma_wait3A_405 = arith.constant 0 : i32
    %dma_wait3A_406 = tpu.memref_slice %dma_wait3A_403[%dma_wait3A_398, %dma_wait3A_404, %dma_wait3A_405] : memref<125x1x80xi32, #tpu.memory_space<hbm>> -> memref<1x1x80xi32, #tpu.memory_space<hbm>>
    %dma_wait3A_407 = tpu.memref_squeeze %dma_wait3A_406 : memref<1x1x80xi32, #tpu.memory_space<hbm>> -> memref<1x80xi32, #tpu.memory_space<hbm>>
    %dma_wait3A_408 = arith.constant 0 : i32
    %dma_wait3A_409 = arith.constant 0 : i32
    %dma_wait3A_410 = arith.constant 0 : i32
    %dma_wait3A_411 = tpu.memref_slice %arg4[%add3A, %dma_wait3A_408, %dma_wait3A_409, %dma_wait3A_410] : memref<32x125x1x80xi32, #tpu.memory_space<hbm>> -> memref<1x125x1x80xi32, #tpu.memory_space<hbm>>
    %dma_wait3A_412 = tpu.memref_squeeze %dma_wait3A_411 : memref<1x125x1x80xi32, #tpu.memory_space<hbm>> -> memref<125x1x80xi32, #tpu.memory_space<hbm>>
    %dma_wait3A_413 = arith.constant 0 : i32
    %dma_wait3A_414 = arith.constant 0 : i32
    %dma_wait3A_415 = tpu.memref_slice %dma_wait3A_412[%dma_wait3A_398, %dma_wait3A_413, %dma_wait3A_414] : memref<125x1x80xi32, #tpu.memory_space<hbm>> -> memref<1x1x80xi32, #tpu.memory_space<hbm>>
    %dma_wait3A_416 = tpu.memref_squeeze %dma_wait3A_415 : memref<1x1x80xi32, #tpu.memory_space<hbm>> -> memref<1x80xi32, #tpu.memory_space<hbm>>
    tpu.wait_dma2 semaphore(%arg33 : memref<!tpu.dma_semaphore, #tpu.memory_space<semaphore_mem>>) src(%dma_wait3A_416 : memref<1x80xi32, #tpu.memory_space<hbm>>) dst(%arg12 : memref<1x80xi32, #tpu.memory_space<vmem>>)
    %dma_wait3A_417 = arith.constant 0 : i32
    %dma_wait3A_418 = arith.constant 0 : i32
    %dma_wait3A_419 = arith.constant 0 : i32
    %dma_wait3A_420 = arith.constant 0 : i32
    %dma_wait3A_421 = tpu.memref_slice %arg5[%add3A, %dma_wait3A_418, %dma_wait3A_419, %dma_wait3A_420] : memref<32x125x1x80xf32, #tpu.memory_space<hbm>> -> memref<1x125x1x80xf32, #tpu.memory_space<hbm>>
    %dma_wait3A_422 = tpu.memref_squeeze %dma_wait3A_421 : memref<1x125x1x80xf32, #tpu.memory_space<hbm>> -> memref<125x1x80xf32, #tpu.memory_space<hbm>>
    %dma_wait3A_423 = arith.constant 0 : i32
    %dma_wait3A_424 = arith.constant 0 : i32
    %dma_wait3A_425 = tpu.memref_slice %dma_wait3A_422[%dma_wait3A_417, %dma_wait3A_423, %dma_wait3A_424] : memref<125x1x80xf32, #tpu.memory_space<hbm>> -> memref<1x1x80xf32, #tpu.memory_space<hbm>>
    %dma_wait3A_426 = tpu.memref_squeeze %dma_wait3A_425 : memref<1x1x80xf32, #tpu.memory_space<hbm>> -> memref<1x80xf32, #tpu.memory_space<hbm>>
    %dma_wait3A_427 = arith.constant 0 : i32
    %dma_wait3A_428 = arith.constant 0 : i32
    %dma_wait3A_429 = arith.constant 0 : i32
    %dma_wait3A_430 = tpu.memref_slice %arg5[%add3A, %dma_wait3A_427, %dma_wait3A_428, %dma_wait3A_429] : memref<32x125x1x80xf32, #tpu.memory_space<hbm>> -> memref<1x125x1x80xf32, #tpu.memory_space<hbm>>
    %dma_wait3A_431 = tpu.memref_squeeze %dma_wait3A_430 : memref<1x125x1x80xf32, #tpu.memory_space<hbm>> -> memref<125x1x80xf32, #tpu.memory_space<hbm>>
    %dma_wait3A_432 = arith.constant 0 : i32
    %dma_wait3A_433 = arith.constant 0 : i32
    %dma_wait3A_434 = tpu.memref_slice %dma_wait3A_431[%dma_wait3A_417, %dma_wait3A_432, %dma_wait3A_433] : memref<125x1x80xf32, #tpu.memory_space<hbm>> -> memref<1x1x80xf32, #tpu.memory_space<hbm>>
    %dma_wait3A_435 = tpu.memref_squeeze %dma_wait3A_434 : memref<1x1x80xf32, #tpu.memory_space<hbm>> -> memref<1x80xf32, #tpu.memory_space<hbm>>
    tpu.wait_dma2 semaphore(%arg33 : memref<!tpu.dma_semaphore, #tpu.memory_space<semaphore_mem>>) src(%dma_wait3A_435 : memref<1x80xf32, #tpu.memory_space<hbm>>) dst(%arg18 : memref<1x80xf32, #tpu.memory_space<vmem>>)
    %parallel_loop3A_436 = arith.constant 0 : i32
    %parallel_loop3A_437 = arith.constant 80 : i32
    %parallel_loop3A_438 = arith.constant 1 : i32
    scf.for %parallel_loop3A_490 = %parallel_loop3A_436 to %parallel_loop3A_437 step %parallel_loop3A_438  : i32 {
      %parallel_loop3A_491 = arith.constant 0 : i32
      %parallel_loop3A_492 = vector.broadcast %parallel_loop3A_491 : i32 to vector<16xi32>
      %parallel_loop3A_493 = vector.broadcast %parallel_loop3A_490 : i32 to vector<16xi32>
      %parallel_loop3A_494 = tpu.vector_load_idx %arg18[%parallel_loop3A_492, %parallel_loop3A_493] : memref<1x80xf32, #tpu.memory_space<vmem>>[vector<16xi32>, vector<16xi32>], vector<16xf32>,
      %parallel_loop3A_495 = arith.index_cast %parallel_loop3A_490 : i32 to index
      %parallel_loop3A_496 = arith.constant 0 : index
      %parallel_loop3A_497 = tpu.vector_load %arg21[%parallel_loop3A_495, %parallel_loop3A_496] {strides = array<i32>} : memref<80x128xf32, #tpu.memory_space<vmem>>, vector<16xf32>,
      %parallel_loop3A_498 = arith.mulf %parallel_loop3A_497, %parallel_loop3A_494 : vector<16xf32>
      %parallel_loop3A_499 = arith.index_cast %parallel_loop3A_490 : i32 to index
      %parallel_loop3A_500 = arith.constant 0 : index
      %parallel_loop3A_501 = tpu.vector_load %arg21[%parallel_loop3A_499, %parallel_loop3A_500] {strides = array<i32>} : memref<80x128xf32, #tpu.memory_space<vmem>>, vector<16xf32>,
      tpu.vector_store %arg21[%parallel_loop3A_499, %parallel_loop3A_500], %parallel_loop3A_498 {strides = array<i32>} : memref<80x128xf32, #tpu.memory_space<vmem>>, vector<16xf32>,
      %parallel_loop3A_502 = arith.index_cast %parallel_loop3A_490 : i32 to index
      %parallel_loop3A_503 = arith.constant 16 : index
      %parallel_loop3A_504 = tpu.vector_load %arg21[%parallel_loop3A_502, %parallel_loop3A_503] {strides = array<i32>} : memref<80x128xf32, #tpu.memory_space<vmem>>, vector<16xf32>,
      %parallel_loop3A_505 = arith.mulf %parallel_loop3A_504, %parallel_loop3A_494 : vector<16xf32>
      %parallel_loop3A_506 = arith.index_cast %parallel_loop3A_490 : i32 to index
      %parallel_loop3A_507 = arith.constant 16 : index
      %parallel_loop3A_508 = tpu.vector_load %arg21[%parallel_loop3A_506, %parallel_loop3A_507] {strides = array<i32>} : memref<80x128xf32, #tpu.memory_space<vmem>>, vector<16xf32>,
      tpu.vector_store %arg21[%parallel_loop3A_506, %parallel_loop3A_507], %parallel_loop3A_505 {strides = array<i32>} : memref<80x128xf32, #tpu.memory_space<vmem>>, vector<16xf32>,
      %parallel_loop3A_509 = arith.index_cast %parallel_loop3A_490 : i32 to index
      %parallel_loop3A_510 = arith.constant 32 : index
      %parallel_loop3A_511 = tpu.vector_load %arg21[%parallel_loop3A_509, %parallel_loop3A_510] {strides = array<i32>} : memref<80x128xf32, #tpu.memory_space<vmem>>, vector<16xf32>,
      %parallel_loop3A_512 = arith.mulf %parallel_loop3A_511, %parallel_loop3A_494 : vector<16xf32>
      %parallel_loop3A_513 = arith.index_cast %parallel_loop3A_490 : i32 to index
      %parallel_loop3A_514 = arith.constant 32 : index
      %parallel_loop3A_515 = tpu.vector_load %arg21[%parallel_loop3A_513, %parallel_loop3A_514] {strides = array<i32>} : memref<80x128xf32, #tpu.memory_space<vmem>>, vector<16xf32>,
      tpu.vector_store %arg21[%parallel_loop3A_513, %parallel_loop3A_514], %parallel_loop3A_512 {strides = array<i32>} : memref<80x128xf32, #tpu.memory_space<vmem>>, vector<16xf32>,
      %parallel_loop3A_516 = arith.index_cast %parallel_loop3A_490 : i32 to index
      %parallel_loop3A_517 = arith.constant 48 : index
      %parallel_loop3A_518 = tpu.vector_load %arg21[%parallel_loop3A_516, %parallel_loop3A_517] {strides = array<i32>} : memref<80x128xf32, #tpu.memory_space<vmem>>, vector<16xf32>,
      %parallel_loop3A_519 = arith.mulf %parallel_loop3A_518, %parallel_loop3A_494 : vector<16xf32>
      %parallel_loop3A_520 = arith.index_cast %parallel_loop3A_490 : i32 to index
      %parallel_loop3A_521 = arith.constant 48 : index
      %parallel_loop3A_522 = tpu.vector_load %arg21[%parallel_loop3A_520, %parallel_loop3A_521] {strides = array<i32>} : memref<80x128xf32, #tpu.memory_space<vmem>>, vector<16xf32>,
      tpu.vector_store %arg21[%parallel_loop3A_520, %parallel_loop3A_521], %parallel_loop3A_519 {strides = array<i32>} : memref<80x128xf32, #tpu.memory_space<vmem>>, vector<16xf32>,
      %parallel_loop3A_523 = arith.index_cast %parallel_loop3A_490 : i32 to index
      %parallel_loop3A_524 = arith.constant 64 : index
      %parallel_loop3A_525 = tpu.vector_load %arg21[%parallel_loop3A_523, %parallel_loop3A_524] {strides = array<i32>} : memref<80x128xf32, #tpu.memory_space<vmem>>, vector<16xf32>,
      %parallel_loop3A_526 = arith.mulf %parallel_loop3A_525, %parallel_loop3A_494 : vector<16xf32>
      %parallel_loop3A_527 = arith.index_cast %parallel_loop3A_490 : i32 to index
      %parallel_loop3A_528 = arith.constant 64 : index
      %parallel_loop3A_529 = tpu.vector_load %arg21[%parallel_loop3A_527, %parallel_loop3A_528] {strides = array<i32>} : memref<80x128xf32, #tpu.memory_space<vmem>>, vector<16xf32>,
      tpu.vector_store %arg21[%parallel_loop3A_527, %parallel_loop3A_528], %parallel_loop3A_526 {strides = array<i32>} : memref<80x128xf32, #tpu.memory_space<vmem>>, vector<16xf32>,
      %parallel_loop3A_530 = arith.index_cast %parallel_loop3A_490 : i32 to index
      %parallel_loop3A_531 = arith.constant 80 : index
      %parallel_loop3A_532 = tpu.vector_load %arg21[%parallel_loop3A_530, %parallel_loop3A_531] {strides = array<i32>} : memref<80x128xf32, #tpu.memory_space<vmem>>, vector<16xf32>,
      %parallel_loop3A_533 = arith.mulf %parallel_loop3A_532, %parallel_loop3A_494 : vector<16xf32>
      %parallel_loop3A_534 = arith.index_cast %parallel_loop3A_490 : i32 to index
      %parallel_loop3A_535 = arith.constant 80 : index
      %parallel_loop3A_536 = tpu.vector_load %arg21[%parallel_loop3A_534, %parallel_loop3A_535] {strides = array<i32>} : memref<80x128xf32, #tpu.memory_space<vmem>>, vector<16xf32>,
      tpu.vector_store %arg21[%parallel_loop3A_534, %parallel_loop3A_535], %parallel_loop3A_533 {strides = array<i32>} : memref<80x128xf32, #tpu.memory_space<vmem>>, vector<16xf32>,
      %parallel_loop3A_537 = arith.index_cast %parallel_loop3A_490 : i32 to index
      %parallel_loop3A_538 = arith.constant 96 : index
      %parallel_loop3A_539 = tpu.vector_load %arg21[%parallel_loop3A_537, %parallel_loop3A_538] {strides = array<i32>} : memref<80x128xf32, #tpu.memory_space<vmem>>, vector<16xf32>,
      %parallel_loop3A_540 = arith.mulf %parallel_loop3A_539, %parallel_loop3A_494 : vector<16xf32>
      %parallel_loop3A_541 = arith.index_cast %parallel_loop3A_490 : i32 to index
      %parallel_loop3A_542 = arith.constant 96 : index
      %parallel_loop3A_543 = tpu.vector_load %arg21[%parallel_loop3A_541, %parallel_loop3A_542] {strides = array<i32>} : memref<80x128xf32, #tpu.memory_space<vmem>>, vector<16xf32>,
      tpu.vector_store %arg21[%parallel_loop3A_541, %parallel_loop3A_542], %parallel_loop3A_540 {strides = array<i32>} : memref<80x128xf32, #tpu.memory_space<vmem>>, vector<16xf32>,
      %parallel_loop3A_544 = arith.index_cast %parallel_loop3A_490 : i32 to index
      %parallel_loop3A_545 = arith.constant 112 : index
      %parallel_loop3A_546 = tpu.vector_load %arg21[%parallel_loop3A_544, %parallel_loop3A_545] {strides = array<i32>} : memref<80x128xf32, #tpu.memory_space<vmem>>, vector<16xf32>,
      %parallel_loop3A_547 = arith.mulf %parallel_loop3A_546, %parallel_loop3A_494 : vector<16xf32>
      %parallel_loop3A_548 = arith.index_cast %parallel_loop3A_490 : i32 to index
      %parallel_loop3A_549 = arith.constant 112 : index
      %parallel_loop3A_550 = tpu.vector_load %arg21[%parallel_loop3A_548, %parallel_loop3A_549] {strides = array<i32>} : memref<80x128xf32, #tpu.memory_space<vmem>>, vector<16xf32>,
      tpu.vector_store %arg21[%parallel_loop3A_548, %parallel_loop3A_549], %parallel_loop3A_547 {strides = array<i32>} : memref<80x128xf32, #tpu.memory_space<vmem>>, vector<16xf32>,
    } {sc.loop_unroll_factor = 4 : i64, sc.parallel_access}
    %dma_wait3A_439 = arith.constant 0 : i32
    %dma_wait3A_440 = tpu.memref_slice %arg8[%dma_wait3A_439] : memref<10000xi32, #tpu.memory_space<vmem>> -> memref<80xi32, #tpu.memory_space<vmem>>
    %dma_wait3A_441 = arith.constant 0 : i32
    %dma_wait3A_442 = arith.constant 0 : i32
    %dma_wait3A_443 = tpu.memref_slice %arg2[%dma_wait3A_441, %dma_wait3A_442] : memref<10000x128xf32, #tpu.memory_space<hbm>> -> memref<10000x128xf32, #tpu.memory_space<hbm>>
    tpu.wait_indirect_dma semaphore(%arg25 : memref<!tpu.dma_semaphore, #tpu.memory_space<semaphore_mem>>) src(%dma_wait3A_443 : memref<10000x128xf32, #tpu.memory_space<hbm>>) dst(%arg22 : memref<80x128xf32, #tpu.memory_space<vmem>>)
    %dma_wait3A_444 = arith.constant 0 : i32
    %dma_wait3A_445 = arith.constant 0 : i32
    %dma_wait3A_446 = arith.constant 0 : i32
    %dma_wait3A_447 = arith.constant 0 : i32
    %dma_wait3A_448 = tpu.memref_slice %arg4[%add3A, %dma_wait3A_445, %dma_wait3A_446, %dma_wait3A_447] : memref<32x125x1x80xi32, #tpu.memory_space<hbm>> -> memref<1x125x1x80xi32, #tpu.memory_space<hbm>>
    %dma_wait3A_449 = tpu.memref_squeeze %dma_wait3A_448 : memref<1x125x1x80xi32, #tpu.memory_space<hbm>> -> memref<125x1x80xi32, #tpu.memory_space<hbm>>
    %dma_wait3A_450 = arith.constant 0 : i32
    %dma_wait3A_451 = arith.constant 0 : i32
    %dma_wait3A_452 = tpu.memref_slice %dma_wait3A_449[%dma_wait3A_444, %dma_wait3A_450, %dma_wait3A_451] : memref<125x1x80xi32, #tpu.memory_space<hbm>> -> memref<1x1x80xi32, #tpu.memory_space<hbm>>
    %dma_wait3A_453 = tpu.memref_squeeze %dma_wait3A_452 : memref<1x1x80xi32, #tpu.memory_space<hbm>> -> memref<1x80xi32, #tpu.memory_space<hbm>>
    %dma_wait3A_454 = arith.constant 0 : i32
    %dma_wait3A_455 = arith.constant 0 : i32
    %dma_wait3A_456 = arith.constant 0 : i32
    %dma_wait3A_457 = tpu.memref_slice %arg4[%add3A, %dma_wait3A_454, %dma_wait3A_455, %dma_wait3A_456] : memref<32x125x1x80xi32, #tpu.memory_space<hbm>> -> memref<1x125x1x80xi32, #tpu.memory_space<hbm>>
    %dma_wait3A_458 = tpu.memref_squeeze %dma_wait3A_457 : memref<1x125x1x80xi32, #tpu.memory_space<hbm>> -> memref<125x1x80xi32, #tpu.memory_space<hbm>>
    %dma_wait3A_459 = arith.constant 0 : i32
    %dma_wait3A_460 = arith.constant 0 : i32
    %dma_wait3A_461 = tpu.memref_slice %dma_wait3A_458[%dma_wait3A_444, %dma_wait3A_459, %dma_wait3A_460] : memref<125x1x80xi32, #tpu.memory_space<hbm>> -> memref<1x1x80xi32, #tpu.memory_space<hbm>>
    %dma_wait3A_462 = tpu.memref_squeeze %dma_wait3A_461 : memref<1x1x80xi32, #tpu.memory_space<hbm>> -> memref<1x80xi32, #tpu.memory_space<hbm>>
    tpu.wait_dma2 semaphore(%arg34 : memref<!tpu.dma_semaphore, #tpu.memory_space<semaphore_mem>>) src(%dma_wait3A_462 : memref<1x80xi32, #tpu.memory_space<hbm>>) dst(%arg13 : memref<1x80xi32, #tpu.memory_space<vmem>>)
    %dma_wait3A_463 = arith.constant 0 : i32
    %dma_wait3A_464 = arith.constant 0 : i32
    %dma_wait3A_465 = arith.constant 0 : i32
    %dma_wait3A_466 = arith.constant 0 : i32
    %dma_wait3A_467 = tpu.memref_slice %arg5[%add3A, %dma_wait3A_464, %dma_wait3A_465, %dma_wait3A_466] : memref<32x125x1x80xf32, #tpu.memory_space<hbm>> -> memref<1x125x1x80xf32, #tpu.memory_space<hbm>>
    %dma_wait3A_468 = tpu.memref_squeeze %dma_wait3A_467 : memref<1x125x1x80xf32, #tpu.memory_space<hbm>> -> memref<125x1x80xf32, #tpu.memory_space<hbm>>
    %dma_wait3A_469 = arith.constant 0 : i32
    %dma_wait3A_470 = arith.constant 0 : i32
    %dma_wait3A_471 = tpu.memref_slice %dma_wait3A_468[%dma_wait3A_463, %dma_wait3A_469, %dma_wait3A_470] : memref<125x1x80xf32, #tpu.memory_space<hbm>> -> memref<1x1x80xf32, #tpu.memory_space<hbm>>
    %dma_wait3A_472 = tpu.memref_squeeze %dma_wait3A_471 : memref<1x1x80xf32, #tpu.memory_space<hbm>> -> memref<1x80xf32, #tpu.memory_space<hbm>>
    %dma_wait3A_473 = arith.constant 0 : i32
    %dma_wait3A_474 = arith.constant 0 : i32
    %dma_wait3A_475 = arith.constant 0 : i32
    %dma_wait3A_476 = tpu.memref_slice %arg5[%add3A, %dma_wait3A_473, %dma_wait3A_474, %dma_wait3A_475] : memref<32x125x1x80xf32, #tpu.memory_space<hbm>> -> memref<1x125x1x80xf32, #tpu.memory_space<hbm>>
    %dma_wait3A_477 = tpu.memref_squeeze %dma_wait3A_476 : memref<1x125x1x80xf32, #tpu.memory_space<hbm>> -> memref<125x1x80xf32, #tpu.memory_space<hbm>>
    %dma_wait3A_478 = arith.constant 0 : i32
    %dma_wait3A_479 = arith.constant 0 : i32
    %dma_wait3A_480 = tpu.memref_slice %dma_wait3A_477[%dma_wait3A_463, %dma_wait3A_478, %dma_wait3A_479] : memref<125x1x80xf32, #tpu.memory_space<hbm>> -> memref<1x1x80xf32, #tpu.memory_space<hbm>>
    %dma_wait3A_481 = tpu.memref_squeeze %dma_wait3A_480 : memref<1x1x80xf32, #tpu.memory_space<hbm>> -> memref<1x80xf32, #tpu.memory_space<hbm>>
    tpu.wait_dma2 semaphore(%arg34 : memref<!tpu.dma_semaphore, #tpu.memory_space<semaphore_mem>>) src(%dma_wait3A_481 : memref<1x80xf32, #tpu.memory_space<hbm>>) dst(%arg19 : memref<1x80xf32, #tpu.memory_space<vmem>>)
    %parallel_loop3A_482 = arith.constant 0 : i32
    %parallel_loop3A_483 = arith.constant 80 : i32
    %parallel_loop3A_484 = arith.constant 1 : i32
    scf.for %parallel_loop3A_490 = %parallel_loop3A_482 to %parallel_loop3A_483 step %parallel_loop3A_484  : i32 {
      %parallel_loop3A_491 = arith.constant 0 : i32
      %parallel_loop3A_492 = vector.broadcast %parallel_loop3A_491 : i32 to vector<16xi32>
      %parallel_loop3A_493 = vector.broadcast %parallel_loop3A_490 : i32 to vector<16xi32>
      %parallel_loop3A_494 = tpu.vector_load_idx %arg19[%parallel_loop3A_492, %parallel_loop3A_493] : memref<1x80xf32, #tpu.memory_space<vmem>>[vector<16xi32>, vector<16xi32>], vector<16xf32>,
      %parallel_loop3A_495 = arith.index_cast %parallel_loop3A_490 : i32 to index
      %parallel_loop3A_496 = arith.constant 0 : index
      %parallel_loop3A_497 = tpu.vector_load %arg22[%parallel_loop3A_495, %parallel_loop3A_496] {strides = array<i32>} : memref<80x128xf32, #tpu.memory_space<vmem>>, vector<16xf32>,
      %parallel_loop3A_498 = arith.mulf %parallel_loop3A_497, %parallel_loop3A_494 : vector<16xf32>
      %parallel_loop3A_499 = arith.index_cast %parallel_loop3A_490 : i32 to index
      %parallel_loop3A_500 = arith.constant 0 : index
      %parallel_loop3A_501 = tpu.vector_load %arg22[%parallel_loop3A_499, %parallel_loop3A_500] {strides = array<i32>} : memref<80x128xf32, #tpu.memory_space<vmem>>, vector<16xf32>,
      tpu.vector_store %arg22[%parallel_loop3A_499, %parallel_loop3A_500], %parallel_loop3A_498 {strides = array<i32>} : memref<80x128xf32, #tpu.memory_space<vmem>>, vector<16xf32>,
      %parallel_loop3A_502 = arith.index_cast %parallel_loop3A_490 : i32 to index
      %parallel_loop3A_503 = arith.constant 16 : index
      %parallel_loop3A_504 = tpu.vector_load %arg22[%parallel_loop3A_502, %parallel_loop3A_503] {strides = array<i32>} : memref<80x128xf32, #tpu.memory_space<vmem>>, vector<16xf32>,
      %parallel_loop3A_505 = arith.mulf %parallel_loop3A_504, %parallel_loop3A_494 : vector<16xf32>
      %parallel_loop3A_506 = arith.index_cast %parallel_loop3A_490 : i32 to index
      %parallel_loop3A_507 = arith.constant 16 : index
      %parallel_loop3A_508 = tpu.vector_load %arg22[%parallel_loop3A_506, %parallel_loop3A_507] {strides = array<i32>} : memref<80x128xf32, #tpu.memory_space<vmem>>, vector<16xf32>,
      tpu.vector_store %arg22[%parallel_loop3A_506, %parallel_loop3A_507], %parallel_loop3A_505 {strides = array<i32>} : memref<80x128xf32, #tpu.memory_space<vmem>>, vector<16xf32>,
      %parallel_loop3A_509 = arith.index_cast %parallel_loop3A_490 : i32 to index
      %parallel_loop3A_510 = arith.constant 32 : index
      %parallel_loop3A_511 = tpu.vector_load %arg22[%parallel_loop3A_509, %parallel_loop3A_510] {strides = array<i32>} : memref<80x128xf32, #tpu.memory_space<vmem>>, vector<16xf32>,
      %parallel_loop3A_512 = arith.mulf %parallel_loop3A_511, %parallel_loop3A_494 : vector<16xf32>
      %parallel_loop3A_513 = arith.index_cast %parallel_loop3A_490 : i32 to index
      %parallel_loop3A_514 = arith.constant 32 : index
      %parallel_loop3A_515 = tpu.vector_load %arg22[%parallel_loop3A_513, %parallel_loop3A_514] {strides = array<i32>} : memref<80x128xf32, #tpu.memory_space<vmem>>, vector<16xf32>,
      tpu.vector_store %arg22[%parallel_loop3A_513, %parallel_loop3A_514], %parallel_loop3A_512 {strides = array<i32>} : memref<80x128xf32, #tpu.memory_space<vmem>>, vector<16xf32>,
      %parallel_loop3A_516 = arith.index_cast %parallel_loop3A_490 : i32 to index
      %parallel_loop3A_517 = arith.constant 48 : index
      %parallel_loop3A_518 = tpu.vector_load %arg22[%parallel_loop3A_516, %parallel_loop3A_517] {strides = array<i32>} : memref<80x128xf32, #tpu.memory_space<vmem>>, vector<16xf32>,
      %parallel_loop3A_519 = arith.mulf %parallel_loop3A_518, %parallel_loop3A_494 : vector<16xf32>
      %parallel_loop3A_520 = arith.index_cast %parallel_loop3A_490 : i32 to index
      %parallel_loop3A_521 = arith.constant 48 : index
      %parallel_loop3A_522 = tpu.vector_load %arg22[%parallel_loop3A_520, %parallel_loop3A_521] {strides = array<i32>} : memref<80x128xf32, #tpu.memory_space<vmem>>, vector<16xf32>,
      tpu.vector_store %arg22[%parallel_loop3A_520, %parallel_loop3A_521], %parallel_loop3A_519 {strides = array<i32>} : memref<80x128xf32, #tpu.memory_space<vmem>>, vector<16xf32>,
      %parallel_loop3A_523 = arith.index_cast %parallel_loop3A_490 : i32 to index
      %parallel_loop3A_524 = arith.constant 64 : index
      %parallel_loop3A_525 = tpu.vector_load %arg22[%parallel_loop3A_523, %parallel_loop3A_524] {strides = array<i32>} : memref<80x128xf32, #tpu.memory_space<vmem>>, vector<16xf32>,
      %parallel_loop3A_526 = arith.mulf %parallel_loop3A_525, %parallel_loop3A_494 : vector<16xf32>
      %parallel_loop3A_527 = arith.index_cast %parallel_loop3A_490 : i32 to index
      %parallel_loop3A_528 = arith.constant 64 : index
      %parallel_loop3A_529 = tpu.vector_load %arg22[%parallel_loop3A_527, %parallel_loop3A_528] {strides = array<i32>} : memref<80x128xf32, #tpu.memory_space<vmem>>, vector<16xf32>,
      tpu.vector_store %arg22[%parallel_loop3A_527, %parallel_loop3A_528], %parallel_loop3A_526 {strides = array<i32>} : memref<80x128xf32, #tpu.memory_space<vmem>>, vector<16xf32>,
      %parallel_loop3A_530 = arith.index_cast %parallel_loop3A_490 : i32 to index
      %parallel_loop3A_531 = arith.constant 80 : index
      %parallel_loop3A_532 = tpu.vector_load %arg22[%parallel_loop3A_530, %parallel_loop3A_531] {strides = array<i32>} : memref<80x128xf32, #tpu.memory_space<vmem>>, vector<16xf32>,
      %parallel_loop3A_533 = arith.mulf %parallel_loop3A_532, %parallel_loop3A_494 : vector<16xf32>
      %parallel_loop3A_534 = arith.index_cast %parallel_loop3A_490 : i32 to index
      %parallel_loop3A_535 = arith.constant 80 : index
      %parallel_loop3A_536 = tpu.vector_load %arg22[%parallel_loop3A_534, %parallel_loop3A_535] {strides = array<i32>} : memref<80x128xf32, #tpu.memory_space<vmem>>, vector<16xf32>,
      tpu.vector_store %arg22[%parallel_loop3A_534, %parallel_loop3A_535], %parallel_loop3A_533 {strides = array<i32>} : memref<80x128xf32, #tpu.memory_space<vmem>>, vector<16xf32>,
      %parallel_loop3A_537 = arith.index_cast %parallel_loop3A_490 : i32 to index
      %parallel_loop3A_538 = arith.constant 96 : index
      %parallel_loop3A_539 = tpu.vector_load %arg22[%parallel_loop3A_537, %parallel_loop3A_538] {strides = array<i32>} : memref<80x128xf32, #tpu.memory_space<vmem>>, vector<16xf32>,
      %parallel_loop3A_540 = arith.mulf %parallel_loop3A_539, %parallel_loop3A_494 : vector<16xf32>
      %parallel_loop3A_541 = arith.index_cast %parallel_loop3A_490 : i32 to index
      %parallel_loop3A_542 = arith.constant 96 : index
      %parallel_loop3A_543 = tpu.vector_load %arg22[%parallel_loop3A_541, %parallel_loop3A_542] {strides = array<i32>} : memref<80x128xf32, #tpu.memory_space<vmem>>, vector<16xf32>,
      tpu.vector_store %arg22[%parallel_loop3A_541, %parallel_loop3A_542], %parallel_loop3A_540 {strides = array<i32>} : memref<80x128xf32, #tpu.memory_space<vmem>>, vector<16xf32>,
      %parallel_loop3A_544 = arith.index_cast %parallel_loop3A_490 : i32 to index
      %parallel_loop3A_545 = arith.constant 112 : index
      %parallel_loop3A_546 = tpu.vector_load %arg22[%parallel_loop3A_544, %parallel_loop3A_545] {strides = array<i32>} : memref<80x128xf32, #tpu.memory_space<vmem>>, vector<16xf32>,
      %parallel_loop3A_547 = arith.mulf %parallel_loop3A_546, %parallel_loop3A_494 : vector<16xf32>
      %parallel_loop3A_548 = arith.index_cast %parallel_loop3A_490 : i32 to index
      %parallel_loop3A_549 = arith.constant 112 : index
      %parallel_loop3A_550 = tpu.vector_load %arg22[%parallel_loop3A_548, %parallel_loop3A_549] {strides = array<i32>} : memref<80x128xf32, #tpu.memory_space<vmem>>, vector<16xf32>,
      tpu.vector_store %arg22[%parallel_loop3A_548, %parallel_loop3A_549], %parallel_loop3A_547 {strides = array<i32>} : memref<80x128xf32, #tpu.memory_space<vmem>>, vector<16xf32>,
    } {sc.loop_unroll_factor = 4 : i64, sc.parallel_access}
    %barrier3A_485 = arith.constant 0 : index
    tpu.barrier barrier_id(%barrier3A_485)
    %mul3A_486 = arith.constant 640 : i32
    %mul3A_487 = arith.muli %arg1, %mul3A_486 : i32
    %mul3A_488 = arith.constant 640 : i32
    %mul3A_489 = arith.muli %arg1, %mul3A_488 : i32
    "tpu.region"() ({
      %run_scoped3A = tpu.sem_alloc : memref<!tpu.dma_semaphore, #tpu.memory_space<semaphore_mem>>
      %dma_start3A_490 = arith.constant 0 : i32
      %dma_start3A_491 = arith.constant 0 : i32
      %dma_start3A_492 = tpu.memref_slice %arg6[%arg0, %dma_start3A_490, %dma_start3A_491] : memref<2x10240x128xf32, #tpu.memory_space<hbm>> -> memref<1x10240x128xf32, #tpu.memory_space<hbm>>
      %dma_start3A_493 = tpu.memref_squeeze %dma_start3A_492 : memref<1x10240x128xf32, #tpu.memory_space<hbm>> -> memref<10240x128xf32, #tpu.memory_space<hbm>>
      %dma_start3A_494 = arith.constant 0 : i32
      %dma_start3A_495 = tpu.memref_slice %dma_start3A_493[%mul3A_489, %dma_start3A_494] : memref<10240x128xf32, #tpu.memory_space<hbm>> -> memref<640x128xf32, #tpu.memory_space<hbm>>
      %dma_start3A_496 = arith.constant 0 : i32
      %dma_start3A_497 = tpu.memref_slice %arg7[%mul3A_487, %dma_start3A_496] : memref<10240x128xf32, #tpu.memory_space<vmem_shared>> -> memref<640x128xf32, #tpu.memory_space<vmem_shared>>
      tpu.enqueue_dma source(%dma_start3A_497 : memref<640x128xf32, #tpu.memory_space<vmem_shared>>) target(%dma_start3A_495 : memref<640x128xf32, #tpu.memory_space<hbm>>) target_semaphore(%run_scoped3A : memref<!tpu.dma_semaphore, #tpu.memory_space<semaphore_mem>>)
      %dma_wait3A_498 = arith.constant 0 : i32
      %dma_wait3A_499 = arith.constant 0 : i32
      %dma_wait3A_500 = tpu.memref_slice %arg6[%arg0, %dma_wait3A_498, %dma_wait3A_499] : memref<2x10240x128xf32, #tpu.memory_space<hbm>> -> memref<1x10240x128xf32, #tpu.memory_space<hbm>>
      %dma_wait3A_501 = tpu.memref_squeeze %dma_wait3A_500 : memref<1x10240x128xf32, #tpu.memory_space<hbm>> -> memref<10240x128xf32, #tpu.memory_space<hbm>>
      %dma_wait3A_502 = arith.constant 0 : i32
      %dma_wait3A_503 = tpu.memref_slice %dma_wait3A_501[%mul3A_489, %dma_wait3A_502] : memref<10240x128xf32, #tpu.memory_space<hbm>> -> memref<640x128xf32, #tpu.memory_space<hbm>>
      %dma_wait3A_504 = arith.constant 0 : i32
      %dma_wait3A_505 = tpu.memref_slice %arg7[%mul3A_487, %dma_wait3A_504] : memref<10240x128xf32, #tpu.memory_space<vmem_shared>> -> memref<640x128xf32, #tpu.memory_space<vmem_shared>>
      tpu.wait_dma2 semaphore(%run_scoped3A : memref<!tpu.dma_semaphore, #tpu.memory_space<semaphore_mem>>) src(%dma_wait3A_505 : memref<640x128xf32, #tpu.memory_space<vmem_shared>>) dst(%dma_wait3A_503 : memref<640x128xf32, #tpu.memory_space<hbm>>)
      tpu.yield
    }) : () -> ()
    return
  }
}

module attributes {stable_mosaic.version = 14 : i64} {
  func.func @_combine_body(%arg0: i32, %arg1: memref<2x2000x128xf32, #tpu.memory_space<vmem>>, %arg2: memref<2000x128xf32, #tpu.memory_space<vmem>>, %arg3: memref<128x128xf32, #tpu.memory_space<vmem>>, %arg4: memref<1x128xf32, #tpu.memory_space<vmem>>, %arg5: memref<128x128xf32, #tpu.memory_space<vmem>>, %arg6: memref<2000x128xf32, #tpu.memory_space<vmem>>) attributes {dimension_semantics = [#tpu.dimension_semantics<arbitrary>], iteration_bounds = array<i64: 5>, scalar_prefetch = 0 : i64, scratch_operands = 0 : i64, tpu.core_type = #tpu.core_type<tc>, window_params = [{transform_indices = @transform_0, window_bounds = array<i64: 2, 2000, 128>}, {transform_indices = @transform_1, window_bounds = array<i64: 2000, 128>}, {pipeline_mode = #tpu.pipeline_mode<synchronous>, transform_indices = @transform_2, window_bounds = array<i64: 128, 128>}, {pipeline_mode = #tpu.pipeline_mode<synchronous>, transform_indices = @transform_3, window_bounds = array<i64: 1, 128>}, {pipeline_mode = #tpu.pipeline_mode<synchronous>, transform_indices = @transform_4, window_bounds = array<i64: 128, 128>}, {transform_indices = @transform_5, window_bounds = array<i64: 2000, 128>}]} {
    %get3A = arith.constant 0 : index
    %get3A_0 = arith.constant 0 : index
    %get3A_1 = arith.constant 0 : index
    %get3A_2 = vector.load %arg1[%get3A, %get3A_0, %get3A_1] : memref<2x2000x128xf32, #tpu.memory_space<vmem>>, vector<1x2000x128xf32>
    %get3A_3 = vector.shape_cast %get3A_2 : vector<1x2000x128xf32> to vector<2000x128xf32>
    %get3A_4 = arith.constant 1 : index
    %get3A_5 = arith.constant 0 : index
    %get3A_6 = arith.constant 0 : index
    %get3A_7 = vector.load %arg1[%get3A_4, %get3A_5, %get3A_6] : memref<2x2000x128xf32, #tpu.memory_space<vmem>>, vector<1x2000x128xf32>
    %get3A_8 = vector.shape_cast %get3A_7 : vector<1x2000x128xf32> to vector<2000x128xf32>
    %add3A = arith.addf %get3A_3, %get3A_8 : vector<2000x128xf32>
    %get3A_9 = arith.constant 0 : index
    %get3A_10 = arith.constant 0 : index
    %get3A_11 = vector.load %arg3[%get3A_9, %get3A_10] : memref<128x128xf32, #tpu.memory_space<vmem>>, vector<128x128xf32>
    %dot_general3A = arith.constant dense<0.000000e+00> : vector<2000x128xf32>
    %dot_general3A_12 = tpu.matmul %add3A, %get3A_11, %dot_general3A {dimension_numbers = #tpu.dot_dimension_numbers<[1], [0], [0], [1], [0, 0, 1, 1], [], []>, transpose_lhs_hint = false} : vector<2000x128xf32>, vector<128x128xf32>, vector<2000x128xf32> -> vector<2000x128xf32>
    %get3A_13 = arith.constant 0 : index
    %get3A_14 = arith.constant 0 : index
    %get3A_15 = vector.load %arg2[%get3A_13, %get3A_14] : memref<2000x128xf32, #tpu.memory_space<vmem>>, vector<2000x128xf32>
    %get3A_16 = arith.constant 0 : index
    %get3A_17 = arith.constant 0 : index
    %get3A_18 = vector.load %arg5[%get3A_16, %get3A_17] : memref<128x128xf32, #tpu.memory_space<vmem>>, vector<128x128xf32>
    %dot_general3A_19 = arith.constant dense<0.000000e+00> : vector<2000x128xf32>
    %dot_general3A_20 = tpu.matmul %get3A_15, %get3A_18, %dot_general3A_19 {dimension_numbers = #tpu.dot_dimension_numbers<[1], [0], [0], [1], [0, 0, 1, 1], [], []>, transpose_lhs_hint = false} : vector<2000x128xf32>, vector<128x128xf32>, vector<2000x128xf32> -> vector<2000x128xf32>
    %add3A_21 = arith.addf %dot_general3A_12, %dot_general3A_20 : vector<2000x128xf32>
    %get3A_22 = arith.constant 0 : index
    %get3A_23 = arith.constant 0 : index
    %get3A_24 = vector.load %arg4[%get3A_22, %get3A_23] : memref<1x128xf32, #tpu.memory_space<vmem>>, vector<1x128xf32>
    %add3A_25 = vector.broadcast %get3A_24 : vector<1x128xf32> to vector<2000x128xf32>
    %add3A_26 = arith.addf %add3A_21, %add3A_25 : vector<2000x128xf32>
    %max3A = arith.constant 0.000000e+00 : f32
    %max3A_27 = vector.broadcast %max3A : f32 to vector<2000x128xf32>
    %max3A_28 = arith.maximumf %add3A_26, %max3A_27 : vector<2000x128xf32>
    %get3A_29 = arith.constant 0 : index
    %get3A_30 = arith.constant 0 : index
    %get3A_31 = vector.load %arg2[%get3A_29, %get3A_30] : memref<2000x128xf32, #tpu.memory_space<vmem>>, vector<2000x128xf32>
    %add3A_32 = arith.addf %max3A_28, %get3A_31 : vector<2000x128xf32>
    %max3A_33 = arith.constant 0.000000e+00 : f32
    %max3A_34 = vector.broadcast %max3A_33 : f32 to vector<2000x128xf32>
    %max3A_35 = arith.maximumf %add3A_32, %max3A_34 : vector<2000x128xf32>
    %swap3A = arith.constant 0 : index
    %swap3A_36 = arith.constant 0 : index
    %swap3A_37 = vector.load %arg6[%swap3A, %swap3A_36] : memref<2000x128xf32, #tpu.memory_space<vmem>>, vector<2000x128xf32>
    tpu.vector_store %arg6[%swap3A, %swap3A_36], %max3A_35 {strides = array<i32>} : memref<2000x128xf32, #tpu.memory_space<vmem>>, vector<2000x128xf32>,
    return
  }
  func.func @transform_0(%arg0: i32) -> (i32, i32, i32) {
    %c0_i32 = arith.constant 0 : i32
    %c0_i32_0 = arith.constant 0 : i32
    %c0_i32_1 = arith.constant 0 : i32
    return %c0_i32, %arg0, %c0_i32_0 : i32, i32, i32
  }
  func.func @transform_1(%arg0: i32) -> (i32, i32) {
    %c0_i32 = arith.constant 0 : i32
    %c0_i32_0 = arith.constant 0 : i32
    return %arg0, %c0_i32 : i32, i32
  }
  func.func @transform_2(%arg0: i32) -> (i32, i32) {
    %c0_i32 = arith.constant 0 : i32
    %c0_i32_0 = arith.constant 0 : i32
    %c0_i32_1 = arith.constant 0 : i32
    return %c0_i32, %c0_i32_0 : i32, i32
  }
  func.func @transform_3(%arg0: i32) -> (i32, i32) {
    %c0_i32 = arith.constant 0 : i32
    %c0_i32_0 = arith.constant 0 : i32
    %c0_i32_1 = arith.constant 0 : i32
    return %c0_i32, %c0_i32_0 : i32, i32
  }
  func.func @transform_4(%arg0: i32) -> (i32, i32) {
    %c0_i32 = arith.constant 0 : i32
    %c0_i32_0 = arith.constant 0 : i32
    %c0_i32_1 = arith.constant 0 : i32
    return %c0_i32, %c0_i32_0 : i32, i32
  }
  func.func @transform_5(%arg0: i32) -> (i32, i32) {
    %c0_i32 = arith.constant 0 : i32
    %c0_i32_0 = arith.constant 0 : i32
    return %arg0, %c0_i32 : i32, i32
  }
}

</mosaic_0001>

<sc_bundles>
// kernel: kernel.4.cloned.1.call-start
scs
__scs_entry_jumppad:
0x0: {  	(pc) =	sbr.rel $0x88, $3  }
0x1: {  	(tag) =	ssettag $0x0;
	lr =	simm.s32 $0x1  }
0x2: {  	[smem:$0x3F9B] =	sst lr;
	_ =	strace $0xD0000000  }
0x3: {  	_ = 	snop  }
0x4: {  	_ = 	snop  }
0x5: {  	_ = 	snop  }
0x6: {  	_ = 	snop  }
0x7: {  	_ = 	snop  }
__scs_overlays_trampoline_lowered:
0x8: {  	[smem:$0x3FAA] =	sst s0  }
0x9: {  	[smem:$0x3FAB] =	sst s1  }
0xa: {  	[smem:$0x3FAC] =	sst s2  }
0xb: {  	[smem:$0x3FAD] =	sst s3  }
0xc: {  	[smem:$0x3FAE] =	sst s4  }
0xd: {  	[smem:$0x3FAF] =	sst s5  }
0xe: {  	[smem:$0x3FB0] =	sst s6  }
0xf: {  	[smem:$0x3FB1] =	sst s7  }
0x10: {  	[smem:$0x3FB2] =	sst s8  }
0x11: {  	[smem:$0x3FB3] =	sst s9;
	s0 =	simm.s32 @!p0 $0x0  }
0x12: {  	s1 =	sld [smem:$0x3F99];
	s0 =	simm.s32 @p0 $0x1  }
0x13: {  	[smem:$0x3FB4] =	sst s0;
	s0 =	simm.s32 @!p1 $0x0  }
0x14: {  	s2 =	sld [smem:$0x3F98];
	s0 =	simm.s32 @p1 $0x1  }
0x15: {  	[smem:$0x3FB5] =	sst s0;
	s0 =	simm.s32 @!p2 $0x0  }
0x16: {  	s3 =	sld [smem:$0x3FDB];
	s0 =	simm.s32 @p2 $0x1  }
0x17: {  	s4 =	simm.s32 $0x1BF5;
	[smem:$0x3FB7] =	sst s0  }
0x18: {  	s0 =	sld [smem:$0x3F9A];
	_ =	swait.ge [sflag:s4], $0x0  }
0x19: {  	s7 =	sld [smem:$0x3F9B]  }
0x1a: {  	s8 =	sadd.s32 $0xFFFFE003, lr  }
0x1b: {  	s9 =	sadd.s32 $0xFFFFFEF7, lr;
	s5 =	simm.s32 $0xFFFFFFFF;
	p2 =	slt.u32 s8, $0xFFFFF086  }
0x1c: {  	p1 =	slt.u32 s9, $0xF7A;
	s5 =	simm.s32 @!p2 $0x0  }
0x1d: {  	s5 =	simm.s32 @p1 $0x1;
	p0 =	seq.s32 s7, s2  }
0x1e: {  	s7 =	smul.u32 @!p0 $0xF7A, s2;
	p2 =	seq.s32 @!p0 s5, $0x0  }
0x1f: {  	s9 =	smul.u32 $0xF7A, s1;
	s8 =	simm.s32 @!p0 $0x1BF5;
	p2 =	por !p2, p0  }
0x20: {  	[sflag:s8] =	ssyncset.s32 @!p0 $0xFFFFF086;
	s6 =	sadd.s32 @!p0 s3, s7;
	s7 =	simm.s32 @!p0 $0x108  }
0x21: {  	s3 =	sadd.s32 s3, s9;
	s6 =	sadd.s32 @!p0 $0x88, s6;
	s7 =	simm.s32 @p2 $0x1082  }
0x22: {  	[simem:s7], [sflag:s8] =	dma.local @!p0 [hbm:s6], $0xF7A  }
0x23: {  	s9 =	sor.u32 $0xD0000000, s2;
	s6 =	simm.s32 $0x108;
	_ =	swait.ge @!p0 [sflag:s8], $0x0  }
0x24: {  	s3 =	sadd.s32 $0x88, s3;
	s6 =	simm.s32 @!p1 $0x1082;
	[sflag:s4] =	ssyncset.s32 $0xFFFFF086  }
0x25: {  	[simem:s6], [sflag:s4] =	dma.local [hbm:s3], $0xF7A  }
0x26: {  	[smem:$0x3F9B] =	sst s1;
	(tag) =	ssettag s2;
	_ =	strace s9  }
0x27: {  	s1 =	sld [smem:$0x3FAB]  }
0x28: {  	s2 =	sld [smem:$0x3FAC]  }
0x29: {  	s4 =	sld [smem:$0x3FAE]  }
0x2a: {  	p0 =	seq.s32 s5, $0x0;
	s5 =	sld [smem:$0x3FAF]  }
0x2b: {  	s6 =	sld [smem:$0x3FB0]  }
0x2c: {  	s7 =	sld [smem:$0x3FB1]  }
0x2d: {  	s3 =	simm.s32 $0x108;
	s8 =	sld [smem:$0x3FB2]  }
0x2e: {  	s3 =	simm.s32 @!p0 $0x1082;
	s9 =	sld [smem:$0x3FB3]  }
0x2f: {  	lr =	sadd.s32 s0, s3;
	s0 =	sld [smem:$0x3FAA]  }
0x30: {  	s3 =	sld [smem:$0x3FAD]  }
0x31: {  	[smem:$0x3FB6] =	sst s10  }
0x32: {  	s10 =	sld [smem:$0x3FB4];
	_ =	sdelay $0x3  }
0x33: {  	p0 =	seq.s32 s10, $0x1;
	s10 =	sld [smem:$0x3FB6];
	_ =	sdelay $0x3  }
0x34: {  	[smem:$0x3FB6] =	sst s10  }
0x35: {  	s10 =	sld [smem:$0x3FB5];
	_ =	sdelay $0x3  }
0x36: {  	p1 =	seq.s32 s10, $0x1;
	s10 =	sld [smem:$0x3FB6];
	_ =	sdelay $0x3  }
0x37: {  	[smem:$0x3FB6] =	sst s10  }
0x38: {  	s10 =	sld [smem:$0x3FB7]  }
0x39: {  	_ = 	snop;
	(pc) =	sbr.ind lr, $3  }
0x3a: {  	_ = 	snop  }
0x3b: {  	_ = 	snop  }
0x3c: {  	p2 =	seq.s32 s10, $0x1;
	s10 =	sld [smem:$0x3FB6]  }
0x3d: {  	_ =	shalt  }
0x3e: {  	_ =	shalt  }
0x3f: {  	_ =	shalt  }
0x40: {  	_ =	shalt  }
0x41: {  	_ =	shalt  }
0x42: {  	_ =	shalt  }
0x43: {  	_ =	shalt  }
0x44: {  	_ =	shalt  }
0x45: {  	_ =	shalt  }
0x46: {  	_ =	shalt  }
0x47: {  	_ =	shalt  }
0x48: {  	_ =	shalt  }
0x49: {  	_ =	shalt  }
0x4a: {  	_ =	shalt  }
0x4b: {  	_ =	shalt  }
0x4c: {  	_ =	shalt  }
0x4d: {  	_ =	shalt  }
0x4e: {  	_ =	shalt  }
0x4f: {  	_ =	shalt  }
0x50: {  	_ =	shalt  }
0x51: {  	_ =	shalt  }
0x52: {  	_ =	shalt  }
0x53: {  	_ =	shalt  }
0x54: {  	_ =	shalt  }
0x55: {  	_ =	shalt  }
0x56: {  	_ =	shalt  }
0x57: {  	_ =	shalt  }
0x58: {  	_ =	shalt  }
0x59: {  	_ =	shalt  }
0x5a: {  	_ =	shalt  }
0x5b: {  	_ =	shalt  }
0x5c: {  	_ =	shalt  }
0x5d: {  	_ =	shalt  }
0x5e: {  	_ =	shalt  }
0x5f: {  	_ =	shalt  }
0x60: {  	_ =	shalt  }
0x61: {  	_ =	shalt  }
0x62: {  	_ =	shalt  }
0x63: {  	_ =	shalt  }
0x64: {  	_ =	shalt  }
0x65: {  	_ =	shalt  }
0x66: {  	_ =	shalt  }
0x67: {  	_ =	shalt  }
0x68: {  	_ =	shalt  }
0x69: {  	_ =	shalt  }
0x6a: {  	_ =	shalt  }
0x6b: {  	_ =	shalt  }
0x6c: {  	_ =	shalt  }
0x6d: {  	_ =	shalt  }
0x6e: {  	_ =	shalt  }
0x6f: {  	_ =	shalt  }
0x70: {  	_ =	shalt  }
0x71: {  	_ =	shalt  }
0x72: {  	_ =	shalt  }
0x73: {  	_ =	shalt  }
0x74: {  	_ =	shalt  }
0x75: {  	_ =	shalt  }
0x76: {  	_ =	shalt  }
0x77: {  	_ =	shalt  }
0x78: {  	_ =	shalt  }
0x79: {  	_ =	shalt  }
0x7a: {  	_ =	shalt  }
0x7b: {  	_ =	shalt  }
0x7c: {  	_ =	shalt  }
0x7d: {  	_ =	shalt  }
0x7e: {  	_ =	shalt  }
0x7f: {  	_ =	shalt  }
0x80: {  	_ =	shalt  }
0x81: {  	_ =	shalt  }
0x82: {  	_ =	shalt  }
0x83: {  	_ =	shalt  }
0x84: {  	_ =	shalt  }
0x85: {  	_ =	shalt  }
0x86: {  	_ =	shalt  }
0x87: {  	_ =	shalt  }
.Lfunc_end0:
.L_simem_size_0:
called_computation_lowered:
.L_overlay_start_0:
0x88: {  	s2 =	sld [smem:$0x3FD9]  }
0x89: {  	s3 =	sld [smem:$0x3FFE];
	_ =	sdelay $0x1  }
0x8a: {  	s1 =	srdreg.scid  }
0x8b: {  	s0 =	sand.u32 $0x1, s1  }
0x8c: {  	s17 =	sshll.u32 s0, $0xA;
	s2 =	sadd.s32 s3, s2  }
0x8d: {  	s2 =	sadd.s32 s2, s17  }
0x8e: {  	[smem:$0x3FC2] =	sst s2  }
0x8f: {  	_ = 	snop  }
0x90: {  	s2 =	sld [smem:$0x3FC9]  }
0x91: {  	s18 =	sld [smem:$0x3FD0];
	(tm) =	ssettm $0x1  }
0x92: {  	s4 =	sld [smem:$0x3FFB];
	_ =	sdelay $0x3  }
0x93: {  	_ =	strace s4  }
0x94: {  	s4 =	sld [smem:$0x3FFC];
	_ =	sdelay $0x3  }
0x95: {  	_ =	strace s4  }
0x96: {  	s4 =	sld [smem:$0x3FFD];
	_ =	sdelay $0x3  }
0x97: {  	_ =	strace s4  }
0x98: {  	_ =	strace $0x8FFFFFFF  }
0x99: {  	s19 =	sld [smem:$0x3FDB];
	_ =	sdelay $0x1  }
0x9a: {  	s5 =	simm.s32 $_scs_section_size  }
0x9b: {  	s6 =	simm.s32 $_size__tile_overlayer_lowered;
	s7 =	simm.s32 $_tile_overlayer_lowered  }
0x9c: {  	s22 =	simm.s32 $0x1BFF;
	s21 =	sshll.u32 s7, $0x1;
	s4 =	sadd.s32 s5, s19  }
0x9d: {  	s8 =	simm.s32 $0x0;
	s20 =	sshll.u32 s6, $0x1;
	s6 =	sadd.s32 s21, s4  }
0x9e: {  	[timem:s8], [sflag:s22] =	dma.local [hbm:s6], s20  }
0x9f: {  	_ =	swait.ge [sflag:s22], s20  }
0xa0: {  	s5 =	ssub.s32 $0x0, s20;
	[sflag:s22] =	ssyncset.done $0x0  }
0xa1: {  	[sflag:s22] =	ssyncadd.s32 s5;
	_ =	sdelay $0x1  }
0xa2: {  	s23 =	simm.s32 $0x1B8B  }
0xa3: {  	_ =	swait.ge [sflag:s23], $0x1  }
0xa4: {  	[sflag:s23] =	ssyncset.done $0x0  }
0xa5: {  	s25 =	simm.s32 $0x1B8E;
	s24 =	sld [smem:$0x3FFE];
	[sflag:s23] =	ssyncadd.s32 $0xFFFFFFFF  }
0xa6: {  	s26 =	simm.s32 $execute0_lowered;
	[smem:$0x3FD2] =	sst s25  }
0xa7: {  	s6 =	sshll.u32 s26, $0x1;
	_ =	strace $0x80000046;
	[dreg:$0x1] =	wrdreg $0xFFFFFFFF  }
0xa8: {  	s28 =	simm.s32 $_size_execute0_lowered;
	s4 =	sadd.s32 s4, s6;
	[dreg:$0x0] =	wrdreg $0x0  }
0xa9: {  	s6 =	sshll.u32 s28, $0x1;
	[dreg:$0x2] =	wrdreg s4  }
0xaa: {  	[dreg:$0x3] =	wrdreg s6  }
0xab: {  	[dreg:$0x4] =	wrdreg $0xC0  }
0xac: {  	_ =	task [dreg:s8], $0x5FFFF  }
0xad: {  	[dreg:$0x1] =	wrdreg $0xFFFFFFFF  }
0xae: {  	[dreg:$0x0] =	wrdreg $0x60  }
0xaf: {  	[dreg:$0x2] =	wrdreg s2  }
0xb0: {  	[dreg:$0x3] =	wrdreg s24  }
0xb1: {  	[dreg:$0x4] =	wrdreg s18  }
0xb2: {  	[dreg:$0x5] =	wrdreg $0x0  }
0xb3: {  	[dreg:$0x6] =	wrdreg $0x9  }
0xb4: {  	_ =	task.clear_ibuf [dreg:s8], $0x7FFFF;
	_ =	strace $0x90000046  }
0xb5: {  	s29 =	simm.s32 $0x9;
	_ =	strace $0x80000048  }
0xb6: {  	_ =	swait.ge [sflag:s29], $0x1  }
0xb7: {  	[sflag:s29] =	ssyncadd.s32 $0xFFFFFFFF  }
0xb8: {  	_ =	strace $0x90000048  }
0xb9: {  	_ =	sfence  }
0xba: {  	s30 =	sld [smem:$0x0];
	_ =	sdelay $0x2  }
0xbb: {  	s31 =	sshll.u32 s1, $0xD;
	s1 =	sshrl.u32 s1, $0x2  }
0xbc: {  	s3 =	sand.u32 $0x4000, s31;
	s1 =	sadd.s32 s1, s30  }
0xbd: {  	s0 =	sor.u32 s3, s0;
	s1 =	sshll.u32 s1, $0x11  }
0xbe: {  	s0 =	sor.u32 s1, s0  }
0xbf: {  	s0 =	sadd.s32 $0x8F2B, s0  }
0xc0: {  	[sflag:s0] =	ssyncadd.remote.s32 $0x1  }
0xc1: {  	_ =	sfence.sel $0xFFFF  }
0xc2: {  	[dreg:$0x0] =	wrdreg $0xFFFFFFFF;
	(pc) =	sbr.abs _section_cstart, $3  }
0xc3: {  	[dreg:$0x1] =	wrdreg $0xFFFFFFFF  }
0xc4: {  	_ =	task.clear_ibuf [dreg:s8], $0x2FFFF;
	_ =	strace $0x9FFFFFFF  }
0xc5: {  	(tm) =	ssettm $0x7FFFFFFF  }
tec
execute0_lowered:
.L_overlay_start_1:
0x0: {  	(tag) =	ssettag $0x1  }
0x1: {  	s1 =	rddreg [dreg:$0x0]  }
0x2: {  	s3 =	rddreg [dreg:$0x1]  }
0x3: {  	s0 =	srdreg.scid;
	s4 =	rddreg [dreg:$0x2]  }
0x4: {  	s10 =	stileid.u32;
	s6 =	rddreg [dreg:$0x3]  }
0x5: {  	s11 =	simm.s32 $0x0;
	s28 =	simm.s32 $0x1;
	s30 =	simm.s32 $0x19580  }
0x6: {  	s31 =	simm.s32 $0x4;
	s29 =	simm.s32 $0x1BD80;
	s12 =	simm.s32 $0x16D00  }
0x7: {  	s0 =	sand.u32 $0x1, s0;
	s7 =	sshll.u32 s10, $0x7;
	s15 =	smul.u32 $0x50000, s10  }
0x8: {  	[smem:$0x7FF] =	sst s11;
	s25 =	smul.u32 $0x2800, s10;
	s2 =	sshll.u32 s0, $0x4  }
0x9: {  	s7 =	sand.u32 $0x380, s7;
	s8 =	smul.u32 $0x28000, s0;
	s0 =	ssub.s32 $0x2, s0  }
0xa: {  	_ =	strace $0x80000047;
	s2 =	sor.u32 s10, s2;
	s16 =	sshrl.u32 s0, $0x1  }
0xb: {  	s10 =	simm.s32 $0x7;
	s5 =	sshrl.u32 s2, $0x3;
	s2 =	smul.u32 $0x7D0, s2  }
0xc: {  	s0 =	ssub.s32 s0, s16;
	s16 =	simm.s32 $0x16D80;
	s5 =	smul.u32 $0x13C00, s5  }
0xd: {  	s0 =	smax.u32 s0, $0x1;
	s9 =	sadd.s32 s2, s3;
	s13 =	sadd.s32 s4, s2  }
0xe: {  	[dreg:$0xf] =	wrdreg s0;
	s5 =	sor.u32 s7, s5;
	s7 =	sshrl.u32 s15, $0x2  }
0xf: {  	s0 =	simm.s32 $0x5;
	s14 =	sadd.s32 $0xE00, s9;
	s17 =	sadd.s32 s7, s6  }
0x10: {  	s9 =	simm.s32 $0x16C80;
	s6 =	sadd.s32 $0x2800, s17;
	[dreg:$0x6] =	wrdreg s17  }
0x11: {  	s15 =	simm.s32 $0x8;
	s18 =	sadd.s32 $0x5000, s17;
	[dreg:$0x7] =	wrdreg s6  }
0x12: {  	s5 =	sshrl.u32 s5, $0x3;
	s19 =	sadd.s32 $0x7800, s17;
	[dreg:$0x8] =	wrdreg s18  }
0x13: {  	s7 =	simm.s32 $0x6;
	s20 =	sadd.s32 $0xA000, s17;
	[dreg:$0x9] =	wrdreg s19  }
0x14: {  	s5 =	sadd.s32 s5, s3;
	s21 =	sadd.s32 $0xC800, s17;
	[dreg:$0xa] =	wrdreg s20  }
0x15: {  	s3 =	sadd.s32 s8, s3;
	s22 =	sadd.s32 $0xF000, s17;
	[dreg:$0xb] =	wrdreg s21  }
0x16: {  	s23 =	sadd.s32 $0x11800, s17;
	s8 =	simm.s32 $0x16980;
	[dreg:$0xc] =	wrdreg s22  }
0x17: {  	[dreg:$0xd] =	wrdreg s23;
	s5 =	sadd.s32 $0x10800, s5;
	s24 =	sadd.s32 $0x1A600, s3  }
0x18: {  	s20 =	simm.s32 $0xA;
	s22 =	simm.s32 $0x16A80;
	s18 =	simm.s32 $0x16B80  }
0x19: {  	s19 =	simm.s32 $0x2;
	s6 =	simm.s32 $0x3;
	[dreg:$0xe] =	wrdreg s5  }
0x1a: {  	s26 =	sadd.s32 s25, s24;
	s25 =	simm.s32 $0x16B00;
	s5 =	simm.s32 $0x16C00  }
0x1b: {  	v0 =	vimm.f32 $0.0e+00;
	s24 =	simm.s32 $0x9;
	[dreg:$0x10] =	wrdreg s26;
	s26 =	simm.s32 $0x50  }
.LBB2_1:
0x1c: {  	[dreg:$0x5] =	wrdreg s11;
	s3 =	simm.s32 $0x0;
	s4 =	simm.s32 $0x200  }
.LBB2_2:
0x1d: {  	p0 =	sne.s32 s4, $0x9E00;
	[tilespmem:s3+$0x16DF0] =	vst v0  }
0x1e: {  	[tilespmem:s3+$0x16D80] =	vst v0  }
0x1f: {  	[tilespmem:s3+$0x16D90] =	vst v0  }
.Ltmp0:
0x20: {  	[tilespmem:s3+$0x16DA0] =	vst v0;
	(pc) =	sbr.rel @p0 .LBB2_2-.Ltmp0, $4  }
0x21: {  	[tilespmem:s3+$0x16DB0] =	vst v0  }
0x22: {  	[tilespmem:s3+$0x16DC0] =	vst v0  }
0x23: {  	[tilespmem:s3+$0x16DD0] =	vst v0  }
0x24: {  	[tilespmem:s3+$0x16DE0] =	vst v0;
	s3 =	sshra.s32 s4, $0x2;
	s4 =	sadd.s32 $0x200, s4  }
0x25: {  	[tilespmem:s3+$0x16DF0] =	vst v0  }
0x26: {  	[tilespmem:s3+$0x16D80] =	vst v0  }
0x27: {  	[tilespmem:s3+$0x16D90] =	vst v0  }
0x28: {  	[tilespmem:s3+$0x16DA0] =	vst v0  }
0x29: {  	[tilespmem:s3+$0x16DB0] =	vst v0  }
0x2a: {  	[tilespmem:s3+$0x16DC0] =	vst v0  }
0x2b: {  	[tilespmem:s3+$0x16DD0] =	vst v0  }
0x2c: {  	[tilespmem:s3+$0x16DE0] =	vst v0  }
0x2d: {  	[spmem:s17] =	stream.linear.scatter [tilespmem:s16], [sflag:$0xA], $0x2800, $0x38;
	[tilespmem:$0x1E580] =	vst v63  }
0x2e: {  	_ =	swait.ge [sflag:s20], $0x2800  }
0x2f: {  	[sflag:s20] =	ssyncset.done $0x0  }
0x30: {  	s2 =	rddreg [dreg:$0x7];
	[sflag:s20] =	ssyncadd.s32 $0xFFFFD800  }
0x31: {  	[spmem:s2] =	stream.linear.scatter [tilespmem:s16], [sflag:$0xA], $0x2800, $0x38;
	[tilespmem:$0x1E580] =	vst v63  }
0x32: {  	_ =	swait.ge [sflag:s20], $0x2800  }
0x33: {  	[sflag:s20] =	ssyncset.done $0x0  }
0x34: {  	s3 =	rddreg [dreg:$0x8];
	[sflag:s20] =	ssyncadd.s32 $0xFFFFD800  }
0x35: {  	[spmem:s3] =	stream.linear.scatter [tilespmem:s16], [sflag:$0xA], $0x2800, $0x38;
	[tilespmem:$0x1E580] =	vst v63  }
0x36: {  	_ =	swait.ge [sflag:s20], $0x2800  }
0x37: {  	[sflag:s20] =	ssyncset.done $0x0  }
0x38: {  	s4 =	rddreg [dreg:$0x9];
	[sflag:s20] =	ssyncadd.s32 $0xFFFFD800  }
0x39: {  	[spmem:s4] =	stream.linear.scatter [tilespmem:s16], [sflag:$0xA], $0x2800, $0x38;
	[tilespmem:$0x1E580] =	vst v63  }
0x3a: {  	_ =	swait.ge [sflag:s20], $0x2800  }
0x3b: {  	[sflag:s20] =	ssyncset.done $0x0  }
0x3c: {  	s11 =	rddreg [dreg:$0xa];
	[sflag:s20] =	ssyncadd.s32 $0xFFFFD800  }
0x3d: {  	[spmem:s11] =	stream.linear.scatter [tilespmem:s16], [sflag:$0xA], $0x2800, $0x38;
	[tilespmem:$0x1E580] =	vst v63  }
0x3e: {  	_ =	swait.ge [sflag:s20], $0x2800  }
0x3f: {  	[sflag:s20] =	ssyncset.done $0x0  }
0x40: {  	s17 =	rddreg [dreg:$0xb];
	[sflag:s20] =	ssyncadd.s32 $0xFFFFD800  }
0x41: {  	[spmem:s17] =	stream.linear.scatter [tilespmem:s16], [sflag:$0xA], $0x2800, $0x38;
	[tilespmem:$0x1E580] =	vst v63  }
0x42: {  	_ =	swait.ge [sflag:s20], $0x2800  }
0x43: {  	[sflag:s20] =	ssyncset.done $0x0  }
0x44: {  	s21 =	rddreg [dreg:$0xc];
	[sflag:s20] =	ssyncadd.s32 $0xFFFFD800  }
0x45: {  	[spmem:s21] =	stream.linear.scatter [tilespmem:s16], [sflag:$0xA], $0x2800, $0x38;
	[tilespmem:$0x1E580] =	vst v63  }
0x46: {  	_ =	swait.ge [sflag:s20], $0x2800  }
0x47: {  	[sflag:s20] =	ssyncset.done $0x0  }
0x48: {  	s23 =	rddreg [dreg:$0xd];
	[sflag:s20] =	ssyncadd.s32 $0xFFFFD800  }
0x49: {  	[spmem:s23] =	stream.linear.scatter [tilespmem:s16], [sflag:$0xA], $0x2800, $0x38;
	[tilespmem:$0x1E580] =	vst v63  }
0x4a: {  	_ =	swait.ge [sflag:s20], $0x2800  }
0x4b: {  	s4 =	simm.s32 $0x400;
	s11 =	simm.s32 $0x14000;
	[sflag:s20] =	ssyncset.done $0x0  }
0x4c: {  	s17 =	simm.s32 $0x80;
	s3 =	rddreg [dreg:$0xe];
	[sflag:s20] =	ssyncadd.s32 $0xFFFFD800  }
0x4d: {  	[tilespmem:s11], [sflag:$0xA] =	stream.strided.gather [hbm4b:s3+s17], $0x2780, s4, s17, $0x38;
	[tilespmem:$0x1E580] =	vst v63  }
0x4e: {  	_ =	swait.ge [sflag:s20], $0x2780  }
0x4f: {  	[sflag:s20] =	ssyncset.done $0x0  }
0x50: {  	[sflag:s20] =	ssyncadd.s32 $0xFFFFD880  }
0x51: {  	s2 =	simm.s32 $0x0;
	s20 =	simm.s32 $0x16780;
	[bflag:$0x0] =	sbarrier.arrive $0xFFFF  }
0x52: {  	[tilespmem:s20], [sflag:$0x4] =	stream.linear.gather [hbm4b:s13+s2], $0x80, $0x38;
	[tilespmem:$0x1E580] =	vst v63  }
0x53: {  	_ = 	snop  }
0x54: {  	[tilespmem:s22], [sflag:$0x4] =	stream.linear.gather [hbm4b:s14+s2], $0x80, $0x38;
	[tilespmem:$0x1E580] =	vst v63  }
0x55: {  	s21 =	sadd.s32 $0x10, s13;
	s23 =	simm.s32 $0x16800  }
0x56: {  	[tilespmem:s23], [sflag:$0x5] =	stream.linear.gather [hbm4b:s21+s2], $0x80, $0x38;
	[tilespmem:$0x1E580] =	vst v63  }
0x57: {  	s4 =	sadd.s32 $0x10, s14  }
0x58: {  	[tilespmem:s25], [sflag:$0x5] =	stream.linear.gather [hbm4b:s4+s2], $0x80, $0x38;
	[tilespmem:$0x1E580] =	vst v63  }
0x59: {  	_ = 	snop  }
0x5a: {  	[tilespmem:s16], [sflag:$0x1] =	stream.indirect.gather [hbm4b:s1+s26], $0x80, s11, s26, $0xb8;
	[tilespmem:$0x1E580] =	vst v63  }
0x5b: {  	_ =	swait.ge [sflag:s28], $0x2800  }
0x5c: {  	[sflag:s28] =	ssyncset.done $0x0  }
0x5d: {  	s17 =	simm.s32 $0x14050;
	[sflag:s28] =	ssyncadd.s32 $0xFFFFD800  }
0x5e: {  	[tilespmem:s30], [sflag:$0x2] =	stream.indirect.gather [hbm4b:s1+s26], $0x80, s17, s26, $0xb8;
	[tilespmem:$0x1E580] =	vst v63  }
0x5f: {  	_ =	swait.ge [sflag:s31], $0x80  }
0x60: {  	v1 =	vmov s2;
	s20 =	simm.s32 $0x2;
	[sflag:s31] =	ssyncset.done $0x0  }
0x61: {  	v1 =	vand.u32 $0xFFFFFFFC, v1;
	v2 =	vmov s20;
	[sflag:s31] =	ssyncadd.s32 $0xFFFFFF80  }
0x62: {  	v1 =	vbroadcast v1, $0x0;
	v2 =	vand.u32 $0xFFFFFFFE, v2;
	_ =	swait.ge [sflag:s31], $0x80  }
0x63: {  	v2 =	vbroadcast v2, $0x0;
	[sflag:s31] =	ssyncset.done $0x0  }
0x64: {  	s21 =	sadd.s32 $0x20, s13;
	s23 =	simm.s32 $0x16880;
	[sflag:s31] =	ssyncadd.s32 $0xFFFFFF80  }
0x65: {  	[tilespmem:s23], [sflag:$0x6] =	stream.linear.gather [hbm4b:s21+s2], $0x80, $0x38;
	[tilespmem:$0x1E580] =	vst v63  }
0x66: {  	s4 =	sadd.s32 $0x20, s14  }
0x67: {  	[tilespmem:s18], [sflag:$0x6] =	stream.linear.gather [hbm4b:s4+s2], $0x80, $0x38;
	[tilespmem:$0x1E580] =	vst v63  }
0x68: {  	v1 =	vld.idx.msk [tilespmem:v1+s22+$0x0], $0xffff  }
0x69: {  	s3 =	simm.s32 $0x16E80;
	s11 =	simm.s32 $0x1;
	v2 =	vld.idx.msk [tilespmem:v2+s22+$0x0], $0xffff  }
0x6a: {  	v3 =	vmov s11;
	v4 =	vld [tilespmem:s3+$0x70]  }
0x6b: {  	v3 =	vand.u32 $0xFFFFFFFD, v3;
	v5 =	vld [tilespmem:s3+$0xFFFFFF00]  }
0x6c: {  	v3 =	vbroadcast v3, $0x0;
	v6 =	vld [tilespmem:s3+$0xFFFFFF10]  }
0x6d: {  	v7 =	vld [tilespmem:s3+$0xFFFFFF20]  }
0x6e: {  	v8 =	vld [tilespmem:s3+$0xFFFFFF30]  }
0x6f: {  	v9 =	vld [tilespmem:s3+$0xFFFFFF40]  }
0x70: {  	v10 =	vld [tilespmem:s3+$0xFFFFFF50]  }
0x71: {  	v11 =	vld [tilespmem:s3+$0xFFFFFF60];
	v5 =	vmul.f32 v5, v1  }
0x72: {  	v3 =	vld.idx.msk [tilespmem:v3+s22+$0x0], $0xffff;
	v4 =	vmul.f32 v4, v2  }
0x73: {  	v13 =	vld [tilespmem:s3+$0x40];
	[tilespmem:s3+$0xFFFFFF00] =	vst v5;
	v5 =	vmul.f32 v6, v1  }
0x74: {  	v6 =	vld [tilespmem:s3+$0xFFFFFF70];
	[tilespmem:s3+$0x70] =	vst v4;
	v4 =	vmul.f32 v7, v1  }
0x75: {  	v7 =	vld [tilespmem:s3+$0xFFFFFF80];
	[tilespmem:s3+$0xFFFFFF10] =	vst v5;
	v5 =	vmul.f32 v8, v1  }
0x76: {  	v8 =	vld [tilespmem:s3+$0xFFFFFF90];
	[tilespmem:s3+$0xFFFFFF20] =	vst v4;
	v4 =	vmul.f32 v9, v1  }
0x77: {  	v9 =	vld [tilespmem:s3+$0xFFFFFFA0];
	[tilespmem:s3+$0xFFFFFF30] =	vst v5;
	v5 =	vmul.f32 v10, v1  }
0x78: {  	v10 =	vld [tilespmem:s3+$0xFFFFFFB0];
	[tilespmem:s3+$0xFFFFFF40] =	vst v4;
	v4 =	vmul.f32 v11, v1  }
0x79: {  	v11 =	vld [tilespmem:s3+$0xFFFFFFC0];
	v6 =	vmul.f32 v6, v1;
	[tilespmem:s3+$0xFFFFFF50] =	vst v5  }
0x7a: {  	v5 =	vmul.f32 v7, v3;
	v7 =	vld [tilespmem:s3+$0xFFFFFFD0];
	[tilespmem:s3+$0xFFFFFF60] =	vst v4  }
0x7b: {  	s17 =	simm.s32 $0x3;
	v4 =	vld [tilespmem:s3+$0xFFFFFFE0];
	v8 =	vmul.f32 v8, v3;
	[tilespmem:s3+$0xFFFFFF70] =	vst v6  }
0x7c: {  	v12 =	vmov s17;
	v6 =	vld [tilespmem:s3+$0xFFFFFFF0];
	[tilespmem:s3+$0xFFFFFF80] =	vst v5;
	v5 =	vmul.f32 v9, v3  }
0x7d: {  	v9 =	vld [tilespmem:s3+$0x0];
	[tilespmem:s3+$0xFFFFFF90] =	vst v8;
	v8 =	vmul.f32 v10, v3  }
0x7e: {  	v10 =	vld [tilespmem:s3+$0x10];
	[tilespmem:s3+$0xFFFFFFA0] =	vst v5;
	v5 =	vmul.f32 v11, v3  }
0x7f: {  	[tilespmem:s3+$0xFFFFFFB0] =	vst v8;
	v7 =	vmul.f32 v7, v3;
	v8 =	vld [tilespmem:s3+$0x20]  }
0x80: {  	v11 =	vld [tilespmem:s3+$0x30];
	v4 =	vmul.f32 v4, v3;
	[tilespmem:s3+$0xFFFFFFC0] =	vst v5  }
0x81: {  	v1 =	vld.idx.msk [tilespmem:v12+s22+$0x0], $0xffff;
	v3 =	vmul.f32 v6, v3;
	[tilespmem:s3+$0xFFFFFFD0] =	vst v7  }
0x82: {  	[tilespmem:s3+$0xFFFFFFE0] =	vst v4;
	v5 =	vmul.f32 v9, v2;
	v4 =	vld [tilespmem:s3+$0x50]  }
0x83: {  	s20 =	simm.s32 $0x4;
	[tilespmem:s3+$0xFFFFFFF0] =	vst v3;
	v6 =	vmul.f32 v10, v2;
	v3 =	vld [tilespmem:s3+$0x60]  }
0x84: {  	s21 =	simm.s32 $0x7;
	v7 =	vmov s20;
	[tilespmem:s3+$0x0] =	vst v5;
	v9 =	vmul.f32 v8, v2;
	v8 =	vld [tilespmem:s3+$0x80]  }
0x85: {  	s23 =	simm.s32 $0x5;
	v12 =	vand.u32 $0xFFFFFFFC, v7;
	v7 =	vld [tilespmem:s3+$0x90];
	v5 =	vmov s21;
	v10 =	vmul.f32 v11, v2;
	[tilespmem:s3+$0x10] =	vst v6  }
0x86: {  	s11 =	simm.s32 $0x8;
	s17 =	simm.s32 $0x6;
	s4 =	simm.s32 $0x16E80;
	v11 =	vmul.f32 v13, v2;
	v6 =	vbroadcast v12, $0x0;
	v12 =	vmov s23;
	[tilespmem:s3+$0x20] =	vst v9;
	v9 =	vld [tilespmem:s3+$0xA0]  }
.LBB2_4:
0x87: {  	p0 =	slt.u32 s11, $0x4C;
	v12 =	vand.u32 $0xFFFFFFFD, v12;
	v13 =	vmov s17;
	[tilespmem:s3+$0x30] =	vst v10;
	v4 =	vmul.f32 v4, v2;
	v10 =	vld [tilespmem:s3+$0xB0]  }
0x88: {  	v12 =	vbroadcast v12, $0x0;
	v13 =	vand.u32 $0xFFFFFFFE, v13;
	[tilespmem:s3+$0x40] =	vst v11;
	v2 =	vmul.f32 v3, v2;
	v3 =	vld [tilespmem:s3+$0xC0]  }
0x89: {  	v11 =	vbroadcast v13, $0x0;
	[tilespmem:s3+$0x50] =	vst v4;
	v4 =	vmul.f32 v8, v1;
	v8 =	vld [tilespmem:s3+$0xD0]  }
0x8a: {  	[tilespmem:s3+$0x60] =	vst v2;
	v2 =	vmul.f32 v7, v1;
	v7 =	vld [tilespmem:s3+$0xE0]  }
0x8b: {  	[tilespmem:s3+$0x80] =	vst v4;
	v4 =	vmul.f32 v9, v1;
	v9 =	vld [tilespmem:s3+$0xF0]  }
0x8c: {  	v5 =	vld.idx.msk [tilespmem:v5+s22+$0x0], $0xffff;
	[tilespmem:s3+$0x90] =	vst v2;
	v2 =	vmul.f32 v10, v1  }
0x8d: {  	v6 =	vld.idx.msk [tilespmem:v6+s22+$0x0], $0xffff;
	[tilespmem:s3+$0xA0] =	vst v4;
	v3 =	vmul.f32 v3, v1  }
0x8e: {  	v4 =	vld.idx.msk [tilespmem:v12+s22+$0x0], $0xffff;
	[tilespmem:s3+$0xB0] =	vst v2;
	v8 =	vmul.f32 v8, v1  }
0x8f: {  	s3 =	sadd.s32 $0x200, s3;
	v2 =	vld.idx.msk [tilespmem:v11+s22+$0x0], $0xffff;
	[tilespmem:s4+$0xC0] =	vst v3;
	v3 =	vmul.f32 v7, v1  }
0x90: {  	v7 =	vld [tilespmem:s3+$0x70];
	[tilespmem:s4+$0xD0] =	vst v8;
	v9 =	vmul.f32 v9, v1  }
0x91: {  	v8 =	vld [tilespmem:s3+$0xFFFFFF00];
	[tilespmem:s4+$0xE0] =	vst v3  }
0x92: {  	v1 =	vmov v5;
	v3 =	vld [tilespmem:s3+$0xFFFFFF10];
	[tilespmem:s4+$0xF0] =	vst v9;
	s4 =	smov.u32 s3  }
0x93: {  	v5 =	vld [tilespmem:s3+$0xFFFFFF20]  }
0x94: {  	v9 =	vld [tilespmem:s3+$0xFFFFFF30]  }
0x95: {  	v10 =	vld [tilespmem:s3+$0xFFFFFF40];
	v7 =	vmul.f32 v7, v2  }
0x96: {  	v8 =	vmul.f32 v8, v6;
	v11 =	vld [tilespmem:s3+$0xFFFFFF50]  }
0x97: {  	v3 =	vmul.f32 v3, v6;
	v12 =	vld [tilespmem:s3+$0xFFFFFF60];
	[tilespmem:s3+$0x70] =	vst v7  }
0x98: {  	[tilespmem:s3+$0xFFFFFF00] =	vst v8;
	v5 =	vmul.f32 v5, v6;
	v7 =	vld [tilespmem:s3+$0xFFFFFF70]  }
0x99: {  	[tilespmem:s3+$0xFFFFFF10] =	vst v3;
	v3 =	vmul.f32 v9, v6;
	v8 =	vld [tilespmem:s3+$0xFFFFFF80]  }
0x9a: {  	[tilespmem:s3+$0xFFFFFF20] =	vst v5;
	v5 =	vmul.f32 v10, v6;
	v9 =	vld [tilespmem:s3+$0xFFFFFF90]  }
0x9b: {  	[tilespmem:s3+$0xFFFFFF30] =	vst v3;
	v3 =	vmul.f32 v11, v6;
	v10 =	vld [tilespmem:s3+$0xFFFFFFA0]  }
0x9c: {  	[tilespmem:s3+$0xFFFFFF40] =	vst v5;
	v5 =	vmul.f32 v12, v6;
	v11 =	vld [tilespmem:s3+$0xFFFFFFB0]  }
0x9d: {  	[tilespmem:s3+$0xFFFFFF50] =	vst v3;
	v3 =	vmul.f32 v7, v6;
	v6 =	vld [tilespmem:s3+$0xFFFFFFC0]  }
0x9e: {  	[tilespmem:s3+$0xFFFFFF60] =	vst v5;
	v5 =	vmul.f32 v8, v4;
	v7 =	vld [tilespmem:s3+$0xFFFFFFD0]  }
0x9f: {  	[tilespmem:s3+$0xFFFFFF70] =	vst v3;
	v3 =	vmul.f32 v9, v4;
	v8 =	vld [tilespmem:s3+$0xFFFFFFE0]  }
0xa0: {  	[tilespmem:s3+$0xFFFFFF80] =	vst v5;
	v5 =	vmul.f32 v10, v4;
	v9 =	vld [tilespmem:s3+$0xFFFFFFF0]  }
0xa1: {  	[tilespmem:s3+$0xFFFFFF90] =	vst v3;
	v3 =	vmul.f32 v11, v4;
	v10 =	vld [tilespmem:s3+$0x0]  }
0xa2: {  	[tilespmem:s3+$0xFFFFFFA0] =	vst v5;
	v5 =	vmul.f32 v6, v4;
	v6 =	vld [tilespmem:s3+$0x10]  }
0xa3: {  	[tilespmem:s3+$0xFFFFFFB0] =	vst v3;
	v3 =	vmul.f32 v7, v4;
	v7 =	vld [tilespmem:s3+$0x20]  }
0xa4: {  	[tilespmem:s3+$0xFFFFFFC0] =	vst v5;
	v5 =	vmul.f32 v8, v4;
	v11 =	vld [tilespmem:s3+$0x30]  }
0xa5: {  	[tilespmem:s3+$0xFFFFFFD0] =	vst v3;
	v3 =	vmul.f32 v9, v4;
	v9 =	vld [tilespmem:s3+$0x40]  }
.Ltmp1:
0xa6: {  	[tilespmem:s3+$0xFFFFFFE0] =	vst v5;
	v5 =	vmul.f32 v10, v2;
	v4 =	vld [tilespmem:s3+$0x50];
	(pc) =	sbr.rel @p0 .LBB2_4-.Ltmp1, $4  }
0xa7: {  	[tilespmem:s3+$0xFFFFFFF0] =	vst v3;
	v6 =	vmul.f32 v6, v2;
	v3 =	vld [tilespmem:s3+$0x60]  }
0xa8: {  	s2 =	sadd.s32 $0x3, s11;
	v10 =	vmov s11;
	[tilespmem:s3+$0x0] =	vst v5;
	v13 =	vmul.f32 v7, v2;
	v8 =	vld [tilespmem:s3+$0x80]  }
0xa9: {  	s17 =	sadd.s32 $0x1, s11;
	v12 =	vand.u32 $0xFFFFFFFC, v10;
	v5 =	vmov s2;
	[tilespmem:s3+$0x10] =	vst v6;
	v10 =	vmul.f32 v11, v2;
	v7 =	vld [tilespmem:s3+$0x90]  }
0xaa: {  	v6 =	vbroadcast v12, $0x0;
	v12 =	vmov s17;
	s17 =	sadd.s32 $0x2, s11;
	s11 =	sadd.s32 $0x4, s11;
	[tilespmem:s3+$0x20] =	vst v13;
	v11 =	vmul.f32 v9, v2;
	v9 =	vld [tilespmem:s3+$0xA0]  }
0xab: {  	v13 =	vld [tilespmem:s3+$0xB0]  }
0xac: {  	v15 =	vld [tilespmem:s3+$0xC0]  }
0xad: {  	v14 =	vmov s17;
	v16 =	vld [tilespmem:s3+$0xD0]  }
0xae: {  	v17 =	vld [tilespmem:s3+$0xE0];
	[tilespmem:s3+$0x30] =	vst v10;
	v4 =	vmul.f32 v4, v2;
	v14 =	vand.u32 $0xFFFFFFFE, v14  }
0xaf: {  	v12 =	vand.u32 $0xFFFFFFFD, v12;
	v5 =	vld.idx.msk [tilespmem:v5+s22+$0x0], $0xffff;
	[tilespmem:s3+$0x40] =	vst v11;
	v2 =	vmul.f32 v3, v2;
	v14 =	vbroadcast v14, $0x0  }
0xb0: {  	s11 =	sadd.s32 $0x200, s3;
	v12 =	vbroadcast v12, $0x0;
	v3 =	vld.idx.msk [tilespmem:v6+s22+$0x0], $0xffff;
	v8 =	vmul.f32 v8, v1;
	[tilespmem:s3+$0x50] =	vst v4  }
0xb1: {  	v10 =	vld [tilespmem:s11+$0xFFFFFF00];
	v4 =	vmul.f32 v7, v1;
	[tilespmem:s3+$0x60] =	vst v2  }
0xb2: {  	[tilespmem:s3+$0x80] =	vst v8;
	v8 =	vld [tilespmem:s3+$0xF0];
	v2 =	vmul.f32 v9, v1  }
0xb3: {  	v11 =	vld [tilespmem:s11+$0xFFFFFF10];
	[tilespmem:s3+$0x90] =	vst v4;
	v4 =	vmul.f32 v13, v1  }
0xb4: {  	v9 =	vld [tilespmem:s11+$0x70];
	[tilespmem:s3+$0xA0] =	vst v2;
	v2 =	vmul.f32 v15, v1  }
0xb5: {  	[tilespmem:s3+$0xB0] =	vst v4;
	v4 =	vmul.f32 v16, v1;
	v7 =	vld.idx.msk [tilespmem:v14+s22+$0x0], $0xffff  }
0xb6: {  	v6 =	vld.idx.msk [tilespmem:v12+s22+$0x0], $0xffff;
	[tilespmem:s4+$0xC0] =	vst v2;
	v2 =	vmul.f32 v17, v1  }
0xb7: {  	v12 =	vld [tilespmem:s11+$0xFFFFFF20];
	[tilespmem:s4+$0xD0] =	vst v4;
	v1 =	vmul.f32 v8, v1  }
0xb8: {  	v4 =	vld [tilespmem:s11+$0xFFFFFF30];
	[tilespmem:s4+$0xE0] =	vst v2  }
0xb9: {  	v2 =	vld [tilespmem:s11+$0xFFFFFF40];
	[tilespmem:s4+$0xF0] =	vst v1;
	v1 =	vmul.f32 v10, v3  }
0xba: {  	v8 =	vmul.f32 v9, v7;
	v9 =	vld [tilespmem:s11+$0xFFFFFF50]  }
0xbb: {  	v10 =	vmul.f32 v11, v3;
	v11 =	vld [tilespmem:s11+$0xFFFFFF60];
	[tilespmem:s11+$0xFFFFFF00] =	vst v1  }
0xbc: {  	v1 =	vmul.f32 v12, v3;
	[tilespmem:s11+$0x70] =	vst v8;
	v8 =	vld [tilespmem:s11+$0xFFFFFF70]  }
0xbd: {  	[tilespmem:s11+$0xFFFFFF10] =	vst v10;
	v10 =	vld [tilespmem:s11+$0xFFFFFF80];
	v4 =	vmul.f32 v4, v3  }
0xbe: {  	[tilespmem:s11+$0xFFFFFF20] =	vst v1;
	v1 =	vmul.f32 v2, v3;
	v2 =	vld [tilespmem:s11+$0xFFFFFF90]  }
0xbf: {  	[tilespmem:s11+$0xFFFFFF30] =	vst v4;
	v4 =	vmul.f32 v9, v3;
	v9 =	vld [tilespmem:s11+$0xFFFFFFA0]  }
0xc0: {  	[tilespmem:s11+$0xFFFFFF40] =	vst v1;
	v1 =	vmul.f32 v11, v3;
	v11 =	vld [tilespmem:s11+$0xFFFFFFB0]  }
0xc1: {  	[tilespmem:s11+$0xFFFFFF50] =	vst v4;
	v3 =	vmul.f32 v8, v3;
	v4 =	vld [tilespmem:s11+$0xFFFFFFC0]  }
0xc2: {  	[tilespmem:s11+$0xFFFFFF60] =	vst v1;
	v1 =	vmul.f32 v10, v6;
	v8 =	vld [tilespmem:s11+$0xFFFFFFD0]  }
0xc3: {  	v2 =	vmul.f32 v2, v6;
	[tilespmem:s11+$0xFFFFFF70] =	vst v3;
	v3 =	vld [tilespmem:s11+$0xFFFFFFE0]  }
0xc4: {  	[tilespmem:s11+$0xFFFFFF80] =	vst v1;
	v1 =	vmul.f32 v9, v6;
	v9 =	vld [tilespmem:s11+$0xFFFFFFF0]  }
0xc5: {  	v10 =	vld [tilespmem:s11+$0x0];
	[tilespmem:s11+$0xFFFFFF90] =	vst v2;
	v2 =	vmul.f32 v11, v6  }
0xc6: {  	[tilespmem:s11+$0xFFFFFFA0] =	vst v1;
	v1 =	vmul.f32 v4, v6;
	v4 =	vld [tilespmem:s11+$0x10]  }
0xc7: {  	[tilespmem:s11+$0xFFFFFFB0] =	vst v2;
	v2 =	vmul.f32 v8, v6;
	v8 =	vld [tilespmem:s11+$0x20]  }
0xc8: {  	[tilespmem:s11+$0xFFFFFFC0] =	vst v1;
	v1 =	vmul.f32 v3, v6;
	v3 =	vld [tilespmem:s11+$0x30]  }
0xc9: {  	[tilespmem:s11+$0xFFFFFFD0] =	vst v2;
	v2 =	vmul.f32 v9, v6;
	v6 =	vld [tilespmem:s11+$0x40]  }
0xca: {  	v9 =	vld [tilespmem:s11+$0x50];
	[tilespmem:s11+$0xFFFFFFE0] =	vst v1;
	v1 =	vmul.f32 v10, v7  }
0xcb: {  	[tilespmem:s11+$0xFFFFFFF0] =	vst v2;
	v2 =	vmul.f32 v4, v7;
	v4 =	vld [tilespmem:s11+$0x60]  }
0xcc: {  	[tilespmem:s11+$0x0] =	vst v1;
	v1 =	vmul.f32 v8, v7;
	v8 =	vld [tilespmem:s11+$0x80]  }
0xcd: {  	[tilespmem:s11+$0x10] =	vst v2;
	v2 =	vmul.f32 v3, v7;
	v3 =	vld [tilespmem:s11+$0x90]  }
0xce: {  	[tilespmem:s11+$0x20] =	vst v1;
	v1 =	vmul.f32 v6, v7;
	v6 =	vld [tilespmem:s11+$0xA0]  }
0xcf: {  	[tilespmem:s11+$0x30] =	vst v2;
	v2 =	vmul.f32 v9, v7;
	v9 =	vld [tilespmem:s11+$0xB0]  }
0xd0: {  	[tilespmem:s11+$0x40] =	vst v1;
	v1 =	vmul.f32 v4, v7;
	v4 =	vld [tilespmem:s11+$0xC0]  }
0xd1: {  	v7 =	vld [tilespmem:s11+$0xD0];
	[tilespmem:s11+$0x50] =	vst v2;
	v2 =	vmul.f32 v8, v5  }
0xd2: {  	[tilespmem:s11+$0x60] =	vst v1;
	v1 =	vmul.f32 v3, v5;
	v3 =	vld [tilespmem:s11+$0xE0]  }
0xd3: {  	[tilespmem:s11+$0x80] =	vst v2;
	v2 =	vmul.f32 v6, v5;
	v6 =	vld [tilespmem:s11+$0xF0]  }
0xd4: {  	[tilespmem:s11+$0x90] =	vst v1;
	v1 =	vmul.f32 v9, v5  }
0xd5: {  	[tilespmem:s11+$0xA0] =	vst v2;
	v2 =	vmul.f32 v4, v5  }
0xd6: {  	[tilespmem:s11+$0xB0] =	vst v1;
	v1 =	vmul.f32 v7, v5  }
0xd7: {  	[tilespmem:s11+$0xC0] =	vst v2;
	v2 =	vmul.f32 v3, v5  }
0xd8: {  	[tilespmem:s11+$0xD0] =	vst v1;
	v1 =	vmul.f32 v6, v5  }
0xd9: {  	[tilespmem:s11+$0xE0] =	vst v2  }
0xda: {  	[tilespmem:s11+$0xF0] =	vst v1  }
0xdb: {  	_ =	swait.ge [sflag:s19], $0x2800  }
0xdc: {  	[sflag:s19] =	ssyncset.done $0x0  }
0xdd: {  	s2 =	simm.s32 $0x140A0;
	[sflag:s19] =	ssyncadd.s32 $0xFFFFD800  }
0xde: {  	[tilespmem:s29], [sflag:$0x3] =	stream.indirect.gather [hbm4b:s1+s26], $0x80, s2, s26, $0xb8;
	[tilespmem:$0x1E580] =	vst v63  }
0xdf: {  	s4 =	simm.s32 $0x0;
	_ =	swait.ge [sflag:s0], $0x80  }
0xe0: {  	s20 =	simm.s32 $0x2;
	v1 =	vmov s4;
	[sflag:s0] =	ssyncset.done $0x0  }
0xe1: {  	v2 =	vmov s20;
	v1 =	vand.u32 $0xFFFFFFFC, v1;
	[sflag:s0] =	ssyncadd.s32 $0xFFFFFF80  }
0xe2: {  	v2 =	vand.u32 $0xFFFFFFFE, v2;
	v1 =	vbroadcast v1, $0x0;
	_ =	swait.ge [sflag:s0], $0x80  }
0xe3: {  	v2 =	vbroadcast v2, $0x0;
	[sflag:s0] =	ssyncset.done $0x0  }
0xe4: {  	s21 =	sadd.s32 $0x30, s13;
	s23 =	simm.s32 $0x16900;
	[sflag:s0] =	ssyncadd.s32 $0xFFFFFF80  }
0xe5: {  	[tilespmem:s23], [sflag:$0x7] =	stream.linear.gather [hbm4b:s21+s4], $0x80, $0x38;
	[tilespmem:$0x1E580] =	vst v63  }
0xe6: {  	s3 =	sadd.s32 $0x30, s14  }
0xe7: {  	[tilespmem:s5], [sflag:$0x7] =	stream.linear.gather [hbm4b:s3+s4], $0x80, $0x38;
	[tilespmem:$0x1E580] =	vst v63  }
0xe8: {  	v1 =	vld.idx.msk [tilespmem:v1+s25+$0x0], $0xffff  }
0xe9: {  	s11 =	simm.s32 $0x1;
	s3 =	simm.s32 $0x19680;
	v2 =	vld.idx.msk [tilespmem:v2+s25+$0x0], $0xffff  }
0xea: {  	v3 =	vmov s11;
	v4 =	vld [tilespmem:s3+$0x70]  }
0xeb: {  	v3 =	vand.u32 $0xFFFFFFFD, v3;
	v5 =	vld [tilespmem:s3+$0xFFFFFF00]  }
0xec: {  	v3 =	vbroadcast v3, $0x0;
	v6 =	vld [tilespmem:s3+$0xFFFFFF10]  }
0xed: {  	v7 =	vld [tilespmem:s3+$0xFFFFFF20]  }
0xee: {  	v8 =	vld [tilespmem:s3+$0xFFFFFF30]  }
0xef: {  	v9 =	vld [tilespmem:s3+$0xFFFFFF40]  }
0xf0: {  	v10 =	vld [tilespmem:s3+$0xFFFFFF50]  }
0xf1: {  	v11 =	vld [tilespmem:s3+$0xFFFFFF60];
	v5 =	vmul.f32 v5, v1  }
0xf2: {  	v3 =	vld.idx.msk [tilespmem:v3+s25+$0x0], $0xffff;
	v4 =	vmul.f32 v4, v2  }
0xf3: {  	v13 =	vld [tilespmem:s3+$0x40];
	[tilespmem:s3+$0xFFFFFF00] =	vst v5;
	v5 =	vmul.f32 v6, v1  }
0xf4: {  	v6 =	vld [tilespmem:s3+$0xFFFFFF70];
	[tilespmem:s3+$0x70] =	vst v4;
	v4 =	vmul.f32 v7, v1  }
0xf5: {  	v7 =	vld [tilespmem:s3+$0xFFFFFF80];
	[tilespmem:s3+$0xFFFFFF10] =	vst v5;
	v5 =	vmul.f32 v8, v1  }
0xf6: {  	v8 =	vld [tilespmem:s3+$0xFFFFFF90];
	[tilespmem:s3+$0xFFFFFF20] =	vst v4;
	v4 =	vmul.f32 v9, v1  }
0xf7: {  	v9 =	vld [tilespmem:s3+$0xFFFFFFA0];
	[tilespmem:s3+$0xFFFFFF30] =	vst v5;
	v5 =	vmul.f32 v10, v1  }
0xf8: {  	v10 =	vld [tilespmem:s3+$0xFFFFFFB0];
	[tilespmem:s3+$0xFFFFFF40] =	vst v4;
	v4 =	vmul.f32 v11, v1  }
0xf9: {  	v11 =	vld [tilespmem:s3+$0xFFFFFFC0];
	v6 =	vmul.f32 v6, v1;
	[tilespmem:s3+$0xFFFFFF50] =	vst v5  }
0xfa: {  	v5 =	vmul.f32 v7, v3;
	v7 =	vld [tilespmem:s3+$0xFFFFFFD0];
	[tilespmem:s3+$0xFFFFFF60] =	vst v4  }
0xfb: {  	s17 =	simm.s32 $0x3;
	v4 =	vld [tilespmem:s3+$0xFFFFFFE0];
	v8 =	vmul.f32 v8, v3;
	[tilespmem:s3+$0xFFFFFF70] =	vst v6  }
0xfc: {  	v12 =	vmov s17;
	v6 =	vld [tilespmem:s3+$0xFFFFFFF0];
	[tilespmem:s3+$0xFFFFFF80] =	vst v5;
	v5 =	vmul.f32 v9, v3  }
0xfd: {  	v9 =	vld [tilespmem:s3+$0x0];
	[tilespmem:s3+$0xFFFFFF90] =	vst v8;
	v8 =	vmul.f32 v10, v3  }
0xfe: {  	v10 =	vld [tilespmem:s3+$0x10];
	[tilespmem:s3+$0xFFFFFFA0] =	vst v5;
	v5 =	vmul.f32 v11, v3  }
0xff: {  	[tilespmem:s3+$0xFFFFFFB0] =	vst v8;
	v7 =	vmul.f32 v7, v3;
	v8 =	vld [tilespmem:s3+$0x20]  }
0x100: {  	v11 =	vld [tilespmem:s3+$0x30];
	v4 =	vmul.f32 v4, v3;
	[tilespmem:s3+$0xFFFFFFC0] =	vst v5  }
0x101: {  	v1 =	vld.idx.msk [tilespmem:v12+s25+$0x0], $0xffff;
	v3 =	vmul.f32 v6, v3;
	[tilespmem:s3+$0xFFFFFFD0] =	vst v7  }
0x102: {  	[tilespmem:s3+$0xFFFFFFE0] =	vst v4;
	v5 =	vmul.f32 v9, v2;
	v4 =	vld [tilespmem:s3+$0x50]  }
0x103: {  	s20 =	simm.s32 $0x4;
	[tilespmem:s3+$0xFFFFFFF0] =	vst v3;
	v6 =	vmul.f32 v10, v2;
	v3 =	vld [tilespmem:s3+$0x60]  }
0x104: {  	s21 =	simm.s32 $0x7;
	v7 =	vmov s20;
	[tilespmem:s3+$0x0] =	vst v5;
	v9 =	vmul.f32 v8, v2;
	v8 =	vld [tilespmem:s3+$0x80]  }
0x105: {  	s23 =	simm.s32 $0x5;
	v12 =	vand.u32 $0xFFFFFFFC, v7;
	v7 =	vld [tilespmem:s3+$0x90];
	v5 =	vmov s21;
	v10 =	vmul.f32 v11, v2;
	[tilespmem:s3+$0x10] =	vst v6  }
0x106: {  	s17 =	simm.s32 $0x8;
	s11 =	simm.s32 $0x19680;
	s21 =	simm.s32 $0x6;
	v11 =	vmul.f32 v13, v2;
	v6 =	vbroadcast v12, $0x0;
	v12 =	vmov s23;
	[tilespmem:s3+$0x20] =	vst v9;
	v9 =	vld [tilespmem:s3+$0xA0]  }
.LBB2_6:
0x107: {  	p0 =	slt.u32 s17, $0x4C;
	v12 =	vand.u32 $0xFFFFFFFD, v12;
	v13 =	vmov s21;
	[tilespmem:s3+$0x30] =	vst v10;
	v4 =	vmul.f32 v4, v2;
	v10 =	vld [tilespmem:s3+$0xB0]  }
0x108: {  	v12 =	vbroadcast v12, $0x0;
	v13 =	vand.u32 $0xFFFFFFFE, v13;
	[tilespmem:s3+$0x40] =	vst v11;
	v2 =	vmul.f32 v3, v2;
	v3 =	vld [tilespmem:s3+$0xC0]  }
0x109: {  	v11 =	vbroadcast v13, $0x0;
	[tilespmem:s3+$0x50] =	vst v4;
	v4 =	vmul.f32 v8, v1;
	v8 =	vld [tilespmem:s3+$0xD0]  }
0x10a: {  	[tilespmem:s3+$0x60] =	vst v2;
	v2 =	vmul.f32 v7, v1;
	v7 =	vld [tilespmem:s3+$0xE0]  }
0x10b: {  	[tilespmem:s3+$0x80] =	vst v4;
	v4 =	vmul.f32 v9, v1;
	v9 =	vld [tilespmem:s3+$0xF0]  }
0x10c: {  	v5 =	vld.idx.msk [tilespmem:v5+s25+$0x0], $0xffff;
	[tilespmem:s3+$0x90] =	vst v2;
	v2 =	vmul.f32 v10, v1  }
0x10d: {  	v6 =	vld.idx.msk [tilespmem:v6+s25+$0x0], $0xffff;
	[tilespmem:s3+$0xA0] =	vst v4;
	v3 =	vmul.f32 v3, v1  }
0x10e: {  	v4 =	vld.idx.msk [tilespmem:v12+s25+$0x0], $0xffff;
	[tilespmem:s3+$0xB0] =	vst v2;
	v8 =	vmul.f32 v8, v1  }
0x10f: {  	s3 =	sadd.s32 $0x200, s3;
	v2 =	vld.idx.msk [tilespmem:v11+s25+$0x0], $0xffff;
	[tilespmem:s11+$0xC0] =	vst v3;
	v3 =	vmul.f32 v7, v1  }
0x110: {  	v7 =	vld [tilespmem:s3+$0x70];
	[tilespmem:s11+$0xD0] =	vst v8;
	v9 =	vmul.f32 v9, v1  }
0x111: {  	v8 =	vld [tilespmem:s3+$0xFFFFFF00];
	[tilespmem:s11+$0xE0] =	vst v3  }
0x112: {  	v1 =	vmov v5;
	v3 =	vld [tilespmem:s3+$0xFFFFFF10];
	[tilespmem:s11+$0xF0] =	vst v9;
	s11 =	smov.u32 s3  }
0x113: {  	v5 =	vld [tilespmem:s3+$0xFFFFFF20]  }
0x114: {  	v9 =	vld [tilespmem:s3+$0xFFFFFF30]  }
0x115: {  	v10 =	vld [tilespmem:s3+$0xFFFFFF40];
	v7 =	vmul.f32 v7, v2  }
0x116: {  	v8 =	vmul.f32 v8, v6;
	v11 =	vld [tilespmem:s3+$0xFFFFFF50]  }
0x117: {  	v3 =	vmul.f32 v3, v6;
	v12 =	vld [tilespmem:s3+$0xFFFFFF60];
	[tilespmem:s3+$0x70] =	vst v7  }
0x118: {  	[tilespmem:s3+$0xFFFFFF00] =	vst v8;
	v5 =	vmul.f32 v5, v6;
	v7 =	vld [tilespmem:s3+$0xFFFFFF70]  }
0x119: {  	[tilespmem:s3+$0xFFFFFF10] =	vst v3;
	v3 =	vmul.f32 v9, v6;
	v8 =	vld [tilespmem:s3+$0xFFFFFF80]  }
0x11a: {  	[tilespmem:s3+$0xFFFFFF20] =	vst v5;
	v5 =	vmul.f32 v10, v6;
	v9 =	vld [tilespmem:s3+$0xFFFFFF90]  }
0x11b: {  	[tilespmem:s3+$0xFFFFFF30] =	vst v3;
	v3 =	vmul.f32 v11, v6;
	v10 =	vld [tilespmem:s3+$0xFFFFFFA0]  }
0x11c: {  	[tilespmem:s3+$0xFFFFFF40] =	vst v5;
	v5 =	vmul.f32 v12, v6;
	v11 =	vld [tilespmem:s3+$0xFFFFFFB0]  }
0x11d: {  	[tilespmem:s3+$0xFFFFFF50] =	vst v3;
	v3 =	vmul.f32 v7, v6;
	v6 =	vld [tilespmem:s3+$0xFFFFFFC0]  }
0x11e: {  	[tilespmem:s3+$0xFFFFFF60] =	vst v5;
	v5 =	vmul.f32 v8, v4;
	v7 =	vld [tilespmem:s3+$0xFFFFFFD0]  }
0x11f: {  	[tilespmem:s3+$0xFFFFFF70] =	vst v3;
	v3 =	vmul.f32 v9, v4;
	v8 =	vld [tilespmem:s3+$0xFFFFFFE0]  }
0x120: {  	[tilespmem:s3+$0xFFFFFF80] =	vst v5;
	v5 =	vmul.f32 v10, v4;
	v9 =	vld [tilespmem:s3+$0xFFFFFFF0]  }
0x121: {  	[tilespmem:s3+$0xFFFFFF90] =	vst v3;
	v3 =	vmul.f32 v11, v4;
	v10 =	vld [tilespmem:s3+$0x0]  }
0x122: {  	[tilespmem:s3+$0xFFFFFFA0] =	vst v5;
	v5 =	vmul.f32 v6, v4;
	v6 =	vld [tilespmem:s3+$0x10]  }
0x123: {  	[tilespmem:s3+$0xFFFFFFB0] =	vst v3;
	v3 =	vmul.f32 v7, v4;
	v7 =	vld [tilespmem:s3+$0x20]  }
0x124: {  	[tilespmem:s3+$0xFFFFFFC0] =	vst v5;
	v5 =	vmul.f32 v8, v4;
	v11 =	vld [tilespmem:s3+$0x30]  }
0x125: {  	[tilespmem:s3+$0xFFFFFFD0] =	vst v3;
	v3 =	vmul.f32 v9, v4;
	v9 =	vld [tilespmem:s3+$0x40]  }
.Ltmp2:
0x126: {  	[tilespmem:s3+$0xFFFFFFE0] =	vst v5;
	v5 =	vmul.f32 v10, v2;
	v4 =	vld [tilespmem:s3+$0x50];
	(pc) =	sbr.rel @p0 .LBB2_6-.Ltmp2, $4  }
0x127: {  	[tilespmem:s3+$0xFFFFFFF0] =	vst v3;
	v6 =	vmul.f32 v6, v2;
	v3 =	vld [tilespmem:s3+$0x60]  }
0x128: {  	s2 =	sadd.s32 $0x3, s17;
	v10 =	vmov s17;
	[tilespmem:s3+$0x0] =	vst v5;
	v13 =	vmul.f32 v7, v2;
	v8 =	vld [tilespmem:s3+$0x80]  }
0x129: {  	s21 =	sadd.s32 $0x1, s17;
	v12 =	vand.u32 $0xFFFFFFFC, v10;
	v5 =	vmov s2;
	[tilespmem:s3+$0x10] =	vst v6;
	v10 =	vmul.f32 v11, v2;
	v7 =	vld [tilespmem:s3+$0x90]  }
0x12a: {  	v6 =	vbroadcast v12, $0x0;
	v12 =	vmov s21;
	s21 =	sadd.s32 $0x2, s17;
	s17 =	sadd.s32 $0x4, s17;
	[tilespmem:s3+$0x20] =	vst v13;
	v11 =	vmul.f32 v9, v2;
	v9 =	vld [tilespmem:s3+$0xA0]  }
0x12b: {  	v13 =	vld [tilespmem:s3+$0xB0]  }
0x12c: {  	v15 =	vld [tilespmem:s3+$0xC0]  }
0x12d: {  	v16 =	vld [tilespmem:s3+$0xD0]  }
0x12e: {  	v17 =	vld [tilespmem:s3+$0xE0]  }
0x12f: {  	v29 =	vld [tilespmem:s3+$0xF0];
	[tilespmem:s3+$0x30] =	vst v10;
	v4 =	vmul.f32 v4, v2  }
0x130: {  	v5 =	vld.idx.msk [tilespmem:v5+s25+$0x0], $0xffff;
	[tilespmem:s3+$0x40] =	vst v11;
	v2 =	vmul.f32 v3, v2  }
0x131: {  	s17 =	sadd.s32 $0x200, s3;
	v3 =	vld.idx.msk [tilespmem:v6+s25+$0x0], $0xffff;
	v8 =	vmul.f32 v8, v1;
	[tilespmem:s3+$0x50] =	vst v4  }
0x132: {  	v14 =	vmov s21;
	v34 =	vld [tilespmem:s17+$0x70];
	v30 =	vmul.f32 v7, v1;
	[tilespmem:s3+$0x60] =	vst v2  }
0x133: {  	v14 =	vand.u32 $0xFFFFFFFE, v14;
	v35 =	vld [tilespmem:s17+$0xFFFFFF00];
	[tilespmem:s3+$0x80] =	vst v8;
	v2 =	vmul.f32 v9, v1  }
0x134: {  	v37 =	vld [tilespmem:s17+$0xFFFFFF10];
	v14 =	vbroadcast v14, $0x0;
	[tilespmem:s3+$0x90] =	vst v30;
	v33 =	vmul.f32 v13, v1  }
0x135: {  	v38 =	vld [tilespmem:s17+$0xFFFFFF20];
	[tilespmem:s3+$0xA0] =	vst v2;
	v2 =	vmul.f32 v15, v1  }
0x136: {  	v12 =	vand.u32 $0xFFFFFFFD, v12;
	v39 =	vld [tilespmem:s17+$0xFFFFFF30];
	v36 =	vmul.f32 v16, v1;
	[tilespmem:s3+$0xB0] =	vst v33  }
0x137: {  	v12 =	vbroadcast v12, $0x0;
	v41 =	vld [tilespmem:s17+$0xFFFFFF50];
	[tilespmem:s11+$0xC0] =	vst v2;
	v2 =	vmul.f32 v17, v1  }
0x138: {  	v43 =	vld [tilespmem:s17+$0xFFFFFF60];
	[tilespmem:s11+$0xD0] =	vst v36;
	v1 =	vmul.f32 v29, v1  }
0x139: {  	v42 =	vmul.f32 v37, v3;
	[tilespmem:s11+$0xE0] =	vst v2;
	v2 =	vld [tilespmem:s17+$0xFFFFFF40]  }
0x13a: {  	v32 =	vld.idx.msk [tilespmem:v14+s25+$0x0], $0xffff;
	[tilespmem:s11+$0xF0] =	vst v1;
	v1 =	vmul.f32 v35, v3  }
0x13b: {  	v44 =	vld [tilespmem:s17+$0xFFFFFF70];
	v4 =	vmul.f32 v39, v3;
	[tilespmem:s17+$0xFFFFFF10] =	vst v42  }
0x13c: {  	v45 =	vld [tilespmem:s17+$0xFFFFFF80];
	[tilespmem:s17+$0xFFFFFF00] =	vst v1;
	v1 =	vmul.f32 v38, v3  }
0x13d: {  	v46 =	vmul.f32 v41, v3;
	v31 =	vld.idx.msk [tilespmem:v12+s25+$0x0], $0xffff;
	[tilespmem:s17+$0xFFFFFF30] =	vst v4  }
0x13e: {  	[tilespmem:s17+$0xFFFFFF20] =	vst v1;
	v1 =	vmul.f32 v2, v3;
	v2 =	vld [tilespmem:s17+$0xFFFFFF90]  }
0x13f: {  	v47 =	vld [tilespmem:s17+$0xFFFFFFA0];
	[tilespmem:s17+$0xFFFFFF50] =	vst v46;
	v40 =	vmul.f32 v34, v32  }
0x140: {  	v48 =	vld [tilespmem:s17+$0xFFFFFFB0];
	[tilespmem:s17+$0xFFFFFF40] =	vst v1;
	v1 =	vmul.f32 v43, v3  }
0x141: {  	v49 =	vld [tilespmem:s17+$0xFFFFFFC0];
	[tilespmem:s17+$0x70] =	vst v40;
	v3 =	vmul.f32 v44, v3  }
0x142: {  	v50 =	vld [tilespmem:s17+$0xFFFFFFD0];
	[tilespmem:s17+$0xFFFFFF60] =	vst v1;
	v1 =	vmul.f32 v45, v31  }
0x143: {  	[tilespmem:s17+$0xFFFFFF70] =	vst v3;
	v3 =	vld [tilespmem:s17+$0xFFFFFFE0];
	v2 =	vmul.f32 v2, v31  }
0x144: {  	v51 =	vld [tilespmem:s17+$0xFFFFFFF0];
	[tilespmem:s17+$0xFFFFFF80] =	vst v1;
	v1 =	vmul.f32 v47, v31  }
0x145: {  	v52 =	vld [tilespmem:s17+$0x0];
	[tilespmem:s17+$0xFFFFFF90] =	vst v2;
	v2 =	vmul.f32 v48, v31  }
0x146: {  	v53 =	vld [tilespmem:s17+$0x10];
	[tilespmem:s17+$0xFFFFFFA0] =	vst v1;
	v1 =	vmul.f32 v49, v31  }
0x147: {  	v54 =	vld [tilespmem:s17+$0x20];
	[tilespmem:s17+$0xFFFFFFB0] =	vst v2;
	v2 =	vmul.f32 v50, v31  }
0x148: {  	[tilespmem:s17+$0xFFFFFFC0] =	vst v1;
	v1 =	vmul.f32 v3, v31;
	v3 =	vld [tilespmem:s17+$0x30]  }
0x149: {  	v55 =	vld [tilespmem:s17+$0x40];
	[tilespmem:s17+$0xFFFFFFD0] =	vst v2;
	v2 =	vmul.f32 v51, v31  }
0x14a: {  	v56 =	vld [tilespmem:s17+$0x50];
	[tilespmem:s17+$0xFFFFFFE0] =	vst v1;
	v1 =	vmul.f32 v52, v32  }
0x14b: {  	v57 =	vld [tilespmem:s17+$0x60];
	[tilespmem:s17+$0xFFFFFFF0] =	vst v2;
	v2 =	vmul.f32 v53, v32  }
0x14c: {  	v58 =	vld [tilespmem:s17+$0x80];
	[tilespmem:s17+$0x0] =	vst v1;
	v1 =	vmul.f32 v54, v32  }
0x14d: {  	[tilespmem:s17+$0x10] =	vst v2;
	v2 =	vmul.f32 v3, v32;
	v3 =	vld [tilespmem:s17+$0x90]  }
0x14e: {  	v59 =	vld [tilespmem:s17+$0xA0];
	[tilespmem:s17+$0x20] =	vst v1;
	v1 =	vmul.f32 v55, v32  }
0x14f: {  	v60 =	vld [tilespmem:s17+$0xB0];
	[tilespmem:s17+$0x30] =	vst v2;
	v2 =	vmul.f32 v56, v32  }
0x150: {  	v61 =	vld [tilespmem:s17+$0xC0];
	[tilespmem:s17+$0x40] =	vst v1;
	v1 =	vmul.f32 v57, v32  }
0x151: {  	v62 =	vld [tilespmem:s17+$0xD0];
	[tilespmem:s17+$0x50] =	vst v2;
	v2 =	vmul.f32 v58, v5  }
0x152: {  	[tilespmem:s17+$0x60] =	vst v1;
	v1 =	vmul.f32 v3, v5;
	v3 =	vld [tilespmem:s17+$0xE0]  }
0x153: {  	v63 =	vld [tilespmem:s17+$0xF0];
	[tilespmem:s17+$0x80] =	vst v2;
	v2 =	vmul.f32 v59, v5  }
0x154: {  	[tilespmem:s17+$0x90] =	vst v1;
	v1 =	vmul.f32 v60, v5  }
0x155: {  	[tilespmem:s17+$0xA0] =	vst v2;
	v2 =	vmul.f32 v61, v5  }
0x156: {  	[tilespmem:s17+$0xB0] =	vst v1;
	v1 =	vmul.f32 v62, v5  }
0x157: {  	[tilespmem:s17+$0xC0] =	vst v2;
	v2 =	vmul.f32 v3, v5  }
0x158: {  	[tilespmem:s17+$0xD0] =	vst v1;
	v1 =	vmul.f32 v63, v5  }
0x159: {  	[tilespmem:s17+$0xE0] =	vst v2  }
0x15a: {  	[tilespmem:s17+$0xF0] =	vst v1  }
.LBB2_8:
0x15b: {  	s2 =	smul.u32 $0x780, s4  }
0x15c: {  	_ =	swait.ge [sflag:s6], $0x2800  }
0x15d: {  	[sflag:s6] =	ssyncset.done $0x0;
	s2 =	sshra.s32 s2, $0x2  }
0x15e: {  	[sflag:s6] =	ssyncadd.s32 $0xFFFFD800;
	s2 =	sadd.s32 $0x140F0, s2  }
0x15f: {  	[tilespmem:s16], [sflag:$0x1] =	stream.indirect.gather [hbm4b:s1+s26], $0x80, s2, s26, $0xb8;
	[tilespmem:$0x1E580] =	vst v63  }
0x160: {  	s23 =	simm.s32 $0x0;
	_ =	swait.ge [sflag:s7], $0x80  }
0x161: {  	s3 =	smul.u32 $0x6, s4;
	s11 =	simm.s32 $0x2;
	v1 =	vmov s23;
	[sflag:s7] =	ssyncset.done $0x0  }
0x162: {  	v2 =	vmov s11;
	v1 =	vand.u32 $0xFFFFFFFC, v1;
	[sflag:s7] =	ssyncadd.s32 $0xFFFFFF80  }
0x163: {  	s17 =	sadd.s32 $0x4, s3;
	v2 =	vand.u32 $0xFFFFFFFE, v2;
	v1 =	vbroadcast v1, $0x0;
	_ =	swait.ge [sflag:s7], $0x80  }
0x164: {  	s20 =	sshll.u32 s17, $0x4;
	v2 =	vbroadcast v2, $0x0;
	[sflag:s7] =	ssyncset.done $0x0  }
0x165: {  	s21 =	sadd.s32 s13, s20;
	[sflag:s7] =	ssyncadd.s32 $0xFFFFFF80  }
0x166: {  	[tilespmem:s8], [sflag:$0x8] =	stream.linear.gather [hbm4b:s21+s23], $0x80, $0x38;
	[tilespmem:$0x1E580] =	vst v63  }
0x167: {  	s11 =	sadd.s32 s14, s20  }
0x168: {  	[tilespmem:s9], [sflag:$0x8] =	stream.linear.gather [hbm4b:s11+s23], $0x80, $0x38;
	[tilespmem:$0x1E580] =	vst v63  }
0x169: {  	v1 =	vld.idx.msk [tilespmem:v1+s18+$0x0], $0xffff  }
0x16a: {  	s11 =	simm.s32 $0x1BE80;
	v2 =	vld.idx.msk [tilespmem:v2+s18+$0x0], $0xffff  }
0x16b: {  	s21 =	simm.s32 $0x1;
	v4 =	vld [tilespmem:s11+$0x70]  }
0x16c: {  	v3 =	vmov s21;
	v5 =	vld [tilespmem:s11+$0xFFFFFF00]  }
0x16d: {  	v3 =	vand.u32 $0xFFFFFFFD, v3;
	v6 =	vld [tilespmem:s11+$0xFFFFFF10]  }
0x16e: {  	v3 =	vbroadcast v3, $0x0;
	v7 =	vld [tilespmem:s11+$0xFFFFFF20]  }
0x16f: {  	v8 =	vld [tilespmem:s11+$0xFFFFFF30]  }
0x170: {  	v9 =	vld [tilespmem:s11+$0xFFFFFF40]  }
0x171: {  	v10 =	vld [tilespmem:s11+$0xFFFFFF50]  }
0x172: {  	v11 =	vld [tilespmem:s11+$0xFFFFFF60];
	v5 =	vmul.f32 v5, v1  }
0x173: {  	v13 =	vld [tilespmem:s11+$0x40];
	v4 =	vmul.f32 v4, v2  }
0x174: {  	v3 =	vld.idx.msk [tilespmem:v3+s18+$0x0], $0xffff;
	[tilespmem:s11+$0xFFFFFF00] =	vst v5;
	v5 =	vmul.f32 v6, v1  }
0x175: {  	v6 =	vld [tilespmem:s11+$0xFFFFFF70];
	[tilespmem:s11+$0x70] =	vst v4;
	v4 =	vmul.f32 v7, v1  }
0x176: {  	v7 =	vld [tilespmem:s11+$0xFFFFFF80];
	[tilespmem:s11+$0xFFFFFF10] =	vst v5;
	v5 =	vmul.f32 v8, v1  }
0x177: {  	v8 =	vld [tilespmem:s11+$0xFFFFFF90];
	[tilespmem:s11+$0xFFFFFF20] =	vst v4;
	v4 =	vmul.f32 v9, v1  }
0x178: {  	v9 =	vld [tilespmem:s11+$0xFFFFFFA0];
	[tilespmem:s11+$0xFFFFFF30] =	vst v5;
	v5 =	vmul.f32 v10, v1  }
0x179: {  	v10 =	vld [tilespmem:s11+$0xFFFFFFB0];
	[tilespmem:s11+$0xFFFFFF40] =	vst v4;
	v4 =	vmul.f32 v11, v1  }
0x17a: {  	v11 =	vld [tilespmem:s11+$0xFFFFFFC0];
	v6 =	vmul.f32 v6, v1;
	[tilespmem:s11+$0xFFFFFF50] =	vst v5  }
0x17b: {  	v5 =	vmul.f32 v7, v3;
	v7 =	vld [tilespmem:s11+$0xFFFFFFD0];
	[tilespmem:s11+$0xFFFFFF60] =	vst v4  }
0x17c: {  	s23 =	simm.s32 $0x3;
	v4 =	vld [tilespmem:s11+$0xFFFFFFE0];
	v8 =	vmul.f32 v8, v3;
	[tilespmem:s11+$0xFFFFFF70] =	vst v6  }
0x17d: {  	v12 =	vmov s23;
	v6 =	vld [tilespmem:s11+$0xFFFFFFF0];
	[tilespmem:s11+$0xFFFFFF80] =	vst v5;
	v5 =	vmul.f32 v9, v3  }
0x17e: {  	v9 =	vld [tilespmem:s11+$0x0];
	[tilespmem:s11+$0xFFFFFF90] =	vst v8;
	v8 =	vmul.f32 v10, v3  }
0x17f: {  	v10 =	vld [tilespmem:s11+$0x10];
	[tilespmem:s11+$0xFFFFFFA0] =	vst v5;
	v5 =	vmul.f32 v11, v3  }
0x180: {  	[tilespmem:s11+$0xFFFFFFB0] =	vst v8;
	v7 =	vmul.f32 v7, v3;
	v8 =	vld [tilespmem:s11+$0x20]  }
0x181: {  	v11 =	vld [tilespmem:s11+$0x30];
	v4 =	vmul.f32 v4, v3;
	[tilespmem:s11+$0xFFFFFFC0] =	vst v5  }
0x182: {  	v1 =	vld.idx.msk [tilespmem:v12+s18+$0x0], $0xffff;
	v3 =	vmul.f32 v6, v3;
	[tilespmem:s11+$0xFFFFFFD0] =	vst v7  }
0x183: {  	[tilespmem:s11+$0xFFFFFFE0] =	vst v4;
	v5 =	vmul.f32 v9, v2;
	v4 =	vld [tilespmem:s11+$0x50]  }
0x184: {  	s20 =	simm.s32 $0x4;
	[tilespmem:s11+$0xFFFFFFF0] =	vst v3;
	v6 =	vmul.f32 v10, v2;
	v3 =	vld [tilespmem:s11+$0x60]  }
0x185: {  	s21 =	simm.s32 $0x7;
	v7 =	vmov s20;
	[tilespmem:s11+$0x0] =	vst v5;
	v9 =	vmul.f32 v8, v2;
	v8 =	vld [tilespmem:s11+$0x80]  }
0x186: {  	s23 =	simm.s32 $0x5;
	v12 =	vand.u32 $0xFFFFFFFC, v7;
	v7 =	vld [tilespmem:s11+$0x90];
	v5 =	vmov s21;
	v10 =	vmul.f32 v11, v2;
	[tilespmem:s11+$0x10] =	vst v6  }
0x187: {  	s2 =	simm.s32 $0x6;
	v11 =	vmul.f32 v13, v2;
	s21 =	simm.s32 $0x1BE80;
	v6 =	vbroadcast v12, $0x0;
	v12 =	vmov s23;
	s23 =	simm.s32 $0x8;
	[tilespmem:s11+$0x20] =	vst v9;
	v9 =	vld [tilespmem:s11+$0xA0]  }
.LBB2_9:
0x188: {  	p0 =	slt.u32 s23, $0x4C;
	v12 =	vand.u32 $0xFFFFFFFD, v12;
	v13 =	vmov s2;
	[tilespmem:s11+$0x30] =	vst v10;
	v4 =	vmul.f32 v4, v2;
	v10 =	vld [tilespmem:s11+$0xB0]  }
0x189: {  	v12 =	vbroadcast v12, $0x0;
	v13 =	vand.u32 $0xFFFFFFFE, v13;
	[tilespmem:s11+$0x40] =	vst v11;
	v2 =	vmul.f32 v3, v2;
	v3 =	vld [tilespmem:s11+$0xC0]  }
0x18a: {  	v11 =	vbroadcast v13, $0x0;
	[tilespmem:s11+$0x50] =	vst v4;
	v4 =	vmul.f32 v8, v1;
	v8 =	vld [tilespmem:s11+$0xD0]  }
0x18b: {  	[tilespmem:s11+$0x60] =	vst v2;
	v2 =	vmul.f32 v7, v1;
	v7 =	vld [tilespmem:s11+$0xE0]  }
0x18c: {  	[tilespmem:s11+$0x80] =	vst v4;
	v4 =	vmul.f32 v9, v1;
	v9 =	vld [tilespmem:s11+$0xF0]  }
0x18d: {  	v5 =	vld.idx.msk [tilespmem:v5+s18+$0x0], $0xffff;
	[tilespmem:s11+$0x90] =	vst v2;
	v2 =	vmul.f32 v10, v1  }
0x18e: {  	v6 =	vld.idx.msk [tilespmem:v6+s18+$0x0], $0xffff;
	[tilespmem:s11+$0xA0] =	vst v4;
	v3 =	vmul.f32 v3, v1  }
0x18f: {  	v4 =	vld.idx.msk [tilespmem:v12+s18+$0x0], $0xffff;
	[tilespmem:s11+$0xB0] =	vst v2;
	v8 =	vmul.f32 v8, v1  }
0x190: {  	s11 =	sadd.s32 $0x200, s11;
	v2 =	vld.idx.msk [tilespmem:v11+s18+$0x0], $0xffff;
	[tilespmem:s21+$0xC0] =	vst v3;
	v3 =	vmul.f32 v7, v1  }
0x191: {  	v7 =	vld [tilespmem:s11+$0x70];
	[tilespmem:s21+$0xD0] =	vst v8;
	v9 =	vmul.f32 v9, v1  }
0x192: {  	v8 =	vld [tilespmem:s11+$0xFFFFFF00];
	[tilespmem:s21+$0xE0] =	vst v3  }
0x193: {  	v1 =	vmov v5;
	v3 =	vld [tilespmem:s11+$0xFFFFFF10];
	[tilespmem:s21+$0xF0] =	vst v9;
	s21 =	smov.u32 s11  }
0x194: {  	v5 =	vld [tilespmem:s11+$0xFFFFFF20]  }
0x195: {  	v9 =	vld [tilespmem:s11+$0xFFFFFF30]  }
0x196: {  	v10 =	vld [tilespmem:s11+$0xFFFFFF40];
	v7 =	vmul.f32 v7, v2  }
0x197: {  	v8 =	vmul.f32 v8, v6;
	v11 =	vld [tilespmem:s11+$0xFFFFFF50]  }
0x198: {  	v3 =	vmul.f32 v3, v6;
	v12 =	vld [tilespmem:s11+$0xFFFFFF60];
	[tilespmem:s11+$0x70] =	vst v7  }
0x199: {  	[tilespmem:s11+$0xFFFFFF00] =	vst v8;
	v5 =	vmul.f32 v5, v6;
	v7 =	vld [tilespmem:s11+$0xFFFFFF70]  }
0x19a: {  	[tilespmem:s11+$0xFFFFFF10] =	vst v3;
	v3 =	vmul.f32 v9, v6;
	v8 =	vld [tilespmem:s11+$0xFFFFFF80]  }
0x19b: {  	[tilespmem:s11+$0xFFFFFF20] =	vst v5;
	v5 =	vmul.f32 v10, v6;
	v9 =	vld [tilespmem:s11+$0xFFFFFF90]  }
0x19c: {  	[tilespmem:s11+$0xFFFFFF30] =	vst v3;
	v3 =	vmul.f32 v11, v6;
	v10 =	vld [tilespmem:s11+$0xFFFFFFA0]  }
0x19d: {  	[tilespmem:s11+$0xFFFFFF40] =	vst v5;
	v5 =	vmul.f32 v12, v6;
	v11 =	vld [tilespmem:s11+$0xFFFFFFB0]  }
0x19e: {  	[tilespmem:s11+$0xFFFFFF50] =	vst v3;
	v3 =	vmul.f32 v7, v6;
	v6 =	vld [tilespmem:s11+$0xFFFFFFC0]  }
0x19f: {  	[tilespmem:s11+$0xFFFFFF60] =	vst v5;
	v5 =	vmul.f32 v8, v4;
	v7 =	vld [tilespmem:s11+$0xFFFFFFD0]  }
0x1a0: {  	[tilespmem:s11+$0xFFFFFF70] =	vst v3;
	v3 =	vmul.f32 v9, v4;
	v8 =	vld [tilespmem:s11+$0xFFFFFFE0]  }
0x1a1: {  	[tilespmem:s11+$0xFFFFFF80] =	vst v5;
	v5 =	vmul.f32 v10, v4;
	v9 =	vld [tilespmem:s11+$0xFFFFFFF0]  }
0x1a2: {  	[tilespmem:s11+$0xFFFFFF90] =	vst v3;
	v3 =	vmul.f32 v11, v4;
	v10 =	vld [tilespmem:s11+$0x0]  }
0x1a3: {  	[tilespmem:s11+$0xFFFFFFA0] =	vst v5;
	v5 =	vmul.f32 v6, v4;
	v6 =	vld [tilespmem:s11+$0x10]  }
0x1a4: {  	[tilespmem:s11+$0xFFFFFFB0] =	vst v3;
	v3 =	vmul.f32 v7, v4;
	v7 =	vld [tilespmem:s11+$0x20]  }
0x1a5: {  	[tilespmem:s11+$0xFFFFFFC0] =	vst v5;
	v5 =	vmul.f32 v8, v4;
	v11 =	vld [tilespmem:s11+$0x30]  }
0x1a6: {  	[tilespmem:s11+$0xFFFFFFD0] =	vst v3;
	v3 =	vmul.f32 v9, v4;
	v9 =	vld [tilespmem:s11+$0x40]  }
.Ltmp3:
0x1a7: {  	[tilespmem:s11+$0xFFFFFFE0] =	vst v5;
	v5 =	vmul.f32 v10, v2;
	v4 =	vld [tilespmem:s11+$0x50];
	(pc) =	sbr.rel @p0 .LBB2_9-.Ltmp3, $4  }
0x1a8: {  	[tilespmem:s11+$0xFFFFFFF0] =	vst v3;
	v6 =	vmul.f32 v6, v2;
	v3 =	vld [tilespmem:s11+$0x60]  }
0x1a9: {  	s2 =	sadd.s32 $0x3, s23;
	v10 =	vmov s23;
	[tilespmem:s11+$0x0] =	vst v5;
	v13 =	vmul.f32 v7, v2;
	v8 =	vld [tilespmem:s11+$0x80]  }
0x1aa: {  	s20 =	sadd.s32 $0x1, s23;
	v12 =	vand.u32 $0xFFFFFFFC, v10;
	v5 =	vmov s2;
	[tilespmem:s11+$0x10] =	vst v6;
	v10 =	vmul.f32 v11, v2;
	v7 =	vld [tilespmem:s11+$0x90]  }
0x1ab: {  	s2 =	sadd.s32 $0x2, s23;
	s23 =	sadd.s32 $0x4, s23;
	v6 =	vbroadcast v12, $0x0;
	v12 =	vmov s20;
	[tilespmem:s11+$0x20] =	vst v13;
	v11 =	vmul.f32 v9, v2;
	v9 =	vld [tilespmem:s11+$0xA0]  }
0x1ac: {  	v13 =	vld [tilespmem:s11+$0xB0]  }
0x1ad: {  	v15 =	vld [tilespmem:s11+$0xC0]  }
0x1ae: {  	v14 =	vmov s2;
	v16 =	vld [tilespmem:s11+$0xD0]  }
0x1af: {  	v17 =	vld [tilespmem:s11+$0xE0];
	[tilespmem:s11+$0x30] =	vst v10;
	v4 =	vmul.f32 v4, v2;
	v14 =	vand.u32 $0xFFFFFFFE, v14  }
0x1b0: {  	v12 =	vand.u32 $0xFFFFFFFD, v12;
	v5 =	vld.idx.msk [tilespmem:v5+s18+$0x0], $0xffff;
	[tilespmem:s11+$0x40] =	vst v11;
	v2 =	vmul.f32 v3, v2;
	v14 =	vbroadcast v14, $0x0  }
0x1b1: {  	s23 =	sadd.s32 $0x200, s11;
	v12 =	vbroadcast v12, $0x0;
	v3 =	vld.idx.msk [tilespmem:v6+s18+$0x0], $0xffff;
	v8 =	vmul.f32 v8, v1;
	[tilespmem:s11+$0x50] =	vst v4  }
0x1b2: {  	v10 =	vld [tilespmem:s23+$0xFFFFFF00];
	v4 =	vmul.f32 v7, v1;
	[tilespmem:s11+$0x60] =	vst v2  }
0x1b3: {  	[tilespmem:s11+$0x80] =	vst v8;
	v8 =	vld [tilespmem:s11+$0xF0];
	v2 =	vmul.f32 v9, v1  }
0x1b4: {  	v11 =	vld [tilespmem:s23+$0xFFFFFF10];
	[tilespmem:s11+$0x90] =	vst v4;
	v4 =	vmul.f32 v13, v1  }
0x1b5: {  	v9 =	vld [tilespmem:s23+$0x70];
	[tilespmem:s11+$0xA0] =	vst v2;
	v2 =	vmul.f32 v15, v1  }
0x1b6: {  	[tilespmem:s11+$0xB0] =	vst v4;
	v4 =	vmul.f32 v16, v1;
	v7 =	vld.idx.msk [tilespmem:v14+s18+$0x0], $0xffff  }
0x1b7: {  	v6 =	vld.idx.msk [tilespmem:v12+s18+$0x0], $0xffff;
	[tilespmem:s21+$0xC0] =	vst v2;
	v2 =	vmul.f32 v17, v1  }
0x1b8: {  	v12 =	vld [tilespmem:s23+$0xFFFFFF20];
	[tilespmem:s21+$0xD0] =	vst v4;
	v1 =	vmul.f32 v8, v1  }
0x1b9: {  	v4 =	vld [tilespmem:s23+$0xFFFFFF30];
	[tilespmem:s21+$0xE0] =	vst v2  }
0x1ba: {  	v2 =	vld [tilespmem:s23+$0xFFFFFF40];
	[tilespmem:s21+$0xF0] =	vst v1;
	v1 =	vmul.f32 v10, v3  }
0x1bb: {  	v8 =	vmul.f32 v9, v7;
	v9 =	vld [tilespmem:s23+$0xFFFFFF50]  }
0x1bc: {  	v10 =	vmul.f32 v11, v3;
	v11 =	vld [tilespmem:s23+$0xFFFFFF60];
	[tilespmem:s23+$0xFFFFFF00] =	vst v1  }
0x1bd: {  	v1 =	vmul.f32 v12, v3;
	[tilespmem:s23+$0x70] =	vst v8;
	v8 =	vld [tilespmem:s23+$0xFFFFFF70]  }
0x1be: {  	[tilespmem:s23+$0xFFFFFF10] =	vst v10;
	v10 =	vld [tilespmem:s23+$0xFFFFFF80];
	v4 =	vmul.f32 v4, v3  }
0x1bf: {  	[tilespmem:s23+$0xFFFFFF20] =	vst v1;
	v1 =	vmul.f32 v2, v3;
	v2 =	vld [tilespmem:s23+$0xFFFFFF90]  }
0x1c0: {  	[tilespmem:s23+$0xFFFFFF30] =	vst v4;
	v4 =	vmul.f32 v9, v3;
	v9 =	vld [tilespmem:s23+$0xFFFFFFA0]  }
0x1c1: {  	[tilespmem:s23+$0xFFFFFF40] =	vst v1;
	v1 =	vmul.f32 v11, v3;
	v11 =	vld [tilespmem:s23+$0xFFFFFFB0]  }
0x1c2: {  	[tilespmem:s23+$0xFFFFFF50] =	vst v4;
	v3 =	vmul.f32 v8, v3;
	v4 =	vld [tilespmem:s23+$0xFFFFFFC0]  }
0x1c3: {  	[tilespmem:s23+$0xFFFFFF60] =	vst v1;
	v1 =	vmul.f32 v10, v6;
	v8 =	vld [tilespmem:s23+$0xFFFFFFD0]  }
0x1c4: {  	v2 =	vmul.f32 v2, v6;
	[tilespmem:s23+$0xFFFFFF70] =	vst v3;
	v3 =	vld [tilespmem:s23+$0xFFFFFFE0]  }
0x1c5: {  	[tilespmem:s23+$0xFFFFFF80] =	vst v1;
	v1 =	vmul.f32 v9, v6;
	v9 =	vld [tilespmem:s23+$0xFFFFFFF0]  }
0x1c6: {  	v10 =	vld [tilespmem:s23+$0x0];
	[tilespmem:s23+$0xFFFFFF90] =	vst v2;
	v2 =	vmul.f32 v11, v6  }
0x1c7: {  	[tilespmem:s23+$0xFFFFFFA0] =	vst v1;
	v1 =	vmul.f32 v4, v6;
	v4 =	vld [tilespmem:s23+$0x10]  }
0x1c8: {  	[tilespmem:s23+$0xFFFFFFB0] =	vst v2;
	v2 =	vmul.f32 v8, v6;
	v8 =	vld [tilespmem:s23+$0x20]  }
0x1c9: {  	[tilespmem:s23+$0xFFFFFFC0] =	vst v1;
	v1 =	vmul.f32 v3, v6;
	v3 =	vld [tilespmem:s23+$0x30]  }
0x1ca: {  	[tilespmem:s23+$0xFFFFFFD0] =	vst v2;
	v2 =	vmul.f32 v9, v6;
	v6 =	vld [tilespmem:s23+$0x40]  }
0x1cb: {  	v9 =	vld [tilespmem:s23+$0x50];
	[tilespmem:s23+$0xFFFFFFE0] =	vst v1;
	v1 =	vmul.f32 v10, v7  }
0x1cc: {  	[tilespmem:s23+$0xFFFFFFF0] =	vst v2;
	v2 =	vmul.f32 v4, v7;
	v4 =	vld [tilespmem:s23+$0x60]  }
0x1cd: {  	[tilespmem:s23+$0x0] =	vst v1;
	v1 =	vmul.f32 v8, v7;
	v8 =	vld [tilespmem:s23+$0x80]  }
0x1ce: {  	[tilespmem:s23+$0x10] =	vst v2;
	v2 =	vmul.f32 v3, v7;
	v3 =	vld [tilespmem:s23+$0x90]  }
0x1cf: {  	[tilespmem:s23+$0x20] =	vst v1;
	v1 =	vmul.f32 v6, v7;
	v6 =	vld [tilespmem:s23+$0xA0]  }
0x1d0: {  	[tilespmem:s23+$0x30] =	vst v2;
	v2 =	vmul.f32 v9, v7;
	v9 =	vld [tilespmem:s23+$0xB0]  }
0x1d1: {  	[tilespmem:s23+$0x40] =	vst v1;
	v1 =	vmul.f32 v4, v7;
	v4 =	vld [tilespmem:s23+$0xC0]  }
0x1d2: {  	v7 =	vld [tilespmem:s23+$0xD0];
	[tilespmem:s23+$0x50] =	vst v2;
	v2 =	vmul.f32 v8, v5  }
0x1d3: {  	[tilespmem:s23+$0x60] =	vst v1;
	v1 =	vmul.f32 v3, v5;
	v3 =	vld [tilespmem:s23+$0xE0]  }
0x1d4: {  	[tilespmem:s23+$0x80] =	vst v2;
	v2 =	vmul.f32 v6, v5;
	v6 =	vld [tilespmem:s23+$0xF0]  }
0x1d5: {  	[tilespmem:s23+$0x90] =	vst v1;
	v1 =	vmul.f32 v9, v5  }
0x1d6: {  	[tilespmem:s23+$0xA0] =	vst v2;
	v2 =	vmul.f32 v4, v5  }
0x1d7: {  	[tilespmem:s23+$0xB0] =	vst v1;
	v1 =	vmul.f32 v7, v5  }
0x1d8: {  	[tilespmem:s23+$0xC0] =	vst v2;
	v2 =	vmul.f32 v3, v5  }
0x1d9: {  	[tilespmem:s23+$0xD0] =	vst v1;
	v1 =	vmul.f32 v6, v5  }
0x1da: {  	[tilespmem:s23+$0xE0] =	vst v2  }
0x1db: {  	s20 =	smul.u32 $0x140, s17;
	[tilespmem:s23+$0xF0] =	vst v1  }
0x1dc: {  	_ =	swait.ge [sflag:s28], $0x2800  }
0x1dd: {  	s2 =	sshra.s32 s20, $0x2;
	[sflag:s28] =	ssyncset.done $0x0  }
0x1de: {  	s2 =	sadd.s32 $0x14000, s2;
	[sflag:s28] =	ssyncadd.s32 $0xFFFFD800  }
0x1df: {  	[tilespmem:s30], [sflag:$0x2] =	stream.indirect.gather [hbm4b:s1+s26], $0x80, s2, s26, $0xb8;
	[tilespmem:$0x1E580] =	vst v63  }
0x1e0: {  	s2 =	simm.s32 $0x0;
	_ =	swait.ge [sflag:s10], $0x80  }
0x1e1: {  	s21 =	simm.s32 $0x2;
	v1 =	vmov s2;
	[sflag:s10] =	ssyncset.done $0x0  }
0x1e2: {  	v2 =	vmov s21;
	v1 =	vand.u32 $0xFFFFFFFC, v1;
	[sflag:s10] =	ssyncadd.s32 $0xFFFFFF80  }
0x1e3: {  	s17 =	sadd.s32 $0x5, s3;
	v2 =	vand.u32 $0xFFFFFFFE, v2;
	v1 =	vbroadcast v1, $0x0;
	_ =	swait.ge [sflag:s10], $0x80  }
0x1e4: {  	s11 =	sshll.u32 s17, $0x4;
	v2 =	vbroadcast v2, $0x0;
	[sflag:s10] =	ssyncset.done $0x0  }
0x1e5: {  	s20 =	sadd.s32 s13, s11;
	s23 =	simm.s32 $0x16A00;
	[sflag:s10] =	ssyncadd.s32 $0xFFFFFF80  }
0x1e6: {  	[tilespmem:s23], [sflag:$0x9] =	stream.linear.gather [hbm4b:s20+s2], $0x80, $0x38;
	[tilespmem:$0x1E580] =	vst v63  }
0x1e7: {  	s11 =	sadd.s32 s14, s11  }
0x1e8: {  	[tilespmem:s12], [sflag:$0x9] =	stream.linear.gather [hbm4b:s11+s2], $0x80, $0x38;
	[tilespmem:$0x1E580] =	vst v63  }
0x1e9: {  	v1 =	vld.idx.msk [tilespmem:v1+s5+$0x0], $0xffff  }
0x1ea: {  	s21 =	simm.s32 $0x1;
	s11 =	simm.s32 $0x16E80;
	v2 =	vld.idx.msk [tilespmem:v2+s5+$0x0], $0xffff  }
0x1eb: {  	v3 =	vmov s21;
	v4 =	vld [tilespmem:s11+$0x70]  }
0x1ec: {  	v3 =	vand.u32 $0xFFFFFFFD, v3;
	v5 =	vld [tilespmem:s11+$0xFFFFFF00]  }
0x1ed: {  	v3 =	vbroadcast v3, $0x0;
	v6 =	vld [tilespmem:s11+$0xFFFFFF10]  }
0x1ee: {  	v7 =	vld [tilespmem:s11+$0xFFFFFF20]  }
0x1ef: {  	v8 =	vld [tilespmem:s11+$0xFFFFFF30]  }
0x1f0: {  	v9 =	vld [tilespmem:s11+$0xFFFFFF40]  }
0x1f1: {  	v10 =	vld [tilespmem:s11+$0xFFFFFF50]  }
0x1f2: {  	v11 =	vld [tilespmem:s11+$0xFFFFFF60];
	v5 =	vmul.f32 v5, v1  }
0x1f3: {  	v3 =	vld.idx.msk [tilespmem:v3+s5+$0x0], $0xffff;
	v4 =	vmul.f32 v4, v2  }
0x1f4: {  	v13 =	vld [tilespmem:s11+$0x40];
	[tilespmem:s11+$0xFFFFFF00] =	vst v5;
	v5 =	vmul.f32 v6, v1  }
0x1f5: {  	v6 =	vld [tilespmem:s11+$0xFFFFFF70];
	[tilespmem:s11+$0x70] =	vst v4;
	v4 =	vmul.f32 v7, v1  }
0x1f6: {  	v7 =	vld [tilespmem:s11+$0xFFFFFF80];
	[tilespmem:s11+$0xFFFFFF10] =	vst v5;
	v5 =	vmul.f32 v8, v1  }
0x1f7: {  	v8 =	vld [tilespmem:s11+$0xFFFFFF90];
	[tilespmem:s11+$0xFFFFFF20] =	vst v4;
	v4 =	vmul.f32 v9, v1  }
0x1f8: {  	v9 =	vld [tilespmem:s11+$0xFFFFFFA0];
	[tilespmem:s11+$0xFFFFFF30] =	vst v5;
	v5 =	vmul.f32 v10, v1  }
0x1f9: {  	v10 =	vld [tilespmem:s11+$0xFFFFFFB0];
	[tilespmem:s11+$0xFFFFFF40] =	vst v4;
	v4 =	vmul.f32 v11, v1  }
0x1fa: {  	v11 =	vld [tilespmem:s11+$0xFFFFFFC0];
	v6 =	vmul.f32 v6, v1;
	[tilespmem:s11+$0xFFFFFF50] =	vst v5  }
0x1fb: {  	v5 =	vmul.f32 v7, v3;
	v7 =	vld [tilespmem:s11+$0xFFFFFFD0];
	[tilespmem:s11+$0xFFFFFF60] =	vst v4  }
0x1fc: {  	s23 =	simm.s32 $0x3;
	v4 =	vld [tilespmem:s11+$0xFFFFFFE0];
	v8 =	vmul.f32 v8, v3;
	[tilespmem:s11+$0xFFFFFF70] =	vst v6  }
0x1fd: {  	v12 =	vmov s23;
	v6 =	vld [tilespmem:s11+$0xFFFFFFF0];
	[tilespmem:s11+$0xFFFFFF80] =	vst v5;
	v5 =	vmul.f32 v9, v3  }
0x1fe: {  	v9 =	vld [tilespmem:s11+$0x0];
	[tilespmem:s11+$0xFFFFFF90] =	vst v8;
	v8 =	vmul.f32 v10, v3  }
0x1ff: {  	v10 =	vld [tilespmem:s11+$0x10];
	[tilespmem:s11+$0xFFFFFFA0] =	vst v5;
	v5 =	vmul.f32 v11, v3  }
0x200: {  	[tilespmem:s11+$0xFFFFFFB0] =	vst v8;
	v7 =	vmul.f32 v7, v3;
	v8 =	vld [tilespmem:s11+$0x20]  }
0x201: {  	v11 =	vld [tilespmem:s11+$0x30];
	v4 =	vmul.f32 v4, v3;
	[tilespmem:s11+$0xFFFFFFC0] =	vst v5  }
0x202: {  	v1 =	vld.idx.msk [tilespmem:v12+s5+$0x0], $0xffff;
	v3 =	vmul.f32 v6, v3;
	[tilespmem:s11+$0xFFFFFFD0] =	vst v7  }
0x203: {  	[tilespmem:s11+$0xFFFFFFE0] =	vst v4;
	v5 =	vmul.f32 v9, v2;
	v4 =	vld [tilespmem:s11+$0x50]  }
0x204: {  	s20 =	simm.s32 $0x4;
	[tilespmem:s11+$0xFFFFFFF0] =	vst v3;
	v6 =	vmul.f32 v10, v2;
	v3 =	vld [tilespmem:s11+$0x60]  }
0x205: {  	s21 =	simm.s32 $0x7;
	v7 =	vmov s20;
	[tilespmem:s11+$0x0] =	vst v5;
	v9 =	vmul.f32 v8, v2;
	v8 =	vld [tilespmem:s11+$0x80]  }
0x206: {  	s23 =	simm.s32 $0x5;
	v12 =	vand.u32 $0xFFFFFFFC, v7;
	v7 =	vld [tilespmem:s11+$0x90];
	v5 =	vmov s21;
	v10 =	vmul.f32 v11, v2;
	[tilespmem:s11+$0x10] =	vst v6  }
0x207: {  	s2 =	simm.s32 $0x6;
	v11 =	vmul.f32 v13, v2;
	s21 =	simm.s32 $0x16E80;
	v6 =	vbroadcast v12, $0x0;
	v12 =	vmov s23;
	s23 =	simm.s32 $0x8;
	[tilespmem:s11+$0x20] =	vst v9;
	v9 =	vld [tilespmem:s11+$0xA0]  }
.LBB2_11:
0x208: {  	p0 =	slt.u32 s23, $0x4C;
	v12 =	vand.u32 $0xFFFFFFFD, v12;
	v13 =	vmov s2;
	[tilespmem:s11+$0x30] =	vst v10;
	v4 =	vmul.f32 v4, v2;
	v10 =	vld [tilespmem:s11+$0xB0]  }
0x209: {  	v12 =	vbroadcast v12, $0x0;
	v13 =	vand.u32 $0xFFFFFFFE, v13;
	[tilespmem:s11+$0x40] =	vst v11;
	v2 =	vmul.f32 v3, v2;
	v3 =	vld [tilespmem:s11+$0xC0]  }
0x20a: {  	v11 =	vbroadcast v13, $0x0;
	[tilespmem:s11+$0x50] =	vst v4;
	v4 =	vmul.f32 v8, v1;
	v8 =	vld [tilespmem:s11+$0xD0]  }
0x20b: {  	[tilespmem:s11+$0x60] =	vst v2;
	v2 =	vmul.f32 v7, v1;
	v7 =	vld [tilespmem:s11+$0xE0]  }
0x20c: {  	[tilespmem:s11+$0x80] =	vst v4;
	v4 =	vmul.f32 v9, v1;
	v9 =	vld [tilespmem:s11+$0xF0]  }
0x20d: {  	v5 =	vld.idx.msk [tilespmem:v5+s5+$0x0], $0xffff;
	[tilespmem:s11+$0x90] =	vst v2;
	v2 =	vmul.f32 v10, v1  }
0x20e: {  	v6 =	vld.idx.msk [tilespmem:v6+s5+$0x0], $0xffff;
	[tilespmem:s11+$0xA0] =	vst v4;
	v3 =	vmul.f32 v3, v1  }
0x20f: {  	v4 =	vld.idx.msk [tilespmem:v12+s5+$0x0], $0xffff;
	[tilespmem:s11+$0xB0] =	vst v2;
	v8 =	vmul.f32 v8, v1  }
0x210: {  	s11 =	sadd.s32 $0x200, s11;
	v2 =	vld.idx.msk [tilespmem:v11+s5+$0x0], $0xffff;
	[tilespmem:s21+$0xC0] =	vst v3;
	v3 =	vmul.f32 v7, v1  }
0x211: {  	v7 =	vld [tilespmem:s11+$0x70];
	[tilespmem:s21+$0xD0] =	vst v8;
	v9 =	vmul.f32 v9, v1  }
0x212: {  	v8 =	vld [tilespmem:s11+$0xFFFFFF00];
	[tilespmem:s21+$0xE0] =	vst v3  }
0x213: {  	v1 =	vmov v5;
	v3 =	vld [tilespmem:s11+$0xFFFFFF10];
	[tilespmem:s21+$0xF0] =	vst v9;
	s21 =	smov.u32 s11  }
0x214: {  	v5 =	vld [tilespmem:s11+$0xFFFFFF20]  }
0x215: {  	v9 =	vld [tilespmem:s11+$0xFFFFFF30]  }
0x216: {  	v10 =	vld [tilespmem:s11+$0xFFFFFF40];
	v7 =	vmul.f32 v7, v2  }
0x217: {  	v8 =	vmul.f32 v8, v6;
	v11 =	vld [tilespmem:s11+$0xFFFFFF50]  }
0x218: {  	v3 =	vmul.f32 v3, v6;
	v12 =	vld [tilespmem:s11+$0xFFFFFF60];
	[tilespmem:s11+$0x70] =	vst v7  }
0x219: {  	[tilespmem:s11+$0xFFFFFF00] =	vst v8;
	v5 =	vmul.f32 v5, v6;
	v7 =	vld [tilespmem:s11+$0xFFFFFF70]  }
0x21a: {  	[tilespmem:s11+$0xFFFFFF10] =	vst v3;
	v3 =	vmul.f32 v9, v6;
	v8 =	vld [tilespmem:s11+$0xFFFFFF80]  }
0x21b: {  	[tilespmem:s11+$0xFFFFFF20] =	vst v5;
	v5 =	vmul.f32 v10, v6;
	v9 =	vld [tilespmem:s11+$0xFFFFFF90]  }
0x21c: {  	[tilespmem:s11+$0xFFFFFF30] =	vst v3;
	v3 =	vmul.f32 v11, v6;
	v10 =	vld [tilespmem:s11+$0xFFFFFFA0]  }
0x21d: {  	[tilespmem:s11+$0xFFFFFF40] =	vst v5;
	v5 =	vmul.f32 v12, v6;
	v11 =	vld [tilespmem:s11+$0xFFFFFFB0]  }
0x21e: {  	[tilespmem:s11+$0xFFFFFF50] =	vst v3;
	v3 =	vmul.f32 v7, v6;
	v6 =	vld [tilespmem:s11+$0xFFFFFFC0]  }
0x21f: {  	[tilespmem:s11+$0xFFFFFF60] =	vst v5;
	v5 =	vmul.f32 v8, v4;
	v7 =	vld [tilespmem:s11+$0xFFFFFFD0]  }
0x220: {  	[tilespmem:s11+$0xFFFFFF70] =	vst v3;
	v3 =	vmul.f32 v9, v4;
	v8 =	vld [tilespmem:s11+$0xFFFFFFE0]  }
0x221: {  	[tilespmem:s11+$0xFFFFFF80] =	vst v5;
	v5 =	vmul.f32 v10, v4;
	v9 =	vld [tilespmem:s11+$0xFFFFFFF0]  }
0x222: {  	[tilespmem:s11+$0xFFFFFF90] =	vst v3;
	v3 =	vmul.f32 v11, v4;
	v10 =	vld [tilespmem:s11+$0x0]  }
0x223: {  	[tilespmem:s11+$0xFFFFFFA0] =	vst v5;
	v5 =	vmul.f32 v6, v4;
	v6 =	vld [tilespmem:s11+$0x10]  }
0x224: {  	[tilespmem:s11+$0xFFFFFFB0] =	vst v3;
	v3 =	vmul.f32 v7, v4;
	v7 =	vld [tilespmem:s11+$0x20]  }
0x225: {  	[tilespmem:s11+$0xFFFFFFC0] =	vst v5;
	v5 =	vmul.f32 v8, v4;
	v11 =	vld [tilespmem:s11+$0x30]  }
0x226: {  	[tilespmem:s11+$0xFFFFFFD0] =	vst v3;
	v3 =	vmul.f32 v9, v4;
	v9 =	vld [tilespmem:s11+$0x40]  }
.Ltmp4:
0x227: {  	[tilespmem:s11+$0xFFFFFFE0] =	vst v5;
	v5 =	vmul.f32 v10, v2;
	v4 =	vld [tilespmem:s11+$0x50];
	(pc) =	sbr.rel @p0 .LBB2_11-.Ltmp4, $4  }
0x228: {  	[tilespmem:s11+$0xFFFFFFF0] =	vst v3;
	v6 =	vmul.f32 v6, v2;
	v3 =	vld [tilespmem:s11+$0x60]  }
0x229: {  	s2 =	sadd.s32 $0x3, s23;
	v10 =	vmov s23;
	[tilespmem:s11+$0x0] =	vst v5;
	v13 =	vmul.f32 v7, v2;
	v8 =	vld [tilespmem:s11+$0x80]  }
0x22a: {  	s20 =	sadd.s32 $0x1, s23;
	v12 =	vand.u32 $0xFFFFFFFC, v10;
	v5 =	vmov s2;
	[tilespmem:s11+$0x10] =	vst v6;
	v10 =	vmul.f32 v11, v2;
	v7 =	vld [tilespmem:s11+$0x90]  }
0x22b: {  	s2 =	sadd.s32 $0x2, s23;
	s23 =	sadd.s32 $0x4, s23;
	v6 =	vbroadcast v12, $0x0;
	v12 =	vmov s20;
	[tilespmem:s11+$0x20] =	vst v13;
	v11 =	vmul.f32 v9, v2;
	v9 =	vld [tilespmem:s11+$0xA0]  }
0x22c: {  	v13 =	vld [tilespmem:s11+$0xB0]  }
0x22d: {  	v15 =	vld [tilespmem:s11+$0xC0]  }
0x22e: {  	v14 =	vmov s2;
	v16 =	vld [tilespmem:s11+$0xD0]  }
0x22f: {  	v17 =	vld [tilespmem:s11+$0xE0];
	[tilespmem:s11+$0x30] =	vst v10;
	v4 =	vmul.f32 v4, v2;
	v14 =	vand.u32 $0xFFFFFFFE, v14  }
0x230: {  	v12 =	vand.u32 $0xFFFFFFFD, v12;
	v5 =	vld.idx.msk [tilespmem:v5+s5+$0x0], $0xffff;
	[tilespmem:s11+$0x40] =	vst v11;
	v2 =	vmul.f32 v3, v2;
	v14 =	vbroadcast v14, $0x0  }
0x231: {  	s23 =	sadd.s32 $0x200, s11;
	v12 =	vbroadcast v12, $0x0;
	v3 =	vld.idx.msk [tilespmem:v6+s5+$0x0], $0xffff;
	v8 =	vmul.f32 v8, v1;
	[tilespmem:s11+$0x50] =	vst v4  }
0x232: {  	v10 =	vld [tilespmem:s23+$0xFFFFFF00];
	v4 =	vmul.f32 v7, v1;
	[tilespmem:s11+$0x60] =	vst v2  }
0x233: {  	[tilespmem:s11+$0x80] =	vst v8;
	v8 =	vld [tilespmem:s11+$0xF0];
	v2 =	vmul.f32 v9, v1  }
0x234: {  	v11 =	vld [tilespmem:s23+$0xFFFFFF10];
	[tilespmem:s11+$0x90] =	vst v4;
	v4 =	vmul.f32 v13, v1  }
0x235: {  	v9 =	vld [tilespmem:s23+$0x70];
	[tilespmem:s11+$0xA0] =	vst v2;
	v2 =	vmul.f32 v15, v1  }
0x236: {  	[tilespmem:s11+$0xB0] =	vst v4;
	v4 =	vmul.f32 v16, v1;
	v7 =	vld.idx.msk [tilespmem:v14+s5+$0x0], $0xffff  }
0x237: {  	v6 =	vld.idx.msk [tilespmem:v12+s5+$0x0], $0xffff;
	[tilespmem:s21+$0xC0] =	vst v2;
	v2 =	vmul.f32 v17, v1  }
0x238: {  	v12 =	vld [tilespmem:s23+$0xFFFFFF20];
	[tilespmem:s21+$0xD0] =	vst v4;
	v1 =	vmul.f32 v8, v1  }
0x239: {  	v4 =	vld [tilespmem:s23+$0xFFFFFF30];
	[tilespmem:s21+$0xE0] =	vst v2  }
0x23a: {  	v2 =	vld [tilespmem:s23+$0xFFFFFF40];
	[tilespmem:s21+$0xF0] =	vst v1;
	v1 =	vmul.f32 v10, v3  }
0x23b: {  	v8 =	vmul.f32 v9, v7;
	v9 =	vld [tilespmem:s23+$0xFFFFFF50]  }
0x23c: {  	v10 =	vmul.f32 v11, v3;
	v11 =	vld [tilespmem:s23+$0xFFFFFF60];
	[tilespmem:s23+$0xFFFFFF00] =	vst v1  }
0x23d: {  	v1 =	vmul.f32 v12, v3;
	[tilespmem:s23+$0x70] =	vst v8;
	v8 =	vld [tilespmem:s23+$0xFFFFFF70]  }
0x23e: {  	[tilespmem:s23+$0xFFFFFF10] =	vst v10;
	v10 =	vld [tilespmem:s23+$0xFFFFFF80];
	v4 =	vmul.f32 v4, v3  }
0x23f: {  	[tilespmem:s23+$0xFFFFFF20] =	vst v1;
	v1 =	vmul.f32 v2, v3;
	v2 =	vld [tilespmem:s23+$0xFFFFFF90]  }
0x240: {  	[tilespmem:s23+$0xFFFFFF30] =	vst v4;
	v4 =	vmul.f32 v9, v3;
	v9 =	vld [tilespmem:s23+$0xFFFFFFA0]  }
0x241: {  	[tilespmem:s23+$0xFFFFFF40] =	vst v1;
	v1 =	vmul.f32 v11, v3;
	v11 =	vld [tilespmem:s23+$0xFFFFFFB0]  }
0x242: {  	[tilespmem:s23+$0xFFFFFF50] =	vst v4;
	v3 =	vmul.f32 v8, v3;
	v4 =	vld [tilespmem:s23+$0xFFFFFFC0]  }
0x243: {  	[tilespmem:s23+$0xFFFFFF60] =	vst v1;
	v1 =	vmul.f32 v10, v6;
	v8 =	vld [tilespmem:s23+$0xFFFFFFD0]  }
0x244: {  	v2 =	vmul.f32 v2, v6;
	[tilespmem:s23+$0xFFFFFF70] =	vst v3;
	v3 =	vld [tilespmem:s23+$0xFFFFFFE0]  }
0x245: {  	[tilespmem:s23+$0xFFFFFF80] =	vst v1;
	v1 =	vmul.f32 v9, v6;
	v9 =	vld [tilespmem:s23+$0xFFFFFFF0]  }
0x246: {  	v10 =	vld [tilespmem:s23+$0x0];
	[tilespmem:s23+$0xFFFFFF90] =	vst v2;
	v2 =	vmul.f32 v11, v6  }
0x247: {  	[tilespmem:s23+$0xFFFFFFA0] =	vst v1;
	v1 =	vmul.f32 v4, v6;
	v4 =	vld [tilespmem:s23+$0x10]  }
0x248: {  	[tilespmem:s23+$0xFFFFFFB0] =	vst v2;
	v2 =	vmul.f32 v8, v6;
	v8 =	vld [tilespmem:s23+$0x20]  }
0x249: {  	[tilespmem:s23+$0xFFFFFFC0] =	vst v1;
	v1 =	vmul.f32 v3, v6;
	v3 =	vld [tilespmem:s23+$0x30]  }
0x24a: {  	[tilespmem:s23+$0xFFFFFFD0] =	vst v2;
	v2 =	vmul.f32 v9, v6;
	v6 =	vld [tilespmem:s23+$0x40]  }
0x24b: {  	v9 =	vld [tilespmem:s23+$0x50];
	[tilespmem:s23+$0xFFFFFFE0] =	vst v1;
	v1 =	vmul.f32 v10, v7  }
0x24c: {  	[tilespmem:s23+$0xFFFFFFF0] =	vst v2;
	v2 =	vmul.f32 v4, v7;
	v4 =	vld [tilespmem:s23+$0x60]  }
0x24d: {  	[tilespmem:s23+$0x0] =	vst v1;
	v1 =	vmul.f32 v8, v7;
	v8 =	vld [tilespmem:s23+$0x80]  }
0x24e: {  	[tilespmem:s23+$0x10] =	vst v2;
	v2 =	vmul.f32 v3, v7;
	v3 =	vld [tilespmem:s23+$0x90]  }
0x24f: {  	[tilespmem:s23+$0x20] =	vst v1;
	v1 =	vmul.f32 v6, v7;
	v6 =	vld [tilespmem:s23+$0xA0]  }
0x250: {  	[tilespmem:s23+$0x30] =	vst v2;
	v2 =	vmul.f32 v9, v7;
	v9 =	vld [tilespmem:s23+$0xB0]  }
0x251: {  	[tilespmem:s23+$0x40] =	vst v1;
	v1 =	vmul.f32 v4, v7;
	v4 =	vld [tilespmem:s23+$0xC0]  }
0x252: {  	v7 =	vld [tilespmem:s23+$0xD0];
	[tilespmem:s23+$0x50] =	vst v2;
	v2 =	vmul.f32 v8, v5  }
0x253: {  	[tilespmem:s23+$0x60] =	vst v1;
	v1 =	vmul.f32 v3, v5;
	v3 =	vld [tilespmem:s23+$0xE0]  }
0x254: {  	[tilespmem:s23+$0x80] =	vst v2;
	v2 =	vmul.f32 v6, v5;
	v6 =	vld [tilespmem:s23+$0xF0]  }
0x255: {  	[tilespmem:s23+$0x90] =	vst v1;
	v1 =	vmul.f32 v9, v5  }
0x256: {  	[tilespmem:s23+$0xA0] =	vst v2;
	v2 =	vmul.f32 v4, v5  }
0x257: {  	[tilespmem:s23+$0xB0] =	vst v1;
	v1 =	vmul.f32 v7, v5  }
0x258: {  	[tilespmem:s23+$0xC0] =	vst v2;
	v2 =	vmul.f32 v3, v5  }
0x259: {  	[tilespmem:s23+$0xD0] =	vst v1;
	v1 =	vmul.f32 v6, v5  }
0x25a: {  	[tilespmem:s23+$0xE0] =	vst v2  }
0x25b: {  	s20 =	smul.u32 $0x140, s17;
	[tilespmem:s23+$0xF0] =	vst v1  }
0x25c: {  	_ =	swait.ge [sflag:s19], $0x2800  }
0x25d: {  	s2 =	sshra.s32 s20, $0x2;
	[sflag:s19] =	ssyncset.done $0x0  }
0x25e: {  	s2 =	sadd.s32 $0x14000, s2;
	[sflag:s19] =	ssyncadd.s32 $0xFFFFD800  }
0x25f: {  	[tilespmem:s29], [sflag:$0x3] =	stream.indirect.gather [hbm4b:s1+s26], $0x80, s2, s26, $0xb8;
	[tilespmem:$0x1E580] =	vst v63  }
0x260: {  	s2 =	simm.s32 $0x0;
	_ =	swait.ge [sflag:s15], $0x80  }
0x261: {  	s21 =	simm.s32 $0x2;
	v1 =	vmov s2;
	[sflag:s15] =	ssyncset.done $0x0  }
0x262: {  	v2 =	vmov s21;
	v1 =	vand.u32 $0xFFFFFFFC, v1;
	[sflag:s15] =	ssyncadd.s32 $0xFFFFFF80  }
0x263: {  	s17 =	sadd.s32 $0x6, s3;
	v2 =	vand.u32 $0xFFFFFFFE, v2;
	v1 =	vbroadcast v1, $0x0;
	_ =	swait.ge [sflag:s15], $0x80  }
0x264: {  	s11 =	sshll.u32 s17, $0x4;
	v2 =	vbroadcast v2, $0x0;
	[sflag:s15] =	ssyncset.done $0x0  }
0x265: {  	s20 =	sadd.s32 s13, s11;
	s23 =	simm.s32 $0x16780;
	[sflag:s15] =	ssyncadd.s32 $0xFFFFFF80  }
0x266: {  	[tilespmem:s23], [sflag:$0x4] =	stream.linear.gather [hbm4b:s20+s2], $0x80, $0x38;
	[tilespmem:$0x1E580] =	vst v63  }
0x267: {  	s11 =	sadd.s32 s14, s11  }
0x268: {  	[tilespmem:s22], [sflag:$0x4] =	stream.linear.gather [hbm4b:s11+s2], $0x80, $0x38;
	[tilespmem:$0x1E580] =	vst v63  }
0x269: {  	v1 =	vld.idx.msk [tilespmem:v1+s9+$0x0], $0xffff  }
0x26a: {  	s21 =	simm.s32 $0x1;
	s11 =	simm.s32 $0x19680;
	v2 =	vld.idx.msk [tilespmem:v2+s9+$0x0], $0xffff  }
0x26b: {  	v3 =	vmov s21;
	v4 =	vld [tilespmem:s11+$0x70]  }
0x26c: {  	v3 =	vand.u32 $0xFFFFFFFD, v3;
	v5 =	vld [tilespmem:s11+$0xFFFFFF00]  }
0x26d: {  	v3 =	vbroadcast v3, $0x0;
	v6 =	vld [tilespmem:s11+$0xFFFFFF10]  }
0x26e: {  	v7 =	vld [tilespmem:s11+$0xFFFFFF20]  }
0x26f: {  	v8 =	vld [tilespmem:s11+$0xFFFFFF30]  }
0x270: {  	v9 =	vld [tilespmem:s11+$0xFFFFFF40]  }
0x271: {  	v10 =	vld [tilespmem:s11+$0xFFFFFF50]  }
0x272: {  	v11 =	vld [tilespmem:s11+$0xFFFFFF60];
	v5 =	vmul.f32 v5, v1  }
0x273: {  	v3 =	vld.idx.msk [tilespmem:v3+s9+$0x0], $0xffff;
	v4 =	vmul.f32 v4, v2  }
0x274: {  	v13 =	vld [tilespmem:s11+$0x40];
	[tilespmem:s11+$0xFFFFFF00] =	vst v5;
	v5 =	vmul.f32 v6, v1  }
0x275: {  	v6 =	vld [tilespmem:s11+$0xFFFFFF70];
	[tilespmem:s11+$0x70] =	vst v4;
	v4 =	vmul.f32 v7, v1  }
0x276: {  	v7 =	vld [tilespmem:s11+$0xFFFFFF80];
	[tilespmem:s11+$0xFFFFFF10] =	vst v5;
	v5 =	vmul.f32 v8, v1  }
0x277: {  	v8 =	vld [tilespmem:s11+$0xFFFFFF90];
	[tilespmem:s11+$0xFFFFFF20] =	vst v4;
	v4 =	vmul.f32 v9, v1  }
0x278: {  	v9 =	vld [tilespmem:s11+$0xFFFFFFA0];
	[tilespmem:s11+$0xFFFFFF30] =	vst v5;
	v5 =	vmul.f32 v10, v1  }
0x279: {  	v10 =	vld [tilespmem:s11+$0xFFFFFFB0];
	[tilespmem:s11+$0xFFFFFF40] =	vst v4;
	v4 =	vmul.f32 v11, v1  }
0x27a: {  	v11 =	vld [tilespmem:s11+$0xFFFFFFC0];
	v6 =	vmul.f32 v6, v1;
	[tilespmem:s11+$0xFFFFFF50] =	vst v5  }
0x27b: {  	v5 =	vmul.f32 v7, v3;
	v7 =	vld [tilespmem:s11+$0xFFFFFFD0];
	[tilespmem:s11+$0xFFFFFF60] =	vst v4  }
0x27c: {  	s23 =	simm.s32 $0x3;
	v4 =	vld [tilespmem:s11+$0xFFFFFFE0];
	v8 =	vmul.f32 v8, v3;
	[tilespmem:s11+$0xFFFFFF70] =	vst v6  }
0x27d: {  	v12 =	vmov s23;
	v6 =	vld [tilespmem:s11+$0xFFFFFFF0];
	[tilespmem:s11+$0xFFFFFF80] =	vst v5;
	v5 =	vmul.f32 v9, v3  }
0x27e: {  	v9 =	vld [tilespmem:s11+$0x0];
	[tilespmem:s11+$0xFFFFFF90] =	vst v8;
	v8 =	vmul.f32 v10, v3  }
0x27f: {  	v10 =	vld [tilespmem:s11+$0x10];
	[tilespmem:s11+$0xFFFFFFA0] =	vst v5;
	v5 =	vmul.f32 v11, v3  }
0x280: {  	[tilespmem:s11+$0xFFFFFFB0] =	vst v8;
	v7 =	vmul.f32 v7, v3;
	v8 =	vld [tilespmem:s11+$0x20]  }
0x281: {  	v11 =	vld [tilespmem:s11+$0x30];
	v4 =	vmul.f32 v4, v3;
	[tilespmem:s11+$0xFFFFFFC0] =	vst v5  }
0x282: {  	v1 =	vld.idx.msk [tilespmem:v12+s9+$0x0], $0xffff;
	v3 =	vmul.f32 v6, v3;
	[tilespmem:s11+$0xFFFFFFD0] =	vst v7  }
0x283: {  	[tilespmem:s11+$0xFFFFFFE0] =	vst v4;
	v5 =	vmul.f32 v9, v2;
	v4 =	vld [tilespmem:s11+$0x50]  }
0x284: {  	s20 =	simm.s32 $0x4;
	[tilespmem:s11+$0xFFFFFFF0] =	vst v3;
	v6 =	vmul.f32 v10, v2;
	v3 =	vld [tilespmem:s11+$0x60]  }
0x285: {  	s21 =	simm.s32 $0x7;
	v7 =	vmov s20;
	[tilespmem:s11+$0x0] =	vst v5;
	v9 =	vmul.f32 v8, v2;
	v8 =	vld [tilespmem:s11+$0x80]  }
0x286: {  	s23 =	simm.s32 $0x5;
	v12 =	vand.u32 $0xFFFFFFFC, v7;
	v7 =	vld [tilespmem:s11+$0x90];
	v5 =	vmov s21;
	v10 =	vmul.f32 v11, v2;
	[tilespmem:s11+$0x10] =	vst v6  }
0x287: {  	s2 =	simm.s32 $0x6;
	v11 =	vmul.f32 v13, v2;
	s21 =	simm.s32 $0x19680;
	v6 =	vbroadcast v12, $0x0;
	v12 =	vmov s23;
	s23 =	simm.s32 $0x8;
	[tilespmem:s11+$0x20] =	vst v9;
	v9 =	vld [tilespmem:s11+$0xA0]  }
.LBB2_13:
0x288: {  	p0 =	slt.u32 s23, $0x4C;
	v12 =	vand.u32 $0xFFFFFFFD, v12;
	v13 =	vmov s2;
	[tilespmem:s11+$0x30] =	vst v10;
	v4 =	vmul.f32 v4, v2;
	v10 =	vld [tilespmem:s11+$0xB0]  }
0x289: {  	v12 =	vbroadcast v12, $0x0;
	v13 =	vand.u32 $0xFFFFFFFE, v13;
	[tilespmem:s11+$0x40] =	vst v11;
	v2 =	vmul.f32 v3, v2;
	v3 =	vld [tilespmem:s11+$0xC0]  }
0x28a: {  	v11 =	vbroadcast v13, $0x0;
	[tilespmem:s11+$0x50] =	vst v4;
	v4 =	vmul.f32 v8, v1;
	v8 =	vld [tilespmem:s11+$0xD0]  }
0x28b: {  	[tilespmem:s11+$0x60] =	vst v2;
	v2 =	vmul.f32 v7, v1;
	v7 =	vld [tilespmem:s11+$0xE0]  }
0x28c: {  	[tilespmem:s11+$0x80] =	vst v4;
	v4 =	vmul.f32 v9, v1;
	v9 =	vld [tilespmem:s11+$0xF0]  }
0x28d: {  	v5 =	vld.idx.msk [tilespmem:v5+s9+$0x0], $0xffff;
	[tilespmem:s11+$0x90] =	vst v2;
	v2 =	vmul.f32 v10, v1  }
0x28e: {  	v6 =	vld.idx.msk [tilespmem:v6+s9+$0x0], $0xffff;
	[tilespmem:s11+$0xA0] =	vst v4;
	v3 =	vmul.f32 v3, v1  }
0x28f: {  	v4 =	vld.idx.msk [tilespmem:v12+s9+$0x0], $0xffff;
	[tilespmem:s11+$0xB0] =	vst v2;
	v8 =	vmul.f32 v8, v1  }
0x290: {  	s11 =	sadd.s32 $0x200, s11;
	v2 =	vld.idx.msk [tilespmem:v11+s9+$0x0], $0xffff;
	[tilespmem:s21+$0xC0] =	vst v3;
	v3 =	vmul.f32 v7, v1  }
0x291: {  	v7 =	vld [tilespmem:s11+$0x70];
	[tilespmem:s21+$0xD0] =	vst v8;
	v9 =	vmul.f32 v9, v1  }
0x292: {  	v8 =	vld [tilespmem:s11+$0xFFFFFF00];
	[tilespmem:s21+$0xE0] =	vst v3  }
0x293: {  	v1 =	vmov v5;
	v3 =	vld [tilespmem:s11+$0xFFFFFF10];
	[tilespmem:s21+$0xF0] =	vst v9;
	s21 =	smov.u32 s11  }
0x294: {  	v5 =	vld [tilespmem:s11+$0xFFFFFF20]  }
0x295: {  	v9 =	vld [tilespmem:s11+$0xFFFFFF30]  }
0x296: {  	v10 =	vld [tilespmem:s11+$0xFFFFFF40];
	v7 =	vmul.f32 v7, v2  }
0x297: {  	v8 =	vmul.f32 v8, v6;
	v11 =	vld [tilespmem:s11+$0xFFFFFF50]  }
0x298: {  	v3 =	vmul.f32 v3, v6;
	v12 =	vld [tilespmem:s11+$0xFFFFFF60];
	[tilespmem:s11+$0x70] =	vst v7  }
0x299: {  	[tilespmem:s11+$0xFFFFFF00] =	vst v8;
	v5 =	vmul.f32 v5, v6;
	v7 =	vld [tilespmem:s11+$0xFFFFFF70]  }
0x29a: {  	[tilespmem:s11+$0xFFFFFF10] =	vst v3;
	v3 =	vmul.f32 v9, v6;
	v8 =	vld [tilespmem:s11+$0xFFFFFF80]  }
0x29b: {  	[tilespmem:s11+$0xFFFFFF20] =	vst v5;
	v5 =	vmul.f32 v10, v6;
	v9 =	vld [tilespmem:s11+$0xFFFFFF90]  }
0x29c: {  	[tilespmem:s11+$0xFFFFFF30] =	vst v3;
	v3 =	vmul.f32 v11, v6;
	v10 =	vld [tilespmem:s11+$0xFFFFFFA0]  }
0x29d: {  	[tilespmem:s11+$0xFFFFFF40] =	vst v5;
	v5 =	vmul.f32 v12, v6;
	v11 =	vld [tilespmem:s11+$0xFFFFFFB0]  }
0x29e: {  	[tilespmem:s11+$0xFFFFFF50] =	vst v3;
	v3 =	vmul.f32 v7, v6;
	v6 =	vld [tilespmem:s11+$0xFFFFFFC0]  }
0x29f: {  	[tilespmem:s11+$0xFFFFFF60] =	vst v5;
	v5 =	vmul.f32 v8, v4;
	v7 =	vld [tilespmem:s11+$0xFFFFFFD0]  }
0x2a0: {  	[tilespmem:s11+$0xFFFFFF70] =	vst v3;
	v3 =	vmul.f32 v9, v4;
	v8 =	vld [tilespmem:s11+$0xFFFFFFE0]  }
0x2a1: {  	[tilespmem:s11+$0xFFFFFF80] =	vst v5;
	v5 =	vmul.f32 v10, v4;
	v9 =	vld [tilespmem:s11+$0xFFFFFFF0]  }
0x2a2: {  	[tilespmem:s11+$0xFFFFFF90] =	vst v3;
	v3 =	vmul.f32 v11, v4;
	v10 =	vld [tilespmem:s11+$0x0]  }
0x2a3: {  	[tilespmem:s11+$0xFFFFFFA0] =	vst v5;
	v5 =	vmul.f32 v6, v4;
	v6 =	vld [tilespmem:s11+$0x10]  }
0x2a4: {  	[tilespmem:s11+$0xFFFFFFB0] =	vst v3;
	v3 =	vmul.f32 v7, v4;
	v7 =	vld [tilespmem:s11+$0x20]  }
0x2a5: {  	[tilespmem:s11+$0xFFFFFFC0] =	vst v5;
	v5 =	vmul.f32 v8, v4;
	v11 =	vld [tilespmem:s11+$0x30]  }
0x2a6: {  	[tilespmem:s11+$0xFFFFFFD0] =	vst v3;
	v3 =	vmul.f32 v9, v4;
	v9 =	vld [tilespmem:s11+$0x40]  }
.Ltmp5:
0x2a7: {  	[tilespmem:s11+$0xFFFFFFE0] =	vst v5;
	v5 =	vmul.f32 v10, v2;
	v4 =	vld [tilespmem:s11+$0x50];
	(pc) =	sbr.rel @p0 .LBB2_13-.Ltmp5, $4  }
0x2a8: {  	[tilespmem:s11+$0xFFFFFFF0] =	vst v3;
	v6 =	vmul.f32 v6, v2;
	v3 =	vld [tilespmem:s11+$0x60]  }
0x2a9: {  	s2 =	sadd.s32 $0x3, s23;
	v10 =	vmov s23;
	[tilespmem:s11+$0x0] =	vst v5;
	v13 =	vmul.f32 v7, v2;
	v8 =	vld [tilespmem:s11+$0x80]  }
0x2aa: {  	s20 =	sadd.s32 $0x1, s23;
	v12 =	vand.u32 $0xFFFFFFFC, v10;
	v5 =	vmov s2;
	[tilespmem:s11+$0x10] =	vst v6;
	v10 =	vmul.f32 v11, v2;
	v7 =	vld [tilespmem:s11+$0x90]  }
0x2ab: {  	s2 =	sadd.s32 $0x2, s23;
	s23 =	sadd.s32 $0x4, s23;
	v6 =	vbroadcast v12, $0x0;
	v12 =	vmov s20;
	[tilespmem:s11+$0x20] =	vst v13;
	v11 =	vmul.f32 v9, v2;
	v9 =	vld [tilespmem:s11+$0xA0]  }
0x2ac: {  	v13 =	vld [tilespmem:s11+$0xB0]  }
0x2ad: {  	v15 =	vld [tilespmem:s11+$0xC0]  }
0x2ae: {  	v14 =	vmov s2;
	v16 =	vld [tilespmem:s11+$0xD0]  }
0x2af: {  	v17 =	vld [tilespmem:s11+$0xE0];
	[tilespmem:s11+$0x30] =	vst v10;
	v4 =	vmul.f32 v4, v2;
	v14 =	vand.u32 $0xFFFFFFFE, v14  }
0x2b0: {  	v12 =	vand.u32 $0xFFFFFFFD, v12;
	v5 =	vld.idx.msk [tilespmem:v5+s9+$0x0], $0xffff;
	[tilespmem:s11+$0x40] =	vst v11;
	v2 =	vmul.f32 v3, v2;
	v14 =	vbroadcast v14, $0x0  }
0x2b1: {  	s23 =	sadd.s32 $0x200, s11;
	v12 =	vbroadcast v12, $0x0;
	v3 =	vld.idx.msk [tilespmem:v6+s9+$0x0], $0xffff;
	v8 =	vmul.f32 v8, v1;
	[tilespmem:s11+$0x50] =	vst v4  }
0x2b2: {  	v10 =	vld [tilespmem:s23+$0xFFFFFF00];
	v4 =	vmul.f32 v7, v1;
	[tilespmem:s11+$0x60] =	vst v2  }
0x2b3: {  	[tilespmem:s11+$0x80] =	vst v8;
	v8 =	vld [tilespmem:s11+$0xF0];
	v2 =	vmul.f32 v9, v1  }
0x2b4: {  	v11 =	vld [tilespmem:s23+$0xFFFFFF10];
	[tilespmem:s11+$0x90] =	vst v4;
	v4 =	vmul.f32 v13, v1  }
0x2b5: {  	v9 =	vld [tilespmem:s23+$0x70];
	[tilespmem:s11+$0xA0] =	vst v2;
	v2 =	vmul.f32 v15, v1  }
0x2b6: {  	[tilespmem:s11+$0xB0] =	vst v4;
	v4 =	vmul.f32 v16, v1;
	v7 =	vld.idx.msk [tilespmem:v14+s9+$0x0], $0xffff  }
0x2b7: {  	v6 =	vld.idx.msk [tilespmem:v12+s9+$0x0], $0xffff;
	[tilespmem:s21+$0xC0] =	vst v2;
	v2 =	vmul.f32 v17, v1  }
0x2b8: {  	v12 =	vld [tilespmem:s23+$0xFFFFFF20];
	[tilespmem:s21+$0xD0] =	vst v4;
	v1 =	vmul.f32 v8, v1  }
0x2b9: {  	v4 =	vld [tilespmem:s23+$0xFFFFFF30];
	[tilespmem:s21+$0xE0] =	vst v2  }
0x2ba: {  	v2 =	vld [tilespmem:s23+$0xFFFFFF40];
	[tilespmem:s21+$0xF0] =	vst v1;
	v1 =	vmul.f32 v10, v3  }
0x2bb: {  	v8 =	vmul.f32 v9, v7;
	v9 =	vld [tilespmem:s23+$0xFFFFFF50]  }
0x2bc: {  	v10 =	vmul.f32 v11, v3;
	v11 =	vld [tilespmem:s23+$0xFFFFFF60];
	[tilespmem:s23+$0xFFFFFF00] =	vst v1  }
0x2bd: {  	v1 =	vmul.f32 v12, v3;
	[tilespmem:s23+$0x70] =	vst v8;
	v8 =	vld [tilespmem:s23+$0xFFFFFF70]  }
0x2be: {  	[tilespmem:s23+$0xFFFFFF10] =	vst v10;
	v10 =	vld [tilespmem:s23+$0xFFFFFF80];
	v4 =	vmul.f32 v4, v3  }
0x2bf: {  	[tilespmem:s23+$0xFFFFFF20] =	vst v1;
	v1 =	vmul.f32 v2, v3;
	v2 =	vld [tilespmem:s23+$0xFFFFFF90]  }
0x2c0: {  	[tilespmem:s23+$0xFFFFFF30] =	vst v4;
	v4 =	vmul.f32 v9, v3;
	v9 =	vld [tilespmem:s23+$0xFFFFFFA0]  }
0x2c1: {  	[tilespmem:s23+$0xFFFFFF40] =	vst v1;
	v1 =	vmul.f32 v11, v3;
	v11 =	vld [tilespmem:s23+$0xFFFFFFB0]  }
0x2c2: {  	[tilespmem:s23+$0xFFFFFF50] =	vst v4;
	v3 =	vmul.f32 v8, v3;
	v4 =	vld [tilespmem:s23+$0xFFFFFFC0]  }
0x2c3: {  	[tilespmem:s23+$0xFFFFFF60] =	vst v1;
	v1 =	vmul.f32 v10, v6;
	v8 =	vld [tilespmem:s23+$0xFFFFFFD0]  }
0x2c4: {  	v2 =	vmul.f32 v2, v6;
	[tilespmem:s23+$0xFFFFFF70] =	vst v3;
	v3 =	vld [tilespmem:s23+$0xFFFFFFE0]  }
0x2c5: {  	[tilespmem:s23+$0xFFFFFF80] =	vst v1;
	v1 =	vmul.f32 v9, v6;
	v9 =	vld [tilespmem:s23+$0xFFFFFFF0]  }
0x2c6: {  	v10 =	vld [tilespmem:s23+$0x0];
	[tilespmem:s23+$0xFFFFFF90] =	vst v2;
	v2 =	vmul.f32 v11, v6  }
0x2c7: {  	[tilespmem:s23+$0xFFFFFFA0] =	vst v1;
	v1 =	vmul.f32 v4, v6;
	v4 =	vld [tilespmem:s23+$0x10]  }
0x2c8: {  	[tilespmem:s23+$0xFFFFFFB0] =	vst v2;
	v2 =	vmul.f32 v8, v6;
	v8 =	vld [tilespmem:s23+$0x20]  }
0x2c9: {  	[tilespmem:s23+$0xFFFFFFC0] =	vst v1;
	v1 =	vmul.f32 v3, v6;
	v3 =	vld [tilespmem:s23+$0x30]  }
0x2ca: {  	[tilespmem:s23+$0xFFFFFFD0] =	vst v2;
	v2 =	vmul.f32 v9, v6;
	v6 =	vld [tilespmem:s23+$0x40]  }
0x2cb: {  	v9 =	vld [tilespmem:s23+$0x50];
	[tilespmem:s23+$0xFFFFFFE0] =	vst v1;
	v1 =	vmul.f32 v10, v7  }
0x2cc: {  	[tilespmem:s23+$0xFFFFFFF0] =	vst v2;
	v2 =	vmul.f32 v4, v7;
	v4 =	vld [tilespmem:s23+$0x60]  }
0x2cd: {  	[tilespmem:s23+$0x0] =	vst v1;
	v1 =	vmul.f32 v8, v7;
	v8 =	vld [tilespmem:s23+$0x80]  }
0x2ce: {  	[tilespmem:s23+$0x10] =	vst v2;
	v2 =	vmul.f32 v3, v7;
	v3 =	vld [tilespmem:s23+$0x90]  }
0x2cf: {  	[tilespmem:s23+$0x20] =	vst v1;
	v1 =	vmul.f32 v6, v7;
	v6 =	vld [tilespmem:s23+$0xA0]  }
0x2d0: {  	[tilespmem:s23+$0x30] =	vst v2;
	v2 =	vmul.f32 v9, v7;
	v9 =	vld [tilespmem:s23+$0xB0]  }
0x2d1: {  	[tilespmem:s23+$0x40] =	vst v1;
	v1 =	vmul.f32 v4, v7;
	v4 =	vld [tilespmem:s23+$0xC0]  }
0x2d2: {  	v7 =	vld [tilespmem:s23+$0xD0];
	[tilespmem:s23+$0x50] =	vst v2;
	v2 =	vmul.f32 v8, v5  }
0x2d3: {  	[tilespmem:s23+$0x60] =	vst v1;
	v1 =	vmul.f32 v3, v5;
	v3 =	vld [tilespmem:s23+$0xE0]  }
0x2d4: {  	[tilespmem:s23+$0x80] =	vst v2;
	v2 =	vmul.f32 v6, v5;
	v6 =	vld [tilespmem:s23+$0xF0]  }
0x2d5: {  	[tilespmem:s23+$0x90] =	vst v1;
	v1 =	vmul.f32 v9, v5  }
0x2d6: {  	[tilespmem:s23+$0xA0] =	vst v2;
	v2 =	vmul.f32 v4, v5  }
0x2d7: {  	[tilespmem:s23+$0xB0] =	vst v1;
	v1 =	vmul.f32 v7, v5  }
0x2d8: {  	[tilespmem:s23+$0xC0] =	vst v2;
	v2 =	vmul.f32 v3, v5  }
0x2d9: {  	[tilespmem:s23+$0xD0] =	vst v1;
	v1 =	vmul.f32 v6, v5  }
0x2da: {  	[tilespmem:s23+$0xE0] =	vst v2  }
0x2db: {  	s20 =	smul.u32 $0x140, s17;
	[tilespmem:s23+$0xF0] =	vst v1  }
0x2dc: {  	_ =	swait.ge [sflag:s6], $0x2800  }
0x2dd: {  	s2 =	sshra.s32 s20, $0x2;
	[sflag:s6] =	ssyncset.done $0x0  }
0x2de: {  	s2 =	sadd.s32 $0x14000, s2;
	[sflag:s6] =	ssyncadd.s32 $0xFFFFD800  }
0x2df: {  	[tilespmem:s16], [sflag:$0x1] =	stream.indirect.gather [hbm4b:s1+s26], $0x80, s2, s26, $0xb8;
	[tilespmem:$0x1E580] =	vst v63  }
0x2e0: {  	s2 =	simm.s32 $0x0;
	_ =	swait.ge [sflag:s24], $0x80  }
0x2e1: {  	s21 =	simm.s32 $0x2;
	v1 =	vmov s2;
	[sflag:s24] =	ssyncset.done $0x0  }
0x2e2: {  	v2 =	vmov s21;
	v1 =	vand.u32 $0xFFFFFFFC, v1;
	[sflag:s24] =	ssyncadd.s32 $0xFFFFFF80  }
0x2e3: {  	s17 =	sadd.s32 $0x7, s3;
	v2 =	vand.u32 $0xFFFFFFFE, v2;
	v1 =	vbroadcast v1, $0x0;
	_ =	swait.ge [sflag:s24], $0x80  }
0x2e4: {  	s11 =	sshll.u32 s17, $0x4;
	v2 =	vbroadcast v2, $0x0;
	[sflag:s24] =	ssyncset.done $0x0  }
0x2e5: {  	s20 =	sadd.s32 s13, s11;
	s23 =	simm.s32 $0x16800;
	[sflag:s24] =	ssyncadd.s32 $0xFFFFFF80  }
0x2e6: {  	[tilespmem:s23], [sflag:$0x5] =	stream.linear.gather [hbm4b:s20+s2], $0x80, $0x38;
	[tilespmem:$0x1E580] =	vst v63  }
0x2e7: {  	s11 =	sadd.s32 s14, s11  }
0x2e8: {  	[tilespmem:s25], [sflag:$0x5] =	stream.linear.gather [hbm4b:s11+s2], $0x80, $0x38;
	[tilespmem:$0x1E580] =	vst v63  }
0x2e9: {  	v1 =	vld.idx.msk [tilespmem:v1+s12+$0x0], $0xffff  }
0x2ea: {  	s21 =	simm.s32 $0x1;
	s11 =	simm.s32 $0x1BE80;
	v2 =	vld.idx.msk [tilespmem:v2+s12+$0x0], $0xffff  }
0x2eb: {  	v3 =	vmov s21;
	v4 =	vld [tilespmem:s11+$0x70]  }
0x2ec: {  	v3 =	vand.u32 $0xFFFFFFFD, v3;
	v5 =	vld [tilespmem:s11+$0xFFFFFF00]  }
0x2ed: {  	v3 =	vbroadcast v3, $0x0;
	v6 =	vld [tilespmem:s11+$0xFFFFFF10]  }
0x2ee: {  	v7 =	vld [tilespmem:s11+$0xFFFFFF20]  }
0x2ef: {  	v8 =	vld [tilespmem:s11+$0xFFFFFF30]  }
0x2f0: {  	v9 =	vld [tilespmem:s11+$0xFFFFFF40]  }
0x2f1: {  	v10 =	vld [tilespmem:s11+$0xFFFFFF50]  }
0x2f2: {  	v11 =	vld [tilespmem:s11+$0xFFFFFF60];
	v5 =	vmul.f32 v5, v1  }
0x2f3: {  	v3 =	vld.idx.msk [tilespmem:v3+s12+$0x0], $0xffff;
	v4 =	vmul.f32 v4, v2  }
0x2f4: {  	v13 =	vld [tilespmem:s11+$0x40];
	[tilespmem:s11+$0xFFFFFF00] =	vst v5;
	v5 =	vmul.f32 v6, v1  }
0x2f5: {  	v6 =	vld [tilespmem:s11+$0xFFFFFF70];
	[tilespmem:s11+$0x70] =	vst v4;
	v4 =	vmul.f32 v7, v1  }
0x2f6: {  	v7 =	vld [tilespmem:s11+$0xFFFFFF80];
	[tilespmem:s11+$0xFFFFFF10] =	vst v5;
	v5 =	vmul.f32 v8, v1  }
0x2f7: {  	v8 =	vld [tilespmem:s11+$0xFFFFFF90];
	[tilespmem:s11+$0xFFFFFF20] =	vst v4;
	v4 =	vmul.f32 v9, v1  }
0x2f8: {  	v9 =	vld [tilespmem:s11+$0xFFFFFFA0];
	[tilespmem:s11+$0xFFFFFF30] =	vst v5;
	v5 =	vmul.f32 v10, v1  }
0x2f9: {  	v10 =	vld [tilespmem:s11+$0xFFFFFFB0];
	[tilespmem:s11+$0xFFFFFF40] =	vst v4;
	v4 =	vmul.f32 v11, v1  }
0x2fa: {  	v11 =	vld [tilespmem:s11+$0xFFFFFFC0];
	v6 =	vmul.f32 v6, v1;
	[tilespmem:s11+$0xFFFFFF50] =	vst v5  }
0x2fb: {  	v5 =	vmul.f32 v7, v3;
	v7 =	vld [tilespmem:s11+$0xFFFFFFD0];
	[tilespmem:s11+$0xFFFFFF60] =	vst v4  }
0x2fc: {  	s23 =	simm.s32 $0x3;
	v4 =	vld [tilespmem:s11+$0xFFFFFFE0];
	v8 =	vmul.f32 v8, v3;
	[tilespmem:s11+$0xFFFFFF70] =	vst v6  }
0x2fd: {  	v12 =	vmov s23;
	v6 =	vld [tilespmem:s11+$0xFFFFFFF0];
	[tilespmem:s11+$0xFFFFFF80] =	vst v5;
	v5 =	vmul.f32 v9, v3  }
0x2fe: {  	v9 =	vld [tilespmem:s11+$0x0];
	[tilespmem:s11+$0xFFFFFF90] =	vst v8;
	v8 =	vmul.f32 v10, v3  }
0x2ff: {  	v10 =	vld [tilespmem:s11+$0x10];
	[tilespmem:s11+$0xFFFFFFA0] =	vst v5;
	v5 =	vmul.f32 v11, v3  }
0x300: {  	[tilespmem:s11+$0xFFFFFFB0] =	vst v8;
	v7 =	vmul.f32 v7, v3;
	v8 =	vld [tilespmem:s11+$0x20]  }
0x301: {  	v11 =	vld [tilespmem:s11+$0x30];
	v4 =	vmul.f32 v4, v3;
	[tilespmem:s11+$0xFFFFFFC0] =	vst v5  }
0x302: {  	v1 =	vld.idx.msk [tilespmem:v12+s12+$0x0], $0xffff;
	v3 =	vmul.f32 v6, v3;
	[tilespmem:s11+$0xFFFFFFD0] =	vst v7  }
0x303: {  	[tilespmem:s11+$0xFFFFFFE0] =	vst v4;
	v5 =	vmul.f32 v9, v2;
	v4 =	vld [tilespmem:s11+$0x50]  }
0x304: {  	s20 =	simm.s32 $0x4;
	[tilespmem:s11+$0xFFFFFFF0] =	vst v3;
	v6 =	vmul.f32 v10, v2;
	v3 =	vld [tilespmem:s11+$0x60]  }
0x305: {  	s21 =	simm.s32 $0x7;
	v7 =	vmov s20;
	[tilespmem:s11+$0x0] =	vst v5;
	v9 =	vmul.f32 v8, v2;
	v8 =	vld [tilespmem:s11+$0x80]  }
0x306: {  	s23 =	simm.s32 $0x5;
	v12 =	vand.u32 $0xFFFFFFFC, v7;
	v7 =	vld [tilespmem:s11+$0x90];
	v5 =	vmov s21;
	v10 =	vmul.f32 v11, v2;
	[tilespmem:s11+$0x10] =	vst v6  }
0x307: {  	s2 =	simm.s32 $0x6;
	v11 =	vmul.f32 v13, v2;
	s21 =	simm.s32 $0x1BE80;
	v6 =	vbroadcast v12, $0x0;
	v12 =	vmov s23;
	s23 =	simm.s32 $0x8;
	[tilespmem:s11+$0x20] =	vst v9;
	v9 =	vld [tilespmem:s11+$0xA0]  }
.LBB2_15:
0x308: {  	p0 =	slt.u32 s23, $0x4C;
	v12 =	vand.u32 $0xFFFFFFFD, v12;
	v13 =	vmov s2;
	[tilespmem:s11+$0x30] =	vst v10;
	v4 =	vmul.f32 v4, v2;
	v10 =	vld [tilespmem:s11+$0xB0]  }
0x309: {  	v12 =	vbroadcast v12, $0x0;
	v13 =	vand.u32 $0xFFFFFFFE, v13;
	[tilespmem:s11+$0x40] =	vst v11;
	v2 =	vmul.f32 v3, v2;
	v3 =	vld [tilespmem:s11+$0xC0]  }
0x30a: {  	v11 =	vbroadcast v13, $0x0;
	[tilespmem:s11+$0x50] =	vst v4;
	v4 =	vmul.f32 v8, v1;
	v8 =	vld [tilespmem:s11+$0xD0]  }
0x30b: {  	[tilespmem:s11+$0x60] =	vst v2;
	v2 =	vmul.f32 v7, v1;
	v7 =	vld [tilespmem:s11+$0xE0]  }
0x30c: {  	[tilespmem:s11+$0x80] =	vst v4;
	v4 =	vmul.f32 v9, v1;
	v9 =	vld [tilespmem:s11+$0xF0]  }
0x30d: {  	v5 =	vld.idx.msk [tilespmem:v5+s12+$0x0], $0xffff;
	[tilespmem:s11+$0x90] =	vst v2;
	v2 =	vmul.f32 v10, v1  }
0x30e: {  	v6 =	vld.idx.msk [tilespmem:v6+s12+$0x0], $0xffff;
	[tilespmem:s11+$0xA0] =	vst v4;
	v3 =	vmul.f32 v3, v1  }
0x30f: {  	v4 =	vld.idx.msk [tilespmem:v12+s12+$0x0], $0xffff;
	[tilespmem:s11+$0xB0] =	vst v2;
	v8 =	vmul.f32 v8, v1  }
0x310: {  	s11 =	sadd.s32 $0x200, s11;
	v2 =	vld.idx.msk [tilespmem:v11+s12+$0x0], $0xffff;
	[tilespmem:s21+$0xC0] =	vst v3;
	v3 =	vmul.f32 v7, v1  }
0x311: {  	v7 =	vld [tilespmem:s11+$0x70];
	[tilespmem:s21+$0xD0] =	vst v8;
	v9 =	vmul.f32 v9, v1  }
0x312: {  	v8 =	vld [tilespmem:s11+$0xFFFFFF00];
	[tilespmem:s21+$0xE0] =	vst v3  }
0x313: {  	v1 =	vmov v5;
	v3 =	vld [tilespmem:s11+$0xFFFFFF10];
	[tilespmem:s21+$0xF0] =	vst v9;
	s21 =	smov.u32 s11  }
0x314: {  	v5 =	vld [tilespmem:s11+$0xFFFFFF20]  }
0x315: {  	v9 =	vld [tilespmem:s11+$0xFFFFFF30]  }
0x316: {  	v10 =	vld [tilespmem:s11+$0xFFFFFF40];
	v7 =	vmul.f32 v7, v2  }
0x317: {  	v8 =	vmul.f32 v8, v6;
	v11 =	vld [tilespmem:s11+$0xFFFFFF50]  }
0x318: {  	v3 =	vmul.f32 v3, v6;
	v12 =	vld [tilespmem:s11+$0xFFFFFF60];
	[tilespmem:s11+$0x70] =	vst v7  }
0x319: {  	[tilespmem:s11+$0xFFFFFF00] =	vst v8;
	v5 =	vmul.f32 v5, v6;
	v7 =	vld [tilespmem:s11+$0xFFFFFF70]  }
0x31a: {  	[tilespmem:s11+$0xFFFFFF10] =	vst v3;
	v3 =	vmul.f32 v9, v6;
	v8 =	vld [tilespmem:s11+$0xFFFFFF80]  }
0x31b: {  	[tilespmem:s11+$0xFFFFFF20] =	vst v5;
	v5 =	vmul.f32 v10, v6;
	v9 =	vld [tilespmem:s11+$0xFFFFFF90]  }
0x31c: {  	[tilespmem:s11+$0xFFFFFF30] =	vst v3;
	v3 =	vmul.f32 v11, v6;
	v10 =	vld [tilespmem:s11+$0xFFFFFFA0]  }
0x31d: {  	[tilespmem:s11+$0xFFFFFF40] =	vst v5;
	v5 =	vmul.f32 v12, v6;
	v11 =	vld [tilespmem:s11+$0xFFFFFFB0]  }
0x31e: {  	[tilespmem:s11+$0xFFFFFF50] =	vst v3;
	v3 =	vmul.f32 v7, v6;
	v6 =	vld [tilespmem:s11+$0xFFFFFFC0]  }
0x31f: {  	[tilespmem:s11+$0xFFFFFF60] =	vst v5;
	v5 =	vmul.f32 v8, v4;
	v7 =	vld [tilespmem:s11+$0xFFFFFFD0]  }
0x320: {  	[tilespmem:s11+$0xFFFFFF70] =	vst v3;
	v3 =	vmul.f32 v9, v4;
	v8 =	vld [tilespmem:s11+$0xFFFFFFE0]  }
0x321: {  	[tilespmem:s11+$0xFFFFFF80] =	vst v5;
	v5 =	vmul.f32 v10, v4;
	v9 =	vld [tilespmem:s11+$0xFFFFFFF0]  }
0x322: {  	[tilespmem:s11+$0xFFFFFF90] =	vst v3;
	v3 =	vmul.f32 v11, v4;
	v10 =	vld [tilespmem:s11+$0x0]  }
0x323: {  	[tilespmem:s11+$0xFFFFFFA0] =	vst v5;
	v5 =	vmul.f32 v6, v4;
	v6 =	vld [tilespmem:s11+$0x10]  }
0x324: {  	[tilespmem:s11+$0xFFFFFFB0] =	vst v3;
	v3 =	vmul.f32 v7, v4;
	v7 =	vld [tilespmem:s11+$0x20]  }
0x325: {  	[tilespmem:s11+$0xFFFFFFC0] =	vst v5;
	v5 =	vmul.f32 v8, v4;
	v11 =	vld [tilespmem:s11+$0x30]  }
0x326: {  	[tilespmem:s11+$0xFFFFFFD0] =	vst v3;
	v3 =	vmul.f32 v9, v4;
	v9 =	vld [tilespmem:s11+$0x40]  }
.Ltmp6:
0x327: {  	[tilespmem:s11+$0xFFFFFFE0] =	vst v5;
	v5 =	vmul.f32 v10, v2;
	v4 =	vld [tilespmem:s11+$0x50];
	(pc) =	sbr.rel @p0 .LBB2_15-.Ltmp6, $4  }
0x328: {  	[tilespmem:s11+$0xFFFFFFF0] =	vst v3;
	v6 =	vmul.f32 v6, v2;
	v3 =	vld [tilespmem:s11+$0x60]  }
0x329: {  	s2 =	sadd.s32 $0x3, s23;
	v10 =	vmov s23;
	[tilespmem:s11+$0x0] =	vst v5;
	v13 =	vmul.f32 v7, v2;
	v8 =	vld [tilespmem:s11+$0x80]  }
0x32a: {  	s20 =	sadd.s32 $0x1, s23;
	v12 =	vand.u32 $0xFFFFFFFC, v10;
	v5 =	vmov s2;
	[tilespmem:s11+$0x10] =	vst v6;
	v10 =	vmul.f32 v11, v2;
	v7 =	vld [tilespmem:s11+$0x90]  }
0x32b: {  	s2 =	sadd.s32 $0x2, s23;
	s23 =	sadd.s32 $0x4, s23;
	v6 =	vbroadcast v12, $0x0;
	v12 =	vmov s20;
	[tilespmem:s11+$0x20] =	vst v13;
	v11 =	vmul.f32 v9, v2;
	v9 =	vld [tilespmem:s11+$0xA0]  }
0x32c: {  	v13 =	vld [tilespmem:s11+$0xB0]  }
0x32d: {  	v15 =	vld [tilespmem:s11+$0xC0]  }
0x32e: {  	v14 =	vmov s2;
	v16 =	vld [tilespmem:s11+$0xD0]  }
0x32f: {  	v17 =	vld [tilespmem:s11+$0xE0];
	[tilespmem:s11+$0x30] =	vst v10;
	v4 =	vmul.f32 v4, v2;
	v14 =	vand.u32 $0xFFFFFFFE, v14  }
0x330: {  	v12 =	vand.u32 $0xFFFFFFFD, v12;
	v5 =	vld.idx.msk [tilespmem:v5+s12+$0x0], $0xffff;
	[tilespmem:s11+$0x40] =	vst v11;
	v2 =	vmul.f32 v3, v2;
	v14 =	vbroadcast v14, $0x0  }
0x331: {  	s23 =	sadd.s32 $0x200, s11;
	v12 =	vbroadcast v12, $0x0;
	v3 =	vld.idx.msk [tilespmem:v6+s12+$0x0], $0xffff;
	v8 =	vmul.f32 v8, v1;
	[tilespmem:s11+$0x50] =	vst v4  }
0x332: {  	v10 =	vld [tilespmem:s23+$0xFFFFFF00];
	v4 =	vmul.f32 v7, v1;
	[tilespmem:s11+$0x60] =	vst v2  }
0x333: {  	[tilespmem:s11+$0x80] =	vst v8;
	v8 =	vld [tilespmem:s11+$0xF0];
	v2 =	vmul.f32 v9, v1  }
0x334: {  	v11 =	vld [tilespmem:s23+$0xFFFFFF10];
	[tilespmem:s11+$0x90] =	vst v4;
	v4 =	vmul.f32 v13, v1  }
0x335: {  	v9 =	vld [tilespmem:s23+$0x70];
	[tilespmem:s11+$0xA0] =	vst v2;
	v2 =	vmul.f32 v15, v1  }
0x336: {  	[tilespmem:s11+$0xB0] =	vst v4;
	v4 =	vmul.f32 v16, v1;
	v7 =	vld.idx.msk [tilespmem:v14+s12+$0x0], $0xffff  }
0x337: {  	v6 =	vld.idx.msk [tilespmem:v12+s12+$0x0], $0xffff;
	[tilespmem:s21+$0xC0] =	vst v2;
	v2 =	vmul.f32 v17, v1  }
0x338: {  	v12 =	vld [tilespmem:s23+$0xFFFFFF20];
	[tilespmem:s21+$0xD0] =	vst v4;
	v1 =	vmul.f32 v8, v1  }
0x339: {  	v4 =	vld [tilespmem:s23+$0xFFFFFF30];
	[tilespmem:s21+$0xE0] =	vst v2  }
0x33a: {  	v2 =	vld [tilespmem:s23+$0xFFFFFF40];
	[tilespmem:s21+$0xF0] =	vst v1;
	v1 =	vmul.f32 v10, v3  }
0x33b: {  	v8 =	vmul.f32 v9, v7;
	v9 =	vld [tilespmem:s23+$0xFFFFFF50]  }
0x33c: {  	v10 =	vmul.f32 v11, v3;
	v11 =	vld [tilespmem:s23+$0xFFFFFF60];
	[tilespmem:s23+$0xFFFFFF00] =	vst v1  }
0x33d: {  	v1 =	vmul.f32 v12, v3;
	[tilespmem:s23+$0x70] =	vst v8;
	v8 =	vld [tilespmem:s23+$0xFFFFFF70]  }
0x33e: {  	[tilespmem:s23+$0xFFFFFF10] =	vst v10;
	v10 =	vld [tilespmem:s23+$0xFFFFFF80];
	v4 =	vmul.f32 v4, v3  }
0x33f: {  	[tilespmem:s23+$0xFFFFFF20] =	vst v1;
	v1 =	vmul.f32 v2, v3;
	v2 =	vld [tilespmem:s23+$0xFFFFFF90]  }
0x340: {  	[tilespmem:s23+$0xFFFFFF30] =	vst v4;
	v4 =	vmul.f32 v9, v3;
	v9 =	vld [tilespmem:s23+$0xFFFFFFA0]  }
0x341: {  	[tilespmem:s23+$0xFFFFFF40] =	vst v1;
	v1 =	vmul.f32 v11, v3;
	v11 =	vld [tilespmem:s23+$0xFFFFFFB0]  }
0x342: {  	[tilespmem:s23+$0xFFFFFF50] =	vst v4;
	v3 =	vmul.f32 v8, v3;
	v4 =	vld [tilespmem:s23+$0xFFFFFFC0]  }
0x343: {  	[tilespmem:s23+$0xFFFFFF60] =	vst v1;
	v1 =	vmul.f32 v10, v6;
	v8 =	vld [tilespmem:s23+$0xFFFFFFD0]  }
0x344: {  	v2 =	vmul.f32 v2, v6;
	[tilespmem:s23+$0xFFFFFF70] =	vst v3;
	v3 =	vld [tilespmem:s23+$0xFFFFFFE0]  }
0x345: {  	[tilespmem:s23+$0xFFFFFF80] =	vst v1;
	v1 =	vmul.f32 v9, v6;
	v9 =	vld [tilespmem:s23+$0xFFFFFFF0]  }
0x346: {  	v10 =	vld [tilespmem:s23+$0x0];
	[tilespmem:s23+$0xFFFFFF90] =	vst v2;
	v2 =	vmul.f32 v11, v6  }
0x347: {  	[tilespmem:s23+$0xFFFFFFA0] =	vst v1;
	v1 =	vmul.f32 v4, v6;
	v4 =	vld [tilespmem:s23+$0x10]  }
0x348: {  	[tilespmem:s23+$0xFFFFFFB0] =	vst v2;
	v2 =	vmul.f32 v8, v6;
	v8 =	vld [tilespmem:s23+$0x20]  }
0x349: {  	[tilespmem:s23+$0xFFFFFFC0] =	vst v1;
	v1 =	vmul.f32 v3, v6;
	v3 =	vld [tilespmem:s23+$0x30]  }
0x34a: {  	[tilespmem:s23+$0xFFFFFFD0] =	vst v2;
	v2 =	vmul.f32 v9, v6;
	v6 =	vld [tilespmem:s23+$0x40]  }
0x34b: {  	v9 =	vld [tilespmem:s23+$0x50];
	[tilespmem:s23+$0xFFFFFFE0] =	vst v1;
	v1 =	vmul.f32 v10, v7  }
0x34c: {  	[tilespmem:s23+$0xFFFFFFF0] =	vst v2;
	v2 =	vmul.f32 v4, v7;
	v4 =	vld [tilespmem:s23+$0x60]  }
0x34d: {  	[tilespmem:s23+$0x0] =	vst v1;
	v1 =	vmul.f32 v8, v7;
	v8 =	vld [tilespmem:s23+$0x80]  }
0x34e: {  	[tilespmem:s23+$0x10] =	vst v2;
	v2 =	vmul.f32 v3, v7;
	v3 =	vld [tilespmem:s23+$0x90]  }
0x34f: {  	[tilespmem:s23+$0x20] =	vst v1;
	v1 =	vmul.f32 v6, v7;
	v6 =	vld [tilespmem:s23+$0xA0]  }
0x350: {  	[tilespmem:s23+$0x30] =	vst v2;
	v2 =	vmul.f32 v9, v7;
	v9 =	vld [tilespmem:s23+$0xB0]  }
0x351: {  	[tilespmem:s23+$0x40] =	vst v1;
	v1 =	vmul.f32 v4, v7;
	v4 =	vld [tilespmem:s23+$0xC0]  }
0x352: {  	v7 =	vld [tilespmem:s23+$0xD0];
	[tilespmem:s23+$0x50] =	vst v2;
	v2 =	vmul.f32 v8, v5  }
0x353: {  	[tilespmem:s23+$0x60] =	vst v1;
	v1 =	vmul.f32 v3, v5;
	v3 =	vld [tilespmem:s23+$0xE0]  }
0x354: {  	[tilespmem:s23+$0x80] =	vst v2;
	v2 =	vmul.f32 v6, v5;
	v6 =	vld [tilespmem:s23+$0xF0]  }
0x355: {  	[tilespmem:s23+$0x90] =	vst v1;
	v1 =	vmul.f32 v9, v5  }
0x356: {  	[tilespmem:s23+$0xA0] =	vst v2;
	v2 =	vmul.f32 v4, v5  }
0x357: {  	[tilespmem:s23+$0xB0] =	vst v1;
	v1 =	vmul.f32 v7, v5  }
0x358: {  	[tilespmem:s23+$0xC0] =	vst v2;
	v2 =	vmul.f32 v3, v5  }
0x359: {  	[tilespmem:s23+$0xD0] =	vst v1;
	v1 =	vmul.f32 v6, v5  }
0x35a: {  	[tilespmem:s23+$0xE0] =	vst v2  }
0x35b: {  	s20 =	smul.u32 $0x140, s17;
	[tilespmem:s23+$0xF0] =	vst v1  }
0x35c: {  	_ =	swait.ge [sflag:s28], $0x2800  }
0x35d: {  	s2 =	sshra.s32 s20, $0x2;
	[sflag:s28] =	ssyncset.done $0x0  }
0x35e: {  	s2 =	sadd.s32 $0x14000, s2;
	[sflag:s28] =	ssyncadd.s32 $0xFFFFD800  }
0x35f: {  	[tilespmem:s30], [sflag:$0x2] =	stream.indirect.gather [hbm4b:s1+s26], $0x80, s2, s26, $0xb8;
	[tilespmem:$0x1E580] =	vst v63  }
0x360: {  	s2 =	simm.s32 $0x0;
	_ =	swait.ge [sflag:s31], $0x80  }
0x361: {  	s21 =	simm.s32 $0x2;
	v1 =	vmov s2;
	[sflag:s31] =	ssyncset.done $0x0  }
0x362: {  	v2 =	vmov s21;
	v1 =	vand.u32 $0xFFFFFFFC, v1;
	[sflag:s31] =	ssyncadd.s32 $0xFFFFFF80  }
0x363: {  	s3 =	sadd.s32 $0x8, s3;
	v2 =	vand.u32 $0xFFFFFFFE, v2;
	v1 =	vbroadcast v1, $0x0;
	_ =	swait.ge [sflag:s31], $0x80  }
0x364: {  	s23 =	sshll.u32 s3, $0x4;
	v2 =	vbroadcast v2, $0x0;
	[sflag:s31] =	ssyncset.done $0x0  }
0x365: {  	s20 =	simm.s32 $0x16880;
	s21 =	sadd.s32 s13, s23;
	[sflag:s31] =	ssyncadd.s32 $0xFFFFFF80  }
0x366: {  	[tilespmem:s20], [sflag:$0x6] =	stream.linear.gather [hbm4b:s21+s2], $0x80, $0x38;
	[tilespmem:$0x1E580] =	vst v63  }
0x367: {  	s11 =	sadd.s32 s14, s23  }
0x368: {  	[tilespmem:s18], [sflag:$0x6] =	stream.linear.gather [hbm4b:s11+s2], $0x80, $0x38;
	[tilespmem:$0x1E580] =	vst v63  }
0x369: {  	v1 =	vld.idx.msk [tilespmem:v1+s22+$0x0], $0xffff  }
0x36a: {  	s23 =	simm.s32 $0x1;
	s11 =	simm.s32 $0x16E80;
	v2 =	vld.idx.msk [tilespmem:v2+s22+$0x0], $0xffff  }
0x36b: {  	v3 =	vmov s23;
	v4 =	vld [tilespmem:s11+$0x70]  }
0x36c: {  	v3 =	vand.u32 $0xFFFFFFFD, v3;
	v5 =	vld [tilespmem:s11+$0xFFFFFF00]  }
0x36d: {  	v3 =	vbroadcast v3, $0x0;
	v6 =	vld [tilespmem:s11+$0xFFFFFF10]  }
0x36e: {  	v7 =	vld [tilespmem:s11+$0xFFFFFF20]  }
0x36f: {  	v8 =	vld [tilespmem:s11+$0xFFFFFF30]  }
0x370: {  	v9 =	vld [tilespmem:s11+$0xFFFFFF40]  }
0x371: {  	v10 =	vld [tilespmem:s11+$0xFFFFFF50]  }
0x372: {  	v11 =	vld [tilespmem:s11+$0xFFFFFF60];
	v5 =	vmul.f32 v5, v1  }
0x373: {  	v3 =	vld.idx.msk [tilespmem:v3+s22+$0x0], $0xffff;
	v4 =	vmul.f32 v4, v2  }
0x374: {  	v13 =	vld [tilespmem:s11+$0x40];
	[tilespmem:s11+$0xFFFFFF00] =	vst v5;
	v5 =	vmul.f32 v6, v1  }
0x375: {  	v6 =	vld [tilespmem:s11+$0xFFFFFF70];
	[tilespmem:s11+$0x70] =	vst v4;
	v4 =	vmul.f32 v7, v1  }
0x376: {  	v7 =	vld [tilespmem:s11+$0xFFFFFF80];
	[tilespmem:s11+$0xFFFFFF10] =	vst v5;
	v5 =	vmul.f32 v8, v1  }
0x377: {  	v8 =	vld [tilespmem:s11+$0xFFFFFF90];
	[tilespmem:s11+$0xFFFFFF20] =	vst v4;
	v4 =	vmul.f32 v9, v1  }
0x378: {  	v9 =	vld [tilespmem:s11+$0xFFFFFFA0];
	[tilespmem:s11+$0xFFFFFF30] =	vst v5;
	v5 =	vmul.f32 v10, v1  }
0x379: {  	v10 =	vld [tilespmem:s11+$0xFFFFFFB0];
	[tilespmem:s11+$0xFFFFFF40] =	vst v4;
	v4 =	vmul.f32 v11, v1  }
0x37a: {  	v11 =	vld [tilespmem:s11+$0xFFFFFFC0];
	v6 =	vmul.f32 v6, v1;
	[tilespmem:s11+$0xFFFFFF50] =	vst v5  }
0x37b: {  	v5 =	vmul.f32 v7, v3;
	v7 =	vld [tilespmem:s11+$0xFFFFFFD0];
	[tilespmem:s11+$0xFFFFFF60] =	vst v4  }
0x37c: {  	s17 =	simm.s32 $0x3;
	v4 =	vld [tilespmem:s11+$0xFFFFFFE0];
	v8 =	vmul.f32 v8, v3;
	[tilespmem:s11+$0xFFFFFF70] =	vst v6  }
0x37d: {  	v12 =	vmov s17;
	v6 =	vld [tilespmem:s11+$0xFFFFFFF0];
	[tilespmem:s11+$0xFFFFFF80] =	vst v5;
	v5 =	vmul.f32 v9, v3  }
0x37e: {  	v9 =	vld [tilespmem:s11+$0x0];
	[tilespmem:s11+$0xFFFFFF90] =	vst v8;
	v8 =	vmul.f32 v10, v3  }
0x37f: {  	v10 =	vld [tilespmem:s11+$0x10];
	[tilespmem:s11+$0xFFFFFFA0] =	vst v5;
	v5 =	vmul.f32 v11, v3  }
0x380: {  	[tilespmem:s11+$0xFFFFFFB0] =	vst v8;
	v7 =	vmul.f32 v7, v3;
	v8 =	vld [tilespmem:s11+$0x20]  }
0x381: {  	v11 =	vld [tilespmem:s11+$0x30];
	v4 =	vmul.f32 v4, v3;
	[tilespmem:s11+$0xFFFFFFC0] =	vst v5  }
0x382: {  	v1 =	vld.idx.msk [tilespmem:v12+s22+$0x0], $0xffff;
	v3 =	vmul.f32 v6, v3;
	[tilespmem:s11+$0xFFFFFFD0] =	vst v7  }
0x383: {  	[tilespmem:s11+$0xFFFFFFE0] =	vst v4;
	v5 =	vmul.f32 v9, v2;
	v4 =	vld [tilespmem:s11+$0x50]  }
0x384: {  	s20 =	simm.s32 $0x4;
	[tilespmem:s11+$0xFFFFFFF0] =	vst v3;
	v6 =	vmul.f32 v10, v2;
	v3 =	vld [tilespmem:s11+$0x60]  }
0x385: {  	s21 =	simm.s32 $0x7;
	v7 =	vmov s20;
	[tilespmem:s11+$0x0] =	vst v5;
	v9 =	vmul.f32 v8, v2;
	v8 =	vld [tilespmem:s11+$0x80]  }
0x386: {  	s23 =	simm.s32 $0x5;
	v12 =	vand.u32 $0xFFFFFFFC, v7;
	v7 =	vld [tilespmem:s11+$0x90];
	v5 =	vmov s21;
	v10 =	vmul.f32 v11, v2;
	[tilespmem:s11+$0x10] =	vst v6  }
0x387: {  	s17 =	simm.s32 $0x16E80;
	s2 =	simm.s32 $0x6;
	s21 =	simm.s32 $0x8;
	v11 =	vmul.f32 v13, v2;
	v6 =	vbroadcast v12, $0x0;
	v12 =	vmov s23;
	[tilespmem:s11+$0x20] =	vst v9;
	v9 =	vld [tilespmem:s11+$0xA0]  }
.LBB2_17:
0x388: {  	p0 =	slt.u32 s21, $0x4C;
	v12 =	vand.u32 $0xFFFFFFFD, v12;
	v13 =	vmov s2;
	[tilespmem:s11+$0x30] =	vst v10;
	v4 =	vmul.f32 v4, v2;
	v10 =	vld [tilespmem:s11+$0xB0]  }
0x389: {  	v12 =	vbroadcast v12, $0x0;
	v13 =	vand.u32 $0xFFFFFFFE, v13;
	[tilespmem:s11+$0x40] =	vst v11;
	v2 =	vmul.f32 v3, v2;
	v3 =	vld [tilespmem:s11+$0xC0]  }
0x38a: {  	v11 =	vbroadcast v13, $0x0;
	[tilespmem:s11+$0x50] =	vst v4;
	v4 =	vmul.f32 v8, v1;
	v8 =	vld [tilespmem:s11+$0xD0]  }
0x38b: {  	[tilespmem:s11+$0x60] =	vst v2;
	v2 =	vmul.f32 v7, v1;
	v7 =	vld [tilespmem:s11+$0xE0]  }
0x38c: {  	[tilespmem:s11+$0x80] =	vst v4;
	v4 =	vmul.f32 v9, v1;
	v9 =	vld [tilespmem:s11+$0xF0]  }
0x38d: {  	v5 =	vld.idx.msk [tilespmem:v5+s22+$0x0], $0xffff;
	[tilespmem:s11+$0x90] =	vst v2;
	v2 =	vmul.f32 v10, v1  }
0x38e: {  	v6 =	vld.idx.msk [tilespmem:v6+s22+$0x0], $0xffff;
	[tilespmem:s11+$0xA0] =	vst v4;
	v3 =	vmul.f32 v3, v1  }
0x38f: {  	v4 =	vld.idx.msk [tilespmem:v12+s22+$0x0], $0xffff;
	[tilespmem:s11+$0xB0] =	vst v2;
	v8 =	vmul.f32 v8, v1  }
0x390: {  	s11 =	sadd.s32 $0x200, s11;
	v2 =	vld.idx.msk [tilespmem:v11+s22+$0x0], $0xffff;
	[tilespmem:s17+$0xC0] =	vst v3;
	v3 =	vmul.f32 v7, v1  }
0x391: {  	v7 =	vld [tilespmem:s11+$0x70];
	[tilespmem:s17+$0xD0] =	vst v8;
	v9 =	vmul.f32 v9, v1  }
0x392: {  	v8 =	vld [tilespmem:s11+$0xFFFFFF00];
	[tilespmem:s17+$0xE0] =	vst v3  }
0x393: {  	v1 =	vmov v5;
	v3 =	vld [tilespmem:s11+$0xFFFFFF10];
	[tilespmem:s17+$0xF0] =	vst v9;
	s17 =	smov.u32 s11  }
0x394: {  	v5 =	vld [tilespmem:s11+$0xFFFFFF20]  }
0x395: {  	v9 =	vld [tilespmem:s11+$0xFFFFFF30]  }
0x396: {  	v10 =	vld [tilespmem:s11+$0xFFFFFF40];
	v7 =	vmul.f32 v7, v2  }
0x397: {  	v8 =	vmul.f32 v8, v6;
	v11 =	vld [tilespmem:s11+$0xFFFFFF50]  }
0x398: {  	v3 =	vmul.f32 v3, v6;
	v12 =	vld [tilespmem:s11+$0xFFFFFF60];
	[tilespmem:s11+$0x70] =	vst v7  }
0x399: {  	[tilespmem:s11+$0xFFFFFF00] =	vst v8;
	v5 =	vmul.f32 v5, v6;
	v7 =	vld [tilespmem:s11+$0xFFFFFF70]  }
0x39a: {  	[tilespmem:s11+$0xFFFFFF10] =	vst v3;
	v3 =	vmul.f32 v9, v6;
	v8 =	vld [tilespmem:s11+$0xFFFFFF80]  }
0x39b: {  	[tilespmem:s11+$0xFFFFFF20] =	vst v5;
	v5 =	vmul.f32 v10, v6;
	v9 =	vld [tilespmem:s11+$0xFFFFFF90]  }
0x39c: {  	[tilespmem:s11+$0xFFFFFF30] =	vst v3;
	v3 =	vmul.f32 v11, v6;
	v10 =	vld [tilespmem:s11+$0xFFFFFFA0]  }
0x39d: {  	[tilespmem:s11+$0xFFFFFF40] =	vst v5;
	v5 =	vmul.f32 v12, v6;
	v11 =	vld [tilespmem:s11+$0xFFFFFFB0]  }
0x39e: {  	[tilespmem:s11+$0xFFFFFF50] =	vst v3;
	v3 =	vmul.f32 v7, v6;
	v6 =	vld [tilespmem:s11+$0xFFFFFFC0]  }
0x39f: {  	[tilespmem:s11+$0xFFFFFF60] =	vst v5;
	v5 =	vmul.f32 v8, v4;
	v7 =	vld [tilespmem:s11+$0xFFFFFFD0]  }
0x3a0: {  	[tilespmem:s11+$0xFFFFFF70] =	vst v3;
	v3 =	vmul.f32 v9, v4;
	v8 =	vld [tilespmem:s11+$0xFFFFFFE0]  }
0x3a1: {  	[tilespmem:s11+$0xFFFFFF80] =	vst v5;
	v5 =	vmul.f32 v10, v4;
	v9 =	vld [tilespmem:s11+$0xFFFFFFF0]  }
0x3a2: {  	[tilespmem:s11+$0xFFFFFF90] =	vst v3;
	v3 =	vmul.f32 v11, v4;
	v10 =	vld [tilespmem:s11+$0x0]  }
0x3a3: {  	[tilespmem:s11+$0xFFFFFFA0] =	vst v5;
	v5 =	vmul.f32 v6, v4;
	v6 =	vld [tilespmem:s11+$0x10]  }
0x3a4: {  	[tilespmem:s11+$0xFFFFFFB0] =	vst v3;
	v3 =	vmul.f32 v7, v4;
	v7 =	vld [tilespmem:s11+$0x20]  }
0x3a5: {  	[tilespmem:s11+$0xFFFFFFC0] =	vst v5;
	v5 =	vmul.f32 v8, v4;
	v11 =	vld [tilespmem:s11+$0x30]  }
0x3a6: {  	[tilespmem:s11+$0xFFFFFFD0] =	vst v3;
	v3 =	vmul.f32 v9, v4;
	v9 =	vld [tilespmem:s11+$0x40]  }
.Ltmp7:
0x3a7: {  	[tilespmem:s11+$0xFFFFFFE0] =	vst v5;
	v5 =	vmul.f32 v10, v2;
	v4 =	vld [tilespmem:s11+$0x50];
	(pc) =	sbr.rel @p0 .LBB2_17-.Ltmp7, $4  }
0x3a8: {  	[tilespmem:s11+$0xFFFFFFF0] =	vst v3;
	v6 =	vmul.f32 v6, v2;
	v3 =	vld [tilespmem:s11+$0x60]  }
0x3a9: {  	s2 =	sadd.s32 $0x3, s21;
	v10 =	vmov s21;
	[tilespmem:s11+$0x0] =	vst v5;
	v13 =	vmul.f32 v7, v2;
	v8 =	vld [tilespmem:s11+$0x80]  }
0x3aa: {  	s20 =	sadd.s32 $0x1, s21;
	v12 =	vand.u32 $0xFFFFFFFC, v10;
	v5 =	vmov s2;
	[tilespmem:s11+$0x10] =	vst v6;
	v10 =	vmul.f32 v11, v2;
	v7 =	vld [tilespmem:s11+$0x90]  }
0x3ab: {  	s2 =	sadd.s32 $0x2, s21;
	s21 =	sadd.s32 $0x4, s21;
	v6 =	vbroadcast v12, $0x0;
	v12 =	vmov s20;
	[tilespmem:s11+$0x20] =	vst v13;
	v11 =	vmul.f32 v9, v2;
	v9 =	vld [tilespmem:s11+$0xA0]  }
0x3ac: {  	v13 =	vld [tilespmem:s11+$0xB0]  }
0x3ad: {  	v15 =	vld [tilespmem:s11+$0xC0]  }
0x3ae: {  	v14 =	vmov s2;
	v16 =	vld [tilespmem:s11+$0xD0]  }
0x3af: {  	v17 =	vld [tilespmem:s11+$0xE0];
	[tilespmem:s11+$0x30] =	vst v10;
	v4 =	vmul.f32 v4, v2;
	v14 =	vand.u32 $0xFFFFFFFE, v14  }
0x3b0: {  	v12 =	vand.u32 $0xFFFFFFFD, v12;
	v5 =	vld.idx.msk [tilespmem:v5+s22+$0x0], $0xffff;
	[tilespmem:s11+$0x40] =	vst v11;
	v2 =	vmul.f32 v3, v2;
	v14 =	vbroadcast v14, $0x0  }
0x3b1: {  	s21 =	sadd.s32 $0x200, s11;
	v12 =	vbroadcast v12, $0x0;
	v3 =	vld.idx.msk [tilespmem:v6+s22+$0x0], $0xffff;
	v8 =	vmul.f32 v8, v1;
	[tilespmem:s11+$0x50] =	vst v4  }
0x3b2: {  	v10 =	vld [tilespmem:s21+$0xFFFFFF00];
	v4 =	vmul.f32 v7, v1;
	[tilespmem:s11+$0x60] =	vst v2  }
0x3b3: {  	[tilespmem:s11+$0x80] =	vst v8;
	v8 =	vld [tilespmem:s11+$0xF0];
	v2 =	vmul.f32 v9, v1  }
0x3b4: {  	v11 =	vld [tilespmem:s21+$0xFFFFFF10];
	[tilespmem:s11+$0x90] =	vst v4;
	v4 =	vmul.f32 v13, v1  }
0x3b5: {  	v9 =	vld [tilespmem:s21+$0x70];
	[tilespmem:s11+$0xA0] =	vst v2;
	v2 =	vmul.f32 v15, v1  }
0x3b6: {  	[tilespmem:s11+$0xB0] =	vst v4;
	v4 =	vmul.f32 v16, v1;
	v7 =	vld.idx.msk [tilespmem:v14+s22+$0x0], $0xffff  }
0x3b7: {  	v6 =	vld.idx.msk [tilespmem:v12+s22+$0x0], $0xffff;
	[tilespmem:s17+$0xC0] =	vst v2;
	v2 =	vmul.f32 v17, v1  }
0x3b8: {  	v12 =	vld [tilespmem:s21+$0xFFFFFF20];
	[tilespmem:s17+$0xD0] =	vst v4;
	v1 =	vmul.f32 v8, v1  }
0x3b9: {  	v4 =	vld [tilespmem:s21+$0xFFFFFF30];
	[tilespmem:s17+$0xE0] =	vst v2  }
0x3ba: {  	v2 =	vld [tilespmem:s21+$0xFFFFFF40];
	[tilespmem:s17+$0xF0] =	vst v1;
	v1 =	vmul.f32 v10, v3  }
0x3bb: {  	v8 =	vmul.f32 v9, v7;
	v9 =	vld [tilespmem:s21+$0xFFFFFF50]  }
0x3bc: {  	v10 =	vmul.f32 v11, v3;
	v11 =	vld [tilespmem:s21+$0xFFFFFF60];
	[tilespmem:s21+$0xFFFFFF00] =	vst v1  }
0x3bd: {  	v1 =	vmul.f32 v12, v3;
	[tilespmem:s21+$0x70] =	vst v8;
	v8 =	vld [tilespmem:s21+$0xFFFFFF70]  }
0x3be: {  	[tilespmem:s21+$0xFFFFFF10] =	vst v10;
	v10 =	vld [tilespmem:s21+$0xFFFFFF80];
	v4 =	vmul.f32 v4, v3  }
0x3bf: {  	[tilespmem:s21+$0xFFFFFF20] =	vst v1;
	v1 =	vmul.f32 v2, v3;
	v2 =	vld [tilespmem:s21+$0xFFFFFF90]  }
0x3c0: {  	[tilespmem:s21+$0xFFFFFF30] =	vst v4;
	v4 =	vmul.f32 v9, v3;
	v9 =	vld [tilespmem:s21+$0xFFFFFFA0]  }
0x3c1: {  	[tilespmem:s21+$0xFFFFFF40] =	vst v1;
	v1 =	vmul.f32 v11, v3;
	v11 =	vld [tilespmem:s21+$0xFFFFFFB0]  }
0x3c2: {  	[tilespmem:s21+$0xFFFFFF50] =	vst v4;
	v3 =	vmul.f32 v8, v3;
	v4 =	vld [tilespmem:s21+$0xFFFFFFC0]  }
0x3c3: {  	[tilespmem:s21+$0xFFFFFF60] =	vst v1;
	v1 =	vmul.f32 v10, v6;
	v8 =	vld [tilespmem:s21+$0xFFFFFFD0]  }
0x3c4: {  	v2 =	vmul.f32 v2, v6;
	[tilespmem:s21+$0xFFFFFF70] =	vst v3;
	v3 =	vld [tilespmem:s21+$0xFFFFFFE0]  }
0x3c5: {  	[tilespmem:s21+$0xFFFFFF80] =	vst v1;
	v1 =	vmul.f32 v9, v6;
	v9 =	vld [tilespmem:s21+$0xFFFFFFF0]  }
0x3c6: {  	v10 =	vld [tilespmem:s21+$0x0];
	[tilespmem:s21+$0xFFFFFF90] =	vst v2;
	v2 =	vmul.f32 v11, v6  }
0x3c7: {  	[tilespmem:s21+$0xFFFFFFA0] =	vst v1;
	v1 =	vmul.f32 v4, v6;
	v4 =	vld [tilespmem:s21+$0x10]  }
0x3c8: {  	[tilespmem:s21+$0xFFFFFFB0] =	vst v2;
	v2 =	vmul.f32 v8, v6;
	v8 =	vld [tilespmem:s21+$0x20]  }
0x3c9: {  	[tilespmem:s21+$0xFFFFFFC0] =	vst v1;
	v1 =	vmul.f32 v3, v6;
	v3 =	vld [tilespmem:s21+$0x30]  }
0x3ca: {  	[tilespmem:s21+$0xFFFFFFD0] =	vst v2;
	v2 =	vmul.f32 v9, v6;
	v6 =	vld [tilespmem:s21+$0x40]  }
0x3cb: {  	v9 =	vld [tilespmem:s21+$0x50];
	[tilespmem:s21+$0xFFFFFFE0] =	vst v1;
	v1 =	vmul.f32 v10, v7  }
0x3cc: {  	[tilespmem:s21+$0xFFFFFFF0] =	vst v2;
	v2 =	vmul.f32 v4, v7;
	v4 =	vld [tilespmem:s21+$0x60]  }
0x3cd: {  	[tilespmem:s21+$0x0] =	vst v1;
	v1 =	vmul.f32 v8, v7;
	v8 =	vld [tilespmem:s21+$0x80]  }
0x3ce: {  	[tilespmem:s21+$0x10] =	vst v2;
	v2 =	vmul.f32 v3, v7;
	v3 =	vld [tilespmem:s21+$0x90]  }
0x3cf: {  	[tilespmem:s21+$0x20] =	vst v1;
	v1 =	vmul.f32 v6, v7;
	v6 =	vld [tilespmem:s21+$0xA0]  }
0x3d0: {  	[tilespmem:s21+$0x30] =	vst v2;
	v2 =	vmul.f32 v9, v7;
	v9 =	vld [tilespmem:s21+$0xB0]  }
0x3d1: {  	[tilespmem:s21+$0x40] =	vst v1;
	v1 =	vmul.f32 v4, v7;
	v4 =	vld [tilespmem:s21+$0xC0]  }
0x3d2: {  	v7 =	vld [tilespmem:s21+$0xD0];
	[tilespmem:s21+$0x50] =	vst v2;
	v2 =	vmul.f32 v8, v5  }
0x3d3: {  	[tilespmem:s21+$0x60] =	vst v1;
	v1 =	vmul.f32 v3, v5;
	v3 =	vld [tilespmem:s21+$0xE0]  }
0x3d4: {  	[tilespmem:s21+$0x80] =	vst v2;
	v2 =	vmul.f32 v6, v5;
	v6 =	vld [tilespmem:s21+$0xF0]  }
0x3d5: {  	[tilespmem:s21+$0x90] =	vst v1;
	v1 =	vmul.f32 v9, v5  }
0x3d6: {  	[tilespmem:s21+$0xA0] =	vst v2;
	v2 =	vmul.f32 v4, v5  }
0x3d7: {  	[tilespmem:s21+$0xB0] =	vst v1;
	v1 =	vmul.f32 v7, v5  }
0x3d8: {  	[tilespmem:s21+$0xC0] =	vst v2;
	v2 =	vmul.f32 v3, v5  }
0x3d9: {  	[tilespmem:s21+$0xD0] =	vst v1;
	v1 =	vmul.f32 v6, v5  }
0x3da: {  	[tilespmem:s21+$0xE0] =	vst v2  }
0x3db: {  	s11 =	smul.u32 $0x140, s3;
	[tilespmem:s21+$0xF0] =	vst v1  }
0x3dc: {  	_ =	swait.ge [sflag:s19], $0x2800  }
0x3dd: {  	s2 =	sshra.s32 s11, $0x2;
	[sflag:s19] =	ssyncset.done $0x0  }
0x3de: {  	s2 =	sadd.s32 $0x14000, s2;
	[sflag:s19] =	ssyncadd.s32 $0xFFFFD800  }
0x3df: {  	[tilespmem:s29], [sflag:$0x3] =	stream.indirect.gather [hbm4b:s1+s26], $0x80, s2, s26, $0xb8;
	[tilespmem:$0x1E580] =	vst v63  }
0x3e0: {  	s2 =	simm.s32 $0x0;
	_ =	swait.ge [sflag:s0], $0x80  }
0x3e1: {  	s20 =	simm.s32 $0x2;
	s17 =	smul.u32 $0x300, s4;
	v1 =	vmov s2;
	[sflag:s0] =	ssyncset.done $0x0  }
0x3e2: {  	v2 =	vmov s20;
	v1 =	vand.u32 $0xFFFFFFFC, v1;
	[sflag:s0] =	ssyncadd.s32 $0xFFFFFF80  }
0x3e3: {  	s3 =	sshrl.u32 s17, $0x3;
	v2 =	vand.u32 $0xFFFFFFFE, v2;
	v1 =	vbroadcast v1, $0x0;
	_ =	swait.ge [sflag:s0], $0x80  }
0x3e4: {  	s3 =	sadd.s32 $0x90, s3;
	v2 =	vbroadcast v2, $0x0;
	[sflag:s0] =	ssyncset.done $0x0  }
0x3e5: {  	s23 =	simm.s32 $0x16900;
	s21 =	sadd.s32 s13, s3;
	[sflag:s0] =	ssyncadd.s32 $0xFFFFFF80  }
0x3e6: {  	[tilespmem:s23], [sflag:$0x7] =	stream.linear.gather [hbm4b:s21+s2], $0x80, $0x38;
	[tilespmem:$0x1E580] =	vst v63  }
0x3e7: {  	s3 =	sadd.s32 s14, s3  }
0x3e8: {  	[tilespmem:s5], [sflag:$0x7] =	stream.linear.gather [hbm4b:s3+s2], $0x80, $0x38;
	[tilespmem:$0x1E580] =	vst v63  }
0x3e9: {  	v1 =	vld.idx.msk [tilespmem:v1+s25+$0x0], $0xffff  }
0x3ea: {  	s11 =	simm.s32 $0x1;
	s3 =	simm.s32 $0x19680;
	v2 =	vld.idx.msk [tilespmem:v2+s25+$0x0], $0xffff  }
0x3eb: {  	v3 =	vmov s11;
	v4 =	vld [tilespmem:s3+$0x70]  }
0x3ec: {  	v3 =	vand.u32 $0xFFFFFFFD, v3;
	v5 =	vld [tilespmem:s3+$0xFFFFFF00]  }
0x3ed: {  	v3 =	vbroadcast v3, $0x0;
	v6 =	vld [tilespmem:s3+$0xFFFFFF10]  }
0x3ee: {  	v7 =	vld [tilespmem:s3+$0xFFFFFF20]  }
0x3ef: {  	v8 =	vld [tilespmem:s3+$0xFFFFFF30]  }
0x3f0: {  	v9 =	vld [tilespmem:s3+$0xFFFFFF40]  }
0x3f1: {  	v10 =	vld [tilespmem:s3+$0xFFFFFF50]  }
0x3f2: {  	v11 =	vld [tilespmem:s3+$0xFFFFFF60];
	v5 =	vmul.f32 v5, v1  }
0x3f3: {  	v3 =	vld.idx.msk [tilespmem:v3+s25+$0x0], $0xffff;
	v4 =	vmul.f32 v4, v2  }
0x3f4: {  	v13 =	vld [tilespmem:s3+$0x40];
	[tilespmem:s3+$0xFFFFFF00] =	vst v5;
	v5 =	vmul.f32 v6, v1  }
0x3f5: {  	v6 =	vld [tilespmem:s3+$0xFFFFFF70];
	[tilespmem:s3+$0x70] =	vst v4;
	v4 =	vmul.f32 v7, v1  }
0x3f6: {  	v7 =	vld [tilespmem:s3+$0xFFFFFF80];
	[tilespmem:s3+$0xFFFFFF10] =	vst v5;
	v5 =	vmul.f32 v8, v1  }
0x3f7: {  	v8 =	vld [tilespmem:s3+$0xFFFFFF90];
	[tilespmem:s3+$0xFFFFFF20] =	vst v4;
	v4 =	vmul.f32 v9, v1  }
0x3f8: {  	v9 =	vld [tilespmem:s3+$0xFFFFFFA0];
	[tilespmem:s3+$0xFFFFFF30] =	vst v5;
	v5 =	vmul.f32 v10, v1  }
0x3f9: {  	v10 =	vld [tilespmem:s3+$0xFFFFFFB0];
	[tilespmem:s3+$0xFFFFFF40] =	vst v4;
	v4 =	vmul.f32 v11, v1  }
0x3fa: {  	v11 =	vld [tilespmem:s3+$0xFFFFFFC0];
	v6 =	vmul.f32 v6, v1;
	[tilespmem:s3+$0xFFFFFF50] =	vst v5  }
0x3fb: {  	v5 =	vmul.f32 v7, v3;
	v7 =	vld [tilespmem:s3+$0xFFFFFFD0];
	[tilespmem:s3+$0xFFFFFF60] =	vst v4  }
0x3fc: {  	s17 =	simm.s32 $0x3;
	v4 =	vld [tilespmem:s3+$0xFFFFFFE0];
	v8 =	vmul.f32 v8, v3;
	[tilespmem:s3+$0xFFFFFF70] =	vst v6  }
0x3fd: {  	v12 =	vmov s17;
	v6 =	vld [tilespmem:s3+$0xFFFFFFF0];
	[tilespmem:s3+$0xFFFFFF80] =	vst v5;
	v5 =	vmul.f32 v9, v3  }
0x3fe: {  	v9 =	vld [tilespmem:s3+$0x0];
	[tilespmem:s3+$0xFFFFFF90] =	vst v8;
	v8 =	vmul.f32 v10, v3  }
0x3ff: {  	v10 =	vld [tilespmem:s3+$0x10];
	[tilespmem:s3+$0xFFFFFFA0] =	vst v5;
	v5 =	vmul.f32 v11, v3  }
0x400: {  	[tilespmem:s3+$0xFFFFFFB0] =	vst v8;
	v7 =	vmul.f32 v7, v3;
	v8 =	vld [tilespmem:s3+$0x20]  }
0x401: {  	v11 =	vld [tilespmem:s3+$0x30];
	v4 =	vmul.f32 v4, v3;
	[tilespmem:s3+$0xFFFFFFC0] =	vst v5  }
0x402: {  	v1 =	vld.idx.msk [tilespmem:v12+s25+$0x0], $0xffff;
	v3 =	vmul.f32 v6, v3;
	[tilespmem:s3+$0xFFFFFFD0] =	vst v7  }
0x403: {  	[tilespmem:s3+$0xFFFFFFE0] =	vst v4;
	v5 =	vmul.f32 v9, v2;
	v4 =	vld [tilespmem:s3+$0x50]  }
0x404: {  	s20 =	simm.s32 $0x4;
	[tilespmem:s3+$0xFFFFFFF0] =	vst v3;
	v6 =	vmul.f32 v10, v2;
	v3 =	vld [tilespmem:s3+$0x60]  }
0x405: {  	s21 =	simm.s32 $0x7;
	v7 =	vmov s20;
	[tilespmem:s3+$0x0] =	vst v5;
	v9 =	vmul.f32 v8, v2;
	v8 =	vld [tilespmem:s3+$0x80]  }
0x406: {  	s23 =	simm.s32 $0x5;
	v12 =	vand.u32 $0xFFFFFFFC, v7;
	v7 =	vld [tilespmem:s3+$0x90];
	v5 =	vmov s21;
	v10 =	vmul.f32 v11, v2;
	[tilespmem:s3+$0x10] =	vst v6  }
0x407: {  	s17 =	simm.s32 $0x8;
	s11 =	simm.s32 $0x19680;
	s2 =	simm.s32 $0x6;
	v11 =	vmul.f32 v13, v2;
	v6 =	vbroadcast v12, $0x0;
	v12 =	vmov s23;
	[tilespmem:s3+$0x20] =	vst v9;
	v9 =	vld [tilespmem:s3+$0xA0]  }
.LBB2_19:
0x408: {  	p0 =	slt.u32 s17, $0x4C;
	v12 =	vand.u32 $0xFFFFFFFD, v12;
	v13 =	vmov s2;
	[tilespmem:s3+$0x30] =	vst v10;
	v4 =	vmul.f32 v4, v2;
	v10 =	vld [tilespmem:s3+$0xB0]  }
0x409: {  	v12 =	vbroadcast v12, $0x0;
	v13 =	vand.u32 $0xFFFFFFFE, v13;
	[tilespmem:s3+$0x40] =	vst v11;
	v2 =	vmul.f32 v3, v2;
	v3 =	vld [tilespmem:s3+$0xC0]  }
0x40a: {  	v11 =	vbroadcast v13, $0x0;
	[tilespmem:s3+$0x50] =	vst v4;
	v4 =	vmul.f32 v8, v1;
	v8 =	vld [tilespmem:s3+$0xD0]  }
0x40b: {  	[tilespmem:s3+$0x60] =	vst v2;
	v2 =	vmul.f32 v7, v1;
	v7 =	vld [tilespmem:s3+$0xE0]  }
0x40c: {  	[tilespmem:s3+$0x80] =	vst v4;
	v4 =	vmul.f32 v9, v1;
	v9 =	vld [tilespmem:s3+$0xF0]  }
0x40d: {  	v5 =	vld.idx.msk [tilespmem:v5+s25+$0x0], $0xffff;
	[tilespmem:s3+$0x90] =	vst v2;
	v2 =	vmul.f32 v10, v1  }
0x40e: {  	v6 =	vld.idx.msk [tilespmem:v6+s25+$0x0], $0xffff;
	[tilespmem:s3+$0xA0] =	vst v4;
	v3 =	vmul.f32 v3, v1  }
0x40f: {  	v4 =	vld.idx.msk [tilespmem:v12+s25+$0x0], $0xffff;
	[tilespmem:s3+$0xB0] =	vst v2;
	v8 =	vmul.f32 v8, v1  }
0x410: {  	s3 =	sadd.s32 $0x200, s3;
	v2 =	vld.idx.msk [tilespmem:v11+s25+$0x0], $0xffff;
	[tilespmem:s11+$0xC0] =	vst v3;
	v3 =	vmul.f32 v7, v1  }
0x411: {  	v7 =	vld [tilespmem:s3+$0x70];
	[tilespmem:s11+$0xD0] =	vst v8;
	v9 =	vmul.f32 v9, v1  }
0x412: {  	v8 =	vld [tilespmem:s3+$0xFFFFFF00];
	[tilespmem:s11+$0xE0] =	vst v3  }
0x413: {  	v1 =	vmov v5;
	v3 =	vld [tilespmem:s3+$0xFFFFFF10];
	[tilespmem:s11+$0xF0] =	vst v9;
	s11 =	smov.u32 s3  }
0x414: {  	v5 =	vld [tilespmem:s3+$0xFFFFFF20]  }
0x415: {  	v9 =	vld [tilespmem:s3+$0xFFFFFF30]  }
0x416: {  	v10 =	vld [tilespmem:s3+$0xFFFFFF40];
	v7 =	vmul.f32 v7, v2  }
0x417: {  	v8 =	vmul.f32 v8, v6;
	v11 =	vld [tilespmem:s3+$0xFFFFFF50]  }
0x418: {  	v3 =	vmul.f32 v3, v6;
	v12 =	vld [tilespmem:s3+$0xFFFFFF60];
	[tilespmem:s3+$0x70] =	vst v7  }
0x419: {  	[tilespmem:s3+$0xFFFFFF00] =	vst v8;
	v5 =	vmul.f32 v5, v6;
	v7 =	vld [tilespmem:s3+$0xFFFFFF70]  }
0x41a: {  	[tilespmem:s3+$0xFFFFFF10] =	vst v3;
	v3 =	vmul.f32 v9, v6;
	v8 =	vld [tilespmem:s3+$0xFFFFFF80]  }
0x41b: {  	[tilespmem:s3+$0xFFFFFF20] =	vst v5;
	v5 =	vmul.f32 v10, v6;
	v9 =	vld [tilespmem:s3+$0xFFFFFF90]  }
0x41c: {  	[tilespmem:s3+$0xFFFFFF30] =	vst v3;
	v3 =	vmul.f32 v11, v6;
	v10 =	vld [tilespmem:s3+$0xFFFFFFA0]  }
0x41d: {  	[tilespmem:s3+$0xFFFFFF40] =	vst v5;
	v5 =	vmul.f32 v12, v6;
	v11 =	vld [tilespmem:s3+$0xFFFFFFB0]  }
0x41e: {  	[tilespmem:s3+$0xFFFFFF50] =	vst v3;
	v3 =	vmul.f32 v7, v6;
	v6 =	vld [tilespmem:s3+$0xFFFFFFC0]  }
0x41f: {  	[tilespmem:s3+$0xFFFFFF60] =	vst v5;
	v5 =	vmul.f32 v8, v4;
	v7 =	vld [tilespmem:s3+$0xFFFFFFD0]  }
0x420: {  	[tilespmem:s3+$0xFFFFFF70] =	vst v3;
	v3 =	vmul.f32 v9, v4;
	v8 =	vld [tilespmem:s3+$0xFFFFFFE0]  }
0x421: {  	[tilespmem:s3+$0xFFFFFF80] =	vst v5;
	v5 =	vmul.f32 v10, v4;
	v9 =	vld [tilespmem:s3+$0xFFFFFFF0]  }
0x422: {  	[tilespmem:s3+$0xFFFFFF90] =	vst v3;
	v3 =	vmul.f32 v11, v4;
	v10 =	vld [tilespmem:s3+$0x0]  }
0x423: {  	[tilespmem:s3+$0xFFFFFFA0] =	vst v5;
	v5 =	vmul.f32 v6, v4;
	v6 =	vld [tilespmem:s3+$0x10]  }
0x424: {  	[tilespmem:s3+$0xFFFFFFB0] =	vst v3;
	v3 =	vmul.f32 v7, v4;
	v7 =	vld [tilespmem:s3+$0x20]  }
0x425: {  	[tilespmem:s3+$0xFFFFFFC0] =	vst v5;
	v5 =	vmul.f32 v8, v4;
	v11 =	vld [tilespmem:s3+$0x30]  }
0x426: {  	[tilespmem:s3+$0xFFFFFFD0] =	vst v3;
	v3 =	vmul.f32 v9, v4;
	v9 =	vld [tilespmem:s3+$0x40]  }
.Ltmp8:
0x427: {  	[tilespmem:s3+$0xFFFFFFE0] =	vst v5;
	v5 =	vmul.f32 v10, v2;
	v4 =	vld [tilespmem:s3+$0x50];
	(pc) =	sbr.rel @p0 .LBB2_19-.Ltmp8, $4  }
0x428: {  	[tilespmem:s3+$0xFFFFFFF0] =	vst v3;
	v6 =	vmul.f32 v6, v2;
	v3 =	vld [tilespmem:s3+$0x60]  }
0x429: {  	s2 =	sadd.s32 $0x3, s17;
	v10 =	vmov s17;
	[tilespmem:s3+$0x0] =	vst v5;
	v13 =	vmul.f32 v7, v2;
	v8 =	vld [tilespmem:s3+$0x80]  }
0x42a: {  	s20 =	sadd.s32 $0x1, s17;
	v12 =	vand.u32 $0xFFFFFFFC, v10;
	v5 =	vmov s2;
	[tilespmem:s3+$0x10] =	vst v6;
	v10 =	vmul.f32 v11, v2;
	v7 =	vld [tilespmem:s3+$0x90]  }
0x42b: {  	s2 =	sadd.s32 $0x2, s17;
	s17 =	sadd.s32 $0x4, s17;
	v6 =	vbroadcast v12, $0x0;
	v12 =	vmov s20;
	[tilespmem:s3+$0x20] =	vst v13;
	v11 =	vmul.f32 v9, v2;
	v9 =	vld [tilespmem:s3+$0xA0]  }
0x42c: {  	v13 =	vld [tilespmem:s3+$0xB0]  }
0x42d: {  	v15 =	vld [tilespmem:s3+$0xC0]  }
0x42e: {  	v16 =	vld [tilespmem:s3+$0xD0]  }
0x42f: {  	v17 =	vld [tilespmem:s3+$0xE0]  }
0x430: {  	v29 =	vld [tilespmem:s3+$0xF0];
	[tilespmem:s3+$0x30] =	vst v10;
	v4 =	vmul.f32 v4, v2  }
0x431: {  	v5 =	vld.idx.msk [tilespmem:v5+s25+$0x0], $0xffff;
	[tilespmem:s3+$0x40] =	vst v11;
	v2 =	vmul.f32 v3, v2  }
0x432: {  	s17 =	sadd.s32 $0x200, s3;
	v3 =	vld.idx.msk [tilespmem:v6+s25+$0x0], $0xffff;
	v8 =	vmul.f32 v8, v1;
	[tilespmem:s3+$0x50] =	vst v4  }
0x433: {  	v14 =	vmov s2;
	v34 =	vld [tilespmem:s17+$0x70];
	v30 =	vmul.f32 v7, v1;
	[tilespmem:s3+$0x60] =	vst v2  }
0x434: {  	v14 =	vand.u32 $0xFFFFFFFE, v14;
	v35 =	vld [tilespmem:s17+$0xFFFFFF00];
	[tilespmem:s3+$0x80] =	vst v8;
	v2 =	vmul.f32 v9, v1  }
0x435: {  	v37 =	vld [tilespmem:s17+$0xFFFFFF10];
	v14 =	vbroadcast v14, $0x0;
	[tilespmem:s3+$0x90] =	vst v30;
	v33 =	vmul.f32 v13, v1  }
0x436: {  	v38 =	vld [tilespmem:s17+$0xFFFFFF20];
	[tilespmem:s3+$0xA0] =	vst v2;
	v2 =	vmul.f32 v15, v1  }
0x437: {  	v12 =	vand.u32 $0xFFFFFFFD, v12;
	v39 =	vld [tilespmem:s17+$0xFFFFFF30];
	v36 =	vmul.f32 v16, v1;
	[tilespmem:s3+$0xB0] =	vst v33  }
0x438: {  	v12 =	vbroadcast v12, $0x0;
	v41 =	vld [tilespmem:s17+$0xFFFFFF50];
	[tilespmem:s11+$0xC0] =	vst v2;
	v2 =	vmul.f32 v17, v1  }
0x439: {  	v43 =	vld [tilespmem:s17+$0xFFFFFF60];
	[tilespmem:s11+$0xD0] =	vst v36;
	v1 =	vmul.f32 v29, v1  }
0x43a: {  	v42 =	vmul.f32 v37, v3;
	[tilespmem:s11+$0xE0] =	vst v2;
	v2 =	vld [tilespmem:s17+$0xFFFFFF40]  }
0x43b: {  	v32 =	vld.idx.msk [tilespmem:v14+s25+$0x0], $0xffff;
	[tilespmem:s11+$0xF0] =	vst v1;
	v1 =	vmul.f32 v35, v3  }
0x43c: {  	v44 =	vld [tilespmem:s17+$0xFFFFFF70];
	v4 =	vmul.f32 v39, v3;
	[tilespmem:s17+$0xFFFFFF10] =	vst v42  }
0x43d: {  	v45 =	vld [tilespmem:s17+$0xFFFFFF80];
	[tilespmem:s17+$0xFFFFFF00] =	vst v1;
	v1 =	vmul.f32 v38, v3  }
0x43e: {  	v46 =	vmul.f32 v41, v3;
	v31 =	vld.idx.msk [tilespmem:v12+s25+$0x0], $0xffff;
	[tilespmem:s17+$0xFFFFFF30] =	vst v4  }
0x43f: {  	[tilespmem:s17+$0xFFFFFF20] =	vst v1;
	v1 =	vmul.f32 v2, v3;
	v2 =	vld [tilespmem:s17+$0xFFFFFF90]  }
0x440: {  	v47 =	vld [tilespmem:s17+$0xFFFFFFA0];
	[tilespmem:s17+$0xFFFFFF50] =	vst v46;
	v40 =	vmul.f32 v34, v32  }
0x441: {  	v48 =	vld [tilespmem:s17+$0xFFFFFFB0];
	[tilespmem:s17+$0xFFFFFF40] =	vst v1;
	v1 =	vmul.f32 v43, v3  }
0x442: {  	v49 =	vld [tilespmem:s17+$0xFFFFFFC0];
	[tilespmem:s17+$0x70] =	vst v40;
	v3 =	vmul.f32 v44, v3  }
0x443: {  	v50 =	vld [tilespmem:s17+$0xFFFFFFD0];
	[tilespmem:s17+$0xFFFFFF60] =	vst v1;
	v1 =	vmul.f32 v45, v31  }
0x444: {  	[tilespmem:s17+$0xFFFFFF70] =	vst v3;
	v3 =	vld [tilespmem:s17+$0xFFFFFFE0];
	v2 =	vmul.f32 v2, v31  }
0x445: {  	v51 =	vld [tilespmem:s17+$0xFFFFFFF0];
	[tilespmem:s17+$0xFFFFFF80] =	vst v1;
	v1 =	vmul.f32 v47, v31  }
0x446: {  	v52 =	vld [tilespmem:s17+$0x0];
	[tilespmem:s17+$0xFFFFFF90] =	vst v2;
	v2 =	vmul.f32 v48, v31  }
0x447: {  	v53 =	vld [tilespmem:s17+$0x10];
	[tilespmem:s17+$0xFFFFFFA0] =	vst v1;
	v1 =	vmul.f32 v49, v31  }
0x448: {  	v54 =	vld [tilespmem:s17+$0x20];
	[tilespmem:s17+$0xFFFFFFB0] =	vst v2;
	v2 =	vmul.f32 v50, v31  }
0x449: {  	[tilespmem:s17+$0xFFFFFFC0] =	vst v1;
	v1 =	vmul.f32 v3, v31;
	v3 =	vld [tilespmem:s17+$0x30]  }
0x44a: {  	v55 =	vld [tilespmem:s17+$0x40];
	[tilespmem:s17+$0xFFFFFFD0] =	vst v2;
	v2 =	vmul.f32 v51, v31  }
0x44b: {  	v56 =	vld [tilespmem:s17+$0x50];
	[tilespmem:s17+$0xFFFFFFE0] =	vst v1;
	v1 =	vmul.f32 v52, v32  }
0x44c: {  	v57 =	vld [tilespmem:s17+$0x60];
	[tilespmem:s17+$0xFFFFFFF0] =	vst v2;
	v2 =	vmul.f32 v53, v32  }
0x44d: {  	v58 =	vld [tilespmem:s17+$0x80];
	[tilespmem:s17+$0x0] =	vst v1;
	v1 =	vmul.f32 v54, v32  }
0x44e: {  	[tilespmem:s17+$0x10] =	vst v2;
	v2 =	vmul.f32 v3, v32;
	v3 =	vld [tilespmem:s17+$0x90]  }
0x44f: {  	v59 =	vld [tilespmem:s17+$0xA0];
	[tilespmem:s17+$0x20] =	vst v1;
	v1 =	vmul.f32 v55, v32  }
0x450: {  	v60 =	vld [tilespmem:s17+$0xB0];
	[tilespmem:s17+$0x30] =	vst v2;
	v2 =	vmul.f32 v56, v32  }
0x451: {  	v61 =	vld [tilespmem:s17+$0xC0];
	[tilespmem:s17+$0x40] =	vst v1;
	v1 =	vmul.f32 v57, v32  }
0x452: {  	v62 =	vld [tilespmem:s17+$0xD0];
	[tilespmem:s17+$0x50] =	vst v2;
	v2 =	vmul.f32 v58, v5  }
0x453: {  	[tilespmem:s17+$0x60] =	vst v1;
	v1 =	vmul.f32 v3, v5;
	v3 =	vld [tilespmem:s17+$0xE0]  }
0x454: {  	v63 =	vld [tilespmem:s17+$0xF0];
	[tilespmem:s17+$0x80] =	vst v2;
	v2 =	vmul.f32 v59, v5  }
0x455: {  	s4 =	sadd.s32 $0x1, s4;
	[tilespmem:s17+$0x90] =	vst v1;
	v1 =	vmul.f32 v60, v5  }
0x456: {  	p0 =	sne.s32 s4, $0x14;
	[tilespmem:s17+$0xA0] =	vst v2;
	v2 =	vmul.f32 v61, v5  }
.Ltmp9:
0x457: {  	[tilespmem:s17+$0xB0] =	vst v1;
	v1 =	vmul.f32 v62, v5;
	(pc) =	sbr.rel @p0 .LBB2_8-.Ltmp9, $4  }
0x458: {  	[tilespmem:s17+$0xC0] =	vst v2;
	v2 =	vmul.f32 v3, v5  }
0x459: {  	[tilespmem:s17+$0xD0] =	vst v1;
	v1 =	vmul.f32 v63, v5  }
0x45a: {  	[tilespmem:s17+$0xE0] =	vst v2  }
0x45b: {  	[tilespmem:s17+$0xF0] =	vst v1  }
0x45c: {  	_ =	swait.ge [sflag:s6], $0x2800  }
0x45d: {  	[sflag:s6] =	ssyncset.done $0x0  }
0x45e: {  	s2 =	simm.s32 $0x16670;
	[sflag:s6] =	ssyncadd.s32 $0xFFFFD800  }
0x45f: {  	[tilespmem:s16], [sflag:$0x1] =	stream.indirect.gather [hbm4b:s1+s26], $0x80, s2, s26, $0xb8;
	[tilespmem:$0x1E580] =	vst v63  }
0x460: {  	s23 =	simm.s32 $0x0;
	_ =	swait.ge [sflag:s7], $0x80  }
0x461: {  	s3 =	simm.s32 $0x2;
	v1 =	vmov s23;
	[sflag:s7] =	ssyncset.done $0x0  }
0x462: {  	v2 =	vmov s3;
	v1 =	vand.u32 $0xFFFFFFFC, v1;
	[sflag:s7] =	ssyncadd.s32 $0xFFFFFF80  }
0x463: {  	v2 =	vand.u32 $0xFFFFFFFE, v2;
	v1 =	vbroadcast v1, $0x0;
	_ =	swait.ge [sflag:s7], $0x80  }
0x464: {  	v2 =	vbroadcast v2, $0x0;
	[sflag:s7] =	ssyncset.done $0x0  }
0x465: {  	s4 =	sadd.s32 $0x7C0, s13;
	[sflag:s7] =	ssyncadd.s32 $0xFFFFFF80  }
0x466: {  	[tilespmem:s8], [sflag:$0x8] =	stream.linear.gather [hbm4b:s4+s23], $0x80, $0x38;
	[tilespmem:$0x1E580] =	vst v63  }
0x467: {  	s11 =	sadd.s32 $0x7C0, s14  }
0x468: {  	[tilespmem:s9], [sflag:$0x8] =	stream.linear.gather [hbm4b:s11+s23], $0x80, $0x38;
	[tilespmem:$0x1E580] =	vst v63  }
0x469: {  	v1 =	vld.idx.msk [tilespmem:v1+s18+$0x0], $0xffff  }
0x46a: {  	s17 =	simm.s32 $0x1;
	s3 =	simm.s32 $0x1BE80;
	v2 =	vld.idx.msk [tilespmem:v2+s18+$0x0], $0xffff  }
0x46b: {  	v3 =	vmov s17;
	v4 =	vld [tilespmem:s3+$0x70]  }
0x46c: {  	v3 =	vand.u32 $0xFFFFFFFD, v3;
	v5 =	vld [tilespmem:s3+$0xFFFFFF00]  }
0x46d: {  	v3 =	vbroadcast v3, $0x0;
	v6 =	vld [tilespmem:s3+$0xFFFFFF10]  }
0x46e: {  	v7 =	vld [tilespmem:s3+$0xFFFFFF20]  }
0x46f: {  	v8 =	vld [tilespmem:s3+$0xFFFFFF30]  }
0x470: {  	v9 =	vld [tilespmem:s3+$0xFFFFFF40]  }
0x471: {  	v10 =	vld [tilespmem:s3+$0xFFFFFF50]  }
0x472: {  	v11 =	vld [tilespmem:s3+$0xFFFFFF60];
	v5 =	vmul.f32 v5, v1  }
0x473: {  	v3 =	vld.idx.msk [tilespmem:v3+s18+$0x0], $0xffff;
	v4 =	vmul.f32 v4, v2  }
0x474: {  	v13 =	vld [tilespmem:s3+$0x40];
	[tilespmem:s3+$0xFFFFFF00] =	vst v5;
	v5 =	vmul.f32 v6, v1  }
0x475: {  	v6 =	vld [tilespmem:s3+$0xFFFFFF70];
	[tilespmem:s3+$0x70] =	vst v4;
	v4 =	vmul.f32 v7, v1  }
0x476: {  	v7 =	vld [tilespmem:s3+$0xFFFFFF80];
	[tilespmem:s3+$0xFFFFFF10] =	vst v5;
	v5 =	vmul.f32 v8, v1  }
0x477: {  	v8 =	vld [tilespmem:s3+$0xFFFFFF90];
	[tilespmem:s3+$0xFFFFFF20] =	vst v4;
	v4 =	vmul.f32 v9, v1  }
0x478: {  	v9 =	vld [tilespmem:s3+$0xFFFFFFA0];
	[tilespmem:s3+$0xFFFFFF30] =	vst v5;
	v5 =	vmul.f32 v10, v1  }
0x479: {  	v10 =	vld [tilespmem:s3+$0xFFFFFFB0];
	[tilespmem:s3+$0xFFFFFF40] =	vst v4;
	v4 =	vmul.f32 v11, v1  }
0x47a: {  	v11 =	vld [tilespmem:s3+$0xFFFFFFC0];
	v6 =	vmul.f32 v6, v1;
	[tilespmem:s3+$0xFFFFFF50] =	vst v5  }
0x47b: {  	v5 =	vmul.f32 v7, v3;
	v7 =	vld [tilespmem:s3+$0xFFFFFFD0];
	[tilespmem:s3+$0xFFFFFF60] =	vst v4  }
0x47c: {  	s20 =	simm.s32 $0x3;
	v4 =	vld [tilespmem:s3+$0xFFFFFFE0];
	v8 =	vmul.f32 v8, v3;
	[tilespmem:s3+$0xFFFFFF70] =	vst v6  }
0x47d: {  	v12 =	vmov s20;
	v6 =	vld [tilespmem:s3+$0xFFFFFFF0];
	[tilespmem:s3+$0xFFFFFF80] =	vst v5;
	v5 =	vmul.f32 v9, v3  }
0x47e: {  	v9 =	vld [tilespmem:s3+$0x0];
	[tilespmem:s3+$0xFFFFFF90] =	vst v8;
	v8 =	vmul.f32 v10, v3  }
0x47f: {  	v10 =	vld [tilespmem:s3+$0x10];
	[tilespmem:s3+$0xFFFFFFA0] =	vst v5;
	v5 =	vmul.f32 v11, v3  }
0x480: {  	[tilespmem:s3+$0xFFFFFFB0] =	vst v8;
	v7 =	vmul.f32 v7, v3;
	v8 =	vld [tilespmem:s3+$0x20]  }
0x481: {  	v11 =	vld [tilespmem:s3+$0x30];
	v4 =	vmul.f32 v4, v3;
	[tilespmem:s3+$0xFFFFFFC0] =	vst v5  }
0x482: {  	v1 =	vld.idx.msk [tilespmem:v12+s18+$0x0], $0xffff;
	v3 =	vmul.f32 v6, v3;
	[tilespmem:s3+$0xFFFFFFD0] =	vst v7  }
0x483: {  	[tilespmem:s3+$0xFFFFFFE0] =	vst v4;
	v5 =	vmul.f32 v9, v2;
	v4 =	vld [tilespmem:s3+$0x50]  }
0x484: {  	s21 =	simm.s32 $0x4;
	[tilespmem:s3+$0xFFFFFFF0] =	vst v3;
	v6 =	vmul.f32 v10, v2;
	v3 =	vld [tilespmem:s3+$0x60]  }
0x485: {  	s23 =	simm.s32 $0x7;
	v7 =	vmov s21;
	[tilespmem:s3+$0x0] =	vst v5;
	v9 =	vmul.f32 v8, v2;
	v8 =	vld [tilespmem:s3+$0x80]  }
0x486: {  	s4 =	simm.s32 $0x5;
	v12 =	vand.u32 $0xFFFFFFFC, v7;
	v7 =	vld [tilespmem:s3+$0x90];
	v5 =	vmov s23;
	v10 =	vmul.f32 v11, v2;
	[tilespmem:s3+$0x10] =	vst v6  }
0x487: {  	s2 =	simm.s32 $0x6;
	s11 =	simm.s32 $0x8;
	v11 =	vmul.f32 v13, v2;
	v6 =	vbroadcast v12, $0x0;
	v12 =	vmov s4;
	s4 =	simm.s32 $0x1BE80;
	[tilespmem:s3+$0x20] =	vst v9;
	v9 =	vld [tilespmem:s3+$0xA0]  }
.LBB2_22:
0x488: {  	p0 =	slt.u32 s11, $0x4C;
	v12 =	vand.u32 $0xFFFFFFFD, v12;
	v13 =	vmov s2;
	[tilespmem:s3+$0x30] =	vst v10;
	v4 =	vmul.f32 v4, v2;
	v10 =	vld [tilespmem:s3+$0xB0]  }
0x489: {  	v12 =	vbroadcast v12, $0x0;
	v13 =	vand.u32 $0xFFFFFFFE, v13;
	[tilespmem:s3+$0x40] =	vst v11;
	v2 =	vmul.f32 v3, v2;
	v3 =	vld [tilespmem:s3+$0xC0]  }
0x48a: {  	v11 =	vbroadcast v13, $0x0;
	[tilespmem:s3+$0x50] =	vst v4;
	v4 =	vmul.f32 v8, v1;
	v8 =	vld [tilespmem:s3+$0xD0]  }
0x48b: {  	[tilespmem:s3+$0x60] =	vst v2;
	v2 =	vmul.f32 v7, v1;
	v7 =	vld [tilespmem:s3+$0xE0]  }
0x48c: {  	[tilespmem:s3+$0x80] =	vst v4;
	v4 =	vmul.f32 v9, v1;
	v9 =	vld [tilespmem:s3+$0xF0]  }
0x48d: {  	v5 =	vld.idx.msk [tilespmem:v5+s18+$0x0], $0xffff;
	[tilespmem:s3+$0x90] =	vst v2;
	v2 =	vmul.f32 v10, v1  }
0x48e: {  	v6 =	vld.idx.msk [tilespmem:v6+s18+$0x0], $0xffff;
	[tilespmem:s3+$0xA0] =	vst v4;
	v3 =	vmul.f32 v3, v1  }
0x48f: {  	v4 =	vld.idx.msk [tilespmem:v12+s18+$0x0], $0xffff;
	[tilespmem:s3+$0xB0] =	vst v2;
	v8 =	vmul.f32 v8, v1  }
0x490: {  	s3 =	sadd.s32 $0x200, s3;
	v2 =	vld.idx.msk [tilespmem:v11+s18+$0x0], $0xffff;
	[tilespmem:s4+$0xC0] =	vst v3;
	v3 =	vmul.f32 v7, v1  }
0x491: {  	v7 =	vld [tilespmem:s3+$0x70];
	[tilespmem:s4+$0xD0] =	vst v8;
	v9 =	vmul.f32 v9, v1  }
0x492: {  	v8 =	vld [tilespmem:s3+$0xFFFFFF00];
	[tilespmem:s4+$0xE0] =	vst v3  }
0x493: {  	v1 =	vmov v5;
	v3 =	vld [tilespmem:s3+$0xFFFFFF10];
	[tilespmem:s4+$0xF0] =	vst v9;
	s4 =	smov.u32 s3  }
0x494: {  	v5 =	vld [tilespmem:s3+$0xFFFFFF20]  }
0x495: {  	v9 =	vld [tilespmem:s3+$0xFFFFFF30]  }
0x496: {  	v10 =	vld [tilespmem:s3+$0xFFFFFF40];
	v7 =	vmul.f32 v7, v2  }
0x497: {  	v8 =	vmul.f32 v8, v6;
	v11 =	vld [tilespmem:s3+$0xFFFFFF50]  }
0x498: {  	v3 =	vmul.f32 v3, v6;
	v12 =	vld [tilespmem:s3+$0xFFFFFF60];
	[tilespmem:s3+$0x70] =	vst v7  }
0x499: {  	[tilespmem:s3+$0xFFFFFF00] =	vst v8;
	v5 =	vmul.f32 v5, v6;
	v7 =	vld [tilespmem:s3+$0xFFFFFF70]  }
0x49a: {  	[tilespmem:s3+$0xFFFFFF10] =	vst v3;
	v3 =	vmul.f32 v9, v6;
	v8 =	vld [tilespmem:s3+$0xFFFFFF80]  }
0x49b: {  	[tilespmem:s3+$0xFFFFFF20] =	vst v5;
	v5 =	vmul.f32 v10, v6;
	v9 =	vld [tilespmem:s3+$0xFFFFFF90]  }
0x49c: {  	[tilespmem:s3+$0xFFFFFF30] =	vst v3;
	v3 =	vmul.f32 v11, v6;
	v10 =	vld [tilespmem:s3+$0xFFFFFFA0]  }
0x49d: {  	[tilespmem:s3+$0xFFFFFF40] =	vst v5;
	v5 =	vmul.f32 v12, v6;
	v11 =	vld [tilespmem:s3+$0xFFFFFFB0]  }
0x49e: {  	[tilespmem:s3+$0xFFFFFF50] =	vst v3;
	v3 =	vmul.f32 v7, v6;
	v6 =	vld [tilespmem:s3+$0xFFFFFFC0]  }
0x49f: {  	[tilespmem:s3+$0xFFFFFF60] =	vst v5;
	v5 =	vmul.f32 v8, v4;
	v7 =	vld [tilespmem:s3+$0xFFFFFFD0]  }
0x4a0: {  	[tilespmem:s3+$0xFFFFFF70] =	vst v3;
	v3 =	vmul.f32 v9, v4;
	v8 =	vld [tilespmem:s3+$0xFFFFFFE0]  }
0x4a1: {  	[tilespmem:s3+$0xFFFFFF80] =	vst v5;
	v5 =	vmul.f32 v10, v4;
	v9 =	vld [tilespmem:s3+$0xFFFFFFF0]  }
0x4a2: {  	[tilespmem:s3+$0xFFFFFF90] =	vst v3;
	v3 =	vmul.f32 v11, v4;
	v10 =	vld [tilespmem:s3+$0x0]  }
0x4a3: {  	[tilespmem:s3+$0xFFFFFFA0] =	vst v5;
	v5 =	vmul.f32 v6, v4;
	v6 =	vld [tilespmem:s3+$0x10]  }
0x4a4: {  	[tilespmem:s3+$0xFFFFFFB0] =	vst v3;
	v3 =	vmul.f32 v7, v4;
	v7 =	vld [tilespmem:s3+$0x20]  }
0x4a5: {  	[tilespmem:s3+$0xFFFFFFC0] =	vst v5;
	v5 =	vmul.f32 v8, v4;
	v11 =	vld [tilespmem:s3+$0x30]  }
0x4a6: {  	[tilespmem:s3+$0xFFFFFFD0] =	vst v3;
	v3 =	vmul.f32 v9, v4;
	v9 =	vld [tilespmem:s3+$0x40]  }
.Ltmp10:
0x4a7: {  	[tilespmem:s3+$0xFFFFFFE0] =	vst v5;
	v5 =	vmul.f32 v10, v2;
	v4 =	vld [tilespmem:s3+$0x50];
	(pc) =	sbr.rel @p0 .LBB2_22-.Ltmp10, $4  }
0x4a8: {  	[tilespmem:s3+$0xFFFFFFF0] =	vst v3;
	v6 =	vmul.f32 v6, v2;
	v3 =	vld [tilespmem:s3+$0x60]  }
0x4a9: {  	s2 =	sadd.s32 $0x3, s11;
	v10 =	vmov s11;
	[tilespmem:s3+$0x0] =	vst v5;
	v13 =	vmul.f32 v7, v2;
	v8 =	vld [tilespmem:s3+$0x80]  }
0x4aa: {  	s17 =	sadd.s32 $0x1, s11;
	v12 =	vand.u32 $0xFFFFFFFC, v10;
	v5 =	vmov s2;
	[tilespmem:s3+$0x10] =	vst v6;
	v10 =	vmul.f32 v11, v2;
	v7 =	vld [tilespmem:s3+$0x90]  }
0x4ab: {  	s2 =	sadd.s32 $0x2, s11;
	s11 =	sadd.s32 $0x4, s11;
	v6 =	vbroadcast v12, $0x0;
	v12 =	vmov s17;
	[tilespmem:s3+$0x20] =	vst v13;
	v11 =	vmul.f32 v9, v2;
	v9 =	vld [tilespmem:s3+$0xA0]  }
0x4ac: {  	v13 =	vld [tilespmem:s3+$0xB0]  }
0x4ad: {  	v15 =	vld [tilespmem:s3+$0xC0]  }
0x4ae: {  	v14 =	vmov s2;
	v16 =	vld [tilespmem:s3+$0xD0]  }
0x4af: {  	v17 =	vld [tilespmem:s3+$0xE0];
	[tilespmem:s3+$0x30] =	vst v10;
	v4 =	vmul.f32 v4, v2;
	v14 =	vand.u32 $0xFFFFFFFE, v14  }
0x4b0: {  	v12 =	vand.u32 $0xFFFFFFFD, v12;
	v5 =	vld.idx.msk [tilespmem:v5+s18+$0x0], $0xffff;
	[tilespmem:s3+$0x40] =	vst v11;
	v2 =	vmul.f32 v3, v2;
	v14 =	vbroadcast v14, $0x0  }
0x4b1: {  	s11 =	sadd.s32 $0x200, s3;
	v12 =	vbroadcast v12, $0x0;
	v3 =	vld.idx.msk [tilespmem:v6+s18+$0x0], $0xffff;
	v8 =	vmul.f32 v8, v1;
	[tilespmem:s3+$0x50] =	vst v4  }
0x4b2: {  	v10 =	vld [tilespmem:s11+$0xFFFFFF00];
	v4 =	vmul.f32 v7, v1;
	[tilespmem:s3+$0x60] =	vst v2  }
0x4b3: {  	[tilespmem:s3+$0x80] =	vst v8;
	v8 =	vld [tilespmem:s3+$0xF0];
	v2 =	vmul.f32 v9, v1  }
0x4b4: {  	v11 =	vld [tilespmem:s11+$0xFFFFFF10];
	[tilespmem:s3+$0x90] =	vst v4;
	v4 =	vmul.f32 v13, v1  }
0x4b5: {  	v9 =	vld [tilespmem:s11+$0x70];
	[tilespmem:s3+$0xA0] =	vst v2;
	v2 =	vmul.f32 v15, v1  }
0x4b6: {  	[tilespmem:s3+$0xB0] =	vst v4;
	v4 =	vmul.f32 v16, v1;
	v7 =	vld.idx.msk [tilespmem:v14+s18+$0x0], $0xffff  }
0x4b7: {  	v6 =	vld.idx.msk [tilespmem:v12+s18+$0x0], $0xffff;
	[tilespmem:s4+$0xC0] =	vst v2;
	v2 =	vmul.f32 v17, v1  }
0x4b8: {  	v12 =	vld [tilespmem:s11+$0xFFFFFF20];
	[tilespmem:s4+$0xD0] =	vst v4;
	v1 =	vmul.f32 v8, v1  }
0x4b9: {  	v4 =	vld [tilespmem:s11+$0xFFFFFF30];
	[tilespmem:s4+$0xE0] =	vst v2  }
0x4ba: {  	v2 =	vld [tilespmem:s11+$0xFFFFFF40];
	[tilespmem:s4+$0xF0] =	vst v1;
	v1 =	vmul.f32 v10, v3  }
0x4bb: {  	v8 =	vmul.f32 v9, v7;
	v9 =	vld [tilespmem:s11+$0xFFFFFF50]  }
0x4bc: {  	v10 =	vmul.f32 v11, v3;
	v11 =	vld [tilespmem:s11+$0xFFFFFF60];
	[tilespmem:s11+$0xFFFFFF00] =	vst v1  }
0x4bd: {  	v1 =	vmul.f32 v12, v3;
	[tilespmem:s11+$0x70] =	vst v8;
	v8 =	vld [tilespmem:s11+$0xFFFFFF70]  }
0x4be: {  	[tilespmem:s11+$0xFFFFFF10] =	vst v10;
	v10 =	vld [tilespmem:s11+$0xFFFFFF80];
	v4 =	vmul.f32 v4, v3  }
0x4bf: {  	[tilespmem:s11+$0xFFFFFF20] =	vst v1;
	v1 =	vmul.f32 v2, v3;
	v2 =	vld [tilespmem:s11+$0xFFFFFF90]  }
0x4c0: {  	[tilespmem:s11+$0xFFFFFF30] =	vst v4;
	v4 =	vmul.f32 v9, v3;
	v9 =	vld [tilespmem:s11+$0xFFFFFFA0]  }
0x4c1: {  	[tilespmem:s11+$0xFFFFFF40] =	vst v1;
	v1 =	vmul.f32 v11, v3;
	v11 =	vld [tilespmem:s11+$0xFFFFFFB0]  }
0x4c2: {  	[tilespmem:s11+$0xFFFFFF50] =	vst v4;
	v3 =	vmul.f32 v8, v3;
	v4 =	vld [tilespmem:s11+$0xFFFFFFC0]  }
0x4c3: {  	[tilespmem:s11+$0xFFFFFF60] =	vst v1;
	v1 =	vmul.f32 v10, v6;
	v8 =	vld [tilespmem:s11+$0xFFFFFFD0]  }
0x4c4: {  	v2 =	vmul.f32 v2, v6;
	[tilespmem:s11+$0xFFFFFF70] =	vst v3;
	v3 =	vld [tilespmem:s11+$0xFFFFFFE0]  }
0x4c5: {  	[tilespmem:s11+$0xFFFFFF80] =	vst v1;
	v1 =	vmul.f32 v9, v6;
	v9 =	vld [tilespmem:s11+$0xFFFFFFF0]  }
0x4c6: {  	v10 =	vld [tilespmem:s11+$0x0];
	[tilespmem:s11+$0xFFFFFF90] =	vst v2;
	v2 =	vmul.f32 v11, v6  }
0x4c7: {  	[tilespmem:s11+$0xFFFFFFA0] =	vst v1;
	v1 =	vmul.f32 v4, v6;
	v4 =	vld [tilespmem:s11+$0x10]  }
0x4c8: {  	[tilespmem:s11+$0xFFFFFFB0] =	vst v2;
	v2 =	vmul.f32 v8, v6;
	v8 =	vld [tilespmem:s11+$0x20]  }
0x4c9: {  	[tilespmem:s11+$0xFFFFFFC0] =	vst v1;
	v1 =	vmul.f32 v3, v6;
	v3 =	vld [tilespmem:s11+$0x30]  }
0x4ca: {  	[tilespmem:s11+$0xFFFFFFD0] =	vst v2;
	v2 =	vmul.f32 v9, v6;
	v6 =	vld [tilespmem:s11+$0x40]  }
0x4cb: {  	v9 =	vld [tilespmem:s11+$0x50];
	[tilespmem:s11+$0xFFFFFFE0] =	vst v1;
	v1 =	vmul.f32 v10, v7  }
0x4cc: {  	[tilespmem:s11+$0xFFFFFFF0] =	vst v2;
	v2 =	vmul.f32 v4, v7;
	v4 =	vld [tilespmem:s11+$0x60]  }
0x4cd: {  	[tilespmem:s11+$0x0] =	vst v1;
	v1 =	vmul.f32 v8, v7;
	v8 =	vld [tilespmem:s11+$0x80]  }
0x4ce: {  	[tilespmem:s11+$0x10] =	vst v2;
	v2 =	vmul.f32 v3, v7;
	v3 =	vld [tilespmem:s11+$0x90]  }
0x4cf: {  	[tilespmem:s11+$0x20] =	vst v1;
	v1 =	vmul.f32 v6, v7;
	v6 =	vld [tilespmem:s11+$0xA0]  }
0x4d0: {  	[tilespmem:s11+$0x30] =	vst v2;
	v2 =	vmul.f32 v9, v7;
	v9 =	vld [tilespmem:s11+$0xB0]  }
0x4d1: {  	[tilespmem:s11+$0x40] =	vst v1;
	v1 =	vmul.f32 v4, v7;
	v4 =	vld [tilespmem:s11+$0xC0]  }
0x4d2: {  	v7 =	vld [tilespmem:s11+$0xD0];
	[tilespmem:s11+$0x50] =	vst v2;
	v2 =	vmul.f32 v8, v5  }
0x4d3: {  	[tilespmem:s11+$0x60] =	vst v1;
	v1 =	vmul.f32 v3, v5;
	v3 =	vld [tilespmem:s11+$0xE0]  }
0x4d4: {  	[tilespmem:s11+$0x80] =	vst v2;
	v2 =	vmul.f32 v6, v5;
	v6 =	vld [tilespmem:s11+$0xF0]  }
0x4d5: {  	[tilespmem:s11+$0x90] =	vst v1;
	v1 =	vmul.f32 v9, v5  }
0x4d6: {  	[tilespmem:s11+$0xA0] =	vst v2;
	v2 =	vmul.f32 v4, v5  }
0x4d7: {  	[tilespmem:s11+$0xB0] =	vst v1;
	v1 =	vmul.f32 v7, v5  }
0x4d8: {  	[tilespmem:s11+$0xC0] =	vst v2;
	v2 =	vmul.f32 v3, v5  }
0x4d9: {  	[tilespmem:s11+$0xD0] =	vst v1;
	v1 =	vmul.f32 v6, v5  }
0x4da: {  	[tilespmem:s11+$0xE0] =	vst v2  }
0x4db: {  	[tilespmem:s11+$0xF0] =	vst v1  }
0x4dc: {  	_ =	swait.ge [sflag:s28], $0x2800  }
0x4dd: {  	s21 =	simm.s32 $0x0;
	[sflag:s28] =	ssyncset.done $0x0  }
0x4de: {  	s23 =	simm.s32 $0x2;
	s4 =	simm.s32 $0x166C0;
	v1 =	vmov s21;
	[sflag:s28] =	ssyncadd.s32 $0xFFFFD800  }
0x4df: {  	v2 =	vmov s23;
	v1 =	vand.u32 $0xFFFFFFFC, v1;
	[tilespmem:s30], [sflag:$0x2] =	stream.indirect.gather [hbm4b:s1+s26], $0x80, s4, s26, $0xb8;
	[tilespmem:$0x1E580] =	vst v63  }
0x4e0: {  	v2 =	vand.u32 $0xFFFFFFFE, v2;
	v1 =	vbroadcast v1, $0x0;
	_ =	swait.ge [sflag:s10], $0x80  }
0x4e1: {  	v2 =	vbroadcast v2, $0x0;
	[sflag:s10] =	ssyncset.done $0x0  }
0x4e2: {  	[sflag:s10] =	ssyncadd.s32 $0xFFFFFF80  }
0x4e3: {  	_ =	swait.ge [sflag:s10], $0x80  }
0x4e4: {  	[sflag:s10] =	ssyncset.done $0x0  }
0x4e5: {  	[sflag:s10] =	ssyncadd.s32 $0xFFFFFF80  }
0x4e6: {  	v1 =	vld.idx.msk [tilespmem:v1+s5+$0x0], $0xffff  }
0x4e7: {  	s3 =	simm.s32 $0x16E80;
	s11 =	simm.s32 $0x1;
	v2 =	vld.idx.msk [tilespmem:v2+s5+$0x0], $0xffff  }
0x4e8: {  	v3 =	vmov s11;
	v4 =	vld [tilespmem:s3+$0x70]  }
0x4e9: {  	v3 =	vand.u32 $0xFFFFFFFD, v3;
	v5 =	vld [tilespmem:s3+$0xFFFFFF00]  }
0x4ea: {  	v3 =	vbroadcast v3, $0x0;
	v6 =	vld [tilespmem:s3+$0xFFFFFF10]  }
0x4eb: {  	v7 =	vld [tilespmem:s3+$0xFFFFFF20]  }
0x4ec: {  	v8 =	vld [tilespmem:s3+$0xFFFFFF30]  }
0x4ed: {  	v9 =	vld [tilespmem:s3+$0xFFFFFF40]  }
0x4ee: {  	v10 =	vld [tilespmem:s3+$0xFFFFFF50]  }
0x4ef: {  	v11 =	vld [tilespmem:s3+$0xFFFFFF60];
	v5 =	vmul.f32 v5, v1  }
0x4f0: {  	v3 =	vld.idx.msk [tilespmem:v3+s5+$0x0], $0xffff;
	v4 =	vmul.f32 v4, v2  }
0x4f1: {  	v13 =	vld [tilespmem:s3+$0x40];
	[tilespmem:s3+$0xFFFFFF00] =	vst v5;
	v5 =	vmul.f32 v6, v1  }
0x4f2: {  	v6 =	vld [tilespmem:s3+$0xFFFFFF70];
	[tilespmem:s3+$0x70] =	vst v4;
	v4 =	vmul.f32 v7, v1  }
0x4f3: {  	v7 =	vld [tilespmem:s3+$0xFFFFFF80];
	[tilespmem:s3+$0xFFFFFF10] =	vst v5;
	v5 =	vmul.f32 v8, v1  }
0x4f4: {  	v8 =	vld [tilespmem:s3+$0xFFFFFF90];
	[tilespmem:s3+$0xFFFFFF20] =	vst v4;
	v4 =	vmul.f32 v9, v1  }
0x4f5: {  	v9 =	vld [tilespmem:s3+$0xFFFFFFA0];
	[tilespmem:s3+$0xFFFFFF30] =	vst v5;
	v5 =	vmul.f32 v10, v1  }
0x4f6: {  	v10 =	vld [tilespmem:s3+$0xFFFFFFB0];
	[tilespmem:s3+$0xFFFFFF40] =	vst v4;
	v4 =	vmul.f32 v11, v1  }
0x4f7: {  	v11 =	vld [tilespmem:s3+$0xFFFFFFC0];
	v6 =	vmul.f32 v6, v1;
	[tilespmem:s3+$0xFFFFFF50] =	vst v5  }
0x4f8: {  	v5 =	vmul.f32 v7, v3;
	v7 =	vld [tilespmem:s3+$0xFFFFFFD0];
	[tilespmem:s3+$0xFFFFFF60] =	vst v4  }
0x4f9: {  	s17 =	simm.s32 $0x3;
	v4 =	vld [tilespmem:s3+$0xFFFFFFE0];
	v8 =	vmul.f32 v8, v3;
	[tilespmem:s3+$0xFFFFFF70] =	vst v6  }
0x4fa: {  	v12 =	vmov s17;
	v6 =	vld [tilespmem:s3+$0xFFFFFFF0];
	[tilespmem:s3+$0xFFFFFF80] =	vst v5;
	v5 =	vmul.f32 v9, v3  }
0x4fb: {  	v9 =	vld [tilespmem:s3+$0x0];
	[tilespmem:s3+$0xFFFFFF90] =	vst v8;
	v8 =	vmul.f32 v10, v3  }
0x4fc: {  	v10 =	vld [tilespmem:s3+$0x10];
	[tilespmem:s3+$0xFFFFFFA0] =	vst v5;
	v5 =	vmul.f32 v11, v3  }
0x4fd: {  	[tilespmem:s3+$0xFFFFFFB0] =	vst v8;
	v7 =	vmul.f32 v7, v3;
	v8 =	vld [tilespmem:s3+$0x20]  }
0x4fe: {  	v11 =	vld [tilespmem:s3+$0x30];
	v4 =	vmul.f32 v4, v3;
	[tilespmem:s3+$0xFFFFFFC0] =	vst v5  }
0x4ff: {  	v1 =	vld.idx.msk [tilespmem:v12+s5+$0x0], $0xffff;
	v3 =	vmul.f32 v6, v3;
	[tilespmem:s3+$0xFFFFFFD0] =	vst v7  }
0x500: {  	[tilespmem:s3+$0xFFFFFFE0] =	vst v4;
	v5 =	vmul.f32 v9, v2;
	v4 =	vld [tilespmem:s3+$0x50]  }
0x501: {  	s20 =	simm.s32 $0x4;
	[tilespmem:s3+$0xFFFFFFF0] =	vst v3;
	v6 =	vmul.f32 v10, v2;
	v3 =	vld [tilespmem:s3+$0x60]  }
0x502: {  	s21 =	simm.s32 $0x7;
	v7 =	vmov s20;
	[tilespmem:s3+$0x0] =	vst v5;
	v9 =	vmul.f32 v8, v2;
	v8 =	vld [tilespmem:s3+$0x80]  }
0x503: {  	s2 =	simm.s32 $0x6;
	s23 =	simm.s32 $0x5;
	v12 =	vand.u32 $0xFFFFFFFC, v7;
	v7 =	vld [tilespmem:s3+$0x90];
	v5 =	vmov s21;
	v10 =	vmul.f32 v11, v2;
	[tilespmem:s3+$0x10] =	vst v6  }
0x504: {  	s11 =	simm.s32 $0x8;
	s4 =	simm.s32 $0x16E80;
	s20 =	simm.s32 $0xA;
	v11 =	vmul.f32 v13, v2;
	v6 =	vbroadcast v12, $0x0;
	v12 =	vmov s23;
	[tilespmem:s3+$0x20] =	vst v9;
	v9 =	vld [tilespmem:s3+$0xA0]  }
.LBB2_24:
0x505: {  	p0 =	slt.u32 s11, $0x4C;
	v12 =	vand.u32 $0xFFFFFFFD, v12;
	v13 =	vmov s2;
	[tilespmem:s3+$0x30] =	vst v10;
	v4 =	vmul.f32 v4, v2;
	v10 =	vld [tilespmem:s3+$0xB0]  }
0x506: {  	v12 =	vbroadcast v12, $0x0;
	v13 =	vand.u32 $0xFFFFFFFE, v13;
	[tilespmem:s3+$0x40] =	vst v11;
	v2 =	vmul.f32 v3, v2;
	v3 =	vld [tilespmem:s3+$0xC0]  }
0x507: {  	v11 =	vbroadcast v13, $0x0;
	[tilespmem:s3+$0x50] =	vst v4;
	v4 =	vmul.f32 v8, v1;
	v8 =	vld [tilespmem:s3+$0xD0]  }
0x508: {  	[tilespmem:s3+$0x60] =	vst v2;
	v2 =	vmul.f32 v7, v1;
	v7 =	vld [tilespmem:s3+$0xE0]  }
0x509: {  	[tilespmem:s3+$0x80] =	vst v4;
	v4 =	vmul.f32 v9, v1;
	v9 =	vld [tilespmem:s3+$0xF0]  }
0x50a: {  	v5 =	vld.idx.msk [tilespmem:v5+s5+$0x0], $0xffff;
	[tilespmem:s3+$0x90] =	vst v2;
	v2 =	vmul.f32 v10, v1  }
0x50b: {  	v6 =	vld.idx.msk [tilespmem:v6+s5+$0x0], $0xffff;
	[tilespmem:s3+$0xA0] =	vst v4;
	v3 =	vmul.f32 v3, v1  }
0x50c: {  	v4 =	vld.idx.msk [tilespmem:v12+s5+$0x0], $0xffff;
	[tilespmem:s3+$0xB0] =	vst v2;
	v8 =	vmul.f32 v8, v1  }
0x50d: {  	s3 =	sadd.s32 $0x200, s3;
	v2 =	vld.idx.msk [tilespmem:v11+s5+$0x0], $0xffff;
	[tilespmem:s4+$0xC0] =	vst v3;
	v3 =	vmul.f32 v7, v1  }
0x50e: {  	v7 =	vld [tilespmem:s3+$0x70];
	[tilespmem:s4+$0xD0] =	vst v8;
	v9 =	vmul.f32 v9, v1  }
0x50f: {  	v8 =	vld [tilespmem:s3+$0xFFFFFF00];
	[tilespmem:s4+$0xE0] =	vst v3  }
0x510: {  	v1 =	vmov v5;
	v3 =	vld [tilespmem:s3+$0xFFFFFF10];
	[tilespmem:s4+$0xF0] =	vst v9;
	s4 =	smov.u32 s3  }
0x511: {  	v5 =	vld [tilespmem:s3+$0xFFFFFF20]  }
0x512: {  	v9 =	vld [tilespmem:s3+$0xFFFFFF30]  }
0x513: {  	v10 =	vld [tilespmem:s3+$0xFFFFFF40];
	v7 =	vmul.f32 v7, v2  }
0x514: {  	v8 =	vmul.f32 v8, v6;
	v11 =	vld [tilespmem:s3+$0xFFFFFF50]  }
0x515: {  	v3 =	vmul.f32 v3, v6;
	v12 =	vld [tilespmem:s3+$0xFFFFFF60];
	[tilespmem:s3+$0x70] =	vst v7  }
0x516: {  	[tilespmem:s3+$0xFFFFFF00] =	vst v8;
	v5 =	vmul.f32 v5, v6;
	v7 =	vld [tilespmem:s3+$0xFFFFFF70]  }
0x517: {  	[tilespmem:s3+$0xFFFFFF10] =	vst v3;
	v3 =	vmul.f32 v9, v6;
	v8 =	vld [tilespmem:s3+$0xFFFFFF80]  }
0x518: {  	[tilespmem:s3+$0xFFFFFF20] =	vst v5;
	v5 =	vmul.f32 v10, v6;
	v9 =	vld [tilespmem:s3+$0xFFFFFF90]  }
0x519: {  	[tilespmem:s3+$0xFFFFFF30] =	vst v3;
	v3 =	vmul.f32 v11, v6;
	v10 =	vld [tilespmem:s3+$0xFFFFFFA0]  }
0x51a: {  	[tilespmem:s3+$0xFFFFFF40] =	vst v5;
	v5 =	vmul.f32 v12, v6;
	v11 =	vld [tilespmem:s3+$0xFFFFFFB0]  }
0x51b: {  	[tilespmem:s3+$0xFFFFFF50] =	vst v3;
	v3 =	vmul.f32 v7, v6;
	v6 =	vld [tilespmem:s3+$0xFFFFFFC0]  }
0x51c: {  	[tilespmem:s3+$0xFFFFFF60] =	vst v5;
	v5 =	vmul.f32 v8, v4;
	v7 =	vld [tilespmem:s3+$0xFFFFFFD0]  }
0x51d: {  	[tilespmem:s3+$0xFFFFFF70] =	vst v3;
	v3 =	vmul.f32 v9, v4;
	v8 =	vld [tilespmem:s3+$0xFFFFFFE0]  }
0x51e: {  	[tilespmem:s3+$0xFFFFFF80] =	vst v5;
	v5 =	vmul.f32 v10, v4;
	v9 =	vld [tilespmem:s3+$0xFFFFFFF0]  }
0x51f: {  	[tilespmem:s3+$0xFFFFFF90] =	vst v3;
	v3 =	vmul.f32 v11, v4;
	v10 =	vld [tilespmem:s3+$0x0]  }
0x520: {  	[tilespmem:s3+$0xFFFFFFA0] =	vst v5;
	v5 =	vmul.f32 v6, v4;
	v6 =	vld [tilespmem:s3+$0x10]  }
0x521: {  	[tilespmem:s3+$0xFFFFFFB0] =	vst v3;
	v3 =	vmul.f32 v7, v4;
	v7 =	vld [tilespmem:s3+$0x20]  }
0x522: {  	[tilespmem:s3+$0xFFFFFFC0] =	vst v5;
	v5 =	vmul.f32 v8, v4;
	v11 =	vld [tilespmem:s3+$0x30]  }
0x523: {  	[tilespmem:s3+$0xFFFFFFD0] =	vst v3;
	v3 =	vmul.f32 v9, v4;
	v9 =	vld [tilespmem:s3+$0x40]  }
.Ltmp11:
0x524: {  	[tilespmem:s3+$0xFFFFFFE0] =	vst v5;
	v5 =	vmul.f32 v10, v2;
	v4 =	vld [tilespmem:s3+$0x50];
	(pc) =	sbr.rel @p0 .LBB2_24-.Ltmp11, $4  }
0x525: {  	[tilespmem:s3+$0xFFFFFFF0] =	vst v3;
	v6 =	vmul.f32 v6, v2;
	v3 =	vld [tilespmem:s3+$0x60]  }
0x526: {  	s2 =	sadd.s32 $0x3, s11;
	v10 =	vmov s11;
	[tilespmem:s3+$0x0] =	vst v5;
	v13 =	vmul.f32 v7, v2;
	v8 =	vld [tilespmem:s3+$0x80]  }
0x527: {  	s17 =	sadd.s32 $0x1, s11;
	v12 =	vand.u32 $0xFFFFFFFC, v10;
	v5 =	vmov s2;
	[tilespmem:s3+$0x10] =	vst v6;
	v10 =	vmul.f32 v11, v2;
	v7 =	vld [tilespmem:s3+$0x90]  }
0x528: {  	s2 =	sadd.s32 $0x2, s11;
	s11 =	sadd.s32 $0x4, s11;
	v6 =	vbroadcast v12, $0x0;
	v12 =	vmov s17;
	[tilespmem:s3+$0x20] =	vst v13;
	v11 =	vmul.f32 v9, v2;
	v9 =	vld [tilespmem:s3+$0xA0]  }
0x529: {  	v13 =	vld [tilespmem:s3+$0xB0]  }
0x52a: {  	v15 =	vld [tilespmem:s3+$0xC0]  }
0x52b: {  	v14 =	vmov s2;
	v16 =	vld [tilespmem:s3+$0xD0]  }
0x52c: {  	v17 =	vld [tilespmem:s3+$0xE0];
	[tilespmem:s3+$0x30] =	vst v10;
	v4 =	vmul.f32 v4, v2;
	v14 =	vand.u32 $0xFFFFFFFE, v14  }
0x52d: {  	v12 =	vand.u32 $0xFFFFFFFD, v12;
	v5 =	vld.idx.msk [tilespmem:v5+s5+$0x0], $0xffff;
	[tilespmem:s3+$0x40] =	vst v11;
	v2 =	vmul.f32 v3, v2;
	v14 =	vbroadcast v14, $0x0  }
0x52e: {  	s11 =	sadd.s32 $0x200, s3;
	v12 =	vbroadcast v12, $0x0;
	v3 =	vld.idx.msk [tilespmem:v6+s5+$0x0], $0xffff;
	v8 =	vmul.f32 v8, v1;
	[tilespmem:s3+$0x50] =	vst v4  }
0x52f: {  	v10 =	vld [tilespmem:s11+$0xFFFFFF00];
	v4 =	vmul.f32 v7, v1;
	[tilespmem:s3+$0x60] =	vst v2  }
0x530: {  	[tilespmem:s3+$0x80] =	vst v8;
	v8 =	vld [tilespmem:s3+$0xF0];
	v2 =	vmul.f32 v9, v1  }
0x531: {  	v11 =	vld [tilespmem:s11+$0xFFFFFF10];
	[tilespmem:s3+$0x90] =	vst v4;
	v4 =	vmul.f32 v13, v1  }
0x532: {  	v9 =	vld [tilespmem:s11+$0x70];
	[tilespmem:s3+$0xA0] =	vst v2;
	v2 =	vmul.f32 v15, v1  }
0x533: {  	[tilespmem:s3+$0xB0] =	vst v4;
	v4 =	vmul.f32 v16, v1;
	v7 =	vld.idx.msk [tilespmem:v14+s5+$0x0], $0xffff  }
0x534: {  	v6 =	vld.idx.msk [tilespmem:v12+s5+$0x0], $0xffff;
	[tilespmem:s4+$0xC0] =	vst v2;
	v2 =	vmul.f32 v17, v1  }
0x535: {  	v12 =	vld [tilespmem:s11+$0xFFFFFF20];
	[tilespmem:s4+$0xD0] =	vst v4;
	v1 =	vmul.f32 v8, v1  }
0x536: {  	v4 =	vld [tilespmem:s11+$0xFFFFFF30];
	[tilespmem:s4+$0xE0] =	vst v2  }
0x537: {  	v2 =	vld [tilespmem:s11+$0xFFFFFF40];
	[tilespmem:s4+$0xF0] =	vst v1;
	v1 =	vmul.f32 v10, v3  }
0x538: {  	v8 =	vmul.f32 v9, v7;
	v9 =	vld [tilespmem:s11+$0xFFFFFF50]  }
0x539: {  	v10 =	vmul.f32 v11, v3;
	v11 =	vld [tilespmem:s11+$0xFFFFFF60];
	[tilespmem:s11+$0xFFFFFF00] =	vst v1  }
0x53a: {  	v1 =	vmul.f32 v12, v3;
	[tilespmem:s11+$0x70] =	vst v8;
	v8 =	vld [tilespmem:s11+$0xFFFFFF70]  }
0x53b: {  	[tilespmem:s11+$0xFFFFFF10] =	vst v10;
	v10 =	vld [tilespmem:s11+$0xFFFFFF80];
	v4 =	vmul.f32 v4, v3  }
0x53c: {  	[tilespmem:s11+$0xFFFFFF20] =	vst v1;
	v1 =	vmul.f32 v2, v3;
	v2 =	vld [tilespmem:s11+$0xFFFFFF90]  }
0x53d: {  	[tilespmem:s11+$0xFFFFFF30] =	vst v4;
	v4 =	vmul.f32 v9, v3;
	v9 =	vld [tilespmem:s11+$0xFFFFFFA0]  }
0x53e: {  	[tilespmem:s11+$0xFFFFFF40] =	vst v1;
	v1 =	vmul.f32 v11, v3;
	v11 =	vld [tilespmem:s11+$0xFFFFFFB0]  }
0x53f: {  	[tilespmem:s11+$0xFFFFFF50] =	vst v4;
	v3 =	vmul.f32 v8, v3;
	v4 =	vld [tilespmem:s11+$0xFFFFFFC0]  }
0x540: {  	[tilespmem:s11+$0xFFFFFF60] =	vst v1;
	v1 =	vmul.f32 v10, v6;
	v8 =	vld [tilespmem:s11+$0xFFFFFFD0]  }
0x541: {  	v2 =	vmul.f32 v2, v6;
	[tilespmem:s11+$0xFFFFFF70] =	vst v3;
	v3 =	vld [tilespmem:s11+$0xFFFFFFE0]  }
0x542: {  	[tilespmem:s11+$0xFFFFFF80] =	vst v1;
	v1 =	vmul.f32 v9, v6;
	v9 =	vld [tilespmem:s11+$0xFFFFFFF0]  }
0x543: {  	v10 =	vld [tilespmem:s11+$0x0];
	[tilespmem:s11+$0xFFFFFF90] =	vst v2;
	v2 =	vmul.f32 v11, v6  }
0x544: {  	[tilespmem:s11+$0xFFFFFFA0] =	vst v1;
	v1 =	vmul.f32 v4, v6;
	v4 =	vld [tilespmem:s11+$0x10]  }
0x545: {  	[tilespmem:s11+$0xFFFFFFB0] =	vst v2;
	v2 =	vmul.f32 v8, v6;
	v8 =	vld [tilespmem:s11+$0x20]  }
0x546: {  	[tilespmem:s11+$0xFFFFFFC0] =	vst v1;
	v1 =	vmul.f32 v3, v6;
	v3 =	vld [tilespmem:s11+$0x30]  }
0x547: {  	[tilespmem:s11+$0xFFFFFFD0] =	vst v2;
	v2 =	vmul.f32 v9, v6;
	v6 =	vld [tilespmem:s11+$0x40]  }
0x548: {  	v9 =	vld [tilespmem:s11+$0x50];
	[tilespmem:s11+$0xFFFFFFE0] =	vst v1;
	v1 =	vmul.f32 v10, v7  }
0x549: {  	[tilespmem:s11+$0xFFFFFFF0] =	vst v2;
	v2 =	vmul.f32 v4, v7;
	v4 =	vld [tilespmem:s11+$0x60]  }
0x54a: {  	[tilespmem:s11+$0x0] =	vst v1;
	v1 =	vmul.f32 v8, v7;
	v8 =	vld [tilespmem:s11+$0x80]  }
0x54b: {  	[tilespmem:s11+$0x10] =	vst v2;
	v2 =	vmul.f32 v3, v7;
	v3 =	vld [tilespmem:s11+$0x90]  }
0x54c: {  	[tilespmem:s11+$0x20] =	vst v1;
	v1 =	vmul.f32 v6, v7;
	v6 =	vld [tilespmem:s11+$0xA0]  }
0x54d: {  	[tilespmem:s11+$0x30] =	vst v2;
	v2 =	vmul.f32 v9, v7;
	v9 =	vld [tilespmem:s11+$0xB0]  }
0x54e: {  	[tilespmem:s11+$0x40] =	vst v1;
	v1 =	vmul.f32 v4, v7;
	v4 =	vld [tilespmem:s11+$0xC0]  }
0x54f: {  	v7 =	vld [tilespmem:s11+$0xD0];
	[tilespmem:s11+$0x50] =	vst v2;
	v2 =	vmul.f32 v8, v5  }
0x550: {  	[tilespmem:s11+$0x60] =	vst v1;
	v1 =	vmul.f32 v3, v5;
	v3 =	vld [tilespmem:s11+$0xE0]  }
0x551: {  	[tilespmem:s11+$0x80] =	vst v2;
	v2 =	vmul.f32 v6, v5;
	v6 =	vld [tilespmem:s11+$0xF0]  }
0x552: {  	[tilespmem:s11+$0x90] =	vst v1;
	v1 =	vmul.f32 v9, v5  }
0x553: {  	[tilespmem:s11+$0xA0] =	vst v2;
	v2 =	vmul.f32 v4, v5  }
0x554: {  	[tilespmem:s11+$0xB0] =	vst v1;
	v1 =	vmul.f32 v7, v5  }
0x555: {  	[tilespmem:s11+$0xC0] =	vst v2;
	v2 =	vmul.f32 v3, v5  }
0x556: {  	[tilespmem:s11+$0xD0] =	vst v1;
	v1 =	vmul.f32 v6, v5  }
0x557: {  	[tilespmem:s11+$0xE0] =	vst v2  }
0x558: {  	[tilespmem:s11+$0xF0] =	vst v1  }
0x559: {  	s23 =	simm.s32 $0x0;
	_ =	swait.ge [sflag:s19], $0x2800  }
0x55a: {  	s3 =	simm.s32 $0x2;
	v1 =	vmov s23;
	[sflag:s19] =	ssyncset.done $0x0  }
0x55b: {  	v2 =	vmov s3;
	v1 =	vand.u32 $0xFFFFFFFC, v1;
	[sflag:s19] =	ssyncadd.s32 $0xFFFFD800  }
0x55c: {  	v2 =	vand.u32 $0xFFFFFFFE, v2;
	v1 =	vbroadcast v1, $0x0;
	_ =	swait.ge [sflag:s15], $0x80  }
0x55d: {  	v2 =	vbroadcast v2, $0x0;
	[sflag:s15] =	ssyncset.done $0x0  }
0x55e: {  	[sflag:s15] =	ssyncadd.s32 $0xFFFFFF80  }
0x55f: {  	_ =	swait.ge [sflag:s15], $0x80  }
0x560: {  	[sflag:s15] =	ssyncset.done $0x0  }
0x561: {  	[sflag:s15] =	ssyncadd.s32 $0xFFFFFF80  }
0x562: {  	v1 =	vld.idx.msk [tilespmem:v1+s9+$0x0], $0xffff  }
0x563: {  	s4 =	simm.s32 $0x1;
	s3 =	simm.s32 $0x19680;
	v2 =	vld.idx.msk [tilespmem:v2+s9+$0x0], $0xffff  }
0x564: {  	v3 =	vmov s4;
	v4 =	vld [tilespmem:s3+$0x70]  }
0x565: {  	v3 =	vand.u32 $0xFFFFFFFD, v3;
	v5 =	vld [tilespmem:s3+$0xFFFFFF00]  }
0x566: {  	v3 =	vbroadcast v3, $0x0;
	v6 =	vld [tilespmem:s3+$0xFFFFFF10]  }
0x567: {  	v7 =	vld [tilespmem:s3+$0xFFFFFF20]  }
0x568: {  	v8 =	vld [tilespmem:s3+$0xFFFFFF30]  }
0x569: {  	v9 =	vld [tilespmem:s3+$0xFFFFFF40]  }
0x56a: {  	v10 =	vld [tilespmem:s3+$0xFFFFFF50]  }
0x56b: {  	v11 =	vld [tilespmem:s3+$0xFFFFFF60];
	v5 =	vmul.f32 v5, v1  }
0x56c: {  	v3 =	vld.idx.msk [tilespmem:v3+s9+$0x0], $0xffff;
	v4 =	vmul.f32 v4, v2  }
0x56d: {  	v13 =	vld [tilespmem:s3+$0x40];
	[tilespmem:s3+$0xFFFFFF00] =	vst v5;
	v5 =	vmul.f32 v6, v1  }
0x56e: {  	v6 =	vld [tilespmem:s3+$0xFFFFFF70];
	[tilespmem:s3+$0x70] =	vst v4;
	v4 =	vmul.f32 v7, v1  }
0x56f: {  	v7 =	vld [tilespmem:s3+$0xFFFFFF80];
	[tilespmem:s3+$0xFFFFFF10] =	vst v5;
	v5 =	vmul.f32 v8, v1  }
0x570: {  	v8 =	vld [tilespmem:s3+$0xFFFFFF90];
	[tilespmem:s3+$0xFFFFFF20] =	vst v4;
	v4 =	vmul.f32 v9, v1  }
0x571: {  	v9 =	vld [tilespmem:s3+$0xFFFFFFA0];
	[tilespmem:s3+$0xFFFFFF30] =	vst v5;
	v5 =	vmul.f32 v10, v1  }
0x572: {  	v10 =	vld [tilespmem:s3+$0xFFFFFFB0];
	[tilespmem:s3+$0xFFFFFF40] =	vst v4;
	v4 =	vmul.f32 v11, v1  }
0x573: {  	v11 =	vld [tilespmem:s3+$0xFFFFFFC0];
	v6 =	vmul.f32 v6, v1;
	[tilespmem:s3+$0xFFFFFF50] =	vst v5  }
0x574: {  	v5 =	vmul.f32 v7, v3;
	v7 =	vld [tilespmem:s3+$0xFFFFFFD0];
	[tilespmem:s3+$0xFFFFFF60] =	vst v4  }
0x575: {  	s11 =	simm.s32 $0x3;
	v4 =	vld [tilespmem:s3+$0xFFFFFFE0];
	v8 =	vmul.f32 v8, v3;
	[tilespmem:s3+$0xFFFFFF70] =	vst v6  }
0x576: {  	v12 =	vmov s11;
	v6 =	vld [tilespmem:s3+$0xFFFFFFF0];
	[tilespmem:s3+$0xFFFFFF80] =	vst v5;
	v5 =	vmul.f32 v9, v3  }
0x577: {  	v9 =	vld [tilespmem:s3+$0x0];
	[tilespmem:s3+$0xFFFFFF90] =	vst v8;
	v8 =	vmul.f32 v10, v3  }
0x578: {  	v10 =	vld [tilespmem:s3+$0x10];
	[tilespmem:s3+$0xFFFFFFA0] =	vst v5;
	v5 =	vmul.f32 v11, v3  }
0x579: {  	[tilespmem:s3+$0xFFFFFFB0] =	vst v8;
	v7 =	vmul.f32 v7, v3;
	v8 =	vld [tilespmem:s3+$0x20]  }
0x57a: {  	v11 =	vld [tilespmem:s3+$0x30];
	v4 =	vmul.f32 v4, v3;
	[tilespmem:s3+$0xFFFFFFC0] =	vst v5  }
0x57b: {  	v1 =	vld.idx.msk [tilespmem:v12+s9+$0x0], $0xffff;
	v3 =	vmul.f32 v6, v3;
	[tilespmem:s3+$0xFFFFFFD0] =	vst v7  }
0x57c: {  	[tilespmem:s3+$0xFFFFFFE0] =	vst v4;
	v5 =	vmul.f32 v9, v2;
	v4 =	vld [tilespmem:s3+$0x50]  }
0x57d: {  	s17 =	simm.s32 $0x4;
	[tilespmem:s3+$0xFFFFFFF0] =	vst v3;
	v6 =	vmul.f32 v10, v2;
	v3 =	vld [tilespmem:s3+$0x60]  }
0x57e: {  	s21 =	simm.s32 $0x7;
	v7 =	vmov s17;
	[tilespmem:s3+$0x0] =	vst v5;
	v9 =	vmul.f32 v8, v2;
	v8 =	vld [tilespmem:s3+$0x80]  }
0x57f: {  	s23 =	simm.s32 $0x5;
	v12 =	vand.u32 $0xFFFFFFFC, v7;
	v7 =	vld [tilespmem:s3+$0x90];
	v5 =	vmov s21;
	v10 =	vmul.f32 v11, v2;
	[tilespmem:s3+$0x10] =	vst v6  }
0x580: {  	s2 =	simm.s32 $0x6;
	s4 =	simm.s32 $0x19680;
	s11 =	simm.s32 $0x8;
	v11 =	vmul.f32 v13, v2;
	v6 =	vbroadcast v12, $0x0;
	v12 =	vmov s23;
	[tilespmem:s3+$0x20] =	vst v9;
	v9 =	vld [tilespmem:s3+$0xA0]  }
.LBB2_26:
0x581: {  	p0 =	slt.u32 s11, $0x4C;
	v12 =	vand.u32 $0xFFFFFFFD, v12;
	v13 =	vmov s2;
	[tilespmem:s3+$0x30] =	vst v10;
	v4 =	vmul.f32 v4, v2;
	v10 =	vld [tilespmem:s3+$0xB0]  }
0x582: {  	v12 =	vbroadcast v12, $0x0;
	v13 =	vand.u32 $0xFFFFFFFE, v13;
	[tilespmem:s3+$0x40] =	vst v11;
	v2 =	vmul.f32 v3, v2;
	v3 =	vld [tilespmem:s3+$0xC0]  }
0x583: {  	v11 =	vbroadcast v13, $0x0;
	[tilespmem:s3+$0x50] =	vst v4;
	v4 =	vmul.f32 v8, v1;
	v8 =	vld [tilespmem:s3+$0xD0]  }
0x584: {  	[tilespmem:s3+$0x60] =	vst v2;
	v2 =	vmul.f32 v7, v1;
	v7 =	vld [tilespmem:s3+$0xE0]  }
0x585: {  	[tilespmem:s3+$0x80] =	vst v4;
	v4 =	vmul.f32 v9, v1;
	v9 =	vld [tilespmem:s3+$0xF0]  }
0x586: {  	v5 =	vld.idx.msk [tilespmem:v5+s9+$0x0], $0xffff;
	[tilespmem:s3+$0x90] =	vst v2;
	v2 =	vmul.f32 v10, v1  }
0x587: {  	v6 =	vld.idx.msk [tilespmem:v6+s9+$0x0], $0xffff;
	[tilespmem:s3+$0xA0] =	vst v4;
	v3 =	vmul.f32 v3, v1  }
0x588: {  	v4 =	vld.idx.msk [tilespmem:v12+s9+$0x0], $0xffff;
	[tilespmem:s3+$0xB0] =	vst v2;
	v8 =	vmul.f32 v8, v1  }
0x589: {  	s3 =	sadd.s32 $0x200, s3;
	v2 =	vld.idx.msk [tilespmem:v11+s9+$0x0], $0xffff;
	[tilespmem:s4+$0xC0] =	vst v3;
	v3 =	vmul.f32 v7, v1  }
0x58a: {  	v7 =	vld [tilespmem:s3+$0x70];
	[tilespmem:s4+$0xD0] =	vst v8;
	v9 =	vmul.f32 v9, v1  }
0x58b: {  	v8 =	vld [tilespmem:s3+$0xFFFFFF00];
	[tilespmem:s4+$0xE0] =	vst v3  }
0x58c: {  	v1 =	vmov v5;
	v3 =	vld [tilespmem:s3+$0xFFFFFF10];
	[tilespmem:s4+$0xF0] =	vst v9;
	s4 =	smov.u32 s3  }
0x58d: {  	v5 =	vld [tilespmem:s3+$0xFFFFFF20]  }
0x58e: {  	v9 =	vld [tilespmem:s3+$0xFFFFFF30]  }
0x58f: {  	v10 =	vld [tilespmem:s3+$0xFFFFFF40];
	v7 =	vmul.f32 v7, v2  }
0x590: {  	v8 =	vmul.f32 v8, v6;
	v11 =	vld [tilespmem:s3+$0xFFFFFF50]  }
0x591: {  	v3 =	vmul.f32 v3, v6;
	v12 =	vld [tilespmem:s3+$0xFFFFFF60];
	[tilespmem:s3+$0x70] =	vst v7  }
0x592: {  	[tilespmem:s3+$0xFFFFFF00] =	vst v8;
	v5 =	vmul.f32 v5, v6;
	v7 =	vld [tilespmem:s3+$0xFFFFFF70]  }
0x593: {  	[tilespmem:s3+$0xFFFFFF10] =	vst v3;
	v3 =	vmul.f32 v9, v6;
	v8 =	vld [tilespmem:s3+$0xFFFFFF80]  }
0x594: {  	[tilespmem:s3+$0xFFFFFF20] =	vst v5;
	v5 =	vmul.f32 v10, v6;
	v9 =	vld [tilespmem:s3+$0xFFFFFF90]  }
0x595: {  	[tilespmem:s3+$0xFFFFFF30] =	vst v3;
	v3 =	vmul.f32 v11, v6;
	v10 =	vld [tilespmem:s3+$0xFFFFFFA0]  }
0x596: {  	[tilespmem:s3+$0xFFFFFF40] =	vst v5;
	v5 =	vmul.f32 v12, v6;
	v11 =	vld [tilespmem:s3+$0xFFFFFFB0]  }
0x597: {  	[tilespmem:s3+$0xFFFFFF50] =	vst v3;
	v3 =	vmul.f32 v7, v6;
	v6 =	vld [tilespmem:s3+$0xFFFFFFC0]  }
0x598: {  	[tilespmem:s3+$0xFFFFFF60] =	vst v5;
	v5 =	vmul.f32 v8, v4;
	v7 =	vld [tilespmem:s3+$0xFFFFFFD0]  }
0x599: {  	[tilespmem:s3+$0xFFFFFF70] =	vst v3;
	v3 =	vmul.f32 v9, v4;
	v8 =	vld [tilespmem:s3+$0xFFFFFFE0]  }
0x59a: {  	[tilespmem:s3+$0xFFFFFF80] =	vst v5;
	v5 =	vmul.f32 v10, v4;
	v9 =	vld [tilespmem:s3+$0xFFFFFFF0]  }
0x59b: {  	[tilespmem:s3+$0xFFFFFF90] =	vst v3;
	v3 =	vmul.f32 v11, v4;
	v10 =	vld [tilespmem:s3+$0x0]  }
0x59c: {  	[tilespmem:s3+$0xFFFFFFA0] =	vst v5;
	v5 =	vmul.f32 v6, v4;
	v6 =	vld [tilespmem:s3+$0x10]  }
0x59d: {  	[tilespmem:s3+$0xFFFFFFB0] =	vst v3;
	v3 =	vmul.f32 v7, v4;
	v7 =	vld [tilespmem:s3+$0x20]  }
0x59e: {  	[tilespmem:s3+$0xFFFFFFC0] =	vst v5;
	v5 =	vmul.f32 v8, v4;
	v11 =	vld [tilespmem:s3+$0x30]  }
0x59f: {  	[tilespmem:s3+$0xFFFFFFD0] =	vst v3;
	v3 =	vmul.f32 v9, v4;
	v9 =	vld [tilespmem:s3+$0x40]  }
.Ltmp12:
0x5a0: {  	[tilespmem:s3+$0xFFFFFFE0] =	vst v5;
	v5 =	vmul.f32 v10, v2;
	v4 =	vld [tilespmem:s3+$0x50];
	(pc) =	sbr.rel @p0 .LBB2_26-.Ltmp12, $4  }
0x5a1: {  	[tilespmem:s3+$0xFFFFFFF0] =	vst v3;
	v6 =	vmul.f32 v6, v2;
	v3 =	vld [tilespmem:s3+$0x60]  }
0x5a2: {  	s2 =	sadd.s32 $0x3, s11;
	v10 =	vmov s11;
	[tilespmem:s3+$0x0] =	vst v5;
	v13 =	vmul.f32 v7, v2;
	v8 =	vld [tilespmem:s3+$0x80]  }
0x5a3: {  	s17 =	sadd.s32 $0x1, s11;
	v12 =	vand.u32 $0xFFFFFFFC, v10;
	v5 =	vmov s2;
	[tilespmem:s3+$0x10] =	vst v6;
	v10 =	vmul.f32 v11, v2;
	v7 =	vld [tilespmem:s3+$0x90]  }
0x5a4: {  	s2 =	sadd.s32 $0x2, s11;
	s11 =	sadd.s32 $0x4, s11;
	v6 =	vbroadcast v12, $0x0;
	v12 =	vmov s17;
	[tilespmem:s3+$0x20] =	vst v13;
	v11 =	vmul.f32 v9, v2;
	v9 =	vld [tilespmem:s3+$0xA0]  }
0x5a5: {  	v13 =	vld [tilespmem:s3+$0xB0]  }
0x5a6: {  	v15 =	vld [tilespmem:s3+$0xC0]  }
0x5a7: {  	v16 =	vld [tilespmem:s3+$0xD0]  }
0x5a8: {  	v17 =	vld [tilespmem:s3+$0xE0]  }
0x5a9: {  	v29 =	vld [tilespmem:s3+$0xF0];
	[tilespmem:s3+$0x30] =	vst v10;
	v4 =	vmul.f32 v4, v2  }
0x5aa: {  	v5 =	vld.idx.msk [tilespmem:v5+s9+$0x0], $0xffff;
	[tilespmem:s3+$0x40] =	vst v11;
	v2 =	vmul.f32 v3, v2  }
0x5ab: {  	s11 =	sadd.s32 $0x200, s3;
	v3 =	vld.idx.msk [tilespmem:v6+s9+$0x0], $0xffff;
	v8 =	vmul.f32 v8, v1;
	[tilespmem:s3+$0x50] =	vst v4  }
0x5ac: {  	v14 =	vmov s2;
	v34 =	vld [tilespmem:s11+$0x70];
	v30 =	vmul.f32 v7, v1;
	[tilespmem:s3+$0x60] =	vst v2  }
0x5ad: {  	v14 =	vand.u32 $0xFFFFFFFE, v14;
	v35 =	vld [tilespmem:s11+$0xFFFFFF00];
	[tilespmem:s3+$0x80] =	vst v8;
	v2 =	vmul.f32 v9, v1  }
0x5ae: {  	v37 =	vld [tilespmem:s11+$0xFFFFFF10];
	v14 =	vbroadcast v14, $0x0;
	[tilespmem:s3+$0x90] =	vst v30;
	v33 =	vmul.f32 v13, v1  }
0x5af: {  	v38 =	vld [tilespmem:s11+$0xFFFFFF20];
	[tilespmem:s3+$0xA0] =	vst v2;
	v2 =	vmul.f32 v15, v1  }
0x5b0: {  	v12 =	vand.u32 $0xFFFFFFFD, v12;
	v39 =	vld [tilespmem:s11+$0xFFFFFF30];
	v36 =	vmul.f32 v16, v1;
	[tilespmem:s3+$0xB0] =	vst v33  }
0x5b1: {  	v12 =	vbroadcast v12, $0x0;
	v41 =	vld [tilespmem:s11+$0xFFFFFF50];
	[tilespmem:s4+$0xC0] =	vst v2;
	v2 =	vmul.f32 v17, v1  }
0x5b2: {  	v43 =	vld [tilespmem:s11+$0xFFFFFF60];
	[tilespmem:s4+$0xD0] =	vst v36;
	v1 =	vmul.f32 v29, v1  }
0x5b3: {  	v42 =	vmul.f32 v37, v3;
	[tilespmem:s4+$0xE0] =	vst v2;
	v2 =	vld [tilespmem:s11+$0xFFFFFF40]  }
0x5b4: {  	v32 =	vld.idx.msk [tilespmem:v14+s9+$0x0], $0xffff;
	[tilespmem:s4+$0xF0] =	vst v1;
	v1 =	vmul.f32 v35, v3  }
0x5b5: {  	v44 =	vld [tilespmem:s11+$0xFFFFFF70];
	v4 =	vmul.f32 v39, v3;
	[tilespmem:s11+$0xFFFFFF10] =	vst v42  }
0x5b6: {  	v45 =	vld [tilespmem:s11+$0xFFFFFF80];
	[tilespmem:s11+$0xFFFFFF00] =	vst v1;
	v1 =	vmul.f32 v38, v3  }
0x5b7: {  	v46 =	vmul.f32 v41, v3;
	v31 =	vld.idx.msk [tilespmem:v12+s9+$0x0], $0xffff;
	[tilespmem:s11+$0xFFFFFF30] =	vst v4  }
0x5b8: {  	[tilespmem:s11+$0xFFFFFF20] =	vst v1;
	v1 =	vmul.f32 v2, v3;
	v2 =	vld [tilespmem:s11+$0xFFFFFF90]  }
0x5b9: {  	v47 =	vld [tilespmem:s11+$0xFFFFFFA0];
	[tilespmem:s11+$0xFFFFFF50] =	vst v46;
	v40 =	vmul.f32 v34, v32  }
0x5ba: {  	v48 =	vld [tilespmem:s11+$0xFFFFFFB0];
	[tilespmem:s11+$0xFFFFFF40] =	vst v1;
	v1 =	vmul.f32 v43, v3  }
0x5bb: {  	v49 =	vld [tilespmem:s11+$0xFFFFFFC0];
	[tilespmem:s11+$0x70] =	vst v40;
	v3 =	vmul.f32 v44, v3  }
0x5bc: {  	v50 =	vld [tilespmem:s11+$0xFFFFFFD0];
	[tilespmem:s11+$0xFFFFFF60] =	vst v1;
	v1 =	vmul.f32 v45, v31  }
0x5bd: {  	[tilespmem:s11+$0xFFFFFF70] =	vst v3;
	v3 =	vld [tilespmem:s11+$0xFFFFFFE0];
	v2 =	vmul.f32 v2, v31  }
0x5be: {  	v51 =	vld [tilespmem:s11+$0xFFFFFFF0];
	[tilespmem:s11+$0xFFFFFF80] =	vst v1;
	v1 =	vmul.f32 v47, v31  }
0x5bf: {  	v52 =	vld [tilespmem:s11+$0x0];
	[tilespmem:s11+$0xFFFFFF90] =	vst v2;
	v2 =	vmul.f32 v48, v31  }
0x5c0: {  	v53 =	vld [tilespmem:s11+$0x10];
	[tilespmem:s11+$0xFFFFFFA0] =	vst v1;
	v1 =	vmul.f32 v49, v31  }
0x5c1: {  	v54 =	vld [tilespmem:s11+$0x20];
	[tilespmem:s11+$0xFFFFFFB0] =	vst v2;
	v2 =	vmul.f32 v50, v31  }
0x5c2: {  	[tilespmem:s11+$0xFFFFFFC0] =	vst v1;
	v1 =	vmul.f32 v3, v31;
	v3 =	vld [tilespmem:s11+$0x30]  }
0x5c3: {  	v55 =	vld [tilespmem:s11+$0x40];
	[tilespmem:s11+$0xFFFFFFD0] =	vst v2;
	v2 =	vmul.f32 v51, v31  }
0x5c4: {  	v56 =	vld [tilespmem:s11+$0x50];
	[tilespmem:s11+$0xFFFFFFE0] =	vst v1;
	v1 =	vmul.f32 v52, v32  }
0x5c5: {  	v57 =	vld [tilespmem:s11+$0x60];
	[tilespmem:s11+$0xFFFFFFF0] =	vst v2;
	v2 =	vmul.f32 v53, v32  }
0x5c6: {  	v58 =	vld [tilespmem:s11+$0x80];
	[tilespmem:s11+$0x0] =	vst v1;
	v1 =	vmul.f32 v54, v32  }
0x5c7: {  	[tilespmem:s11+$0x10] =	vst v2;
	v2 =	vmul.f32 v3, v32;
	v3 =	vld [tilespmem:s11+$0x90]  }
0x5c8: {  	v59 =	vld [tilespmem:s11+$0xA0];
	[tilespmem:s11+$0x20] =	vst v1;
	v1 =	vmul.f32 v55, v32  }
0x5c9: {  	v60 =	vld [tilespmem:s11+$0xB0];
	[tilespmem:s11+$0x30] =	vst v2;
	v2 =	vmul.f32 v56, v32  }
0x5ca: {  	v61 =	vld [tilespmem:s11+$0xC0];
	[tilespmem:s11+$0x40] =	vst v1;
	v1 =	vmul.f32 v57, v32  }
0x5cb: {  	v62 =	vld [tilespmem:s11+$0xD0];
	[tilespmem:s11+$0x50] =	vst v2;
	v2 =	vmul.f32 v58, v5  }
0x5cc: {  	[tilespmem:s11+$0x60] =	vst v1;
	v1 =	vmul.f32 v3, v5;
	v3 =	vld [tilespmem:s11+$0xE0]  }
0x5cd: {  	v63 =	vld [tilespmem:s11+$0xF0];
	[tilespmem:s11+$0x80] =	vst v2;
	v2 =	vmul.f32 v59, v5  }
0x5ce: {  	[tilespmem:s11+$0x90] =	vst v1;
	v1 =	vmul.f32 v60, v5  }
0x5cf: {  	[tilespmem:s11+$0xA0] =	vst v2;
	v2 =	vmul.f32 v61, v5  }
0x5d0: {  	[tilespmem:s11+$0xB0] =	vst v1;
	v1 =	vmul.f32 v62, v5  }
0x5d1: {  	[tilespmem:s11+$0xC0] =	vst v2;
	v2 =	vmul.f32 v3, v5  }
0x5d2: {  	[tilespmem:s11+$0xD0] =	vst v1;
	v1 =	vmul.f32 v63, v5  }
0x5d3: {  	[tilespmem:s11+$0xE0] =	vst v2  }
0x5d4: {  	[tilespmem:s11+$0xF0] =	vst v1  }
0x5d5: {  	s3 =	stileid.u32;
	[bflag:$0x0] =	sbarrier.arrive $0xFFFF  }
0x5d6: {  	s2 =	sshll.u32 s3, $0x6;
	s17 =	rddreg [dreg:$0x6]  }
0x5d7: {  	s2 =	sor.u32 $0x1C0A, s2;
	s11 =	rddreg [dreg:$0x10];
	s4 =	sshrl.u32 s17, $0x3  }
0x5d8: {  	[hbm:s11], [sflag:s2] =	dma.local [spmem:s4], $0x2800  }
0x5d9: {  	_ =	swait.ge [sflag:s20], $0x2800  }
0x5da: {  	s21 =	rddreg [dreg:$0x5]  }
0x5db: {  	s23 =	rddreg [dreg:$0xf];
	s11 =	sadd.s32 $0x1, s21  }
0x5dc: {  	p0 =	sne.s32 s11, s23  }
.Ltmp13:
0x5dd: {  	_ = 	snop;
	(pc) =	sbr.rel @p0 .LBB2_1-.Ltmp13, $3  }
0x5de: {  	_ =	sdelay $0x1  }
0x5df: {  	[sflag:s20] =	ssyncset.done $0x0  }
0x5e0: {  	[sflag:s20] =	ssyncadd.s32 $0xFFFFD800  }
0x5e1: {  	_ =	sfence.sel $0x180000  }
0x5e2: {  	[bflag:$0x0] =	sbarrier.arrive $0xFFFF  }
0x5e3: {  	_ =	strace $0x90000047  }
0x5e4: {  	s0 =	stileid.u32;
	[bflag:$0x2] =	sbarrier.arrive $0xFFFF  }
0x5e5: {  	p0 =	sne.s32 s0, $0x0;
	s0 =	rddreg [dreg:$0x4]  }
0x5e6: {  	s0 =	sadd.s32 @!p0 $0x100000, s0  }
0x5e7: {  	[sflag:s0] =	ssyncadd.tile.s32 @!p0 $0x1;
	_ =	shalt  }
.Lfunc_end2:
_tile_overlayer_lowered:
.L_overlay_start_2:
0x5e8: {  	(tag) =	ssettag $0x2  }
0x5e9: {  	s0 =	rddreg [dreg:$0x0];
	s2 =	stileid.u32  }
0x5ea: {  	s1 =	rddreg [dreg:$0x1];
	p0 =	sne.s32 s2, $0x0  }
0x5eb: {  	s3 =	rddreg [dreg:$0x2];
	[bflag:$0x3] =	sbarrier.arrive $0xFFFF;
	s2 =	simm.s32 @!p0 $0x1C0A  }
0x5ec: {  	[timem:s3], [sflag:s2] =	dma.local @!p0 [hbm:s0], s1  }
0x5ed: {  	s0 =	simm.s32 @!p0 $0xA  }
0x5ee: {  	_ =	swait.ge @!p0 [sflag:s0], s1  }
0x5ef: {  	s1 =	ssub.s32 @!p0 $0x0, s1;
	[sflag:s0] =	ssyncset.done @!p0 $0x0  }
0x5f0: {  	[sflag:s0] =	ssyncadd.s32 @!p0 s1  }
0x5f1: {  	[bflag:$0x3] =	sbarrier.arrive $0xFFFF  }
0x5f2: {  	_ =	shalt  }

</sc_bundles>
